<compile_context>
chip_gen: v7x
topology: tpu7x:2x2x1
jax: 0.10.2.dev20260603
libtpu: 0.0.44.dev20260713+nightly
codegen_flags: <defaults>
</compile_context>

<pallas_src>
import functools

import jax
import jax.numpy as jnp
from jax import lax
from jax.experimental import pallas as pl
from jax.experimental.pallas import tpu as pltpu
from jax.experimental.pallas import tpu_sc as plsc

EMB = 64
NC = 2
NS = 16
NW = NC * NS
CH = 128
SUP = 256
K = SUP // CH
NBUF = 2
LANES = 16


@functools.lru_cache(maxsize=None)
def _build(bsz, seq, vocab):
    n_total = bsz * seq
    per_w = n_total // NW
    nsup = per_w // SUP
    ngrp = nsup // NBUF
    sup_per_seq = seq // SUP

    mesh = plsc.VectorSubcoreMesh(core_axis_name="c", subcore_axis_name="s")

    @functools.partial(
        pl.kernel,
        mesh=mesh,
        out_type=jax.ShapeDtypeStruct((bsz, EMB, seq), jnp.float32),
        scratch_types=[
            pltpu.VMEM((bsz // NW, seq), jnp.int32),
            pltpu.VMEM((NBUF, SUP, 128), jnp.float32),
            pltpu.VMEM((NBUF, EMB, SUP), jnp.float32),
            pltpu.SemaphoreType.DMA((NBUF,)),
            pltpu.SemaphoreType.DMA((NBUF,)),
        ],
        compiler_params=pltpu.CompilerParams(
            use_tc_tiling_on_sc=True, needs_layout_passes=False
        ),
    )
    def k(idx_hbm, table_hbm, out_hbm, idx_v, rows_v, outt_v, gsem, ssem):
        wid = lax.axis_index("s") * NC + lax.axis_index("c")
        base_sup = wid * nsup

        rows_per_w = bsz // NW
        pltpu.sync_copy(idx_hbm.at[pl.ds(wid * rows_per_w, rows_per_w)], idx_v)

        def start_gathers(t, b):
            r = t // sup_per_seq
            l0 = (t % sup_per_seq) * SUP
            for u in range(K):
                pltpu.async_copy(
                    table_hbm.at[idx_v.at[r, pl.ds(l0 + u * CH, CH)]],
                    rows_v.at[b, pl.ds(u * CH, CH)],
                    gsem.at[b],
                )

        def wait_gathers(b):
            pltpu.make_async_copy(
                table_hbm.at[pl.ds(0, SUP)], rows_v.at[b], gsem.at[b]
            ).wait()

        def start_store(t, b):
            g = base_sup + t
            pltpu.async_copy(
                outt_v.at[b],
                out_hbm.at[g // sup_per_seq, slice(None),
                           pl.ds((g % sup_per_seq) * SUP, SUP)],
                ssem.at[b],
            )

        def wait_store(b):
            pltpu.make_async_copy(
                outt_v.at[b], out_hbm.at[0, slice(None), pl.ds(0, SUP)],
                ssem.at[b],
            ).wait()

        def transpose_chunk(b):
            rows = rows_v.at[b]
            outt = outt_v.at[b]
            iota = jax.lax.iota(jnp.int32, LANES)

            def tg_body(tg, carry):
                tok = iota + tg * LANES
                for e0 in range(0, EMB, LANES):
                    vs = []
                    for d in range(LANES):
                        rot = (iota + d) & (LANES - 1)
                        vs.append(
                            (plsc.load_gather(rows, [tok, rot + e0]), rot)
                        )
                    for v, rot in vs:
                        plsc.store_scatter(outt, [rot + e0, tok], v)
                return carry

            lax.fori_loop(0, SUP // LANES, tg_body, 0)

        for b in range(NBUF):
            start_gathers(b, b)

        def body(g, carry):
            for b in range(NBUF):
                t = g * NBUF + b
                wait_gathers(b)

                @pl.when(g > 0)
                def _():
                    wait_store(b)

                transpose_chunk(b)
                start_store(t, b)

                @pl.when(t + NBUF < nsup)
                def _():
                    start_gathers(t + NBUF, b)

            return carry

        lax.fori_loop(0, ngrp, body, 0)

        for b in range(NBUF):
            wait_store(b)

    return k


def kernel(indices, table):
    bsz, seq = indices.shape
    n_total = bsz * seq
    vocab, emb = table.shape
    table128 = jnp.pad(table, ((0, 0), (0, 128 - emb)))
    out = _build(bsz, seq, vocab)(indices.astype(jnp.int32), table128)
    return out.transpose(0, 2, 1)

# --- scband reference (transcript-rebuilt; emitter-appended) ---
"""Pipeline reference for scband-dynamic-vocab-83554293776954 (READ-ONLY COPY).

The authoritative reference and input builder live on the scoring server;
editing this copy changes nothing except your own understanding.
"""

import jax, jax.numpy as jnp
import numpy as np

VOCAB = 8192
EMB = 64
B = 256
L = 1024

def setup_inputs(seed: int = 0) -> dict:
    key = jax.random.key(seed)
    k_idx, k_tab = jax.random.split(key)
    indices = jax.random.randint(k_idx, (B, L), 0, VOCAB, dtype=jnp.int64 if jax.config.jax_enable_x64 else jnp.int32)
    table = jax.random.normal(k_tab, (VOCAB, EMB), dtype=jnp.float32)
    return {"indices": indices, "table": table}

def reference(indices, table):
    # DynamicVocab.forward is a plain embedding lookup: self.table(indices)
    return jnp.take(table, indices, axis=0)

if __name__ == "__main__":
    import jax
    _d = setup_inputs()
    print(jax.jit(kernel)(*tuple(_d.values())))

</pallas_src>

<mosaic_0001>
#map = affine_map<(d0, d1) -> (0, 0)>
#map1 = affine_map<(d0, d1) -> (0, 0, 0)>
module attributes {stable_mosaic.version = 14 : i64} {
  func.func @k(%arg0: i32, %arg1: i32, %arg2: memref<256x1024xi32, #tpu.memory_space<hbm>>, %arg3: memref<8192x128xf32, #tpu.memory_space<hbm>>, %arg4: memref<256x64x1024xf32, #tpu.memory_space<hbm>>, %arg5: memref<8x1024xi32, #tpu.memory_space<vmem>>, %arg6: memref<2x256x128xf32, #tpu.memory_space<vmem>>, %arg7: memref<2x64x256xf32, #tpu.memory_space<vmem>>, %arg8: memref<2x!tpu.dma_semaphore, #tpu.memory_space<semaphore_mem>>, %arg9: memref<2x!tpu.dma_semaphore, #tpu.memory_space<semaphore_mem>>) attributes {dimension_semantics = [#tpu.dimension_semantics<core_parallel>, #tpu.dimension_semantics<subcore_parallel>], iteration_bounds = array<i64: 2, 16>, scalar_prefetch = 0 : i64, scratch_operands = 5 : i64, tpu.core_type = #tpu.core_type<sc_vector_subcore>, window_params = [{transform_indices = #map}, {transform_indices = #map}, {transform_indices = #map1}]} {
    %mul3A = arith.constant 2 : i32
    %mul3A_0 = arith.muli %arg1, %mul3A : i32
    %add3A = arith.addi %mul3A_0, %arg0 : i32
    %mul3A_1 = arith.constant 32 : i32
    %mul3A_2 = arith.muli %add3A, %mul3A_1 : i32
    %mul3A_3 = arith.constant 8 : i32
    %mul3A_4 = arith.muli %add3A, %mul3A_3 : i32
    "tpu.region"() ({
      %run_scoped3A = tpu.sem_alloc : memref<!tpu.dma_semaphore, #tpu.memory_space<semaphore_mem>>
      %dma_start3A_110 = arith.constant 0 : i32
      %dma_start3A_111 = tpu.memref_slice %arg2[%mul3A_4, %dma_start3A_110] : memref<256x1024xi32, #tpu.memory_space<hbm>> -> memref<8x1024xi32, #tpu.memory_space<hbm>>
      %dma_start3A_112 = arith.constant 0 : i32
      %dma_start3A_113 = tpu.memref_slice %arg2[%mul3A_4, %dma_start3A_112] : memref<256x1024xi32, #tpu.memory_space<hbm>> -> memref<8x1024xi32, #tpu.memory_space<hbm>>
      tpu.enqueue_dma source(%dma_start3A_113 : memref<8x1024xi32, #tpu.memory_space<hbm>>) target(%arg5 : memref<8x1024xi32, #tpu.memory_space<vmem>>) target_semaphore(%run_scoped3A : memref<!tpu.dma_semaphore, #tpu.memory_space<semaphore_mem>>)
      %dma_wait3A_114 = arith.constant 0 : i32
      %dma_wait3A_115 = tpu.memref_slice %arg2[%mul3A_4, %dma_wait3A_114] : memref<256x1024xi32, #tpu.memory_space<hbm>> -> memref<8x1024xi32, #tpu.memory_space<hbm>>
      %dma_wait3A_116 = arith.constant 0 : i32
      %dma_wait3A_117 = tpu.memref_slice %arg2[%mul3A_4, %dma_wait3A_116] : memref<256x1024xi32, #tpu.memory_space<hbm>> -> memref<8x1024xi32, #tpu.memory_space<hbm>>
      tpu.wait_dma2 semaphore(%run_scoped3A : memref<!tpu.dma_semaphore, #tpu.memory_space<semaphore_mem>>) src(%dma_wait3A_117 : memref<8x1024xi32, #tpu.memory_space<hbm>>) dst(%arg5 : memref<8x1024xi32, #tpu.memory_space<vmem>>)
      tpu.yield
    }) : () -> ()
    %dma_start3A = arith.constant 0 : i32
    %dma_start3A_5 = arith.constant 0 : i32
    %dma_start3A_6 = arith.constant 0 : i32
    %dma_start3A_7 = arith.constant 0 : i32
    %dma_start3A_8 = arith.constant 0 : i32
    %dma_start3A_9 = tpu.memref_slice %arg6[%dma_start3A_5, %dma_start3A_7, %dma_start3A_8] : memref<2x256x128xf32, #tpu.memory_space<vmem>> -> memref<1x128x128xf32, #tpu.memory_space<vmem>>
    %dma_start3A_10 = tpu.memref_squeeze %dma_start3A_9 : memref<1x128x128xf32, #tpu.memory_space<vmem>> -> memref<128x128xf32, #tpu.memory_space<vmem>>
    %dma_start3A_11 = arith.constant 0 : i32
    %dma_start3A_12 = tpu.memref_slice %arg5[%dma_start3A, %dma_start3A_11] : memref<8x1024xi32, #tpu.memory_space<vmem>> -> memref<1x128xi32, #tpu.memory_space<vmem>>
    %dma_start3A_13 = tpu.memref_squeeze %dma_start3A_12 : memref<1x128xi32, #tpu.memory_space<vmem>> -> memref<128xi32, #tpu.memory_space<vmem>>
    %dma_start3A_14 = arith.constant 0 : i32
    %dma_start3A_15 = arith.constant 0 : i32
    %dma_start3A_16 = tpu.memref_slice %arg3[%dma_start3A_14, %dma_start3A_15] : memref<8192x128xf32, #tpu.memory_space<hbm>> -> memref<8192x128xf32, #tpu.memory_space<hbm>>
    %dma_start3A_17 = tpu.memref_slice %arg8[%dma_start3A_6] : memref<2x!tpu.dma_semaphore, #tpu.memory_space<semaphore_mem>> -> memref<1x!tpu.dma_semaphore, #tpu.memory_space<semaphore_mem>>
    %dma_start3A_18 = tpu.memref_squeeze %dma_start3A_17 : memref<1x!tpu.dma_semaphore, #tpu.memory_space<semaphore_mem>> -> memref<!tpu.dma_semaphore, #tpu.memory_space<semaphore_mem>>
    tpu.enqueue_indirect_dma source(%dma_start3A_16 : memref<8192x128xf32, #tpu.memory_space<hbm>>) target(%dma_start3A_10 : memref<128x128xf32, #tpu.memory_space<vmem>>) offsets(%dma_start3A_13 : memref<128xi32, #tpu.memory_space<vmem>>) semaphore(%dma_start3A_18 : memref<!tpu.dma_semaphore, #tpu.memory_space<semaphore_mem>>)
    %dma_start3A_19 = arith.constant 0 : i32
    %dma_start3A_20 = arith.constant 0 : i32
    %dma_start3A_21 = arith.constant 0 : i32
    %dma_start3A_22 = arith.constant 128 : i32
    %dma_start3A_23 = arith.constant 0 : i32
    %dma_start3A_24 = tpu.memref_slice %arg6[%dma_start3A_20, %dma_start3A_22, %dma_start3A_23] : memref<2x256x128xf32, #tpu.memory_space<vmem>> -> memref<1x128x128xf32, #tpu.memory_space<vmem>>
    %dma_start3A_25 = tpu.memref_squeeze %dma_start3A_24 : memref<1x128x128xf32, #tpu.memory_space<vmem>> -> memref<128x128xf32, #tpu.memory_space<vmem>>
    %dma_start3A_26 = arith.constant 128 : i32
    %dma_start3A_27 = tpu.memref_slice %arg5[%dma_start3A_19, %dma_start3A_26] : memref<8x1024xi32, #tpu.memory_space<vmem>> -> memref<1x128xi32, #tpu.memory_space<vmem>>
    %dma_start3A_28 = tpu.memref_squeeze %dma_start3A_27 : memref<1x128xi32, #tpu.memory_space<vmem>> -> memref<128xi32, #tpu.memory_space<vmem>>
    %dma_start3A_29 = arith.constant 0 : i32
    %dma_start3A_30 = arith.constant 0 : i32
    %dma_start3A_31 = tpu.memref_slice %arg3[%dma_start3A_29, %dma_start3A_30] : memref<8192x128xf32, #tpu.memory_space<hbm>> -> memref<8192x128xf32, #tpu.memory_space<hbm>>
    %dma_start3A_32 = tpu.memref_slice %arg8[%dma_start3A_21] : memref<2x!tpu.dma_semaphore, #tpu.memory_space<semaphore_mem>> -> memref<1x!tpu.dma_semaphore, #tpu.memory_space<semaphore_mem>>
    %dma_start3A_33 = tpu.memref_squeeze %dma_start3A_32 : memref<1x!tpu.dma_semaphore, #tpu.memory_space<semaphore_mem>> -> memref<!tpu.dma_semaphore, #tpu.memory_space<semaphore_mem>>
    tpu.enqueue_indirect_dma source(%dma_start3A_31 : memref<8192x128xf32, #tpu.memory_space<hbm>>) target(%dma_start3A_25 : memref<128x128xf32, #tpu.memory_space<vmem>>) offsets(%dma_start3A_28 : memref<128xi32, #tpu.memory_space<vmem>>) semaphore(%dma_start3A_33 : memref<!tpu.dma_semaphore, #tpu.memory_space<semaphore_mem>>)
    %dma_start3A_34 = arith.constant 0 : i32
    %dma_start3A_35 = arith.constant 1 : i32
    %dma_start3A_36 = arith.constant 1 : i32
    %dma_start3A_37 = arith.constant 0 : i32
    %dma_start3A_38 = arith.constant 0 : i32
    %dma_start3A_39 = tpu.memref_slice %arg6[%dma_start3A_35, %dma_start3A_37, %dma_start3A_38] : memref<2x256x128xf32, #tpu.memory_space<vmem>> -> memref<1x128x128xf32, #tpu.memory_space<vmem>>
    %dma_start3A_40 = tpu.memref_squeeze %dma_start3A_39 : memref<1x128x128xf32, #tpu.memory_space<vmem>> -> memref<128x128xf32, #tpu.memory_space<vmem>>
    %dma_start3A_41 = arith.constant 256 : i32
    %dma_start3A_42 = tpu.memref_slice %arg5[%dma_start3A_34, %dma_start3A_41] : memref<8x1024xi32, #tpu.memory_space<vmem>> -> memref<1x128xi32, #tpu.memory_space<vmem>>
    %dma_start3A_43 = tpu.memref_squeeze %dma_start3A_42 : memref<1x128xi32, #tpu.memory_space<vmem>> -> memref<128xi32, #tpu.memory_space<vmem>>
    %dma_start3A_44 = arith.constant 0 : i32
    %dma_start3A_45 = arith.constant 0 : i32
    %dma_start3A_46 = tpu.memref_slice %arg3[%dma_start3A_44, %dma_start3A_45] : memref<8192x128xf32, #tpu.memory_space<hbm>> -> memref<8192x128xf32, #tpu.memory_space<hbm>>
    %dma_start3A_47 = tpu.memref_slice %arg8[%dma_start3A_36] : memref<2x!tpu.dma_semaphore, #tpu.memory_space<semaphore_mem>> -> memref<1x!tpu.dma_semaphore, #tpu.memory_space<semaphore_mem>>
    %dma_start3A_48 = tpu.memref_squeeze %dma_start3A_47 : memref<1x!tpu.dma_semaphore, #tpu.memory_space<semaphore_mem>> -> memref<!tpu.dma_semaphore, #tpu.memory_space<semaphore_mem>>
    tpu.enqueue_indirect_dma source(%dma_start3A_46 : memref<8192x128xf32, #tpu.memory_space<hbm>>) target(%dma_start3A_40 : memref<128x128xf32, #tpu.memory_space<vmem>>) offsets(%dma_start3A_43 : memref<128xi32, #tpu.memory_space<vmem>>) semaphore(%dma_start3A_48 : memref<!tpu.dma_semaphore, #tpu.memory_space<semaphore_mem>>)
    %dma_start3A_49 = arith.constant 0 : i32
    %dma_start3A_50 = arith.constant 1 : i32
    %dma_start3A_51 = arith.constant 1 : i32
    %dma_start3A_52 = arith.constant 128 : i32
    %dma_start3A_53 = arith.constant 0 : i32
    %dma_start3A_54 = tpu.memref_slice %arg6[%dma_start3A_50, %dma_start3A_52, %dma_start3A_53] : memref<2x256x128xf32, #tpu.memory_space<vmem>> -> memref<1x128x128xf32, #tpu.memory_space<vmem>>
    %dma_start3A_55 = tpu.memref_squeeze %dma_start3A_54 : memref<1x128x128xf32, #tpu.memory_space<vmem>> -> memref<128x128xf32, #tpu.memory_space<vmem>>
    %dma_start3A_56 = arith.constant 384 : i32
    %dma_start3A_57 = tpu.memref_slice %arg5[%dma_start3A_49, %dma_start3A_56] : memref<8x1024xi32, #tpu.memory_space<vmem>> -> memref<1x128xi32, #tpu.memory_space<vmem>>
    %dma_start3A_58 = tpu.memref_squeeze %dma_start3A_57 : memref<1x128xi32, #tpu.memory_space<vmem>> -> memref<128xi32, #tpu.memory_space<vmem>>
    %dma_start3A_59 = arith.constant 0 : i32
    %dma_start3A_60 = arith.constant 0 : i32
    %dma_start3A_61 = tpu.memref_slice %arg3[%dma_start3A_59, %dma_start3A_60] : memref<8192x128xf32, #tpu.memory_space<hbm>> -> memref<8192x128xf32, #tpu.memory_space<hbm>>
    %dma_start3A_62 = tpu.memref_slice %arg8[%dma_start3A_51] : memref<2x!tpu.dma_semaphore, #tpu.memory_space<semaphore_mem>> -> memref<1x!tpu.dma_semaphore, #tpu.memory_space<semaphore_mem>>
    %dma_start3A_63 = tpu.memref_squeeze %dma_start3A_62 : memref<1x!tpu.dma_semaphore, #tpu.memory_space<semaphore_mem>> -> memref<!tpu.dma_semaphore, #tpu.memory_space<semaphore_mem>>
    tpu.enqueue_indirect_dma source(%dma_start3A_61 : memref<8192x128xf32, #tpu.memory_space<hbm>>) target(%dma_start3A_55 : memref<128x128xf32, #tpu.memory_space<vmem>>) offsets(%dma_start3A_58 : memref<128xi32, #tpu.memory_space<vmem>>) semaphore(%dma_start3A_63 : memref<!tpu.dma_semaphore, #tpu.memory_space<semaphore_mem>>)
    %scan3A = arith.constant 0 : i32
    %scan3A_64 = arith.constant 0 : i32
    %scan3A_65 = arith.constant 16 : i32
    %scan3A_66 = arith.addi %scan3A_64, %scan3A_65 : i32
    %scan3A_67 = arith.constant 1 : i32
    scf.for %scan3A_110 = %scan3A_64 to %scan3A_66 step %scan3A_67  : i32 {
      %mul3A_111 = arith.constant 2 : i32
      %mul3A_112 = arith.muli %scan3A_110, %mul3A_111 : i32
      %add3A_113 = arith.constant 0 : i32
      %add3A_114 = arith.addi %mul3A_112, %add3A_113 : i32
      %dma_wait3A_115 = arith.constant 0 : i32
      %dma_wait3A_116 = arith.constant 0 : i32
      %dma_wait3A_117 = arith.constant 0 : i32
      %dma_wait3A_118 = arith.constant 0 : i32
      %dma_wait3A_119 = tpu.memref_slice %arg6[%dma_wait3A_115, %dma_wait3A_117, %dma_wait3A_118] : memref<2x256x128xf32, #tpu.memory_space<vmem>> -> memref<1x256x128xf32, #tpu.memory_space<vmem>>
      %dma_wait3A_120 = tpu.memref_squeeze %dma_wait3A_119 : memref<1x256x128xf32, #tpu.memory_space<vmem>> -> memref<256x128xf32, #tpu.memory_space<vmem>>
      %dma_wait3A_121 = arith.constant 0 : i32
      %dma_wait3A_122 = arith.constant 0 : i32
      %dma_wait3A_123 = tpu.memref_slice %arg3[%dma_wait3A_121, %dma_wait3A_122] : memref<8192x128xf32, #tpu.memory_space<hbm>> -> memref<256x128xf32, #tpu.memory_space<hbm>>
      %dma_wait3A_124 = tpu.memref_slice %arg8[%dma_wait3A_116] : memref<2x!tpu.dma_semaphore, #tpu.memory_space<semaphore_mem>> -> memref<1x!tpu.dma_semaphore, #tpu.memory_space<semaphore_mem>>
      %dma_wait3A_125 = tpu.memref_squeeze %dma_wait3A_124 : memref<1x!tpu.dma_semaphore, #tpu.memory_space<semaphore_mem>> -> memref<!tpu.dma_semaphore, #tpu.memory_space<semaphore_mem>>
      %dma_wait3A_126 = arith.constant 0 : i32
      %dma_wait3A_127 = arith.constant 0 : i32
      %dma_wait3A_128 = tpu.memref_slice %arg6[%dma_wait3A_115, %dma_wait3A_126, %dma_wait3A_127] : memref<2x256x128xf32, #tpu.memory_space<vmem>> -> memref<1x256x128xf32, #tpu.memory_space<vmem>>
      %dma_wait3A_129 = tpu.memref_squeeze %dma_wait3A_128 : memref<1x256x128xf32, #tpu.memory_space<vmem>> -> memref<256x128xf32, #tpu.memory_space<vmem>>
      %dma_wait3A_130 = arith.constant 0 : i32
      %dma_wait3A_131 = arith.constant 0 : i32
      %dma_wait3A_132 = tpu.memref_slice %arg3[%dma_wait3A_130, %dma_wait3A_131] : memref<8192x128xf32, #tpu.memory_space<hbm>> -> memref<256x128xf32, #tpu.memory_space<hbm>>
      tpu.wait_dma2 semaphore(%dma_wait3A_125 : memref<!tpu.dma_semaphore, #tpu.memory_space<semaphore_mem>>) src(%dma_wait3A_132 : memref<256x128xf32, #tpu.memory_space<hbm>>) dst(%dma_wait3A_129 : memref<256x128xf32, #tpu.memory_space<vmem>>)
      %gt3A = arith.constant 0 : i32
      %gt3A_133 = arith.cmpi sgt, %scan3A_110, %gt3A : i32
      %convert_element_type3A = arith.extui %gt3A_133 : i1 to i32
      %cond3A = arith.constant 0 : i32
      %cond3A_134 = arith.cmpi ne, %convert_element_type3A, %cond3A : i32
      scf.if %cond3A_134 {
        %dma_wait3A_305 = arith.constant 0 : i32
        %dma_wait3A_306 = arith.constant 0 : i32
        %dma_wait3A_307 = arith.constant 0 : i32
        %dma_wait3A_308 = arith.constant 0 : i32
        %dma_wait3A_309 = arith.constant 0 : i32
        %dma_wait3A_310 = tpu.memref_slice %arg7[%dma_wait3A_305, %dma_wait3A_308, %dma_wait3A_309] : memref<2x64x256xf32, #tpu.memory_space<vmem>> -> memref<1x64x256xf32, #tpu.memory_space<vmem>>
        %dma_wait3A_311 = tpu.memref_squeeze %dma_wait3A_310 : memref<1x64x256xf32, #tpu.memory_space<vmem>> -> memref<64x256xf32, #tpu.memory_space<vmem>>
        %dma_wait3A_312 = arith.constant 0 : i32
        %dma_wait3A_313 = arith.constant 0 : i32
        %dma_wait3A_314 = tpu.memref_slice %arg4[%dma_wait3A_306, %dma_wait3A_312, %dma_wait3A_313] : memref<256x64x1024xf32, #tpu.memory_space<hbm>> -> memref<1x64x256xf32, #tpu.memory_space<hbm>>
        %dma_wait3A_315 = tpu.memref_squeeze %dma_wait3A_314 : memref<1x64x256xf32, #tpu.memory_space<hbm>> -> memref<64x256xf32, #tpu.memory_space<hbm>>
        %dma_wait3A_316 = tpu.memref_slice %arg9[%dma_wait3A_307] : memref<2x!tpu.dma_semaphore, #tpu.memory_space<semaphore_mem>> -> memref<1x!tpu.dma_semaphore, #tpu.memory_space<semaphore_mem>>
        %dma_wait3A_317 = tpu.memref_squeeze %dma_wait3A_316 : memref<1x!tpu.dma_semaphore, #tpu.memory_space<semaphore_mem>> -> memref<!tpu.dma_semaphore, #tpu.memory_space<semaphore_mem>>
        %dma_wait3A_318 = arith.constant 0 : i32
        %dma_wait3A_319 = arith.constant 0 : i32
        %dma_wait3A_320 = tpu.memref_slice %arg4[%dma_wait3A_306, %dma_wait3A_318, %dma_wait3A_319] : memref<256x64x1024xf32, #tpu.memory_space<hbm>> -> memref<1x64x256xf32, #tpu.memory_space<hbm>>
        %dma_wait3A_321 = tpu.memref_squeeze %dma_wait3A_320 : memref<1x64x256xf32, #tpu.memory_space<hbm>> -> memref<64x256xf32, #tpu.memory_space<hbm>>
        %dma_wait3A_322 = arith.constant 0 : i32
        %dma_wait3A_323 = arith.constant 0 : i32
        %dma_wait3A_324 = tpu.memref_slice %arg7[%dma_wait3A_305, %dma_wait3A_322, %dma_wait3A_323] : memref<2x64x256xf32, #tpu.memory_space<vmem>> -> memref<1x64x256xf32, #tpu.memory_space<vmem>>
        %dma_wait3A_325 = tpu.memref_squeeze %dma_wait3A_324 : memref<1x64x256xf32, #tpu.memory_space<vmem>> -> memref<64x256xf32, #tpu.memory_space<vmem>>
        tpu.wait_dma2 semaphore(%dma_wait3A_317 : memref<!tpu.dma_semaphore, #tpu.memory_space<semaphore_mem>>) src(%dma_wait3A_325 : memref<64x256xf32, #tpu.memory_space<vmem>>) dst(%dma_wait3A_321 : memref<64x256xf32, #tpu.memory_space<hbm>>)
      } else {
      }
      %iota3A = tpu.iota {dimensions = array<i32: 0>} : vector<16xi32>
      %scan3A_135 = arith.constant 0 : i32
      %scan3A_136 = arith.constant 0 : i32
      %scan3A_137 = arith.constant 0 : i32
      %scan3A_138 = arith.constant 0 : i32
      %scan3A_139 = arith.constant 16 : i32
      %scan3A_140 = arith.addi %scan3A_138, %scan3A_139 : i32
      %scan3A_141 = arith.constant 1 : i32
      scf.for %scan3A_305 = %scan3A_138 to %scan3A_140 step %scan3A_141  : i32 {
        %mul3A_306 = arith.constant 16 : i32
        %mul3A_307 = arith.muli %scan3A_305, %mul3A_306 : i32
        %add3A_308 = vector.broadcast %mul3A_307 : i32 to vector<16xi32>
        %add3A_309 = arith.addi %iota3A, %add3A_308 : vector<16xi32>
        %add3A_310 = arith.constant 0 : i32
        %add3A_311 = vector.broadcast %add3A_310 : i32 to vector<16xi32>
        %add3A_312 = arith.addi %iota3A, %add3A_311 : vector<16xi32>
        %and3A_313 = arith.constant 15 : i32
        %and3A_314 = vector.broadcast %and3A_313 : i32 to vector<16xi32>
        %and3A_315 = arith.andi %add3A_312, %and3A_314 : vector<16xi32>
        %add3A_316 = arith.constant 0 : i32
        %add3A_317 = vector.broadcast %add3A_316 : i32 to vector<16xi32>
        %add3A_318 = arith.addi %and3A_315, %add3A_317 : vector<16xi32>
        %gather3A = arith.constant 0 : i32
        %gather3A_319 = arith.constant 0 : i32
        %gather3A_320 = tpu.memref_slice %arg6[%scan3A_136, %gather3A, %gather3A_319] : memref<2x256x128xf32, #tpu.memory_space<vmem>> -> memref<1x256x128xf32, #tpu.memory_space<vmem>>
        %gather3A_321 = tpu.memref_squeeze %gather3A_320 : memref<1x256x128xf32, #tpu.memory_space<vmem>> -> memref<256x128xf32, #tpu.memory_space<vmem>>
        %gather3A_322 = tpu.vector_load_idx %gather3A_321[%add3A_309, %add3A_318] : memref<256x128xf32, #tpu.memory_space<vmem>>[vector<16xi32>, vector<16xi32>], vector<16xf32>,
        %add3A_323 = arith.constant 1 : i32
        %add3A_324 = vector.broadcast %add3A_323 : i32 to vector<16xi32>
        %add3A_325 = arith.addi %iota3A, %add3A_324 : vector<16xi32>
        %and3A_326 = arith.constant 15 : i32
        %and3A_327 = vector.broadcast %and3A_326 : i32 to vector<16xi32>
        %and3A_328 = arith.andi %add3A_325, %and3A_327 : vector<16xi32>
        %add3A_329 = arith.constant 0 : i32
        %add3A_330 = vector.broadcast %add3A_329 : i32 to vector<16xi32>
        %add3A_331 = arith.addi %and3A_328, %add3A_330 : vector<16xi32>
        %gather3A_332 = arith.constant 0 : i32
        %gather3A_333 = arith.constant 0 : i32
        %gather3A_334 = tpu.memref_slice %arg6[%scan3A_136, %gather3A_332, %gather3A_333] : memref<2x256x128xf32, #tpu.memory_space<vmem>> -> memref<1x256x128xf32, #tpu.memory_space<vmem>>
        %gather3A_335 = tpu.memref_squeeze %gather3A_334 : memref<1x256x128xf32, #tpu.memory_space<vmem>> -> memref<256x128xf32, #tpu.memory_space<vmem>>
        %gather3A_336 = tpu.vector_load_idx %gather3A_335[%add3A_309, %add3A_331] : memref<256x128xf32, #tpu.memory_space<vmem>>[vector<16xi32>, vector<16xi32>], vector<16xf32>,
        %add3A_337 = arith.constant 2 : i32
        %add3A_338 = vector.broadcast %add3A_337 : i32 to vector<16xi32>
        %add3A_339 = arith.addi %iota3A, %add3A_338 : vector<16xi32>
        %and3A_340 = arith.constant 15 : i32
        %and3A_341 = vector.broadcast %and3A_340 : i32 to vector<16xi32>
        %and3A_342 = arith.andi %add3A_339, %and3A_341 : vector<16xi32>
        %add3A_343 = arith.constant 0 : i32
        %add3A_344 = vector.broadcast %add3A_343 : i32 to vector<16xi32>
        %add3A_345 = arith.addi %and3A_342, %add3A_344 : vector<16xi32>
        %gather3A_346 = arith.constant 0 : i32
        %gather3A_347 = arith.constant 0 : i32
        %gather3A_348 = tpu.memref_slice %arg6[%scan3A_136, %gather3A_346, %gather3A_347] : memref<2x256x128xf32, #tpu.memory_space<vmem>> -> memref<1x256x128xf32, #tpu.memory_space<vmem>>
        %gather3A_349 = tpu.memref_squeeze %gather3A_348 : memref<1x256x128xf32, #tpu.memory_space<vmem>> -> memref<256x128xf32, #tpu.memory_space<vmem>>
        %gather3A_350 = tpu.vector_load_idx %gather3A_349[%add3A_309, %add3A_345] : memref<256x128xf32, #tpu.memory_space<vmem>>[vector<16xi32>, vector<16xi32>], vector<16xf32>,
        %add3A_351 = arith.constant 3 : i32
        %add3A_352 = vector.broadcast %add3A_351 : i32 to vector<16xi32>
        %add3A_353 = arith.addi %iota3A, %add3A_352 : vector<16xi32>
        %and3A_354 = arith.constant 15 : i32
        %and3A_355 = vector.broadcast %and3A_354 : i32 to vector<16xi32>
        %and3A_356 = arith.andi %add3A_353, %and3A_355 : vector<16xi32>
        %add3A_357 = arith.constant 0 : i32
        %add3A_358 = vector.broadcast %add3A_357 : i32 to vector<16xi32>
        %add3A_359 = arith.addi %and3A_356, %add3A_358 : vector<16xi32>
        %gather3A_360 = arith.constant 0 : i32
        %gather3A_361 = arith.constant 0 : i32
        %gather3A_362 = tpu.memref_slice %arg6[%scan3A_136, %gather3A_360, %gather3A_361] : memref<2x256x128xf32, #tpu.memory_space<vmem>> -> memref<1x256x128xf32, #tpu.memory_space<vmem>>
        %gather3A_363 = tpu.memref_squeeze %gather3A_362 : memref<1x256x128xf32, #tpu.memory_space<vmem>> -> memref<256x128xf32, #tpu.memory_space<vmem>>
        %gather3A_364 = tpu.vector_load_idx %gather3A_363[%add3A_309, %add3A_359] : memref<256x128xf32, #tpu.memory_space<vmem>>[vector<16xi32>, vector<16xi32>], vector<16xf32>,
        %add3A_365 = arith.constant 4 : i32
        %add3A_366 = vector.broadcast %add3A_365 : i32 to vector<16xi32>
        %add3A_367 = arith.addi %iota3A, %add3A_366 : vector<16xi32>
        %and3A_368 = arith.constant 15 : i32
        %and3A_369 = vector.broadcast %and3A_368 : i32 to vector<16xi32>
        %and3A_370 = arith.andi %add3A_367, %and3A_369 : vector<16xi32>
        %add3A_371 = arith.constant 0 : i32
        %add3A_372 = vector.broadcast %add3A_371 : i32 to vector<16xi32>
        %add3A_373 = arith.addi %and3A_370, %add3A_372 : vector<16xi32>
        %gather3A_374 = arith.constant 0 : i32
        %gather3A_375 = arith.constant 0 : i32
        %gather3A_376 = tpu.memref_slice %arg6[%scan3A_136, %gather3A_374, %gather3A_375] : memref<2x256x128xf32, #tpu.memory_space<vmem>> -> memref<1x256x128xf32, #tpu.memory_space<vmem>>
        %gather3A_377 = tpu.memref_squeeze %gather3A_376 : memref<1x256x128xf32, #tpu.memory_space<vmem>> -> memref<256x128xf32, #tpu.memory_space<vmem>>
        %gather3A_378 = tpu.vector_load_idx %gather3A_377[%add3A_309, %add3A_373] : memref<256x128xf32, #tpu.memory_space<vmem>>[vector<16xi32>, vector<16xi32>], vector<16xf32>,
        %add3A_379 = arith.constant 5 : i32
        %add3A_380 = vector.broadcast %add3A_379 : i32 to vector<16xi32>
        %add3A_381 = arith.addi %iota3A, %add3A_380 : vector<16xi32>
        %and3A_382 = arith.constant 15 : i32
        %and3A_383 = vector.broadcast %and3A_382 : i32 to vector<16xi32>
        %and3A_384 = arith.andi %add3A_381, %and3A_383 : vector<16xi32>
        %add3A_385 = arith.constant 0 : i32
        %add3A_386 = vector.broadcast %add3A_385 : i32 to vector<16xi32>
        %add3A_387 = arith.addi %and3A_384, %add3A_386 : vector<16xi32>
        %gather3A_388 = arith.constant 0 : i32
        %gather3A_389 = arith.constant 0 : i32
        %gather3A_390 = tpu.memref_slice %arg6[%scan3A_136, %gather3A_388, %gather3A_389] : memref<2x256x128xf32, #tpu.memory_space<vmem>> -> memref<1x256x128xf32, #tpu.memory_space<vmem>>
        %gather3A_391 = tpu.memref_squeeze %gather3A_390 : memref<1x256x128xf32, #tpu.memory_space<vmem>> -> memref<256x128xf32, #tpu.memory_space<vmem>>
        %gather3A_392 = tpu.vector_load_idx %gather3A_391[%add3A_309, %add3A_387] : memref<256x128xf32, #tpu.memory_space<vmem>>[vector<16xi32>, vector<16xi32>], vector<16xf32>,
        %add3A_393 = arith.constant 6 : i32
        %add3A_394 = vector.broadcast %add3A_393 : i32 to vector<16xi32>
        %add3A_395 = arith.addi %iota3A, %add3A_394 : vector<16xi32>
        %and3A_396 = arith.constant 15 : i32
        %and3A_397 = vector.broadcast %and3A_396 : i32 to vector<16xi32>
        %and3A_398 = arith.andi %add3A_395, %and3A_397 : vector<16xi32>
        %add3A_399 = arith.constant 0 : i32
        %add3A_400 = vector.broadcast %add3A_399 : i32 to vector<16xi32>
        %add3A_401 = arith.addi %and3A_398, %add3A_400 : vector<16xi32>
        %gather3A_402 = arith.constant 0 : i32
        %gather3A_403 = arith.constant 0 : i32
        %gather3A_404 = tpu.memref_slice %arg6[%scan3A_136, %gather3A_402, %gather3A_403] : memref<2x256x128xf32, #tpu.memory_space<vmem>> -> memref<1x256x128xf32, #tpu.memory_space<vmem>>
        %gather3A_405 = tpu.memref_squeeze %gather3A_404 : memref<1x256x128xf32, #tpu.memory_space<vmem>> -> memref<256x128xf32, #tpu.memory_space<vmem>>
        %gather3A_406 = tpu.vector_load_idx %gather3A_405[%add3A_309, %add3A_401] : memref<256x128xf32, #tpu.memory_space<vmem>>[vector<16xi32>, vector<16xi32>], vector<16xf32>,
        %add3A_407 = arith.constant 7 : i32
        %add3A_408 = vector.broadcast %add3A_407 : i32 to vector<16xi32>
        %add3A_409 = arith.addi %iota3A, %add3A_408 : vector<16xi32>
        %and3A_410 = arith.constant 15 : i32
        %and3A_411 = vector.broadcast %and3A_410 : i32 to vector<16xi32>
        %and3A_412 = arith.andi %add3A_409, %and3A_411 : vector<16xi32>
        %add3A_413 = arith.constant 0 : i32
        %add3A_414 = vector.broadcast %add3A_413 : i32 to vector<16xi32>
        %add3A_415 = arith.addi %and3A_412, %add3A_414 : vector<16xi32>
        %gather3A_416 = arith.constant 0 : i32
        %gather3A_417 = arith.constant 0 : i32
        %gather3A_418 = tpu.memref_slice %arg6[%scan3A_136, %gather3A_416, %gather3A_417] : memref<2x256x128xf32, #tpu.memory_space<vmem>> -> memref<1x256x128xf32, #tpu.memory_space<vmem>>
        %gather3A_419 = tpu.memref_squeeze %gather3A_418 : memref<1x256x128xf32, #tpu.memory_space<vmem>> -> memref<256x128xf32, #tpu.memory_space<vmem>>
        %gather3A_420 = tpu.vector_load_idx %gather3A_419[%add3A_309, %add3A_415] : memref<256x128xf32, #tpu.memory_space<vmem>>[vector<16xi32>, vector<16xi32>], vector<16xf32>,
        %add3A_421 = arith.constant 8 : i32
        %add3A_422 = vector.broadcast %add3A_421 : i32 to vector<16xi32>
        %add3A_423 = arith.addi %iota3A, %add3A_422 : vector<16xi32>
        %and3A_424 = arith.constant 15 : i32
        %and3A_425 = vector.broadcast %and3A_424 : i32 to vector<16xi32>
        %and3A_426 = arith.andi %add3A_423, %and3A_425 : vector<16xi32>
        %add3A_427 = arith.constant 0 : i32
        %add3A_428 = vector.broadcast %add3A_427 : i32 to vector<16xi32>
        %add3A_429 = arith.addi %and3A_426, %add3A_428 : vector<16xi32>
        %gather3A_430 = arith.constant 0 : i32
        %gather3A_431 = arith.constant 0 : i32
        %gather3A_432 = tpu.memref_slice %arg6[%scan3A_136, %gather3A_430, %gather3A_431] : memref<2x256x128xf32, #tpu.memory_space<vmem>> -> memref<1x256x128xf32, #tpu.memory_space<vmem>>
        %gather3A_433 = tpu.memref_squeeze %gather3A_432 : memref<1x256x128xf32, #tpu.memory_space<vmem>> -> memref<256x128xf32, #tpu.memory_space<vmem>>
        %gather3A_434 = tpu.vector_load_idx %gather3A_433[%add3A_309, %add3A_429] : memref<256x128xf32, #tpu.memory_space<vmem>>[vector<16xi32>, vector<16xi32>], vector<16xf32>,
        %add3A_435 = arith.constant 9 : i32
        %add3A_436 = vector.broadcast %add3A_435 : i32 to vector<16xi32>
        %add3A_437 = arith.addi %iota3A, %add3A_436 : vector<16xi32>
        %and3A_438 = arith.constant 15 : i32
        %and3A_439 = vector.broadcast %and3A_438 : i32 to vector<16xi32>
        %and3A_440 = arith.andi %add3A_437, %and3A_439 : vector<16xi32>
        %add3A_441 = arith.constant 0 : i32
        %add3A_442 = vector.broadcast %add3A_441 : i32 to vector<16xi32>
        %add3A_443 = arith.addi %and3A_440, %add3A_442 : vector<16xi32>
        %gather3A_444 = arith.constant 0 : i32
        %gather3A_445 = arith.constant 0 : i32
        %gather3A_446 = tpu.memref_slice %arg6[%scan3A_136, %gather3A_444, %gather3A_445] : memref<2x256x128xf32, #tpu.memory_space<vmem>> -> memref<1x256x128xf32, #tpu.memory_space<vmem>>
        %gather3A_447 = tpu.memref_squeeze %gather3A_446 : memref<1x256x128xf32, #tpu.memory_space<vmem>> -> memref<256x128xf32, #tpu.memory_space<vmem>>
        %gather3A_448 = tpu.vector_load_idx %gather3A_447[%add3A_309, %add3A_443] : memref<256x128xf32, #tpu.memory_space<vmem>>[vector<16xi32>, vector<16xi32>], vector<16xf32>,
        %add3A_449 = arith.constant 10 : i32
        %add3A_450 = vector.broadcast %add3A_449 : i32 to vector<16xi32>
        %add3A_451 = arith.addi %iota3A, %add3A_450 : vector<16xi32>
        %and3A_452 = arith.constant 15 : i32
        %and3A_453 = vector.broadcast %and3A_452 : i32 to vector<16xi32>
        %and3A_454 = arith.andi %add3A_451, %and3A_453 : vector<16xi32>
        %add3A_455 = arith.constant 0 : i32
        %add3A_456 = vector.broadcast %add3A_455 : i32 to vector<16xi32>
        %add3A_457 = arith.addi %and3A_454, %add3A_456 : vector<16xi32>
        %gather3A_458 = arith.constant 0 : i32
        %gather3A_459 = arith.constant 0 : i32
        %gather3A_460 = tpu.memref_slice %arg6[%scan3A_136, %gather3A_458, %gather3A_459] : memref<2x256x128xf32, #tpu.memory_space<vmem>> -> memref<1x256x128xf32, #tpu.memory_space<vmem>>
        %gather3A_461 = tpu.memref_squeeze %gather3A_460 : memref<1x256x128xf32, #tpu.memory_space<vmem>> -> memref<256x128xf32, #tpu.memory_space<vmem>>
        %gather3A_462 = tpu.vector_load_idx %gather3A_461[%add3A_309, %add3A_457] : memref<256x128xf32, #tpu.memory_space<vmem>>[vector<16xi32>, vector<16xi32>], vector<16xf32>,
        %add3A_463 = arith.constant 11 : i32
        %add3A_464 = vector.broadcast %add3A_463 : i32 to vector<16xi32>
        %add3A_465 = arith.addi %iota3A, %add3A_464 : vector<16xi32>
        %and3A_466 = arith.constant 15 : i32
        %and3A_467 = vector.broadcast %and3A_466 : i32 to vector<16xi32>
        %and3A_468 = arith.andi %add3A_465, %and3A_467 : vector<16xi32>
        %add3A_469 = arith.constant 0 : i32
        %add3A_470 = vector.broadcast %add3A_469 : i32 to vector<16xi32>
        %add3A_471 = arith.addi %and3A_468, %add3A_470 : vector<16xi32>
        %gather3A_472 = arith.constant 0 : i32
        %gather3A_473 = arith.constant 0 : i32
        %gather3A_474 = tpu.memref_slice %arg6[%scan3A_136, %gather3A_472, %gather3A_473] : memref<2x256x128xf32, #tpu.memory_space<vmem>> -> memref<1x256x128xf32, #tpu.memory_space<vmem>>
        %gather3A_475 = tpu.memref_squeeze %gather3A_474 : memref<1x256x128xf32, #tpu.memory_space<vmem>> -> memref<256x128xf32, #tpu.memory_space<vmem>>
        %gather3A_476 = tpu.vector_load_idx %gather3A_475[%add3A_309, %add3A_471] : memref<256x128xf32, #tpu.memory_space<vmem>>[vector<16xi32>, vector<16xi32>], vector<16xf32>,
        %add3A_477 = arith.constant 12 : i32
        %add3A_478 = vector.broadcast %add3A_477 : i32 to vector<16xi32>
        %add3A_479 = arith.addi %iota3A, %add3A_478 : vector<16xi32>
        %and3A_480 = arith.constant 15 : i32
        %and3A_481 = vector.broadcast %and3A_480 : i32 to vector<16xi32>
        %and3A_482 = arith.andi %add3A_479, %and3A_481 : vector<16xi32>
        %add3A_483 = arith.constant 0 : i32
        %add3A_484 = vector.broadcast %add3A_483 : i32 to vector<16xi32>
        %add3A_485 = arith.addi %and3A_482, %add3A_484 : vector<16xi32>
        %gather3A_486 = arith.constant 0 : i32
        %gather3A_487 = arith.constant 0 : i32
        %gather3A_488 = tpu.memref_slice %arg6[%scan3A_136, %gather3A_486, %gather3A_487] : memref<2x256x128xf32, #tpu.memory_space<vmem>> -> memref<1x256x128xf32, #tpu.memory_space<vmem>>
        %gather3A_489 = tpu.memref_squeeze %gather3A_488 : memref<1x256x128xf32, #tpu.memory_space<vmem>> -> memref<256x128xf32, #tpu.memory_space<vmem>>
        %gather3A_490 = tpu.vector_load_idx %gather3A_489[%add3A_309, %add3A_485] : memref<256x128xf32, #tpu.memory_space<vmem>>[vector<16xi32>, vector<16xi32>], vector<16xf32>,
        %add3A_491 = arith.constant 13 : i32
        %add3A_492 = vector.broadcast %add3A_491 : i32 to vector<16xi32>
        %add3A_493 = arith.addi %iota3A, %add3A_492 : vector<16xi32>
        %and3A_494 = arith.constant 15 : i32
        %and3A_495 = vector.broadcast %and3A_494 : i32 to vector<16xi32>
        %and3A_496 = arith.andi %add3A_493, %and3A_495 : vector<16xi32>
        %add3A_497 = arith.constant 0 : i32
        %add3A_498 = vector.broadcast %add3A_497 : i32 to vector<16xi32>
        %add3A_499 = arith.addi %and3A_496, %add3A_498 : vector<16xi32>
        %gather3A_500 = arith.constant 0 : i32
        %gather3A_501 = arith.constant 0 : i32
        %gather3A_502 = tpu.memref_slice %arg6[%scan3A_136, %gather3A_500, %gather3A_501] : memref<2x256x128xf32, #tpu.memory_space<vmem>> -> memref<1x256x128xf32, #tpu.memory_space<vmem>>
        %gather3A_503 = tpu.memref_squeeze %gather3A_502 : memref<1x256x128xf32, #tpu.memory_space<vmem>> -> memref<256x128xf32, #tpu.memory_space<vmem>>
        %gather3A_504 = tpu.vector_load_idx %gather3A_503[%add3A_309, %add3A_499] : memref<256x128xf32, #tpu.memory_space<vmem>>[vector<16xi32>, vector<16xi32>], vector<16xf32>,
        %add3A_505 = arith.constant 14 : i32
        %add3A_506 = vector.broadcast %add3A_505 : i32 to vector<16xi32>
        %add3A_507 = arith.addi %iota3A, %add3A_506 : vector<16xi32>
        %and3A_508 = arith.constant 15 : i32
        %and3A_509 = vector.broadcast %and3A_508 : i32 to vector<16xi32>
        %and3A_510 = arith.andi %add3A_507, %and3A_509 : vector<16xi32>
        %add3A_511 = arith.constant 0 : i32
        %add3A_512 = vector.broadcast %add3A_511 : i32 to vector<16xi32>
        %add3A_513 = arith.addi %and3A_510, %add3A_512 : vector<16xi32>
        %gather3A_514 = arith.constant 0 : i32
        %gather3A_515 = arith.constant 0 : i32
        %gather3A_516 = tpu.memref_slice %arg6[%scan3A_136, %gather3A_514, %gather3A_515] : memref<2x256x128xf32, #tpu.memory_space<vmem>> -> memref<1x256x128xf32, #tpu.memory_space<vmem>>
        %gather3A_517 = tpu.memref_squeeze %gather3A_516 : memref<1x256x128xf32, #tpu.memory_space<vmem>> -> memref<256x128xf32, #tpu.memory_space<vmem>>
        %gather3A_518 = tpu.vector_load_idx %gather3A_517[%add3A_309, %add3A_513] : memref<256x128xf32, #tpu.memory_space<vmem>>[vector<16xi32>, vector<16xi32>], vector<16xf32>,
        %add3A_519 = arith.constant 15 : i32
        %add3A_520 = vector.broadcast %add3A_519 : i32 to vector<16xi32>
        %add3A_521 = arith.addi %iota3A, %add3A_520 : vector<16xi32>
        %and3A_522 = arith.constant 15 : i32
        %and3A_523 = vector.broadcast %and3A_522 : i32 to vector<16xi32>
        %and3A_524 = arith.andi %add3A_521, %and3A_523 : vector<16xi32>
        %add3A_525 = arith.constant 0 : i32
        %add3A_526 = vector.broadcast %add3A_525 : i32 to vector<16xi32>
        %add3A_527 = arith.addi %and3A_524, %add3A_526 : vector<16xi32>
        %gather3A_528 = arith.constant 0 : i32
        %gather3A_529 = arith.constant 0 : i32
        %gather3A_530 = tpu.memref_slice %arg6[%scan3A_136, %gather3A_528, %gather3A_529] : memref<2x256x128xf32, #tpu.memory_space<vmem>> -> memref<1x256x128xf32, #tpu.memory_space<vmem>>
        %gather3A_531 = tpu.memref_squeeze %gather3A_530 : memref<1x256x128xf32, #tpu.memory_space<vmem>> -> memref<256x128xf32, #tpu.memory_space<vmem>>
        %gather3A_532 = tpu.vector_load_idx %gather3A_531[%add3A_309, %add3A_527] : memref<256x128xf32, #tpu.memory_space<vmem>>[vector<16xi32>, vector<16xi32>], vector<16xf32>,
        %add3A_533 = arith.constant 0 : i32
        %add3A_534 = vector.broadcast %add3A_533 : i32 to vector<16xi32>
        %add3A_535 = arith.addi %and3A_315, %add3A_534 : vector<16xi32>
        %scatter3A = arith.constant 0 : i32
        %scatter3A_536 = arith.constant 0 : i32
        %scatter3A_537 = tpu.memref_slice %arg7[%scan3A_137, %scatter3A, %scatter3A_536] : memref<2x64x256xf32, #tpu.memory_space<vmem>> -> memref<1x64x256xf32, #tpu.memory_space<vmem>>
        %scatter3A_538 = tpu.memref_squeeze %scatter3A_537 : memref<1x64x256xf32, #tpu.memory_space<vmem>> -> memref<64x256xf32, #tpu.memory_space<vmem>>
        tpu.vector_store_idx %scatter3A_538[%add3A_535, %add3A_309], %gather3A_322 : memref<64x256xf32, #tpu.memory_space<vmem>>[vector<16xi32>, vector<16xi32>], vector<16xf32>,
        %add3A_539 = arith.constant 0 : i32
        %add3A_540 = vector.broadcast %add3A_539 : i32 to vector<16xi32>
        %add3A_541 = arith.addi %and3A_328, %add3A_540 : vector<16xi32>
        %scatter3A_542 = arith.constant 0 : i32
        %scatter3A_543 = arith.constant 0 : i32
        %scatter3A_544 = tpu.memref_slice %arg7[%scan3A_137, %scatter3A_542, %scatter3A_543] : memref<2x64x256xf32, #tpu.memory_space<vmem>> -> memref<1x64x256xf32, #tpu.memory_space<vmem>>
        %scatter3A_545 = tpu.memref_squeeze %scatter3A_544 : memref<1x64x256xf32, #tpu.memory_space<vmem>> -> memref<64x256xf32, #tpu.memory_space<vmem>>
        tpu.vector_store_idx %scatter3A_545[%add3A_541, %add3A_309], %gather3A_336 : memref<64x256xf32, #tpu.memory_space<vmem>>[vector<16xi32>, vector<16xi32>], vector<16xf32>,
        %add3A_546 = arith.constant 0 : i32
        %add3A_547 = vector.broadcast %add3A_546 : i32 to vector<16xi32>
        %add3A_548 = arith.addi %and3A_342, %add3A_547 : vector<16xi32>
        %scatter3A_549 = arith.constant 0 : i32
        %scatter3A_550 = arith.constant 0 : i32
        %scatter3A_551 = tpu.memref_slice %arg7[%scan3A_137, %scatter3A_549, %scatter3A_550] : memref<2x64x256xf32, #tpu.memory_space<vmem>> -> memref<1x64x256xf32, #tpu.memory_space<vmem>>
        %scatter3A_552 = tpu.memref_squeeze %scatter3A_551 : memref<1x64x256xf32, #tpu.memory_space<vmem>> -> memref<64x256xf32, #tpu.memory_space<vmem>>
        tpu.vector_store_idx %scatter3A_552[%add3A_548, %add3A_309], %gather3A_350 : memref<64x256xf32, #tpu.memory_space<vmem>>[vector<16xi32>, vector<16xi32>], vector<16xf32>,
        %add3A_553 = arith.constant 0 : i32
        %add3A_554 = vector.broadcast %add3A_553 : i32 to vector<16xi32>
        %add3A_555 = arith.addi %and3A_356, %add3A_554 : vector<16xi32>
        %scatter3A_556 = arith.constant 0 : i32
        %scatter3A_557 = arith.constant 0 : i32
        %scatter3A_558 = tpu.memref_slice %arg7[%scan3A_137, %scatter3A_556, %scatter3A_557] : memref<2x64x256xf32, #tpu.memory_space<vmem>> -> memref<1x64x256xf32, #tpu.memory_space<vmem>>
        %scatter3A_559 = tpu.memref_squeeze %scatter3A_558 : memref<1x64x256xf32, #tpu.memory_space<vmem>> -> memref<64x256xf32, #tpu.memory_space<vmem>>
        tpu.vector_store_idx %scatter3A_559[%add3A_555, %add3A_309], %gather3A_364 : memref<64x256xf32, #tpu.memory_space<vmem>>[vector<16xi32>, vector<16xi32>], vector<16xf32>,
        %add3A_560 = arith.constant 0 : i32
        %add3A_561 = vector.broadcast %add3A_560 : i32 to vector<16xi32>
        %add3A_562 = arith.addi %and3A_370, %add3A_561 : vector<16xi32>
        %scatter3A_563 = arith.constant 0 : i32
        %scatter3A_564 = arith.constant 0 : i32
        %scatter3A_565 = tpu.memref_slice %arg7[%scan3A_137, %scatter3A_563, %scatter3A_564] : memref<2x64x256xf32, #tpu.memory_space<vmem>> -> memref<1x64x256xf32, #tpu.memory_space<vmem>>
        %scatter3A_566 = tpu.memref_squeeze %scatter3A_565 : memref<1x64x256xf32, #tpu.memory_space<vmem>> -> memref<64x256xf32, #tpu.memory_space<vmem>>
        tpu.vector_store_idx %scatter3A_566[%add3A_562, %add3A_309], %gather3A_378 : memref<64x256xf32, #tpu.memory_space<vmem>>[vector<16xi32>, vector<16xi32>], vector<16xf32>,
        %add3A_567 = arith.constant 0 : i32
        %add3A_568 = vector.broadcast %add3A_567 : i32 to vector<16xi32>
        %add3A_569 = arith.addi %and3A_384, %add3A_568 : vector<16xi32>
        %scatter3A_570 = arith.constant 0 : i32
        %scatter3A_571 = arith.constant 0 : i32
        %scatter3A_572 = tpu.memref_slice %arg7[%scan3A_137, %scatter3A_570, %scatter3A_571] : memref<2x64x256xf32, #tpu.memory_space<vmem>> -> memref<1x64x256xf32, #tpu.memory_space<vmem>>
        %scatter3A_573 = tpu.memref_squeeze %scatter3A_572 : memref<1x64x256xf32, #tpu.memory_space<vmem>> -> memref<64x256xf32, #tpu.memory_space<vmem>>
        tpu.vector_store_idx %scatter3A_573[%add3A_569, %add3A_309], %gather3A_392 : memref<64x256xf32, #tpu.memory_space<vmem>>[vector<16xi32>, vector<16xi32>], vector<16xf32>,
        %add3A_574 = arith.constant 0 : i32
        %add3A_575 = vector.broadcast %add3A_574 : i32 to vector<16xi32>
        %add3A_576 = arith.addi %and3A_398, %add3A_575 : vector<16xi32>
        %scatter3A_577 = arith.constant 0 : i32
        %scatter3A_578 = arith.constant 0 : i32
        %scatter3A_579 = tpu.memref_slice %arg7[%scan3A_137, %scatter3A_577, %scatter3A_578] : memref<2x64x256xf32, #tpu.memory_space<vmem>> -> memref<1x64x256xf32, #tpu.memory_space<vmem>>
        %scatter3A_580 = tpu.memref_squeeze %scatter3A_579 : memref<1x64x256xf32, #tpu.memory_space<vmem>> -> memref<64x256xf32, #tpu.memory_space<vmem>>
        tpu.vector_store_idx %scatter3A_580[%add3A_576, %add3A_309], %gather3A_406 : memref<64x256xf32, #tpu.memory_space<vmem>>[vector<16xi32>, vector<16xi32>], vector<16xf32>,
        %add3A_581 = arith.constant 0 : i32
        %add3A_582 = vector.broadcast %add3A_581 : i32 to vector<16xi32>
        %add3A_583 = arith.addi %and3A_412, %add3A_582 : vector<16xi32>
        %scatter3A_584 = arith.constant 0 : i32
        %scatter3A_585 = arith.constant 0 : i32
        %scatter3A_586 = tpu.memref_slice %arg7[%scan3A_137, %scatter3A_584, %scatter3A_585] : memref<2x64x256xf32, #tpu.memory_space<vmem>> -> memref<1x64x256xf32, #tpu.memory_space<vmem>>
        %scatter3A_587 = tpu.memref_squeeze %scatter3A_586 : memref<1x64x256xf32, #tpu.memory_space<vmem>> -> memref<64x256xf32, #tpu.memory_space<vmem>>
        tpu.vector_store_idx %scatter3A_587[%add3A_583, %add3A_309], %gather3A_420 : memref<64x256xf32, #tpu.memory_space<vmem>>[vector<16xi32>, vector<16xi32>], vector<16xf32>,
        %add3A_588 = arith.constant 0 : i32
        %add3A_589 = vector.broadcast %add3A_588 : i32 to vector<16xi32>
        %add3A_590 = arith.addi %and3A_426, %add3A_589 : vector<16xi32>
        %scatter3A_591 = arith.constant 0 : i32
        %scatter3A_592 = arith.constant 0 : i32
        %scatter3A_593 = tpu.memref_slice %arg7[%scan3A_137, %scatter3A_591, %scatter3A_592] : memref<2x64x256xf32, #tpu.memory_space<vmem>> -> memref<1x64x256xf32, #tpu.memory_space<vmem>>
        %scatter3A_594 = tpu.memref_squeeze %scatter3A_593 : memref<1x64x256xf32, #tpu.memory_space<vmem>> -> memref<64x256xf32, #tpu.memory_space<vmem>>
        tpu.vector_store_idx %scatter3A_594[%add3A_590, %add3A_309], %gather3A_434 : memref<64x256xf32, #tpu.memory_space<vmem>>[vector<16xi32>, vector<16xi32>], vector<16xf32>,
        %add3A_595 = arith.constant 0 : i32
        %add3A_596 = vector.broadcast %add3A_595 : i32 to vector<16xi32>
        %add3A_597 = arith.addi %and3A_440, %add3A_596 : vector<16xi32>
        %scatter3A_598 = arith.constant 0 : i32
        %scatter3A_599 = arith.constant 0 : i32
        %scatter3A_600 = tpu.memref_slice %arg7[%scan3A_137, %scatter3A_598, %scatter3A_599] : memref<2x64x256xf32, #tpu.memory_space<vmem>> -> memref<1x64x256xf32, #tpu.memory_space<vmem>>
        %scatter3A_601 = tpu.memref_squeeze %scatter3A_600 : memref<1x64x256xf32, #tpu.memory_space<vmem>> -> memref<64x256xf32, #tpu.memory_space<vmem>>
        tpu.vector_store_idx %scatter3A_601[%add3A_597, %add3A_309], %gather3A_448 : memref<64x256xf32, #tpu.memory_space<vmem>>[vector<16xi32>, vector<16xi32>], vector<16xf32>,
        %add3A_602 = arith.constant 0 : i32
        %add3A_603 = vector.broadcast %add3A_602 : i32 to vector<16xi32>
        %add3A_604 = arith.addi %and3A_454, %add3A_603 : vector<16xi32>
        %scatter3A_605 = arith.constant 0 : i32
        %scatter3A_606 = arith.constant 0 : i32
        %scatter3A_607 = tpu.memref_slice %arg7[%scan3A_137, %scatter3A_605, %scatter3A_606] : memref<2x64x256xf32, #tpu.memory_space<vmem>> -> memref<1x64x256xf32, #tpu.memory_space<vmem>>
        %scatter3A_608 = tpu.memref_squeeze %scatter3A_607 : memref<1x64x256xf32, #tpu.memory_space<vmem>> -> memref<64x256xf32, #tpu.memory_space<vmem>>
        tpu.vector_store_idx %scatter3A_608[%add3A_604, %add3A_309], %gather3A_462 : memref<64x256xf32, #tpu.memory_space<vmem>>[vector<16xi32>, vector<16xi32>], vector<16xf32>,
        %add3A_609 = arith.constant 0 : i32
        %add3A_610 = vector.broadcast %add3A_609 : i32 to vector<16xi32>
        %add3A_611 = arith.addi %and3A_468, %add3A_610 : vector<16xi32>
        %scatter3A_612 = arith.constant 0 : i32
        %scatter3A_613 = arith.constant 0 : i32
        %scatter3A_614 = tpu.memref_slice %arg7[%scan3A_137, %scatter3A_612, %scatter3A_613] : memref<2x64x256xf32, #tpu.memory_space<vmem>> -> memref<1x64x256xf32, #tpu.memory_space<vmem>>
        %scatter3A_615 = tpu.memref_squeeze %scatter3A_614 : memref<1x64x256xf32, #tpu.memory_space<vmem>> -> memref<64x256xf32, #tpu.memory_space<vmem>>
        tpu.vector_store_idx %scatter3A_615[%add3A_611, %add3A_309], %gather3A_476 : memref<64x256xf32, #tpu.memory_space<vmem>>[vector<16xi32>, vector<16xi32>], vector<16xf32>,
        %add3A_616 = arith.constant 0 : i32
        %add3A_617 = vector.broadcast %add3A_616 : i32 to vector<16xi32>
        %add3A_618 = arith.addi %and3A_482, %add3A_617 : vector<16xi32>
        %scatter3A_619 = arith.constant 0 : i32
        %scatter3A_620 = arith.constant 0 : i32
        %scatter3A_621 = tpu.memref_slice %arg7[%scan3A_137, %scatter3A_619, %scatter3A_620] : memref<2x64x256xf32, #tpu.memory_space<vmem>> -> memref<1x64x256xf32, #tpu.memory_space<vmem>>
        %scatter3A_622 = tpu.memref_squeeze %scatter3A_621 : memref<1x64x256xf32, #tpu.memory_space<vmem>> -> memref<64x256xf32, #tpu.memory_space<vmem>>
        tpu.vector_store_idx %scatter3A_622[%add3A_618, %add3A_309], %gather3A_490 : memref<64x256xf32, #tpu.memory_space<vmem>>[vector<16xi32>, vector<16xi32>], vector<16xf32>,
        %add3A_623 = arith.constant 0 : i32
        %add3A_624 = vector.broadcast %add3A_623 : i32 to vector<16xi32>
        %add3A_625 = arith.addi %and3A_496, %add3A_624 : vector<16xi32>
        %scatter3A_626 = arith.constant 0 : i32
        %scatter3A_627 = arith.constant 0 : i32
        %scatter3A_628 = tpu.memref_slice %arg7[%scan3A_137, %scatter3A_626, %scatter3A_627] : memref<2x64x256xf32, #tpu.memory_space<vmem>> -> memref<1x64x256xf32, #tpu.memory_space<vmem>>
        %scatter3A_629 = tpu.memref_squeeze %scatter3A_628 : memref<1x64x256xf32, #tpu.memory_space<vmem>> -> memref<64x256xf32, #tpu.memory_space<vmem>>
        tpu.vector_store_idx %scatter3A_629[%add3A_625, %add3A_309], %gather3A_504 : memref<64x256xf32, #tpu.memory_space<vmem>>[vector<16xi32>, vector<16xi32>], vector<16xf32>,
        %add3A_630 = arith.constant 0 : i32
        %add3A_631 = vector.broadcast %add3A_630 : i32 to vector<16xi32>
        %add3A_632 = arith.addi %and3A_510, %add3A_631 : vector<16xi32>
        %scatter3A_633 = arith.constant 0 : i32
        %scatter3A_634 = arith.constant 0 : i32
        %scatter3A_635 = tpu.memref_slice %arg7[%scan3A_137, %scatter3A_633, %scatter3A_634] : memref<2x64x256xf32, #tpu.memory_space<vmem>> -> memref<1x64x256xf32, #tpu.memory_space<vmem>>
        %scatter3A_636 = tpu.memref_squeeze %scatter3A_635 : memref<1x64x256xf32, #tpu.memory_space<vmem>> -> memref<64x256xf32, #tpu.memory_space<vmem>>
        tpu.vector_store_idx %scatter3A_636[%add3A_632, %add3A_309], %gather3A_518 : memref<64x256xf32, #tpu.memory_space<vmem>>[vector<16xi32>, vector<16xi32>], vector<16xf32>,
        %add3A_637 = arith.constant 0 : i32
        %add3A_638 = vector.broadcast %add3A_637 : i32 to vector<16xi32>
        %add3A_639 = arith.addi %and3A_524, %add3A_638 : vector<16xi32>
        %scatter3A_640 = arith.constant 0 : i32
        %scatter3A_641 = arith.constant 0 : i32
        %scatter3A_642 = tpu.memref_slice %arg7[%scan3A_137, %scatter3A_640, %scatter3A_641] : memref<2x64x256xf32, #tpu.memory_space<vmem>> -> memref<1x64x256xf32, #tpu.memory_space<vmem>>
        %scatter3A_643 = tpu.memref_squeeze %scatter3A_642 : memref<1x64x256xf32, #tpu.memory_space<vmem>> -> memref<64x256xf32, #tpu.memory_space<vmem>>
        tpu.vector_store_idx %scatter3A_643[%add3A_639, %add3A_309], %gather3A_532 : memref<64x256xf32, #tpu.memory_space<vmem>>[vector<16xi32>, vector<16xi32>], vector<16xf32>,
        %add3A_644 = arith.constant 0 : i32
        %add3A_645 = vector.broadcast %add3A_644 : i32 to vector<16xi32>
        %add3A_646 = arith.addi %iota3A, %add3A_645 : vector<16xi32>
        %and3A_647 = arith.constant 15 : i32
        %and3A_648 = vector.broadcast %and3A_647 : i32 to vector<16xi32>
        %and3A_649 = arith.andi %add3A_646, %and3A_648 : vector<16xi32>
        %add3A_650 = arith.constant 16 : i32
        %add3A_651 = vector.broadcast %add3A_650 : i32 to vector<16xi32>
        %add3A_652 = arith.addi %and3A_649, %add3A_651 : vector<16xi32>
        %gather3A_653 = arith.constant 0 : i32
        %gather3A_654 = arith.constant 0 : i32
        %gather3A_655 = tpu.memref_slice %arg6[%scan3A_136, %gather3A_653, %gather3A_654] : memref<2x256x128xf32, #tpu.memory_space<vmem>> -> memref<1x256x128xf32, #tpu.memory_space<vmem>>
        %gather3A_656 = tpu.memref_squeeze %gather3A_655 : memref<1x256x128xf32, #tpu.memory_space<vmem>> -> memref<256x128xf32, #tpu.memory_space<vmem>>
        %gather3A_657 = tpu.vector_load_idx %gather3A_656[%add3A_309, %add3A_652] : memref<256x128xf32, #tpu.memory_space<vmem>>[vector<16xi32>, vector<16xi32>], vector<16xf32>,
        %add3A_658 = arith.constant 1 : i32
        %add3A_659 = vector.broadcast %add3A_658 : i32 to vector<16xi32>
        %add3A_660 = arith.addi %iota3A, %add3A_659 : vector<16xi32>
        %and3A_661 = arith.constant 15 : i32
        %and3A_662 = vector.broadcast %and3A_661 : i32 to vector<16xi32>
        %and3A_663 = arith.andi %add3A_660, %and3A_662 : vector<16xi32>
        %add3A_664 = arith.constant 16 : i32
        %add3A_665 = vector.broadcast %add3A_664 : i32 to vector<16xi32>
        %add3A_666 = arith.addi %and3A_663, %add3A_665 : vector<16xi32>
        %gather3A_667 = arith.constant 0 : i32
        %gather3A_668 = arith.constant 0 : i32
        %gather3A_669 = tpu.memref_slice %arg6[%scan3A_136, %gather3A_667, %gather3A_668] : memref<2x256x128xf32, #tpu.memory_space<vmem>> -> memref<1x256x128xf32, #tpu.memory_space<vmem>>
        %gather3A_670 = tpu.memref_squeeze %gather3A_669 : memref<1x256x128xf32, #tpu.memory_space<vmem>> -> memref<256x128xf32, #tpu.memory_space<vmem>>
        %gather3A_671 = tpu.vector_load_idx %gather3A_670[%add3A_309, %add3A_666] : memref<256x128xf32, #tpu.memory_space<vmem>>[vector<16xi32>, vector<16xi32>], vector<16xf32>,
        %add3A_672 = arith.constant 2 : i32
        %add3A_673 = vector.broadcast %add3A_672 : i32 to vector<16xi32>
        %add3A_674 = arith.addi %iota3A, %add3A_673 : vector<16xi32>
        %and3A_675 = arith.constant 15 : i32
        %and3A_676 = vector.broadcast %and3A_675 : i32 to vector<16xi32>
        %and3A_677 = arith.andi %add3A_674, %and3A_676 : vector<16xi32>
        %add3A_678 = arith.constant 16 : i32
        %add3A_679 = vector.broadcast %add3A_678 : i32 to vector<16xi32>
        %add3A_680 = arith.addi %and3A_677, %add3A_679 : vector<16xi32>
        %gather3A_681 = arith.constant 0 : i32
        %gather3A_682 = arith.constant 0 : i32
        %gather3A_683 = tpu.memref_slice %arg6[%scan3A_136, %gather3A_681, %gather3A_682] : memref<2x256x128xf32, #tpu.memory_space<vmem>> -> memref<1x256x128xf32, #tpu.memory_space<vmem>>
        %gather3A_684 = tpu.memref_squeeze %gather3A_683 : memref<1x256x128xf32, #tpu.memory_space<vmem>> -> memref<256x128xf32, #tpu.memory_space<vmem>>
        %gather3A_685 = tpu.vector_load_idx %gather3A_684[%add3A_309, %add3A_680] : memref<256x128xf32, #tpu.memory_space<vmem>>[vector<16xi32>, vector<16xi32>], vector<16xf32>,
        %add3A_686 = arith.constant 3 : i32
        %add3A_687 = vector.broadcast %add3A_686 : i32 to vector<16xi32>
        %add3A_688 = arith.addi %iota3A, %add3A_687 : vector<16xi32>
        %and3A_689 = arith.constant 15 : i32
        %and3A_690 = vector.broadcast %and3A_689 : i32 to vector<16xi32>
        %and3A_691 = arith.andi %add3A_688, %and3A_690 : vector<16xi32>
        %add3A_692 = arith.constant 16 : i32
        %add3A_693 = vector.broadcast %add3A_692 : i32 to vector<16xi32>
        %add3A_694 = arith.addi %and3A_691, %add3A_693 : vector<16xi32>
        %gather3A_695 = arith.constant 0 : i32
        %gather3A_696 = arith.constant 0 : i32
        %gather3A_697 = tpu.memref_slice %arg6[%scan3A_136, %gather3A_695, %gather3A_696] : memref<2x256x128xf32, #tpu.memory_space<vmem>> -> memref<1x256x128xf32, #tpu.memory_space<vmem>>
        %gather3A_698 = tpu.memref_squeeze %gather3A_697 : memref<1x256x128xf32, #tpu.memory_space<vmem>> -> memref<256x128xf32, #tpu.memory_space<vmem>>
        %gather3A_699 = tpu.vector_load_idx %gather3A_698[%add3A_309, %add3A_694] : memref<256x128xf32, #tpu.memory_space<vmem>>[vector<16xi32>, vector<16xi32>], vector<16xf32>,
        %add3A_700 = arith.constant 4 : i32
        %add3A_701 = vector.broadcast %add3A_700 : i32 to vector<16xi32>
        %add3A_702 = arith.addi %iota3A, %add3A_701 : vector<16xi32>
        %and3A_703 = arith.constant 15 : i32
        %and3A_704 = vector.broadcast %and3A_703 : i32 to vector<16xi32>
        %and3A_705 = arith.andi %add3A_702, %and3A_704 : vector<16xi32>
        %add3A_706 = arith.constant 16 : i32
        %add3A_707 = vector.broadcast %add3A_706 : i32 to vector<16xi32>
        %add3A_708 = arith.addi %and3A_705, %add3A_707 : vector<16xi32>
        %gather3A_709 = arith.constant 0 : i32
        %gather3A_710 = arith.constant 0 : i32
        %gather3A_711 = tpu.memref_slice %arg6[%scan3A_136, %gather3A_709, %gather3A_710] : memref<2x256x128xf32, #tpu.memory_space<vmem>> -> memref<1x256x128xf32, #tpu.memory_space<vmem>>
        %gather3A_712 = tpu.memref_squeeze %gather3A_711 : memref<1x256x128xf32, #tpu.memory_space<vmem>> -> memref<256x128xf32, #tpu.memory_space<vmem>>
        %gather3A_713 = tpu.vector_load_idx %gather3A_712[%add3A_309, %add3A_708] : memref<256x128xf32, #tpu.memory_space<vmem>>[vector<16xi32>, vector<16xi32>], vector<16xf32>,
        %add3A_714 = arith.constant 5 : i32
        %add3A_715 = vector.broadcast %add3A_714 : i32 to vector<16xi32>
        %add3A_716 = arith.addi %iota3A, %add3A_715 : vector<16xi32>
        %and3A_717 = arith.constant 15 : i32
        %and3A_718 = vector.broadcast %and3A_717 : i32 to vector<16xi32>
        %and3A_719 = arith.andi %add3A_716, %and3A_718 : vector<16xi32>
        %add3A_720 = arith.constant 16 : i32
        %add3A_721 = vector.broadcast %add3A_720 : i32 to vector<16xi32>
        %add3A_722 = arith.addi %and3A_719, %add3A_721 : vector<16xi32>
        %gather3A_723 = arith.constant 0 : i32
        %gather3A_724 = arith.constant 0 : i32
        %gather3A_725 = tpu.memref_slice %arg6[%scan3A_136, %gather3A_723, %gather3A_724] : memref<2x256x128xf32, #tpu.memory_space<vmem>> -> memref<1x256x128xf32, #tpu.memory_space<vmem>>
        %gather3A_726 = tpu.memref_squeeze %gather3A_725 : memref<1x256x128xf32, #tpu.memory_space<vmem>> -> memref<256x128xf32, #tpu.memory_space<vmem>>
        %gather3A_727 = tpu.vector_load_idx %gather3A_726[%add3A_309, %add3A_722] : memref<256x128xf32, #tpu.memory_space<vmem>>[vector<16xi32>, vector<16xi32>], vector<16xf32>,
        %add3A_728 = arith.constant 6 : i32
        %add3A_729 = vector.broadcast %add3A_728 : i32 to vector<16xi32>
        %add3A_730 = arith.addi %iota3A, %add3A_729 : vector<16xi32>
        %and3A_731 = arith.constant 15 : i32
        %and3A_732 = vector.broadcast %and3A_731 : i32 to vector<16xi32>
        %and3A_733 = arith.andi %add3A_730, %and3A_732 : vector<16xi32>
        %add3A_734 = arith.constant 16 : i32
        %add3A_735 = vector.broadcast %add3A_734 : i32 to vector<16xi32>
        %add3A_736 = arith.addi %and3A_733, %add3A_735 : vector<16xi32>
        %gather3A_737 = arith.constant 0 : i32
        %gather3A_738 = arith.constant 0 : i32
        %gather3A_739 = tpu.memref_slice %arg6[%scan3A_136, %gather3A_737, %gather3A_738] : memref<2x256x128xf32, #tpu.memory_space<vmem>> -> memref<1x256x128xf32, #tpu.memory_space<vmem>>
        %gather3A_740 = tpu.memref_squeeze %gather3A_739 : memref<1x256x128xf32, #tpu.memory_space<vmem>> -> memref<256x128xf32, #tpu.memory_space<vmem>>
        %gather3A_741 = tpu.vector_load_idx %gather3A_740[%add3A_309, %add3A_736] : memref<256x128xf32, #tpu.memory_space<vmem>>[vector<16xi32>, vector<16xi32>], vector<16xf32>,
        %add3A_742 = arith.constant 7 : i32
        %add3A_743 = vector.broadcast %add3A_742 : i32 to vector<16xi32>
        %add3A_744 = arith.addi %iota3A, %add3A_743 : vector<16xi32>
        %and3A_745 = arith.constant 15 : i32
        %and3A_746 = vector.broadcast %and3A_745 : i32 to vector<16xi32>
        %and3A_747 = arith.andi %add3A_744, %and3A_746 : vector<16xi32>
        %add3A_748 = arith.constant 16 : i32
        %add3A_749 = vector.broadcast %add3A_748 : i32 to vector<16xi32>
        %add3A_750 = arith.addi %and3A_747, %add3A_749 : vector<16xi32>
        %gather3A_751 = arith.constant 0 : i32
        %gather3A_752 = arith.constant 0 : i32
        %gather3A_753 = tpu.memref_slice %arg6[%scan3A_136, %gather3A_751, %gather3A_752] : memref<2x256x128xf32, #tpu.memory_space<vmem>> -> memref<1x256x128xf32, #tpu.memory_space<vmem>>
        %gather3A_754 = tpu.memref_squeeze %gather3A_753 : memref<1x256x128xf32, #tpu.memory_space<vmem>> -> memref<256x128xf32, #tpu.memory_space<vmem>>
        %gather3A_755 = tpu.vector_load_idx %gather3A_754[%add3A_309, %add3A_750] : memref<256x128xf32, #tpu.memory_space<vmem>>[vector<16xi32>, vector<16xi32>], vector<16xf32>,
        %add3A_756 = arith.constant 8 : i32
        %add3A_757 = vector.broadcast %add3A_756 : i32 to vector<16xi32>
        %add3A_758 = arith.addi %iota3A, %add3A_757 : vector<16xi32>
        %and3A_759 = arith.constant 15 : i32
        %and3A_760 = vector.broadcast %and3A_759 : i32 to vector<16xi32>
        %and3A_761 = arith.andi %add3A_758, %and3A_760 : vector<16xi32>
        %add3A_762 = arith.constant 16 : i32
        %add3A_763 = vector.broadcast %add3A_762 : i32 to vector<16xi32>
        %add3A_764 = arith.addi %and3A_761, %add3A_763 : vector<16xi32>
        %gather3A_765 = arith.constant 0 : i32
        %gather3A_766 = arith.constant 0 : i32
        %gather3A_767 = tpu.memref_slice %arg6[%scan3A_136, %gather3A_765, %gather3A_766] : memref<2x256x128xf32, #tpu.memory_space<vmem>> -> memref<1x256x128xf32, #tpu.memory_space<vmem>>
        %gather3A_768 = tpu.memref_squeeze %gather3A_767 : memref<1x256x128xf32, #tpu.memory_space<vmem>> -> memref<256x128xf32, #tpu.memory_space<vmem>>
        %gather3A_769 = tpu.vector_load_idx %gather3A_768[%add3A_309, %add3A_764] : memref<256x128xf32, #tpu.memory_space<vmem>>[vector<16xi32>, vector<16xi32>], vector<16xf32>,
        %add3A_770 = arith.constant 9 : i32
        %add3A_771 = vector.broadcast %add3A_770 : i32 to vector<16xi32>
        %add3A_772 = arith.addi %iota3A, %add3A_771 : vector<16xi32>
        %and3A_773 = arith.constant 15 : i32
        %and3A_774 = vector.broadcast %and3A_773 : i32 to vector<16xi32>
        %and3A_775 = arith.andi %add3A_772, %and3A_774 : vector<16xi32>
        %add3A_776 = arith.constant 16 : i32
        %add3A_777 = vector.broadcast %add3A_776 : i32 to vector<16xi32>
        %add3A_778 = arith.addi %and3A_775, %add3A_777 : vector<16xi32>
        %gather3A_779 = arith.constant 0 : i32
        %gather3A_780 = arith.constant 0 : i32
        %gather3A_781 = tpu.memref_slice %arg6[%scan3A_136, %gather3A_779, %gather3A_780] : memref<2x256x128xf32, #tpu.memory_space<vmem>> -> memref<1x256x128xf32, #tpu.memory_space<vmem>>
        %gather3A_782 = tpu.memref_squeeze %gather3A_781 : memref<1x256x128xf32, #tpu.memory_space<vmem>> -> memref<256x128xf32, #tpu.memory_space<vmem>>
        %gather3A_783 = tpu.vector_load_idx %gather3A_782[%add3A_309, %add3A_778] : memref<256x128xf32, #tpu.memory_space<vmem>>[vector<16xi32>, vector<16xi32>], vector<16xf32>,
        %add3A_784 = arith.constant 10 : i32
        %add3A_785 = vector.broadcast %add3A_784 : i32 to vector<16xi32>
        %add3A_786 = arith.addi %iota3A, %add3A_785 : vector<16xi32>
        %and3A_787 = arith.constant 15 : i32
        %and3A_788 = vector.broadcast %and3A_787 : i32 to vector<16xi32>
        %and3A_789 = arith.andi %add3A_786, %and3A_788 : vector<16xi32>
        %add3A_790 = arith.constant 16 : i32
        %add3A_791 = vector.broadcast %add3A_790 : i32 to vector<16xi32>
        %add3A_792 = arith.addi %and3A_789, %add3A_791 : vector<16xi32>
        %gather3A_793 = arith.constant 0 : i32
        %gather3A_794 = arith.constant 0 : i32
        %gather3A_795 = tpu.memref_slice %arg6[%scan3A_136, %gather3A_793, %gather3A_794] : memref<2x256x128xf32, #tpu.memory_space<vmem>> -> memref<1x256x128xf32, #tpu.memory_space<vmem>>
        %gather3A_796 = tpu.memref_squeeze %gather3A_795 : memref<1x256x128xf32, #tpu.memory_space<vmem>> -> memref<256x128xf32, #tpu.memory_space<vmem>>
        %gather3A_797 = tpu.vector_load_idx %gather3A_796[%add3A_309, %add3A_792] : memref<256x128xf32, #tpu.memory_space<vmem>>[vector<16xi32>, vector<16xi32>], vector<16xf32>,
        %add3A_798 = arith.constant 11 : i32
        %add3A_799 = vector.broadcast %add3A_798 : i32 to vector<16xi32>
        %add3A_800 = arith.addi %iota3A, %add3A_799 : vector<16xi32>
        %and3A_801 = arith.constant 15 : i32
        %and3A_802 = vector.broadcast %and3A_801 : i32 to vector<16xi32>
        %and3A_803 = arith.andi %add3A_800, %and3A_802 : vector<16xi32>
        %add3A_804 = arith.constant 16 : i32
        %add3A_805 = vector.broadcast %add3A_804 : i32 to vector<16xi32>
        %add3A_806 = arith.addi %and3A_803, %add3A_805 : vector<16xi32>
        %gather3A_807 = arith.constant 0 : i32
        %gather3A_808 = arith.constant 0 : i32
        %gather3A_809 = tpu.memref_slice %arg6[%scan3A_136, %gather3A_807, %gather3A_808] : memref<2x256x128xf32, #tpu.memory_space<vmem>> -> memref<1x256x128xf32, #tpu.memory_space<vmem>>
        %gather3A_810 = tpu.memref_squeeze %gather3A_809 : memref<1x256x128xf32, #tpu.memory_space<vmem>> -> memref<256x128xf32, #tpu.memory_space<vmem>>
        %gather3A_811 = tpu.vector_load_idx %gather3A_810[%add3A_309, %add3A_806] : memref<256x128xf32, #tpu.memory_space<vmem>>[vector<16xi32>, vector<16xi32>], vector<16xf32>,
        %add3A_812 = arith.constant 12 : i32
        %add3A_813 = vector.broadcast %add3A_812 : i32 to vector<16xi32>
        %add3A_814 = arith.addi %iota3A, %add3A_813 : vector<16xi32>
        %and3A_815 = arith.constant 15 : i32
        %and3A_816 = vector.broadcast %and3A_815 : i32 to vector<16xi32>
        %and3A_817 = arith.andi %add3A_814, %and3A_816 : vector<16xi32>
        %add3A_818 = arith.constant 16 : i32
        %add3A_819 = vector.broadcast %add3A_818 : i32 to vector<16xi32>
        %add3A_820 = arith.addi %and3A_817, %add3A_819 : vector<16xi32>
        %gather3A_821 = arith.constant 0 : i32
        %gather3A_822 = arith.constant 0 : i32
        %gather3A_823 = tpu.memref_slice %arg6[%scan3A_136, %gather3A_821, %gather3A_822] : memref<2x256x128xf32, #tpu.memory_space<vmem>> -> memref<1x256x128xf32, #tpu.memory_space<vmem>>
        %gather3A_824 = tpu.memref_squeeze %gather3A_823 : memref<1x256x128xf32, #tpu.memory_space<vmem>> -> memref<256x128xf32, #tpu.memory_space<vmem>>
        %gather3A_825 = tpu.vector_load_idx %gather3A_824[%add3A_309, %add3A_820] : memref<256x128xf32, #tpu.memory_space<vmem>>[vector<16xi32>, vector<16xi32>], vector<16xf32>,
        %add3A_826 = arith.constant 13 : i32
        %add3A_827 = vector.broadcast %add3A_826 : i32 to vector<16xi32>
        %add3A_828 = arith.addi %iota3A, %add3A_827 : vector<16xi32>
        %and3A_829 = arith.constant 15 : i32
        %and3A_830 = vector.broadcast %and3A_829 : i32 to vector<16xi32>
        %and3A_831 = arith.andi %add3A_828, %and3A_830 : vector<16xi32>
        %add3A_832 = arith.constant 16 : i32
        %add3A_833 = vector.broadcast %add3A_832 : i32 to vector<16xi32>
        %add3A_834 = arith.addi %and3A_831, %add3A_833 : vector<16xi32>
        %gather3A_835 = arith.constant 0 : i32
        %gather3A_836 = arith.constant 0 : i32
        %gather3A_837 = tpu.memref_slice %arg6[%scan3A_136, %gather3A_835, %gather3A_836] : memref<2x256x128xf32, #tpu.memory_space<vmem>> -> memref<1x256x128xf32, #tpu.memory_space<vmem>>
        %gather3A_838 = tpu.memref_squeeze %gather3A_837 : memref<1x256x128xf32, #tpu.memory_space<vmem>> -> memref<256x128xf32, #tpu.memory_space<vmem>>
        %gather3A_839 = tpu.vector_load_idx %gather3A_838[%add3A_309, %add3A_834] : memref<256x128xf32, #tpu.memory_space<vmem>>[vector<16xi32>, vector<16xi32>], vector<16xf32>,
        %add3A_840 = arith.constant 14 : i32
        %add3A_841 = vector.broadcast %add3A_840 : i32 to vector<16xi32>
        %add3A_842 = arith.addi %iota3A, %add3A_841 : vector<16xi32>
        %and3A_843 = arith.constant 15 : i32
        %and3A_844 = vector.broadcast %and3A_843 : i32 to vector<16xi32>
        %and3A_845 = arith.andi %add3A_842, %and3A_844 : vector<16xi32>
        %add3A_846 = arith.constant 16 : i32
        %add3A_847 = vector.broadcast %add3A_846 : i32 to vector<16xi32>
        %add3A_848 = arith.addi %and3A_845, %add3A_847 : vector<16xi32>
        %gather3A_849 = arith.constant 0 : i32
        %gather3A_850 = arith.constant 0 : i32
        %gather3A_851 = tpu.memref_slice %arg6[%scan3A_136, %gather3A_849, %gather3A_850] : memref<2x256x128xf32, #tpu.memory_space<vmem>> -> memref<1x256x128xf32, #tpu.memory_space<vmem>>
        %gather3A_852 = tpu.memref_squeeze %gather3A_851 : memref<1x256x128xf32, #tpu.memory_space<vmem>> -> memref<256x128xf32, #tpu.memory_space<vmem>>
        %gather3A_853 = tpu.vector_load_idx %gather3A_852[%add3A_309, %add3A_848] : memref<256x128xf32, #tpu.memory_space<vmem>>[vector<16xi32>, vector<16xi32>], vector<16xf32>,
        %add3A_854 = arith.constant 15 : i32
        %add3A_855 = vector.broadcast %add3A_854 : i32 to vector<16xi32>
        %add3A_856 = arith.addi %iota3A, %add3A_855 : vector<16xi32>
        %and3A_857 = arith.constant 15 : i32
        %and3A_858 = vector.broadcast %and3A_857 : i32 to vector<16xi32>
        %and3A_859 = arith.andi %add3A_856, %and3A_858 : vector<16xi32>
        %add3A_860 = arith.constant 16 : i32
        %add3A_861 = vector.broadcast %add3A_860 : i32 to vector<16xi32>
        %add3A_862 = arith.addi %and3A_859, %add3A_861 : vector<16xi32>
        %gather3A_863 = arith.constant 0 : i32
        %gather3A_864 = arith.constant 0 : i32
        %gather3A_865 = tpu.memref_slice %arg6[%scan3A_136, %gather3A_863, %gather3A_864] : memref<2x256x128xf32, #tpu.memory_space<vmem>> -> memref<1x256x128xf32, #tpu.memory_space<vmem>>
        %gather3A_866 = tpu.memref_squeeze %gather3A_865 : memref<1x256x128xf32, #tpu.memory_space<vmem>> -> memref<256x128xf32, #tpu.memory_space<vmem>>
        %gather3A_867 = tpu.vector_load_idx %gather3A_866[%add3A_309, %add3A_862] : memref<256x128xf32, #tpu.memory_space<vmem>>[vector<16xi32>, vector<16xi32>], vector<16xf32>,
        %add3A_868 = arith.constant 16 : i32
        %add3A_869 = vector.broadcast %add3A_868 : i32 to vector<16xi32>
        %add3A_870 = arith.addi %and3A_649, %add3A_869 : vector<16xi32>
        %scatter3A_871 = arith.constant 0 : i32
        %scatter3A_872 = arith.constant 0 : i32
        %scatter3A_873 = tpu.memref_slice %arg7[%scan3A_137, %scatter3A_871, %scatter3A_872] : memref<2x64x256xf32, #tpu.memory_space<vmem>> -> memref<1x64x256xf32, #tpu.memory_space<vmem>>
        %scatter3A_874 = tpu.memref_squeeze %scatter3A_873 : memref<1x64x256xf32, #tpu.memory_space<vmem>> -> memref<64x256xf32, #tpu.memory_space<vmem>>
        tpu.vector_store_idx %scatter3A_874[%add3A_870, %add3A_309], %gather3A_657 : memref<64x256xf32, #tpu.memory_space<vmem>>[vector<16xi32>, vector<16xi32>], vector<16xf32>,
        %add3A_875 = arith.constant 16 : i32
        %add3A_876 = vector.broadcast %add3A_875 : i32 to vector<16xi32>
        %add3A_877 = arith.addi %and3A_663, %add3A_876 : vector<16xi32>
        %scatter3A_878 = arith.constant 0 : i32
        %scatter3A_879 = arith.constant 0 : i32
        %scatter3A_880 = tpu.memref_slice %arg7[%scan3A_137, %scatter3A_878, %scatter3A_879] : memref<2x64x256xf32, #tpu.memory_space<vmem>> -> memref<1x64x256xf32, #tpu.memory_space<vmem>>
        %scatter3A_881 = tpu.memref_squeeze %scatter3A_880 : memref<1x64x256xf32, #tpu.memory_space<vmem>> -> memref<64x256xf32, #tpu.memory_space<vmem>>
        tpu.vector_store_idx %scatter3A_881[%add3A_877, %add3A_309], %gather3A_671 : memref<64x256xf32, #tpu.memory_space<vmem>>[vector<16xi32>, vector<16xi32>], vector<16xf32>,
        %add3A_882 = arith.constant 16 : i32
        %add3A_883 = vector.broadcast %add3A_882 : i32 to vector<16xi32>
        %add3A_884 = arith.addi %and3A_677, %add3A_883 : vector<16xi32>
        %scatter3A_885 = arith.constant 0 : i32
        %scatter3A_886 = arith.constant 0 : i32
        %scatter3A_887 = tpu.memref_slice %arg7[%scan3A_137, %scatter3A_885, %scatter3A_886] : memref<2x64x256xf32, #tpu.memory_space<vmem>> -> memref<1x64x256xf32, #tpu.memory_space<vmem>>
        %scatter3A_888 = tpu.memref_squeeze %scatter3A_887 : memref<1x64x256xf32, #tpu.memory_space<vmem>> -> memref<64x256xf32, #tpu.memory_space<vmem>>
        tpu.vector_store_idx %scatter3A_888[%add3A_884, %add3A_309], %gather3A_685 : memref<64x256xf32, #tpu.memory_space<vmem>>[vector<16xi32>, vector<16xi32>], vector<16xf32>,
        %add3A_889 = arith.constant 16 : i32
        %add3A_890 = vector.broadcast %add3A_889 : i32 to vector<16xi32>
        %add3A_891 = arith.addi %and3A_691, %add3A_890 : vector<16xi32>
        %scatter3A_892 = arith.constant 0 : i32
        %scatter3A_893 = arith.constant 0 : i32
        %scatter3A_894 = tpu.memref_slice %arg7[%scan3A_137, %scatter3A_892, %scatter3A_893] : memref<2x64x256xf32, #tpu.memory_space<vmem>> -> memref<1x64x256xf32, #tpu.memory_space<vmem>>
        %scatter3A_895 = tpu.memref_squeeze %scatter3A_894 : memref<1x64x256xf32, #tpu.memory_space<vmem>> -> memref<64x256xf32, #tpu.memory_space<vmem>>
        tpu.vector_store_idx %scatter3A_895[%add3A_891, %add3A_309], %gather3A_699 : memref<64x256xf32, #tpu.memory_space<vmem>>[vector<16xi32>, vector<16xi32>], vector<16xf32>,
        %add3A_896 = arith.constant 16 : i32
        %add3A_897 = vector.broadcast %add3A_896 : i32 to vector<16xi32>
        %add3A_898 = arith.addi %and3A_705, %add3A_897 : vector<16xi32>
        %scatter3A_899 = arith.constant 0 : i32
        %scatter3A_900 = arith.constant 0 : i32
        %scatter3A_901 = tpu.memref_slice %arg7[%scan3A_137, %scatter3A_899, %scatter3A_900] : memref<2x64x256xf32, #tpu.memory_space<vmem>> -> memref<1x64x256xf32, #tpu.memory_space<vmem>>
        %scatter3A_902 = tpu.memref_squeeze %scatter3A_901 : memref<1x64x256xf32, #tpu.memory_space<vmem>> -> memref<64x256xf32, #tpu.memory_space<vmem>>
        tpu.vector_store_idx %scatter3A_902[%add3A_898, %add3A_309], %gather3A_713 : memref<64x256xf32, #tpu.memory_space<vmem>>[vector<16xi32>, vector<16xi32>], vector<16xf32>,
        %add3A_903 = arith.constant 16 : i32
        %add3A_904 = vector.broadcast %add3A_903 : i32 to vector<16xi32>
        %add3A_905 = arith.addi %and3A_719, %add3A_904 : vector<16xi32>
        %scatter3A_906 = arith.constant 0 : i32
        %scatter3A_907 = arith.constant 0 : i32
        %scatter3A_908 = tpu.memref_slice %arg7[%scan3A_137, %scatter3A_906, %scatter3A_907] : memref<2x64x256xf32, #tpu.memory_space<vmem>> -> memref<1x64x256xf32, #tpu.memory_space<vmem>>
        %scatter3A_909 = tpu.memref_squeeze %scatter3A_908 : memref<1x64x256xf32, #tpu.memory_space<vmem>> -> memref<64x256xf32, #tpu.memory_space<vmem>>
        tpu.vector_store_idx %scatter3A_909[%add3A_905, %add3A_309], %gather3A_727 : memref<64x256xf32, #tpu.memory_space<vmem>>[vector<16xi32>, vector<16xi32>], vector<16xf32>,
        %add3A_910 = arith.constant 16 : i32
        %add3A_911 = vector.broadcast %add3A_910 : i32 to vector<16xi32>
        %add3A_912 = arith.addi %and3A_733, %add3A_911 : vector<16xi32>
        %scatter3A_913 = arith.constant 0 : i32
        %scatter3A_914 = arith.constant 0 : i32
        %scatter3A_915 = tpu.memref_slice %arg7[%scan3A_137, %scatter3A_913, %scatter3A_914] : memref<2x64x256xf32, #tpu.memory_space<vmem>> -> memref<1x64x256xf32, #tpu.memory_space<vmem>>
        %scatter3A_916 = tpu.memref_squeeze %scatter3A_915 : memref<1x64x256xf32, #tpu.memory_space<vmem>> -> memref<64x256xf32, #tpu.memory_space<vmem>>
        tpu.vector_store_idx %scatter3A_916[%add3A_912, %add3A_309], %gather3A_741 : memref<64x256xf32, #tpu.memory_space<vmem>>[vector<16xi32>, vector<16xi32>], vector<16xf32>,
        %add3A_917 = arith.constant 16 : i32
        %add3A_918 = vector.broadcast %add3A_917 : i32 to vector<16xi32>
        %add3A_919 = arith.addi %and3A_747, %add3A_918 : vector<16xi32>
        %scatter3A_920 = arith.constant 0 : i32
        %scatter3A_921 = arith.constant 0 : i32
        %scatter3A_922 = tpu.memref_slice %arg7[%scan3A_137, %scatter3A_920, %scatter3A_921] : memref<2x64x256xf32, #tpu.memory_space<vmem>> -> memref<1x64x256xf32, #tpu.memory_space<vmem>>
        %scatter3A_923 = tpu.memref_squeeze %scatter3A_922 : memref<1x64x256xf32, #tpu.memory_space<vmem>> -> memref<64x256xf32, #tpu.memory_space<vmem>>
        tpu.vector_store_idx %scatter3A_923[%add3A_919, %add3A_309], %gather3A_755 : memref<64x256xf32, #tpu.memory_space<vmem>>[vector<16xi32>, vector<16xi32>], vector<16xf32>,
        %add3A_924 = arith.constant 16 : i32
        %add3A_925 = vector.broadcast %add3A_924 : i32 to vector<16xi32>
        %add3A_926 = arith.addi %and3A_761, %add3A_925 : vector<16xi32>
        %scatter3A_927 = arith.constant 0 : i32
        %scatter3A_928 = arith.constant 0 : i32
        %scatter3A_929 = tpu.memref_slice %arg7[%scan3A_137, %scatter3A_927, %scatter3A_928] : memref<2x64x256xf32, #tpu.memory_space<vmem>> -> memref<1x64x256xf32, #tpu.memory_space<vmem>>
        %scatter3A_930 = tpu.memref_squeeze %scatter3A_929 : memref<1x64x256xf32, #tpu.memory_space<vmem>> -> memref<64x256xf32, #tpu.memory_space<vmem>>
        tpu.vector_store_idx %scatter3A_930[%add3A_926, %add3A_309], %gather3A_769 : memref<64x256xf32, #tpu.memory_space<vmem>>[vector<16xi32>, vector<16xi32>], vector<16xf32>,
        %add3A_931 = arith.constant 16 : i32
        %add3A_932 = vector.broadcast %add3A_931 : i32 to vector<16xi32>
        %add3A_933 = arith.addi %and3A_775, %add3A_932 : vector<16xi32>
        %scatter3A_934 = arith.constant 0 : i32
        %scatter3A_935 = arith.constant 0 : i32
        %scatter3A_936 = tpu.memref_slice %arg7[%scan3A_137, %scatter3A_934, %scatter3A_935] : memref<2x64x256xf32, #tpu.memory_space<vmem>> -> memref<1x64x256xf32, #tpu.memory_space<vmem>>
        %scatter3A_937 = tpu.memref_squeeze %scatter3A_936 : memref<1x64x256xf32, #tpu.memory_space<vmem>> -> memref<64x256xf32, #tpu.memory_space<vmem>>
        tpu.vector_store_idx %scatter3A_937[%add3A_933, %add3A_309], %gather3A_783 : memref<64x256xf32, #tpu.memory_space<vmem>>[vector<16xi32>, vector<16xi32>], vector<16xf32>,
        %add3A_938 = arith.constant 16 : i32
        %add3A_939 = vector.broadcast %add3A_938 : i32 to vector<16xi32>
        %add3A_940 = arith.addi %and3A_789, %add3A_939 : vector<16xi32>
        %scatter3A_941 = arith.constant 0 : i32
        %scatter3A_942 = arith.constant 0 : i32
        %scatter3A_943 = tpu.memref_slice %arg7[%scan3A_137, %scatter3A_941, %scatter3A_942] : memref<2x64x256xf32, #tpu.memory_space<vmem>> -> memref<1x64x256xf32, #tpu.memory_space<vmem>>
        %scatter3A_944 = tpu.memref_squeeze %scatter3A_943 : memref<1x64x256xf32, #tpu.memory_space<vmem>> -> memref<64x256xf32, #tpu.memory_space<vmem>>
        tpu.vector_store_idx %scatter3A_944[%add3A_940, %add3A_309], %gather3A_797 : memref<64x256xf32, #tpu.memory_space<vmem>>[vector<16xi32>, vector<16xi32>], vector<16xf32>,
        %add3A_945 = arith.constant 16 : i32
        %add3A_946 = vector.broadcast %add3A_945 : i32 to vector<16xi32>
        %add3A_947 = arith.addi %and3A_803, %add3A_946 : vector<16xi32>
        %scatter3A_948 = arith.constant 0 : i32
        %scatter3A_949 = arith.constant 0 : i32
        %scatter3A_950 = tpu.memref_slice %arg7[%scan3A_137, %scatter3A_948, %scatter3A_949] : memref<2x64x256xf32, #tpu.memory_space<vmem>> -> memref<1x64x256xf32, #tpu.memory_space<vmem>>
        %scatter3A_951 = tpu.memref_squeeze %scatter3A_950 : memref<1x64x256xf32, #tpu.memory_space<vmem>> -> memref<64x256xf32, #tpu.memory_space<vmem>>
        tpu.vector_store_idx %scatter3A_951[%add3A_947, %add3A_309], %gather3A_811 : memref<64x256xf32, #tpu.memory_space<vmem>>[vector<16xi32>, vector<16xi32>], vector<16xf32>,
        %add3A_952 = arith.constant 16 : i32
        %add3A_953 = vector.broadcast %add3A_952 : i32 to vector<16xi32>
        %add3A_954 = arith.addi %and3A_817, %add3A_953 : vector<16xi32>
        %scatter3A_955 = arith.constant 0 : i32
        %scatter3A_956 = arith.constant 0 : i32
        %scatter3A_957 = tpu.memref_slice %arg7[%scan3A_137, %scatter3A_955, %scatter3A_956] : memref<2x64x256xf32, #tpu.memory_space<vmem>> -> memref<1x64x256xf32, #tpu.memory_space<vmem>>
        %scatter3A_958 = tpu.memref_squeeze %scatter3A_957 : memref<1x64x256xf32, #tpu.memory_space<vmem>> -> memref<64x256xf32, #tpu.memory_space<vmem>>
        tpu.vector_store_idx %scatter3A_958[%add3A_954, %add3A_309], %gather3A_825 : memref<64x256xf32, #tpu.memory_space<vmem>>[vector<16xi32>, vector<16xi32>], vector<16xf32>,
        %add3A_959 = arith.constant 16 : i32
        %add3A_960 = vector.broadcast %add3A_959 : i32 to vector<16xi32>
        %add3A_961 = arith.addi %and3A_831, %add3A_960 : vector<16xi32>
        %scatter3A_962 = arith.constant 0 : i32
        %scatter3A_963 = arith.constant 0 : i32
        %scatter3A_964 = tpu.memref_slice %arg7[%scan3A_137, %scatter3A_962, %scatter3A_963] : memref<2x64x256xf32, #tpu.memory_space<vmem>> -> memref<1x64x256xf32, #tpu.memory_space<vmem>>
        %scatter3A_965 = tpu.memref_squeeze %scatter3A_964 : memref<1x64x256xf32, #tpu.memory_space<vmem>> -> memref<64x256xf32, #tpu.memory_space<vmem>>
        tpu.vector_store_idx %scatter3A_965[%add3A_961, %add3A_309], %gather3A_839 : memref<64x256xf32, #tpu.memory_space<vmem>>[vector<16xi32>, vector<16xi32>], vector<16xf32>,
        %add3A_966 = arith.constant 16 : i32
        %add3A_967 = vector.broadcast %add3A_966 : i32 to vector<16xi32>
        %add3A_968 = arith.addi %and3A_845, %add3A_967 : vector<16xi32>
        %scatter3A_969 = arith.constant 0 : i32
        %scatter3A_970 = arith.constant 0 : i32
        %scatter3A_971 = tpu.memref_slice %arg7[%scan3A_137, %scatter3A_969, %scatter3A_970] : memref<2x64x256xf32, #tpu.memory_space<vmem>> -> memref<1x64x256xf32, #tpu.memory_space<vmem>>
        %scatter3A_972 = tpu.memref_squeeze %scatter3A_971 : memref<1x64x256xf32, #tpu.memory_space<vmem>> -> memref<64x256xf32, #tpu.memory_space<vmem>>
        tpu.vector_store_idx %scatter3A_972[%add3A_968, %add3A_309], %gather3A_853 : memref<64x256xf32, #tpu.memory_space<vmem>>[vector<16xi32>, vector<16xi32>], vector<16xf32>,
        %add3A_973 = arith.constant 16 : i32
        %add3A_974 = vector.broadcast %add3A_973 : i32 to vector<16xi32>
        %add3A_975 = arith.addi %and3A_859, %add3A_974 : vector<16xi32>
        %scatter3A_976 = arith.constant 0 : i32
        %scatter3A_977 = arith.constant 0 : i32
        %scatter3A_978 = tpu.memref_slice %arg7[%scan3A_137, %scatter3A_976, %scatter3A_977] : memref<2x64x256xf32, #tpu.memory_space<vmem>> -> memref<1x64x256xf32, #tpu.memory_space<vmem>>
        %scatter3A_979 = tpu.memref_squeeze %scatter3A_978 : memref<1x64x256xf32, #tpu.memory_space<vmem>> -> memref<64x256xf32, #tpu.memory_space<vmem>>
        tpu.vector_store_idx %scatter3A_979[%add3A_975, %add3A_309], %gather3A_867 : memref<64x256xf32, #tpu.memory_space<vmem>>[vector<16xi32>, vector<16xi32>], vector<16xf32>,
        %add3A_980 = arith.constant 0 : i32
        %add3A_981 = vector.broadcast %add3A_980 : i32 to vector<16xi32>
        %add3A_982 = arith.addi %iota3A, %add3A_981 : vector<16xi32>
        %and3A_983 = arith.constant 15 : i32
        %and3A_984 = vector.broadcast %and3A_983 : i32 to vector<16xi32>
        %and3A_985 = arith.andi %add3A_982, %and3A_984 : vector<16xi32>
        %add3A_986 = arith.constant 32 : i32
        %add3A_987 = vector.broadcast %add3A_986 : i32 to vector<16xi32>
        %add3A_988 = arith.addi %and3A_985, %add3A_987 : vector<16xi32>
        %gather3A_989 = arith.constant 0 : i32
        %gather3A_990 = arith.constant 0 : i32
        %gather3A_991 = tpu.memref_slice %arg6[%scan3A_136, %gather3A_989, %gather3A_990] : memref<2x256x128xf32, #tpu.memory_space<vmem>> -> memref<1x256x128xf32, #tpu.memory_space<vmem>>
        %gather3A_992 = tpu.memref_squeeze %gather3A_991 : memref<1x256x128xf32, #tpu.memory_space<vmem>> -> memref<256x128xf32, #tpu.memory_space<vmem>>
        %gather3A_993 = tpu.vector_load_idx %gather3A_992[%add3A_309, %add3A_988] : memref<256x128xf32, #tpu.memory_space<vmem>>[vector<16xi32>, vector<16xi32>], vector<16xf32>,
        %add3A_994 = arith.constant 1 : i32
        %add3A_995 = vector.broadcast %add3A_994 : i32 to vector<16xi32>
        %add3A_996 = arith.addi %iota3A, %add3A_995 : vector<16xi32>
        %and3A_997 = arith.constant 15 : i32
        %and3A_998 = vector.broadcast %and3A_997 : i32 to vector<16xi32>
        %and3A_999 = arith.andi %add3A_996, %and3A_998 : vector<16xi32>
        %add3A_1000 = arith.constant 32 : i32
        %add3A_1001 = vector.broadcast %add3A_1000 : i32 to vector<16xi32>
        %add3A_1002 = arith.addi %and3A_999, %add3A_1001 : vector<16xi32>
        %gather3A_1003 = arith.constant 0 : i32
        %gather3A_1004 = arith.constant 0 : i32
        %gather3A_1005 = tpu.memref_slice %arg6[%scan3A_136, %gather3A_1003, %gather3A_1004] : memref<2x256x128xf32, #tpu.memory_space<vmem>> -> memref<1x256x128xf32, #tpu.memory_space<vmem>>
        %gather3A_1006 = tpu.memref_squeeze %gather3A_1005 : memref<1x256x128xf32, #tpu.memory_space<vmem>> -> memref<256x128xf32, #tpu.memory_space<vmem>>
        %gather3A_1007 = tpu.vector_load_idx %gather3A_1006[%add3A_309, %add3A_1002] : memref<256x128xf32, #tpu.memory_space<vmem>>[vector<16xi32>, vector<16xi32>], vector<16xf32>,
        %add3A_1008 = arith.constant 2 : i32
        %add3A_1009 = vector.broadcast %add3A_1008 : i32 to vector<16xi32>
        %add3A_1010 = arith.addi %iota3A, %add3A_1009 : vector<16xi32>
        %and3A_1011 = arith.constant 15 : i32
        %and3A_1012 = vector.broadcast %and3A_1011 : i32 to vector<16xi32>
        %and3A_1013 = arith.andi %add3A_1010, %and3A_1012 : vector<16xi32>
        %add3A_1014 = arith.constant 32 : i32
        %add3A_1015 = vector.broadcast %add3A_1014 : i32 to vector<16xi32>
        %add3A_1016 = arith.addi %and3A_1013, %add3A_1015 : vector<16xi32>
        %gather3A_1017 = arith.constant 0 : i32
        %gather3A_1018 = arith.constant 0 : i32
        %gather3A_1019 = tpu.memref_slice %arg6[%scan3A_136, %gather3A_1017, %gather3A_1018] : memref<2x256x128xf32, #tpu.memory_space<vmem>> -> memref<1x256x128xf32, #tpu.memory_space<vmem>>
        %gather3A_1020 = tpu.memref_squeeze %gather3A_1019 : memref<1x256x128xf32, #tpu.memory_space<vmem>> -> memref<256x128xf32, #tpu.memory_space<vmem>>
        %gather3A_1021 = tpu.vector_load_idx %gather3A_1020[%add3A_309, %add3A_1016] : memref<256x128xf32, #tpu.memory_space<vmem>>[vector<16xi32>, vector<16xi32>], vector<16xf32>,
        %add3A_1022 = arith.constant 3 : i32
        %add3A_1023 = vector.broadcast %add3A_1022 : i32 to vector<16xi32>
        %add3A_1024 = arith.addi %iota3A, %add3A_1023 : vector<16xi32>
        %and3A_1025 = arith.constant 15 : i32
        %and3A_1026 = vector.broadcast %and3A_1025 : i32 to vector<16xi32>
        %and3A_1027 = arith.andi %add3A_1024, %and3A_1026 : vector<16xi32>
        %add3A_1028 = arith.constant 32 : i32
        %add3A_1029 = vector.broadcast %add3A_1028 : i32 to vector<16xi32>
        %add3A_1030 = arith.addi %and3A_1027, %add3A_1029 : vector<16xi32>
        %gather3A_1031 = arith.constant 0 : i32
        %gather3A_1032 = arith.constant 0 : i32
        %gather3A_1033 = tpu.memref_slice %arg6[%scan3A_136, %gather3A_1031, %gather3A_1032] : memref<2x256x128xf32, #tpu.memory_space<vmem>> -> memref<1x256x128xf32, #tpu.memory_space<vmem>>
        %gather3A_1034 = tpu.memref_squeeze %gather3A_1033 : memref<1x256x128xf32, #tpu.memory_space<vmem>> -> memref<256x128xf32, #tpu.memory_space<vmem>>
        %gather3A_1035 = tpu.vector_load_idx %gather3A_1034[%add3A_309, %add3A_1030] : memref<256x128xf32, #tpu.memory_space<vmem>>[vector<16xi32>, vector<16xi32>], vector<16xf32>,
        %add3A_1036 = arith.constant 4 : i32
        %add3A_1037 = vector.broadcast %add3A_1036 : i32 to vector<16xi32>
        %add3A_1038 = arith.addi %iota3A, %add3A_1037 : vector<16xi32>
        %and3A_1039 = arith.constant 15 : i32
        %and3A_1040 = vector.broadcast %and3A_1039 : i32 to vector<16xi32>
        %and3A_1041 = arith.andi %add3A_1038, %and3A_1040 : vector<16xi32>
        %add3A_1042 = arith.constant 32 : i32
        %add3A_1043 = vector.broadcast %add3A_1042 : i32 to vector<16xi32>
        %add3A_1044 = arith.addi %and3A_1041, %add3A_1043 : vector<16xi32>
        %gather3A_1045 = arith.constant 0 : i32
        %gather3A_1046 = arith.constant 0 : i32
        %gather3A_1047 = tpu.memref_slice %arg6[%scan3A_136, %gather3A_1045, %gather3A_1046] : memref<2x256x128xf32, #tpu.memory_space<vmem>> -> memref<1x256x128xf32, #tpu.memory_space<vmem>>
        %gather3A_1048 = tpu.memref_squeeze %gather3A_1047 : memref<1x256x128xf32, #tpu.memory_space<vmem>> -> memref<256x128xf32, #tpu.memory_space<vmem>>
        %gather3A_1049 = tpu.vector_load_idx %gather3A_1048[%add3A_309, %add3A_1044] : memref<256x128xf32, #tpu.memory_space<vmem>>[vector<16xi32>, vector<16xi32>], vector<16xf32>,
        %add3A_1050 = arith.constant 5 : i32
        %add3A_1051 = vector.broadcast %add3A_1050 : i32 to vector<16xi32>
        %add3A_1052 = arith.addi %iota3A, %add3A_1051 : vector<16xi32>
        %and3A_1053 = arith.constant 15 : i32
        %and3A_1054 = vector.broadcast %and3A_1053 : i32 to vector<16xi32>
        %and3A_1055 = arith.andi %add3A_1052, %and3A_1054 : vector<16xi32>
        %add3A_1056 = arith.constant 32 : i32
        %add3A_1057 = vector.broadcast %add3A_1056 : i32 to vector<16xi32>
        %add3A_1058 = arith.addi %and3A_1055, %add3A_1057 : vector<16xi32>
        %gather3A_1059 = arith.constant 0 : i32
        %gather3A_1060 = arith.constant 0 : i32
        %gather3A_1061 = tpu.memref_slice %arg6[%scan3A_136, %gather3A_1059, %gather3A_1060] : memref<2x256x128xf32, #tpu.memory_space<vmem>> -> memref<1x256x128xf32, #tpu.memory_space<vmem>>
        %gather3A_1062 = tpu.memref_squeeze %gather3A_1061 : memref<1x256x128xf32, #tpu.memory_space<vmem>> -> memref<256x128xf32, #tpu.memory_space<vmem>>
        %gather3A_1063 = tpu.vector_load_idx %gather3A_1062[%add3A_309, %add3A_1058] : memref<256x128xf32, #tpu.memory_space<vmem>>[vector<16xi32>, vector<16xi32>], vector<16xf32>,
        %add3A_1064 = arith.constant 6 : i32
        %add3A_1065 = vector.broadcast %add3A_1064 : i32 to vector<16xi32>
        %add3A_1066 = arith.addi %iota3A, %add3A_1065 : vector<16xi32>
        %and3A_1067 = arith.constant 15 : i32
        %and3A_1068 = vector.broadcast %and3A_1067 : i32 to vector<16xi32>
        %and3A_1069 = arith.andi %add3A_1066, %and3A_1068 : vector<16xi32>
        %add3A_1070 = arith.constant 32 : i32
        %add3A_1071 = vector.broadcast %add3A_1070 : i32 to vector<16xi32>
        %add3A_1072 = arith.addi %and3A_1069, %add3A_1071 : vector<16xi32>
        %gather3A_1073 = arith.constant 0 : i32
        %gather3A_1074 = arith.constant 0 : i32
        %gather3A_1075 = tpu.memref_slice %arg6[%scan3A_136, %gather3A_1073, %gather3A_1074] : memref<2x256x128xf32, #tpu.memory_space<vmem>> -> memref<1x256x128xf32, #tpu.memory_space<vmem>>
        %gather3A_1076 = tpu.memref_squeeze %gather3A_1075 : memref<1x256x128xf32, #tpu.memory_space<vmem>> -> memref<256x128xf32, #tpu.memory_space<vmem>>
        %gather3A_1077 = tpu.vector_load_idx %gather3A_1076[%add3A_309, %add3A_1072] : memref<256x128xf32, #tpu.memory_space<vmem>>[vector<16xi32>, vector<16xi32>], vector<16xf32>,
        %add3A_1078 = arith.constant 7 : i32
        %add3A_1079 = vector.broadcast %add3A_1078 : i32 to vector<16xi32>
        %add3A_1080 = arith.addi %iota3A, %add3A_1079 : vector<16xi32>
        %and3A_1081 = arith.constant 15 : i32
        %and3A_1082 = vector.broadcast %and3A_1081 : i32 to vector<16xi32>
        %and3A_1083 = arith.andi %add3A_1080, %and3A_1082 : vector<16xi32>
        %add3A_1084 = arith.constant 32 : i32
        %add3A_1085 = vector.broadcast %add3A_1084 : i32 to vector<16xi32>
        %add3A_1086 = arith.addi %and3A_1083, %add3A_1085 : vector<16xi32>
        %gather3A_1087 = arith.constant 0 : i32
        %gather3A_1088 = arith.constant 0 : i32
        %gather3A_1089 = tpu.memref_slice %arg6[%scan3A_136, %gather3A_1087, %gather3A_1088] : memref<2x256x128xf32, #tpu.memory_space<vmem>> -> memref<1x256x128xf32, #tpu.memory_space<vmem>>
        %gather3A_1090 = tpu.memref_squeeze %gather3A_1089 : memref<1x256x128xf32, #tpu.memory_space<vmem>> -> memref<256x128xf32, #tpu.memory_space<vmem>>
        %gather3A_1091 = tpu.vector_load_idx %gather3A_1090[%add3A_309, %add3A_1086] : memref<256x128xf32, #tpu.memory_space<vmem>>[vector<16xi32>, vector<16xi32>], vector<16xf32>,
        %add3A_1092 = arith.constant 8 : i32
        %add3A_1093 = vector.broadcast %add3A_1092 : i32 to vector<16xi32>
        %add3A_1094 = arith.addi %iota3A, %add3A_1093 : vector<16xi32>
        %and3A_1095 = arith.constant 15 : i32
        %and3A_1096 = vector.broadcast %and3A_1095 : i32 to vector<16xi32>
        %and3A_1097 = arith.andi %add3A_1094, %and3A_1096 : vector<16xi32>
        %add3A_1098 = arith.constant 32 : i32
        %add3A_1099 = vector.broadcast %add3A_1098 : i32 to vector<16xi32>
        %add3A_1100 = arith.addi %and3A_1097, %add3A_1099 : vector<16xi32>
        %gather3A_1101 = arith.constant 0 : i32
        %gather3A_1102 = arith.constant 0 : i32
        %gather3A_1103 = tpu.memref_slice %arg6[%scan3A_136, %gather3A_1101, %gather3A_1102] : memref<2x256x128xf32, #tpu.memory_space<vmem>> -> memref<1x256x128xf32, #tpu.memory_space<vmem>>
        %gather3A_1104 = tpu.memref_squeeze %gather3A_1103 : memref<1x256x128xf32, #tpu.memory_space<vmem>> -> memref<256x128xf32, #tpu.memory_space<vmem>>
        %gather3A_1105 = tpu.vector_load_idx %gather3A_1104[%add3A_309, %add3A_1100] : memref<256x128xf32, #tpu.memory_space<vmem>>[vector<16xi32>, vector<16xi32>], vector<16xf32>,
        %add3A_1106 = arith.constant 9 : i32
        %add3A_1107 = vector.broadcast %add3A_1106 : i32 to vector<16xi32>
        %add3A_1108 = arith.addi %iota3A, %add3A_1107 : vector<16xi32>
        %and3A_1109 = arith.constant 15 : i32
        %and3A_1110 = vector.broadcast %and3A_1109 : i32 to vector<16xi32>
        %and3A_1111 = arith.andi %add3A_1108, %and3A_1110 : vector<16xi32>
        %add3A_1112 = arith.constant 32 : i32
        %add3A_1113 = vector.broadcast %add3A_1112 : i32 to vector<16xi32>
        %add3A_1114 = arith.addi %and3A_1111, %add3A_1113 : vector<16xi32>
        %gather3A_1115 = arith.constant 0 : i32
        %gather3A_1116 = arith.constant 0 : i32
        %gather3A_1117 = tpu.memref_slice %arg6[%scan3A_136, %gather3A_1115, %gather3A_1116] : memref<2x256x128xf32, #tpu.memory_space<vmem>> -> memref<1x256x128xf32, #tpu.memory_space<vmem>>
        %gather3A_1118 = tpu.memref_squeeze %gather3A_1117 : memref<1x256x128xf32, #tpu.memory_space<vmem>> -> memref<256x128xf32, #tpu.memory_space<vmem>>
        %gather3A_1119 = tpu.vector_load_idx %gather3A_1118[%add3A_309, %add3A_1114] : memref<256x128xf32, #tpu.memory_space<vmem>>[vector<16xi32>, vector<16xi32>], vector<16xf32>,
        %add3A_1120 = arith.constant 10 : i32
        %add3A_1121 = vector.broadcast %add3A_1120 : i32 to vector<16xi32>
        %add3A_1122 = arith.addi %iota3A, %add3A_1121 : vector<16xi32>
        %and3A_1123 = arith.constant 15 : i32
        %and3A_1124 = vector.broadcast %and3A_1123 : i32 to vector<16xi32>
        %and3A_1125 = arith.andi %add3A_1122, %and3A_1124 : vector<16xi32>
        %add3A_1126 = arith.constant 32 : i32
        %add3A_1127 = vector.broadcast %add3A_1126 : i32 to vector<16xi32>
        %add3A_1128 = arith.addi %and3A_1125, %add3A_1127 : vector<16xi32>
        %gather3A_1129 = arith.constant 0 : i32
        %gather3A_1130 = arith.constant 0 : i32
        %gather3A_1131 = tpu.memref_slice %arg6[%scan3A_136, %gather3A_1129, %gather3A_1130] : memref<2x256x128xf32, #tpu.memory_space<vmem>> -> memref<1x256x128xf32, #tpu.memory_space<vmem>>
        %gather3A_1132 = tpu.memref_squeeze %gather3A_1131 : memref<1x256x128xf32, #tpu.memory_space<vmem>> -> memref<256x128xf32, #tpu.memory_space<vmem>>
        %gather3A_1133 = tpu.vector_load_idx %gather3A_1132[%add3A_309, %add3A_1128] : memref<256x128xf32, #tpu.memory_space<vmem>>[vector<16xi32>, vector<16xi32>], vector<16xf32>,
        %add3A_1134 = arith.constant 11 : i32
        %add3A_1135 = vector.broadcast %add3A_1134 : i32 to vector<16xi32>
        %add3A_1136 = arith.addi %iota3A, %add3A_1135 : vector<16xi32>
        %and3A_1137 = arith.constant 15 : i32
        %and3A_1138 = vector.broadcast %and3A_1137 : i32 to vector<16xi32>
        %and3A_1139 = arith.andi %add3A_1136, %and3A_1138 : vector<16xi32>
        %add3A_1140 = arith.constant 32 : i32
        %add3A_1141 = vector.broadcast %add3A_1140 : i32 to vector<16xi32>
        %add3A_1142 = arith.addi %and3A_1139, %add3A_1141 : vector<16xi32>
        %gather3A_1143 = arith.constant 0 : i32
        %gather3A_1144 = arith.constant 0 : i32
        %gather3A_1145 = tpu.memref_slice %arg6[%scan3A_136, %gather3A_1143, %gather3A_1144] : memref<2x256x128xf32, #tpu.memory_space<vmem>> -> memref<1x256x128xf32, #tpu.memory_space<vmem>>
        %gather3A_1146 = tpu.memref_squeeze %gather3A_1145 : memref<1x256x128xf32, #tpu.memory_space<vmem>> -> memref<256x128xf32, #tpu.memory_space<vmem>>
        %gather3A_1147 = tpu.vector_load_idx %gather3A_1146[%add3A_309, %add3A_1142] : memref<256x128xf32, #tpu.memory_space<vmem>>[vector<16xi32>, vector<16xi32>], vector<16xf32>,
        %add3A_1148 = arith.constant 12 : i32
        %add3A_1149 = vector.broadcast %add3A_1148 : i32 to vector<16xi32>
        %add3A_1150 = arith.addi %iota3A, %add3A_1149 : vector<16xi32>
        %and3A_1151 = arith.constant 15 : i32
        %and3A_1152 = vector.broadcast %and3A_1151 : i32 to vector<16xi32>
        %and3A_1153 = arith.andi %add3A_1150, %and3A_1152 : vector<16xi32>
        %add3A_1154 = arith.constant 32 : i32
        %add3A_1155 = vector.broadcast %add3A_1154 : i32 to vector<16xi32>
        %add3A_1156 = arith.addi %and3A_1153, %add3A_1155 : vector<16xi32>
        %gather3A_1157 = arith.constant 0 : i32
        %gather3A_1158 = arith.constant 0 : i32
        %gather3A_1159 = tpu.memref_slice %arg6[%scan3A_136, %gather3A_1157, %gather3A_1158] : memref<2x256x128xf32, #tpu.memory_space<vmem>> -> memref<1x256x128xf32, #tpu.memory_space<vmem>>
        %gather3A_1160 = tpu.memref_squeeze %gather3A_1159 : memref<1x256x128xf32, #tpu.memory_space<vmem>> -> memref<256x128xf32, #tpu.memory_space<vmem>>
        %gather3A_1161 = tpu.vector_load_idx %gather3A_1160[%add3A_309, %add3A_1156] : memref<256x128xf32, #tpu.memory_space<vmem>>[vector<16xi32>, vector<16xi32>], vector<16xf32>,
        %add3A_1162 = arith.constant 13 : i32
        %add3A_1163 = vector.broadcast %add3A_1162 : i32 to vector<16xi32>
        %add3A_1164 = arith.addi %iota3A, %add3A_1163 : vector<16xi32>
        %and3A_1165 = arith.constant 15 : i32
        %and3A_1166 = vector.broadcast %and3A_1165 : i32 to vector<16xi32>
        %and3A_1167 = arith.andi %add3A_1164, %and3A_1166 : vector<16xi32>
        %add3A_1168 = arith.constant 32 : i32
        %add3A_1169 = vector.broadcast %add3A_1168 : i32 to vector<16xi32>
        %add3A_1170 = arith.addi %and3A_1167, %add3A_1169 : vector<16xi32>
        %gather3A_1171 = arith.constant 0 : i32
        %gather3A_1172 = arith.constant 0 : i32
        %gather3A_1173 = tpu.memref_slice %arg6[%scan3A_136, %gather3A_1171, %gather3A_1172] : memref<2x256x128xf32, #tpu.memory_space<vmem>> -> memref<1x256x128xf32, #tpu.memory_space<vmem>>
        %gather3A_1174 = tpu.memref_squeeze %gather3A_1173 : memref<1x256x128xf32, #tpu.memory_space<vmem>> -> memref<256x128xf32, #tpu.memory_space<vmem>>
        %gather3A_1175 = tpu.vector_load_idx %gather3A_1174[%add3A_309, %add3A_1170] : memref<256x128xf32, #tpu.memory_space<vmem>>[vector<16xi32>, vector<16xi32>], vector<16xf32>,
        %add3A_1176 = arith.constant 14 : i32
        %add3A_1177 = vector.broadcast %add3A_1176 : i32 to vector<16xi32>
        %add3A_1178 = arith.addi %iota3A, %add3A_1177 : vector<16xi32>
        %and3A_1179 = arith.constant 15 : i32
        %and3A_1180 = vector.broadcast %and3A_1179 : i32 to vector<16xi32>
        %and3A_1181 = arith.andi %add3A_1178, %and3A_1180 : vector<16xi32>
        %add3A_1182 = arith.constant 32 : i32
        %add3A_1183 = vector.broadcast %add3A_1182 : i32 to vector<16xi32>
        %add3A_1184 = arith.addi %and3A_1181, %add3A_1183 : vector<16xi32>
        %gather3A_1185 = arith.constant 0 : i32
        %gather3A_1186 = arith.constant 0 : i32
        %gather3A_1187 = tpu.memref_slice %arg6[%scan3A_136, %gather3A_1185, %gather3A_1186] : memref<2x256x128xf32, #tpu.memory_space<vmem>> -> memref<1x256x128xf32, #tpu.memory_space<vmem>>
        %gather3A_1188 = tpu.memref_squeeze %gather3A_1187 : memref<1x256x128xf32, #tpu.memory_space<vmem>> -> memref<256x128xf32, #tpu.memory_space<vmem>>
        %gather3A_1189 = tpu.vector_load_idx %gather3A_1188[%add3A_309, %add3A_1184] : memref<256x128xf32, #tpu.memory_space<vmem>>[vector<16xi32>, vector<16xi32>], vector<16xf32>,
        %add3A_1190 = arith.constant 15 : i32
        %add3A_1191 = vector.broadcast %add3A_1190 : i32 to vector<16xi32>
        %add3A_1192 = arith.addi %iota3A, %add3A_1191 : vector<16xi32>
        %and3A_1193 = arith.constant 15 : i32
        %and3A_1194 = vector.broadcast %and3A_1193 : i32 to vector<16xi32>
        %and3A_1195 = arith.andi %add3A_1192, %and3A_1194 : vector<16xi32>
        %add3A_1196 = arith.constant 32 : i32
        %add3A_1197 = vector.broadcast %add3A_1196 : i32 to vector<16xi32>
        %add3A_1198 = arith.addi %and3A_1195, %add3A_1197 : vector<16xi32>
        %gather3A_1199 = arith.constant 0 : i32
        %gather3A_1200 = arith.constant 0 : i32
        %gather3A_1201 = tpu.memref_slice %arg6[%scan3A_136, %gather3A_1199, %gather3A_1200] : memref<2x256x128xf32, #tpu.memory_space<vmem>> -> memref<1x256x128xf32, #tpu.memory_space<vmem>>
        %gather3A_1202 = tpu.memref_squeeze %gather3A_1201 : memref<1x256x128xf32, #tpu.memory_space<vmem>> -> memref<256x128xf32, #tpu.memory_space<vmem>>
        %gather3A_1203 = tpu.vector_load_idx %gather3A_1202[%add3A_309, %add3A_1198] : memref<256x128xf32, #tpu.memory_space<vmem>>[vector<16xi32>, vector<16xi32>], vector<16xf32>,
        %add3A_1204 = arith.constant 32 : i32
        %add3A_1205 = vector.broadcast %add3A_1204 : i32 to vector<16xi32>
        %add3A_1206 = arith.addi %and3A_985, %add3A_1205 : vector<16xi32>
        %scatter3A_1207 = arith.constant 0 : i32
        %scatter3A_1208 = arith.constant 0 : i32
        %scatter3A_1209 = tpu.memref_slice %arg7[%scan3A_137, %scatter3A_1207, %scatter3A_1208] : memref<2x64x256xf32, #tpu.memory_space<vmem>> -> memref<1x64x256xf32, #tpu.memory_space<vmem>>
        %scatter3A_1210 = tpu.memref_squeeze %scatter3A_1209 : memref<1x64x256xf32, #tpu.memory_space<vmem>> -> memref<64x256xf32, #tpu.memory_space<vmem>>
        tpu.vector_store_idx %scatter3A_1210[%add3A_1206, %add3A_309], %gather3A_993 : memref<64x256xf32, #tpu.memory_space<vmem>>[vector<16xi32>, vector<16xi32>], vector<16xf32>,
        %add3A_1211 = arith.constant 32 : i32
        %add3A_1212 = vector.broadcast %add3A_1211 : i32 to vector<16xi32>
        %add3A_1213 = arith.addi %and3A_999, %add3A_1212 : vector<16xi32>
        %scatter3A_1214 = arith.constant 0 : i32
        %scatter3A_1215 = arith.constant 0 : i32
        %scatter3A_1216 = tpu.memref_slice %arg7[%scan3A_137, %scatter3A_1214, %scatter3A_1215] : memref<2x64x256xf32, #tpu.memory_space<vmem>> -> memref<1x64x256xf32, #tpu.memory_space<vmem>>
        %scatter3A_1217 = tpu.memref_squeeze %scatter3A_1216 : memref<1x64x256xf32, #tpu.memory_space<vmem>> -> memref<64x256xf32, #tpu.memory_space<vmem>>
        tpu.vector_store_idx %scatter3A_1217[%add3A_1213, %add3A_309], %gather3A_1007 : memref<64x256xf32, #tpu.memory_space<vmem>>[vector<16xi32>, vector<16xi32>], vector<16xf32>,
        %add3A_1218 = arith.constant 32 : i32
        %add3A_1219 = vector.broadcast %add3A_1218 : i32 to vector<16xi32>
        %add3A_1220 = arith.addi %and3A_1013, %add3A_1219 : vector<16xi32>
        %scatter3A_1221 = arith.constant 0 : i32
        %scatter3A_1222 = arith.constant 0 : i32
        %scatter3A_1223 = tpu.memref_slice %arg7[%scan3A_137, %scatter3A_1221, %scatter3A_1222] : memref<2x64x256xf32, #tpu.memory_space<vmem>> -> memref<1x64x256xf32, #tpu.memory_space<vmem>>
        %scatter3A_1224 = tpu.memref_squeeze %scatter3A_1223 : memref<1x64x256xf32, #tpu.memory_space<vmem>> -> memref<64x256xf32, #tpu.memory_space<vmem>>
        tpu.vector_store_idx %scatter3A_1224[%add3A_1220, %add3A_309], %gather3A_1021 : memref<64x256xf32, #tpu.memory_space<vmem>>[vector<16xi32>, vector<16xi32>], vector<16xf32>,
        %add3A_1225 = arith.constant 32 : i32
        %add3A_1226 = vector.broadcast %add3A_1225 : i32 to vector<16xi32>
        %add3A_1227 = arith.addi %and3A_1027, %add3A_1226 : vector<16xi32>
        %scatter3A_1228 = arith.constant 0 : i32
        %scatter3A_1229 = arith.constant 0 : i32
        %scatter3A_1230 = tpu.memref_slice %arg7[%scan3A_137, %scatter3A_1228, %scatter3A_1229] : memref<2x64x256xf32, #tpu.memory_space<vmem>> -> memref<1x64x256xf32, #tpu.memory_space<vmem>>
        %scatter3A_1231 = tpu.memref_squeeze %scatter3A_1230 : memref<1x64x256xf32, #tpu.memory_space<vmem>> -> memref<64x256xf32, #tpu.memory_space<vmem>>
        tpu.vector_store_idx %scatter3A_1231[%add3A_1227, %add3A_309], %gather3A_1035 : memref<64x256xf32, #tpu.memory_space<vmem>>[vector<16xi32>, vector<16xi32>], vector<16xf32>,
        %add3A_1232 = arith.constant 32 : i32
        %add3A_1233 = vector.broadcast %add3A_1232 : i32 to vector<16xi32>
        %add3A_1234 = arith.addi %and3A_1041, %add3A_1233 : vector<16xi32>
        %scatter3A_1235 = arith.constant 0 : i32
        %scatter3A_1236 = arith.constant 0 : i32
        %scatter3A_1237 = tpu.memref_slice %arg7[%scan3A_137, %scatter3A_1235, %scatter3A_1236] : memref<2x64x256xf32, #tpu.memory_space<vmem>> -> memref<1x64x256xf32, #tpu.memory_space<vmem>>
        %scatter3A_1238 = tpu.memref_squeeze %scatter3A_1237 : memref<1x64x256xf32, #tpu.memory_space<vmem>> -> memref<64x256xf32, #tpu.memory_space<vmem>>
        tpu.vector_store_idx %scatter3A_1238[%add3A_1234, %add3A_309], %gather3A_1049 : memref<64x256xf32, #tpu.memory_space<vmem>>[vector<16xi32>, vector<16xi32>], vector<16xf32>,
        %add3A_1239 = arith.constant 32 : i32
        %add3A_1240 = vector.broadcast %add3A_1239 : i32 to vector<16xi32>
        %add3A_1241 = arith.addi %and3A_1055, %add3A_1240 : vector<16xi32>
        %scatter3A_1242 = arith.constant 0 : i32
        %scatter3A_1243 = arith.constant 0 : i32
        %scatter3A_1244 = tpu.memref_slice %arg7[%scan3A_137, %scatter3A_1242, %scatter3A_1243] : memref<2x64x256xf32, #tpu.memory_space<vmem>> -> memref<1x64x256xf32, #tpu.memory_space<vmem>>
        %scatter3A_1245 = tpu.memref_squeeze %scatter3A_1244 : memref<1x64x256xf32, #tpu.memory_space<vmem>> -> memref<64x256xf32, #tpu.memory_space<vmem>>
        tpu.vector_store_idx %scatter3A_1245[%add3A_1241, %add3A_309], %gather3A_1063 : memref<64x256xf32, #tpu.memory_space<vmem>>[vector<16xi32>, vector<16xi32>], vector<16xf32>,
        %add3A_1246 = arith.constant 32 : i32
        %add3A_1247 = vector.broadcast %add3A_1246 : i32 to vector<16xi32>
        %add3A_1248 = arith.addi %and3A_1069, %add3A_1247 : vector<16xi32>
        %scatter3A_1249 = arith.constant 0 : i32
        %scatter3A_1250 = arith.constant 0 : i32
        %scatter3A_1251 = tpu.memref_slice %arg7[%scan3A_137, %scatter3A_1249, %scatter3A_1250] : memref<2x64x256xf32, #tpu.memory_space<vmem>> -> memref<1x64x256xf32, #tpu.memory_space<vmem>>
        %scatter3A_1252 = tpu.memref_squeeze %scatter3A_1251 : memref<1x64x256xf32, #tpu.memory_space<vmem>> -> memref<64x256xf32, #tpu.memory_space<vmem>>
        tpu.vector_store_idx %scatter3A_1252[%add3A_1248, %add3A_309], %gather3A_1077 : memref<64x256xf32, #tpu.memory_space<vmem>>[vector<16xi32>, vector<16xi32>], vector<16xf32>,
        %add3A_1253 = arith.constant 32 : i32
        %add3A_1254 = vector.broadcast %add3A_1253 : i32 to vector<16xi32>
        %add3A_1255 = arith.addi %and3A_1083, %add3A_1254 : vector<16xi32>
        %scatter3A_1256 = arith.constant 0 : i32
        %scatter3A_1257 = arith.constant 0 : i32
        %scatter3A_1258 = tpu.memref_slice %arg7[%scan3A_137, %scatter3A_1256, %scatter3A_1257] : memref<2x64x256xf32, #tpu.memory_space<vmem>> -> memref<1x64x256xf32, #tpu.memory_space<vmem>>
        %scatter3A_1259 = tpu.memref_squeeze %scatter3A_1258 : memref<1x64x256xf32, #tpu.memory_space<vmem>> -> memref<64x256xf32, #tpu.memory_space<vmem>>
        tpu.vector_store_idx %scatter3A_1259[%add3A_1255, %add3A_309], %gather3A_1091 : memref<64x256xf32, #tpu.memory_space<vmem>>[vector<16xi32>, vector<16xi32>], vector<16xf32>,
        %add3A_1260 = arith.constant 32 : i32
        %add3A_1261 = vector.broadcast %add3A_1260 : i32 to vector<16xi32>
        %add3A_1262 = arith.addi %and3A_1097, %add3A_1261 : vector<16xi32>
        %scatter3A_1263 = arith.constant 0 : i32
        %scatter3A_1264 = arith.constant 0 : i32
        %scatter3A_1265 = tpu.memref_slice %arg7[%scan3A_137, %scatter3A_1263, %scatter3A_1264] : memref<2x64x256xf32, #tpu.memory_space<vmem>> -> memref<1x64x256xf32, #tpu.memory_space<vmem>>
        %scatter3A_1266 = tpu.memref_squeeze %scatter3A_1265 : memref<1x64x256xf32, #tpu.memory_space<vmem>> -> memref<64x256xf32, #tpu.memory_space<vmem>>
        tpu.vector_store_idx %scatter3A_1266[%add3A_1262, %add3A_309], %gather3A_1105 : memref<64x256xf32, #tpu.memory_space<vmem>>[vector<16xi32>, vector<16xi32>], vector<16xf32>,
        %add3A_1267 = arith.constant 32 : i32
        %add3A_1268 = vector.broadcast %add3A_1267 : i32 to vector<16xi32>
        %add3A_1269 = arith.addi %and3A_1111, %add3A_1268 : vector<16xi32>
        %scatter3A_1270 = arith.constant 0 : i32
        %scatter3A_1271 = arith.constant 0 : i32
        %scatter3A_1272 = tpu.memref_slice %arg7[%scan3A_137, %scatter3A_1270, %scatter3A_1271] : memref<2x64x256xf32, #tpu.memory_space<vmem>> -> memref<1x64x256xf32, #tpu.memory_space<vmem>>
        %scatter3A_1273 = tpu.memref_squeeze %scatter3A_1272 : memref<1x64x256xf32, #tpu.memory_space<vmem>> -> memref<64x256xf32, #tpu.memory_space<vmem>>
        tpu.vector_store_idx %scatter3A_1273[%add3A_1269, %add3A_309], %gather3A_1119 : memref<64x256xf32, #tpu.memory_space<vmem>>[vector<16xi32>, vector<16xi32>], vector<16xf32>,
        %add3A_1274 = arith.constant 32 : i32
        %add3A_1275 = vector.broadcast %add3A_1274 : i32 to vector<16xi32>
        %add3A_1276 = arith.addi %and3A_1125, %add3A_1275 : vector<16xi32>
        %scatter3A_1277 = arith.constant 0 : i32
        %scatter3A_1278 = arith.constant 0 : i32
        %scatter3A_1279 = tpu.memref_slice %arg7[%scan3A_137, %scatter3A_1277, %scatter3A_1278] : memref<2x64x256xf32, #tpu.memory_space<vmem>> -> memref<1x64x256xf32, #tpu.memory_space<vmem>>
        %scatter3A_1280 = tpu.memref_squeeze %scatter3A_1279 : memref<1x64x256xf32, #tpu.memory_space<vmem>> -> memref<64x256xf32, #tpu.memory_space<vmem>>
        tpu.vector_store_idx %scatter3A_1280[%add3A_1276, %add3A_309], %gather3A_1133 : memref<64x256xf32, #tpu.memory_space<vmem>>[vector<16xi32>, vector<16xi32>], vector<16xf32>,
        %add3A_1281 = arith.constant 32 : i32
        %add3A_1282 = vector.broadcast %add3A_1281 : i32 to vector<16xi32>
        %add3A_1283 = arith.addi %and3A_1139, %add3A_1282 : vector<16xi32>
        %scatter3A_1284 = arith.constant 0 : i32
        %scatter3A_1285 = arith.constant 0 : i32
        %scatter3A_1286 = tpu.memref_slice %arg7[%scan3A_137, %scatter3A_1284, %scatter3A_1285] : memref<2x64x256xf32, #tpu.memory_space<vmem>> -> memref<1x64x256xf32, #tpu.memory_space<vmem>>
        %scatter3A_1287 = tpu.memref_squeeze %scatter3A_1286 : memref<1x64x256xf32, #tpu.memory_space<vmem>> -> memref<64x256xf32, #tpu.memory_space<vmem>>
        tpu.vector_store_idx %scatter3A_1287[%add3A_1283, %add3A_309], %gather3A_1147 : memref<64x256xf32, #tpu.memory_space<vmem>>[vector<16xi32>, vector<16xi32>], vector<16xf32>,
        %add3A_1288 = arith.constant 32 : i32
        %add3A_1289 = vector.broadcast %add3A_1288 : i32 to vector<16xi32>
        %add3A_1290 = arith.addi %and3A_1153, %add3A_1289 : vector<16xi32>
        %scatter3A_1291 = arith.constant 0 : i32
        %scatter3A_1292 = arith.constant 0 : i32
        %scatter3A_1293 = tpu.memref_slice %arg7[%scan3A_137, %scatter3A_1291, %scatter3A_1292] : memref<2x64x256xf32, #tpu.memory_space<vmem>> -> memref<1x64x256xf32, #tpu.memory_space<vmem>>
        %scatter3A_1294 = tpu.memref_squeeze %scatter3A_1293 : memref<1x64x256xf32, #tpu.memory_space<vmem>> -> memref<64x256xf32, #tpu.memory_space<vmem>>
        tpu.vector_store_idx %scatter3A_1294[%add3A_1290, %add3A_309], %gather3A_1161 : memref<64x256xf32, #tpu.memory_space<vmem>>[vector<16xi32>, vector<16xi32>], vector<16xf32>,
        %add3A_1295 = arith.constant 32 : i32
        %add3A_1296 = vector.broadcast %add3A_1295 : i32 to vector<16xi32>
        %add3A_1297 = arith.addi %and3A_1167, %add3A_1296 : vector<16xi32>
        %scatter3A_1298 = arith.constant 0 : i32
        %scatter3A_1299 = arith.constant 0 : i32
        %scatter3A_1300 = tpu.memref_slice %arg7[%scan3A_137, %scatter3A_1298, %scatter3A_1299] : memref<2x64x256xf32, #tpu.memory_space<vmem>> -> memref<1x64x256xf32, #tpu.memory_space<vmem>>
        %scatter3A_1301 = tpu.memref_squeeze %scatter3A_1300 : memref<1x64x256xf32, #tpu.memory_space<vmem>> -> memref<64x256xf32, #tpu.memory_space<vmem>>
        tpu.vector_store_idx %scatter3A_1301[%add3A_1297, %add3A_309], %gather3A_1175 : memref<64x256xf32, #tpu.memory_space<vmem>>[vector<16xi32>, vector<16xi32>], vector<16xf32>,
        %add3A_1302 = arith.constant 32 : i32
        %add3A_1303 = vector.broadcast %add3A_1302 : i32 to vector<16xi32>
        %add3A_1304 = arith.addi %and3A_1181, %add3A_1303 : vector<16xi32>
        %scatter3A_1305 = arith.constant 0 : i32
        %scatter3A_1306 = arith.constant 0 : i32
        %scatter3A_1307 = tpu.memref_slice %arg7[%scan3A_137, %scatter3A_1305, %scatter3A_1306] : memref<2x64x256xf32, #tpu.memory_space<vmem>> -> memref<1x64x256xf32, #tpu.memory_space<vmem>>
        %scatter3A_1308 = tpu.memref_squeeze %scatter3A_1307 : memref<1x64x256xf32, #tpu.memory_space<vmem>> -> memref<64x256xf32, #tpu.memory_space<vmem>>
        tpu.vector_store_idx %scatter3A_1308[%add3A_1304, %add3A_309], %gather3A_1189 : memref<64x256xf32, #tpu.memory_space<vmem>>[vector<16xi32>, vector<16xi32>], vector<16xf32>,
        %add3A_1309 = arith.constant 32 : i32
        %add3A_1310 = vector.broadcast %add3A_1309 : i32 to vector<16xi32>
        %add3A_1311 = arith.addi %and3A_1195, %add3A_1310 : vector<16xi32>
        %scatter3A_1312 = arith.constant 0 : i32
        %scatter3A_1313 = arith.constant 0 : i32
        %scatter3A_1314 = tpu.memref_slice %arg7[%scan3A_137, %scatter3A_1312, %scatter3A_1313] : memref<2x64x256xf32, #tpu.memory_space<vmem>> -> memref<1x64x256xf32, #tpu.memory_space<vmem>>
        %scatter3A_1315 = tpu.memref_squeeze %scatter3A_1314 : memref<1x64x256xf32, #tpu.memory_space<vmem>> -> memref<64x256xf32, #tpu.memory_space<vmem>>
        tpu.vector_store_idx %scatter3A_1315[%add3A_1311, %add3A_309], %gather3A_1203 : memref<64x256xf32, #tpu.memory_space<vmem>>[vector<16xi32>, vector<16xi32>], vector<16xf32>,
        %add3A_1316 = arith.constant 0 : i32
        %add3A_1317 = vector.broadcast %add3A_1316 : i32 to vector<16xi32>
        %add3A_1318 = arith.addi %iota3A, %add3A_1317 : vector<16xi32>
        %and3A_1319 = arith.constant 15 : i32
        %and3A_1320 = vector.broadcast %and3A_1319 : i32 to vector<16xi32>
        %and3A_1321 = arith.andi %add3A_1318, %and3A_1320 : vector<16xi32>
        %add3A_1322 = arith.constant 48 : i32
        %add3A_1323 = vector.broadcast %add3A_1322 : i32 to vector<16xi32>
        %add3A_1324 = arith.addi %and3A_1321, %add3A_1323 : vector<16xi32>
        %gather3A_1325 = arith.constant 0 : i32
        %gather3A_1326 = arith.constant 0 : i32
        %gather3A_1327 = tpu.memref_slice %arg6[%scan3A_136, %gather3A_1325, %gather3A_1326] : memref<2x256x128xf32, #tpu.memory_space<vmem>> -> memref<1x256x128xf32, #tpu.memory_space<vmem>>
        %gather3A_1328 = tpu.memref_squeeze %gather3A_1327 : memref<1x256x128xf32, #tpu.memory_space<vmem>> -> memref<256x128xf32, #tpu.memory_space<vmem>>
        %gather3A_1329 = tpu.vector_load_idx %gather3A_1328[%add3A_309, %add3A_1324] : memref<256x128xf32, #tpu.memory_space<vmem>>[vector<16xi32>, vector<16xi32>], vector<16xf32>,
        %add3A_1330 = arith.constant 1 : i32
        %add3A_1331 = vector.broadcast %add3A_1330 : i32 to vector<16xi32>
        %add3A_1332 = arith.addi %iota3A, %add3A_1331 : vector<16xi32>
        %and3A_1333 = arith.constant 15 : i32
        %and3A_1334 = vector.broadcast %and3A_1333 : i32 to vector<16xi32>
        %and3A_1335 = arith.andi %add3A_1332, %and3A_1334 : vector<16xi32>
        %add3A_1336 = arith.constant 48 : i32
        %add3A_1337 = vector.broadcast %add3A_1336 : i32 to vector<16xi32>
        %add3A_1338 = arith.addi %and3A_1335, %add3A_1337 : vector<16xi32>
        %gather3A_1339 = arith.constant 0 : i32
        %gather3A_1340 = arith.constant 0 : i32
        %gather3A_1341 = tpu.memref_slice %arg6[%scan3A_136, %gather3A_1339, %gather3A_1340] : memref<2x256x128xf32, #tpu.memory_space<vmem>> -> memref<1x256x128xf32, #tpu.memory_space<vmem>>
        %gather3A_1342 = tpu.memref_squeeze %gather3A_1341 : memref<1x256x128xf32, #tpu.memory_space<vmem>> -> memref<256x128xf32, #tpu.memory_space<vmem>>
        %gather3A_1343 = tpu.vector_load_idx %gather3A_1342[%add3A_309, %add3A_1338] : memref<256x128xf32, #tpu.memory_space<vmem>>[vector<16xi32>, vector<16xi32>], vector<16xf32>,
        %add3A_1344 = arith.constant 2 : i32
        %add3A_1345 = vector.broadcast %add3A_1344 : i32 to vector<16xi32>
        %add3A_1346 = arith.addi %iota3A, %add3A_1345 : vector<16xi32>
        %and3A_1347 = arith.constant 15 : i32
        %and3A_1348 = vector.broadcast %and3A_1347 : i32 to vector<16xi32>
        %and3A_1349 = arith.andi %add3A_1346, %and3A_1348 : vector<16xi32>
        %add3A_1350 = arith.constant 48 : i32
        %add3A_1351 = vector.broadcast %add3A_1350 : i32 to vector<16xi32>
        %add3A_1352 = arith.addi %and3A_1349, %add3A_1351 : vector<16xi32>
        %gather3A_1353 = arith.constant 0 : i32
        %gather3A_1354 = arith.constant 0 : i32
        %gather3A_1355 = tpu.memref_slice %arg6[%scan3A_136, %gather3A_1353, %gather3A_1354] : memref<2x256x128xf32, #tpu.memory_space<vmem>> -> memref<1x256x128xf32, #tpu.memory_space<vmem>>
        %gather3A_1356 = tpu.memref_squeeze %gather3A_1355 : memref<1x256x128xf32, #tpu.memory_space<vmem>> -> memref<256x128xf32, #tpu.memory_space<vmem>>
        %gather3A_1357 = tpu.vector_load_idx %gather3A_1356[%add3A_309, %add3A_1352] : memref<256x128xf32, #tpu.memory_space<vmem>>[vector<16xi32>, vector<16xi32>], vector<16xf32>,
        %add3A_1358 = arith.constant 3 : i32
        %add3A_1359 = vector.broadcast %add3A_1358 : i32 to vector<16xi32>
        %add3A_1360 = arith.addi %iota3A, %add3A_1359 : vector<16xi32>
        %and3A_1361 = arith.constant 15 : i32
        %and3A_1362 = vector.broadcast %and3A_1361 : i32 to vector<16xi32>
        %and3A_1363 = arith.andi %add3A_1360, %and3A_1362 : vector<16xi32>
        %add3A_1364 = arith.constant 48 : i32
        %add3A_1365 = vector.broadcast %add3A_1364 : i32 to vector<16xi32>
        %add3A_1366 = arith.addi %and3A_1363, %add3A_1365 : vector<16xi32>
        %gather3A_1367 = arith.constant 0 : i32
        %gather3A_1368 = arith.constant 0 : i32
        %gather3A_1369 = tpu.memref_slice %arg6[%scan3A_136, %gather3A_1367, %gather3A_1368] : memref<2x256x128xf32, #tpu.memory_space<vmem>> -> memref<1x256x128xf32, #tpu.memory_space<vmem>>
        %gather3A_1370 = tpu.memref_squeeze %gather3A_1369 : memref<1x256x128xf32, #tpu.memory_space<vmem>> -> memref<256x128xf32, #tpu.memory_space<vmem>>
        %gather3A_1371 = tpu.vector_load_idx %gather3A_1370[%add3A_309, %add3A_1366] : memref<256x128xf32, #tpu.memory_space<vmem>>[vector<16xi32>, vector<16xi32>], vector<16xf32>,
        %add3A_1372 = arith.constant 4 : i32
        %add3A_1373 = vector.broadcast %add3A_1372 : i32 to vector<16xi32>
        %add3A_1374 = arith.addi %iota3A, %add3A_1373 : vector<16xi32>
        %and3A_1375 = arith.constant 15 : i32
        %and3A_1376 = vector.broadcast %and3A_1375 : i32 to vector<16xi32>
        %and3A_1377 = arith.andi %add3A_1374, %and3A_1376 : vector<16xi32>
        %add3A_1378 = arith.constant 48 : i32
        %add3A_1379 = vector.broadcast %add3A_1378 : i32 to vector<16xi32>
        %add3A_1380 = arith.addi %and3A_1377, %add3A_1379 : vector<16xi32>
        %gather3A_1381 = arith.constant 0 : i32
        %gather3A_1382 = arith.constant 0 : i32
        %gather3A_1383 = tpu.memref_slice %arg6[%scan3A_136, %gather3A_1381, %gather3A_1382] : memref<2x256x128xf32, #tpu.memory_space<vmem>> -> memref<1x256x128xf32, #tpu.memory_space<vmem>>
        %gather3A_1384 = tpu.memref_squeeze %gather3A_1383 : memref<1x256x128xf32, #tpu.memory_space<vmem>> -> memref<256x128xf32, #tpu.memory_space<vmem>>
        %gather3A_1385 = tpu.vector_load_idx %gather3A_1384[%add3A_309, %add3A_1380] : memref<256x128xf32, #tpu.memory_space<vmem>>[vector<16xi32>, vector<16xi32>], vector<16xf32>,
        %add3A_1386 = arith.constant 5 : i32
        %add3A_1387 = vector.broadcast %add3A_1386 : i32 to vector<16xi32>
        %add3A_1388 = arith.addi %iota3A, %add3A_1387 : vector<16xi32>
        %and3A_1389 = arith.constant 15 : i32
        %and3A_1390 = vector.broadcast %and3A_1389 : i32 to vector<16xi32>
        %and3A_1391 = arith.andi %add3A_1388, %and3A_1390 : vector<16xi32>
        %add3A_1392 = arith.constant 48 : i32
        %add3A_1393 = vector.broadcast %add3A_1392 : i32 to vector<16xi32>
        %add3A_1394 = arith.addi %and3A_1391, %add3A_1393 : vector<16xi32>
        %gather3A_1395 = arith.constant 0 : i32
        %gather3A_1396 = arith.constant 0 : i32
        %gather3A_1397 = tpu.memref_slice %arg6[%scan3A_136, %gather3A_1395, %gather3A_1396] : memref<2x256x128xf32, #tpu.memory_space<vmem>> -> memref<1x256x128xf32, #tpu.memory_space<vmem>>
        %gather3A_1398 = tpu.memref_squeeze %gather3A_1397 : memref<1x256x128xf32, #tpu.memory_space<vmem>> -> memref<256x128xf32, #tpu.memory_space<vmem>>
        %gather3A_1399 = tpu.vector_load_idx %gather3A_1398[%add3A_309, %add3A_1394] : memref<256x128xf32, #tpu.memory_space<vmem>>[vector<16xi32>, vector<16xi32>], vector<16xf32>,
        %add3A_1400 = arith.constant 6 : i32
        %add3A_1401 = vector.broadcast %add3A_1400 : i32 to vector<16xi32>
        %add3A_1402 = arith.addi %iota3A, %add3A_1401 : vector<16xi32>
        %and3A_1403 = arith.constant 15 : i32
        %and3A_1404 = vector.broadcast %and3A_1403 : i32 to vector<16xi32>
        %and3A_1405 = arith.andi %add3A_1402, %and3A_1404 : vector<16xi32>
        %add3A_1406 = arith.constant 48 : i32
        %add3A_1407 = vector.broadcast %add3A_1406 : i32 to vector<16xi32>
        %add3A_1408 = arith.addi %and3A_1405, %add3A_1407 : vector<16xi32>
        %gather3A_1409 = arith.constant 0 : i32
        %gather3A_1410 = arith.constant 0 : i32
        %gather3A_1411 = tpu.memref_slice %arg6[%scan3A_136, %gather3A_1409, %gather3A_1410] : memref<2x256x128xf32, #tpu.memory_space<vmem>> -> memref<1x256x128xf32, #tpu.memory_space<vmem>>
        %gather3A_1412 = tpu.memref_squeeze %gather3A_1411 : memref<1x256x128xf32, #tpu.memory_space<vmem>> -> memref<256x128xf32, #tpu.memory_space<vmem>>
        %gather3A_1413 = tpu.vector_load_idx %gather3A_1412[%add3A_309, %add3A_1408] : memref<256x128xf32, #tpu.memory_space<vmem>>[vector<16xi32>, vector<16xi32>], vector<16xf32>,
        %add3A_1414 = arith.constant 7 : i32
        %add3A_1415 = vector.broadcast %add3A_1414 : i32 to vector<16xi32>
        %add3A_1416 = arith.addi %iota3A, %add3A_1415 : vector<16xi32>
        %and3A_1417 = arith.constant 15 : i32
        %and3A_1418 = vector.broadcast %and3A_1417 : i32 to vector<16xi32>
        %and3A_1419 = arith.andi %add3A_1416, %and3A_1418 : vector<16xi32>
        %add3A_1420 = arith.constant 48 : i32
        %add3A_1421 = vector.broadcast %add3A_1420 : i32 to vector<16xi32>
        %add3A_1422 = arith.addi %and3A_1419, %add3A_1421 : vector<16xi32>
        %gather3A_1423 = arith.constant 0 : i32
        %gather3A_1424 = arith.constant 0 : i32
        %gather3A_1425 = tpu.memref_slice %arg6[%scan3A_136, %gather3A_1423, %gather3A_1424] : memref<2x256x128xf32, #tpu.memory_space<vmem>> -> memref<1x256x128xf32, #tpu.memory_space<vmem>>
        %gather3A_1426 = tpu.memref_squeeze %gather3A_1425 : memref<1x256x128xf32, #tpu.memory_space<vmem>> -> memref<256x128xf32, #tpu.memory_space<vmem>>
        %gather3A_1427 = tpu.vector_load_idx %gather3A_1426[%add3A_309, %add3A_1422] : memref<256x128xf32, #tpu.memory_space<vmem>>[vector<16xi32>, vector<16xi32>], vector<16xf32>,
        %add3A_1428 = arith.constant 8 : i32
        %add3A_1429 = vector.broadcast %add3A_1428 : i32 to vector<16xi32>
        %add3A_1430 = arith.addi %iota3A, %add3A_1429 : vector<16xi32>
        %and3A_1431 = arith.constant 15 : i32
        %and3A_1432 = vector.broadcast %and3A_1431 : i32 to vector<16xi32>
        %and3A_1433 = arith.andi %add3A_1430, %and3A_1432 : vector<16xi32>
        %add3A_1434 = arith.constant 48 : i32
        %add3A_1435 = vector.broadcast %add3A_1434 : i32 to vector<16xi32>
        %add3A_1436 = arith.addi %and3A_1433, %add3A_1435 : vector<16xi32>
        %gather3A_1437 = arith.constant 0 : i32
        %gather3A_1438 = arith.constant 0 : i32
        %gather3A_1439 = tpu.memref_slice %arg6[%scan3A_136, %gather3A_1437, %gather3A_1438] : memref<2x256x128xf32, #tpu.memory_space<vmem>> -> memref<1x256x128xf32, #tpu.memory_space<vmem>>
        %gather3A_1440 = tpu.memref_squeeze %gather3A_1439 : memref<1x256x128xf32, #tpu.memory_space<vmem>> -> memref<256x128xf32, #tpu.memory_space<vmem>>
        %gather3A_1441 = tpu.vector_load_idx %gather3A_1440[%add3A_309, %add3A_1436] : memref<256x128xf32, #tpu.memory_space<vmem>>[vector<16xi32>, vector<16xi32>], vector<16xf32>,
        %add3A_1442 = arith.constant 9 : i32
        %add3A_1443 = vector.broadcast %add3A_1442 : i32 to vector<16xi32>
        %add3A_1444 = arith.addi %iota3A, %add3A_1443 : vector<16xi32>
        %and3A_1445 = arith.constant 15 : i32
        %and3A_1446 = vector.broadcast %and3A_1445 : i32 to vector<16xi32>
        %and3A_1447 = arith.andi %add3A_1444, %and3A_1446 : vector<16xi32>
        %add3A_1448 = arith.constant 48 : i32
        %add3A_1449 = vector.broadcast %add3A_1448 : i32 to vector<16xi32>
        %add3A_1450 = arith.addi %and3A_1447, %add3A_1449 : vector<16xi32>
        %gather3A_1451 = arith.constant 0 : i32
        %gather3A_1452 = arith.constant 0 : i32
        %gather3A_1453 = tpu.memref_slice %arg6[%scan3A_136, %gather3A_1451, %gather3A_1452] : memref<2x256x128xf32, #tpu.memory_space<vmem>> -> memref<1x256x128xf32, #tpu.memory_space<vmem>>
        %gather3A_1454 = tpu.memref_squeeze %gather3A_1453 : memref<1x256x128xf32, #tpu.memory_space<vmem>> -> memref<256x128xf32, #tpu.memory_space<vmem>>
        %gather3A_1455 = tpu.vector_load_idx %gather3A_1454[%add3A_309, %add3A_1450] : memref<256x128xf32, #tpu.memory_space<vmem>>[vector<16xi32>, vector<16xi32>], vector<16xf32>,
        %add3A_1456 = arith.constant 10 : i32
        %add3A_1457 = vector.broadcast %add3A_1456 : i32 to vector<16xi32>
        %add3A_1458 = arith.addi %iota3A, %add3A_1457 : vector<16xi32>
        %and3A_1459 = arith.constant 15 : i32
        %and3A_1460 = vector.broadcast %and3A_1459 : i32 to vector<16xi32>
        %and3A_1461 = arith.andi %add3A_1458, %and3A_1460 : vector<16xi32>
        %add3A_1462 = arith.constant 48 : i32
        %add3A_1463 = vector.broadcast %add3A_1462 : i32 to vector<16xi32>
        %add3A_1464 = arith.addi %and3A_1461, %add3A_1463 : vector<16xi32>
        %gather3A_1465 = arith.constant 0 : i32
        %gather3A_1466 = arith.constant 0 : i32
        %gather3A_1467 = tpu.memref_slice %arg6[%scan3A_136, %gather3A_1465, %gather3A_1466] : memref<2x256x128xf32, #tpu.memory_space<vmem>> -> memref<1x256x128xf32, #tpu.memory_space<vmem>>
        %gather3A_1468 = tpu.memref_squeeze %gather3A_1467 : memref<1x256x128xf32, #tpu.memory_space<vmem>> -> memref<256x128xf32, #tpu.memory_space<vmem>>
        %gather3A_1469 = tpu.vector_load_idx %gather3A_1468[%add3A_309, %add3A_1464] : memref<256x128xf32, #tpu.memory_space<vmem>>[vector<16xi32>, vector<16xi32>], vector<16xf32>,
        %add3A_1470 = arith.constant 11 : i32
        %add3A_1471 = vector.broadcast %add3A_1470 : i32 to vector<16xi32>
        %add3A_1472 = arith.addi %iota3A, %add3A_1471 : vector<16xi32>
        %and3A_1473 = arith.constant 15 : i32
        %and3A_1474 = vector.broadcast %and3A_1473 : i32 to vector<16xi32>
        %and3A_1475 = arith.andi %add3A_1472, %and3A_1474 : vector<16xi32>
        %add3A_1476 = arith.constant 48 : i32
        %add3A_1477 = vector.broadcast %add3A_1476 : i32 to vector<16xi32>
        %add3A_1478 = arith.addi %and3A_1475, %add3A_1477 : vector<16xi32>
        %gather3A_1479 = arith.constant 0 : i32
        %gather3A_1480 = arith.constant 0 : i32
        %gather3A_1481 = tpu.memref_slice %arg6[%scan3A_136, %gather3A_1479, %gather3A_1480] : memref<2x256x128xf32, #tpu.memory_space<vmem>> -> memref<1x256x128xf32, #tpu.memory_space<vmem>>
        %gather3A_1482 = tpu.memref_squeeze %gather3A_1481 : memref<1x256x128xf32, #tpu.memory_space<vmem>> -> memref<256x128xf32, #tpu.memory_space<vmem>>
        %gather3A_1483 = tpu.vector_load_idx %gather3A_1482[%add3A_309, %add3A_1478] : memref<256x128xf32, #tpu.memory_space<vmem>>[vector<16xi32>, vector<16xi32>], vector<16xf32>,
        %add3A_1484 = arith.constant 12 : i32
        %add3A_1485 = vector.broadcast %add3A_1484 : i32 to vector<16xi32>
        %add3A_1486 = arith.addi %iota3A, %add3A_1485 : vector<16xi32>
        %and3A_1487 = arith.constant 15 : i32
        %and3A_1488 = vector.broadcast %and3A_1487 : i32 to vector<16xi32>
        %and3A_1489 = arith.andi %add3A_1486, %and3A_1488 : vector<16xi32>
        %add3A_1490 = arith.constant 48 : i32
        %add3A_1491 = vector.broadcast %add3A_1490 : i32 to vector<16xi32>
        %add3A_1492 = arith.addi %and3A_1489, %add3A_1491 : vector<16xi32>
        %gather3A_1493 = arith.constant 0 : i32
        %gather3A_1494 = arith.constant 0 : i32
        %gather3A_1495 = tpu.memref_slice %arg6[%scan3A_136, %gather3A_1493, %gather3A_1494] : memref<2x256x128xf32, #tpu.memory_space<vmem>> -> memref<1x256x128xf32, #tpu.memory_space<vmem>>
        %gather3A_1496 = tpu.memref_squeeze %gather3A_1495 : memref<1x256x128xf32, #tpu.memory_space<vmem>> -> memref<256x128xf32, #tpu.memory_space<vmem>>
        %gather3A_1497 = tpu.vector_load_idx %gather3A_1496[%add3A_309, %add3A_1492] : memref<256x128xf32, #tpu.memory_space<vmem>>[vector<16xi32>, vector<16xi32>], vector<16xf32>,
        %add3A_1498 = arith.constant 13 : i32
        %add3A_1499 = vector.broadcast %add3A_1498 : i32 to vector<16xi32>
        %add3A_1500 = arith.addi %iota3A, %add3A_1499 : vector<16xi32>
        %and3A_1501 = arith.constant 15 : i32
        %and3A_1502 = vector.broadcast %and3A_1501 : i32 to vector<16xi32>
        %and3A_1503 = arith.andi %add3A_1500, %and3A_1502 : vector<16xi32>
        %add3A_1504 = arith.constant 48 : i32
        %add3A_1505 = vector.broadcast %add3A_1504 : i32 to vector<16xi32>
        %add3A_1506 = arith.addi %and3A_1503, %add3A_1505 : vector<16xi32>
        %gather3A_1507 = arith.constant 0 : i32
        %gather3A_1508 = arith.constant 0 : i32
        %gather3A_1509 = tpu.memref_slice %arg6[%scan3A_136, %gather3A_1507, %gather3A_1508] : memref<2x256x128xf32, #tpu.memory_space<vmem>> -> memref<1x256x128xf32, #tpu.memory_space<vmem>>
        %gather3A_1510 = tpu.memref_squeeze %gather3A_1509 : memref<1x256x128xf32, #tpu.memory_space<vmem>> -> memref<256x128xf32, #tpu.memory_space<vmem>>
        %gather3A_1511 = tpu.vector_load_idx %gather3A_1510[%add3A_309, %add3A_1506] : memref<256x128xf32, #tpu.memory_space<vmem>>[vector<16xi32>, vector<16xi32>], vector<16xf32>,
        %add3A_1512 = arith.constant 14 : i32
        %add3A_1513 = vector.broadcast %add3A_1512 : i32 to vector<16xi32>
        %add3A_1514 = arith.addi %iota3A, %add3A_1513 : vector<16xi32>
        %and3A_1515 = arith.constant 15 : i32
        %and3A_1516 = vector.broadcast %and3A_1515 : i32 to vector<16xi32>
        %and3A_1517 = arith.andi %add3A_1514, %and3A_1516 : vector<16xi32>
        %add3A_1518 = arith.constant 48 : i32
        %add3A_1519 = vector.broadcast %add3A_1518 : i32 to vector<16xi32>
        %add3A_1520 = arith.addi %and3A_1517, %add3A_1519 : vector<16xi32>
        %gather3A_1521 = arith.constant 0 : i32
        %gather3A_1522 = arith.constant 0 : i32
        %gather3A_1523 = tpu.memref_slice %arg6[%scan3A_136, %gather3A_1521, %gather3A_1522] : memref<2x256x128xf32, #tpu.memory_space<vmem>> -> memref<1x256x128xf32, #tpu.memory_space<vmem>>
        %gather3A_1524 = tpu.memref_squeeze %gather3A_1523 : memref<1x256x128xf32, #tpu.memory_space<vmem>> -> memref<256x128xf32, #tpu.memory_space<vmem>>
        %gather3A_1525 = tpu.vector_load_idx %gather3A_1524[%add3A_309, %add3A_1520] : memref<256x128xf32, #tpu.memory_space<vmem>>[vector<16xi32>, vector<16xi32>], vector<16xf32>,
        %add3A_1526 = arith.constant 15 : i32
        %add3A_1527 = vector.broadcast %add3A_1526 : i32 to vector<16xi32>
        %add3A_1528 = arith.addi %iota3A, %add3A_1527 : vector<16xi32>
        %and3A_1529 = arith.constant 15 : i32
        %and3A_1530 = vector.broadcast %and3A_1529 : i32 to vector<16xi32>
        %and3A_1531 = arith.andi %add3A_1528, %and3A_1530 : vector<16xi32>
        %add3A_1532 = arith.constant 48 : i32
        %add3A_1533 = vector.broadcast %add3A_1532 : i32 to vector<16xi32>
        %add3A_1534 = arith.addi %and3A_1531, %add3A_1533 : vector<16xi32>
        %gather3A_1535 = arith.constant 0 : i32
        %gather3A_1536 = arith.constant 0 : i32
        %gather3A_1537 = tpu.memref_slice %arg6[%scan3A_136, %gather3A_1535, %gather3A_1536] : memref<2x256x128xf32, #tpu.memory_space<vmem>> -> memref<1x256x128xf32, #tpu.memory_space<vmem>>
        %gather3A_1538 = tpu.memref_squeeze %gather3A_1537 : memref<1x256x128xf32, #tpu.memory_space<vmem>> -> memref<256x128xf32, #tpu.memory_space<vmem>>
        %gather3A_1539 = tpu.vector_load_idx %gather3A_1538[%add3A_309, %add3A_1534] : memref<256x128xf32, #tpu.memory_space<vmem>>[vector<16xi32>, vector<16xi32>], vector<16xf32>,
        %add3A_1540 = arith.constant 48 : i32
        %add3A_1541 = vector.broadcast %add3A_1540 : i32 to vector<16xi32>
        %add3A_1542 = arith.addi %and3A_1321, %add3A_1541 : vector<16xi32>
        %scatter3A_1543 = arith.constant 0 : i32
        %scatter3A_1544 = arith.constant 0 : i32
        %scatter3A_1545 = tpu.memref_slice %arg7[%scan3A_137, %scatter3A_1543, %scatter3A_1544] : memref<2x64x256xf32, #tpu.memory_space<vmem>> -> memref<1x64x256xf32, #tpu.memory_space<vmem>>
        %scatter3A_1546 = tpu.memref_squeeze %scatter3A_1545 : memref<1x64x256xf32, #tpu.memory_space<vmem>> -> memref<64x256xf32, #tpu.memory_space<vmem>>
        tpu.vector_store_idx %scatter3A_1546[%add3A_1542, %add3A_309], %gather3A_1329 : memref<64x256xf32, #tpu.memory_space<vmem>>[vector<16xi32>, vector<16xi32>], vector<16xf32>,
        %add3A_1547 = arith.constant 48 : i32
        %add3A_1548 = vector.broadcast %add3A_1547 : i32 to vector<16xi32>
        %add3A_1549 = arith.addi %and3A_1335, %add3A_1548 : vector<16xi32>
        %scatter3A_1550 = arith.constant 0 : i32
        %scatter3A_1551 = arith.constant 0 : i32
        %scatter3A_1552 = tpu.memref_slice %arg7[%scan3A_137, %scatter3A_1550, %scatter3A_1551] : memref<2x64x256xf32, #tpu.memory_space<vmem>> -> memref<1x64x256xf32, #tpu.memory_space<vmem>>
        %scatter3A_1553 = tpu.memref_squeeze %scatter3A_1552 : memref<1x64x256xf32, #tpu.memory_space<vmem>> -> memref<64x256xf32, #tpu.memory_space<vmem>>
        tpu.vector_store_idx %scatter3A_1553[%add3A_1549, %add3A_309], %gather3A_1343 : memref<64x256xf32, #tpu.memory_space<vmem>>[vector<16xi32>, vector<16xi32>], vector<16xf32>,
        %add3A_1554 = arith.constant 48 : i32
        %add3A_1555 = vector.broadcast %add3A_1554 : i32 to vector<16xi32>
        %add3A_1556 = arith.addi %and3A_1349, %add3A_1555 : vector<16xi32>
        %scatter3A_1557 = arith.constant 0 : i32
        %scatter3A_1558 = arith.constant 0 : i32
        %scatter3A_1559 = tpu.memref_slice %arg7[%scan3A_137, %scatter3A_1557, %scatter3A_1558] : memref<2x64x256xf32, #tpu.memory_space<vmem>> -> memref<1x64x256xf32, #tpu.memory_space<vmem>>
        %scatter3A_1560 = tpu.memref_squeeze %scatter3A_1559 : memref<1x64x256xf32, #tpu.memory_space<vmem>> -> memref<64x256xf32, #tpu.memory_space<vmem>>
        tpu.vector_store_idx %scatter3A_1560[%add3A_1556, %add3A_309], %gather3A_1357 : memref<64x256xf32, #tpu.memory_space<vmem>>[vector<16xi32>, vector<16xi32>], vector<16xf32>,
        %add3A_1561 = arith.constant 48 : i32
        %add3A_1562 = vector.broadcast %add3A_1561 : i32 to vector<16xi32>
        %add3A_1563 = arith.addi %and3A_1363, %add3A_1562 : vector<16xi32>
        %scatter3A_1564 = arith.constant 0 : i32
        %scatter3A_1565 = arith.constant 0 : i32
        %scatter3A_1566 = tpu.memref_slice %arg7[%scan3A_137, %scatter3A_1564, %scatter3A_1565] : memref<2x64x256xf32, #tpu.memory_space<vmem>> -> memref<1x64x256xf32, #tpu.memory_space<vmem>>
        %scatter3A_1567 = tpu.memref_squeeze %scatter3A_1566 : memref<1x64x256xf32, #tpu.memory_space<vmem>> -> memref<64x256xf32, #tpu.memory_space<vmem>>
        tpu.vector_store_idx %scatter3A_1567[%add3A_1563, %add3A_309], %gather3A_1371 : memref<64x256xf32, #tpu.memory_space<vmem>>[vector<16xi32>, vector<16xi32>], vector<16xf32>,
        %add3A_1568 = arith.constant 48 : i32
        %add3A_1569 = vector.broadcast %add3A_1568 : i32 to vector<16xi32>
        %add3A_1570 = arith.addi %and3A_1377, %add3A_1569 : vector<16xi32>
        %scatter3A_1571 = arith.constant 0 : i32
        %scatter3A_1572 = arith.constant 0 : i32
        %scatter3A_1573 = tpu.memref_slice %arg7[%scan3A_137, %scatter3A_1571, %scatter3A_1572] : memref<2x64x256xf32, #tpu.memory_space<vmem>> -> memref<1x64x256xf32, #tpu.memory_space<vmem>>
        %scatter3A_1574 = tpu.memref_squeeze %scatter3A_1573 : memref<1x64x256xf32, #tpu.memory_space<vmem>> -> memref<64x256xf32, #tpu.memory_space<vmem>>
        tpu.vector_store_idx %scatter3A_1574[%add3A_1570, %add3A_309], %gather3A_1385 : memref<64x256xf32, #tpu.memory_space<vmem>>[vector<16xi32>, vector<16xi32>], vector<16xf32>,
        %add3A_1575 = arith.constant 48 : i32
        %add3A_1576 = vector.broadcast %add3A_1575 : i32 to vector<16xi32>
        %add3A_1577 = arith.addi %and3A_1391, %add3A_1576 : vector<16xi32>
        %scatter3A_1578 = arith.constant 0 : i32
        %scatter3A_1579 = arith.constant 0 : i32
        %scatter3A_1580 = tpu.memref_slice %arg7[%scan3A_137, %scatter3A_1578, %scatter3A_1579] : memref<2x64x256xf32, #tpu.memory_space<vmem>> -> memref<1x64x256xf32, #tpu.memory_space<vmem>>
        %scatter3A_1581 = tpu.memref_squeeze %scatter3A_1580 : memref<1x64x256xf32, #tpu.memory_space<vmem>> -> memref<64x256xf32, #tpu.memory_space<vmem>>
        tpu.vector_store_idx %scatter3A_1581[%add3A_1577, %add3A_309], %gather3A_1399 : memref<64x256xf32, #tpu.memory_space<vmem>>[vector<16xi32>, vector<16xi32>], vector<16xf32>,
        %add3A_1582 = arith.constant 48 : i32
        %add3A_1583 = vector.broadcast %add3A_1582 : i32 to vector<16xi32>
        %add3A_1584 = arith.addi %and3A_1405, %add3A_1583 : vector<16xi32>
        %scatter3A_1585 = arith.constant 0 : i32
        %scatter3A_1586 = arith.constant 0 : i32
        %scatter3A_1587 = tpu.memref_slice %arg7[%scan3A_137, %scatter3A_1585, %scatter3A_1586] : memref<2x64x256xf32, #tpu.memory_space<vmem>> -> memref<1x64x256xf32, #tpu.memory_space<vmem>>
        %scatter3A_1588 = tpu.memref_squeeze %scatter3A_1587 : memref<1x64x256xf32, #tpu.memory_space<vmem>> -> memref<64x256xf32, #tpu.memory_space<vmem>>
        tpu.vector_store_idx %scatter3A_1588[%add3A_1584, %add3A_309], %gather3A_1413 : memref<64x256xf32, #tpu.memory_space<vmem>>[vector<16xi32>, vector<16xi32>], vector<16xf32>,
        %add3A_1589 = arith.constant 48 : i32
        %add3A_1590 = vector.broadcast %add3A_1589 : i32 to vector<16xi32>
        %add3A_1591 = arith.addi %and3A_1419, %add3A_1590 : vector<16xi32>
        %scatter3A_1592 = arith.constant 0 : i32
        %scatter3A_1593 = arith.constant 0 : i32
        %scatter3A_1594 = tpu.memref_slice %arg7[%scan3A_137, %scatter3A_1592, %scatter3A_1593] : memref<2x64x256xf32, #tpu.memory_space<vmem>> -> memref<1x64x256xf32, #tpu.memory_space<vmem>>
        %scatter3A_1595 = tpu.memref_squeeze %scatter3A_1594 : memref<1x64x256xf32, #tpu.memory_space<vmem>> -> memref<64x256xf32, #tpu.memory_space<vmem>>
        tpu.vector_store_idx %scatter3A_1595[%add3A_1591, %add3A_309], %gather3A_1427 : memref<64x256xf32, #tpu.memory_space<vmem>>[vector<16xi32>, vector<16xi32>], vector<16xf32>,
        %add3A_1596 = arith.constant 48 : i32
        %add3A_1597 = vector.broadcast %add3A_1596 : i32 to vector<16xi32>
        %add3A_1598 = arith.addi %and3A_1433, %add3A_1597 : vector<16xi32>
        %scatter3A_1599 = arith.constant 0 : i32
        %scatter3A_1600 = arith.constant 0 : i32
        %scatter3A_1601 = tpu.memref_slice %arg7[%scan3A_137, %scatter3A_1599, %scatter3A_1600] : memref<2x64x256xf32, #tpu.memory_space<vmem>> -> memref<1x64x256xf32, #tpu.memory_space<vmem>>
        %scatter3A_1602 = tpu.memref_squeeze %scatter3A_1601 : memref<1x64x256xf32, #tpu.memory_space<vmem>> -> memref<64x256xf32, #tpu.memory_space<vmem>>
        tpu.vector_store_idx %scatter3A_1602[%add3A_1598, %add3A_309], %gather3A_1441 : memref<64x256xf32, #tpu.memory_space<vmem>>[vector<16xi32>, vector<16xi32>], vector<16xf32>,
        %add3A_1603 = arith.constant 48 : i32
        %add3A_1604 = vector.broadcast %add3A_1603 : i32 to vector<16xi32>
        %add3A_1605 = arith.addi %and3A_1447, %add3A_1604 : vector<16xi32>
        %scatter3A_1606 = arith.constant 0 : i32
        %scatter3A_1607 = arith.constant 0 : i32
        %scatter3A_1608 = tpu.memref_slice %arg7[%scan3A_137, %scatter3A_1606, %scatter3A_1607] : memref<2x64x256xf32, #tpu.memory_space<vmem>> -> memref<1x64x256xf32, #tpu.memory_space<vmem>>
        %scatter3A_1609 = tpu.memref_squeeze %scatter3A_1608 : memref<1x64x256xf32, #tpu.memory_space<vmem>> -> memref<64x256xf32, #tpu.memory_space<vmem>>
        tpu.vector_store_idx %scatter3A_1609[%add3A_1605, %add3A_309], %gather3A_1455 : memref<64x256xf32, #tpu.memory_space<vmem>>[vector<16xi32>, vector<16xi32>], vector<16xf32>,
        %add3A_1610 = arith.constant 48 : i32
        %add3A_1611 = vector.broadcast %add3A_1610 : i32 to vector<16xi32>
        %add3A_1612 = arith.addi %and3A_1461, %add3A_1611 : vector<16xi32>
        %scatter3A_1613 = arith.constant 0 : i32
        %scatter3A_1614 = arith.constant 0 : i32
        %scatter3A_1615 = tpu.memref_slice %arg7[%scan3A_137, %scatter3A_1613, %scatter3A_1614] : memref<2x64x256xf32, #tpu.memory_space<vmem>> -> memref<1x64x256xf32, #tpu.memory_space<vmem>>
        %scatter3A_1616 = tpu.memref_squeeze %scatter3A_1615 : memref<1x64x256xf32, #tpu.memory_space<vmem>> -> memref<64x256xf32, #tpu.memory_space<vmem>>
        tpu.vector_store_idx %scatter3A_1616[%add3A_1612, %add3A_309], %gather3A_1469 : memref<64x256xf32, #tpu.memory_space<vmem>>[vector<16xi32>, vector<16xi32>], vector<16xf32>,
        %add3A_1617 = arith.constant 48 : i32
        %add3A_1618 = vector.broadcast %add3A_1617 : i32 to vector<16xi32>
        %add3A_1619 = arith.addi %and3A_1475, %add3A_1618 : vector<16xi32>
        %scatter3A_1620 = arith.constant 0 : i32
        %scatter3A_1621 = arith.constant 0 : i32
        %scatter3A_1622 = tpu.memref_slice %arg7[%scan3A_137, %scatter3A_1620, %scatter3A_1621] : memref<2x64x256xf32, #tpu.memory_space<vmem>> -> memref<1x64x256xf32, #tpu.memory_space<vmem>>
        %scatter3A_1623 = tpu.memref_squeeze %scatter3A_1622 : memref<1x64x256xf32, #tpu.memory_space<vmem>> -> memref<64x256xf32, #tpu.memory_space<vmem>>
        tpu.vector_store_idx %scatter3A_1623[%add3A_1619, %add3A_309], %gather3A_1483 : memref<64x256xf32, #tpu.memory_space<vmem>>[vector<16xi32>, vector<16xi32>], vector<16xf32>,
        %add3A_1624 = arith.constant 48 : i32
        %add3A_1625 = vector.broadcast %add3A_1624 : i32 to vector<16xi32>
        %add3A_1626 = arith.addi %and3A_1489, %add3A_1625 : vector<16xi32>
        %scatter3A_1627 = arith.constant 0 : i32
        %scatter3A_1628 = arith.constant 0 : i32
        %scatter3A_1629 = tpu.memref_slice %arg7[%scan3A_137, %scatter3A_1627, %scatter3A_1628] : memref<2x64x256xf32, #tpu.memory_space<vmem>> -> memref<1x64x256xf32, #tpu.memory_space<vmem>>
        %scatter3A_1630 = tpu.memref_squeeze %scatter3A_1629 : memref<1x64x256xf32, #tpu.memory_space<vmem>> -> memref<64x256xf32, #tpu.memory_space<vmem>>
        tpu.vector_store_idx %scatter3A_1630[%add3A_1626, %add3A_309], %gather3A_1497 : memref<64x256xf32, #tpu.memory_space<vmem>>[vector<16xi32>, vector<16xi32>], vector<16xf32>,
        %add3A_1631 = arith.constant 48 : i32
        %add3A_1632 = vector.broadcast %add3A_1631 : i32 to vector<16xi32>
        %add3A_1633 = arith.addi %and3A_1503, %add3A_1632 : vector<16xi32>
        %scatter3A_1634 = arith.constant 0 : i32
        %scatter3A_1635 = arith.constant 0 : i32
        %scatter3A_1636 = tpu.memref_slice %arg7[%scan3A_137, %scatter3A_1634, %scatter3A_1635] : memref<2x64x256xf32, #tpu.memory_space<vmem>> -> memref<1x64x256xf32, #tpu.memory_space<vmem>>
        %scatter3A_1637 = tpu.memref_squeeze %scatter3A_1636 : memref<1x64x256xf32, #tpu.memory_space<vmem>> -> memref<64x256xf32, #tpu.memory_space<vmem>>
        tpu.vector_store_idx %scatter3A_1637[%add3A_1633, %add3A_309], %gather3A_1511 : memref<64x256xf32, #tpu.memory_space<vmem>>[vector<16xi32>, vector<16xi32>], vector<16xf32>,
        %add3A_1638 = arith.constant 48 : i32
        %add3A_1639 = vector.broadcast %add3A_1638 : i32 to vector<16xi32>
        %add3A_1640 = arith.addi %and3A_1517, %add3A_1639 : vector<16xi32>
        %scatter3A_1641 = arith.constant 0 : i32
        %scatter3A_1642 = arith.constant 0 : i32
        %scatter3A_1643 = tpu.memref_slice %arg7[%scan3A_137, %scatter3A_1641, %scatter3A_1642] : memref<2x64x256xf32, #tpu.memory_space<vmem>> -> memref<1x64x256xf32, #tpu.memory_space<vmem>>
        %scatter3A_1644 = tpu.memref_squeeze %scatter3A_1643 : memref<1x64x256xf32, #tpu.memory_space<vmem>> -> memref<64x256xf32, #tpu.memory_space<vmem>>
        tpu.vector_store_idx %scatter3A_1644[%add3A_1640, %add3A_309], %gather3A_1525 : memref<64x256xf32, #tpu.memory_space<vmem>>[vector<16xi32>, vector<16xi32>], vector<16xf32>,
        %add3A_1645 = arith.constant 48 : i32
        %add3A_1646 = vector.broadcast %add3A_1645 : i32 to vector<16xi32>
        %add3A_1647 = arith.addi %and3A_1531, %add3A_1646 : vector<16xi32>
        %scatter3A_1648 = arith.constant 0 : i32
        %scatter3A_1649 = arith.constant 0 : i32
        %scatter3A_1650 = tpu.memref_slice %arg7[%scan3A_137, %scatter3A_1648, %scatter3A_1649] : memref<2x64x256xf32, #tpu.memory_space<vmem>> -> memref<1x64x256xf32, #tpu.memory_space<vmem>>
        %scatter3A_1651 = tpu.memref_squeeze %scatter3A_1650 : memref<1x64x256xf32, #tpu.memory_space<vmem>> -> memref<64x256xf32, #tpu.memory_space<vmem>>
        tpu.vector_store_idx %scatter3A_1651[%add3A_1647, %add3A_309], %gather3A_1539 : memref<64x256xf32, #tpu.memory_space<vmem>>[vector<16xi32>, vector<16xi32>], vector<16xf32>,
      }
      %scan3A_142 = arith.constant 16 : i32
      %add3A_143 = arith.addi %mul3A_2, %add3A_114 : i32
      %jit3A = arith.constant 4 : i32
      %div3A = arith.divsi %add3A_143, %jit3A : i32
      %sign3A = arith.constant 0 : i32
      %sign3A_144 = arith.cmpi sgt, %add3A_143, %sign3A : i32
      %sign3A_145 = arith.extui %sign3A_144 : i1 to i32
      %sign3A_146 = arith.constant 0 : i32
      %sign3A_147 = arith.cmpi slt, %add3A_143, %sign3A_146 : i32
      %sign3A_148 = arith.extui %sign3A_147 : i1 to i32
      %sign3A_149 = arith.subi %sign3A_145, %sign3A_148 : i32
      %sign3A_150 = arith.constant 0 : i32
      %sign3A_151 = arith.cmpi sgt, %jit3A, %sign3A_150 : i32
      %sign3A_152 = arith.extui %sign3A_151 : i1 to i32
      %sign3A_153 = arith.constant 0 : i32
      %sign3A_154 = arith.cmpi slt, %jit3A, %sign3A_153 : i32
      %sign3A_155 = arith.extui %sign3A_154 : i1 to i32
      %sign3A_156 = arith.subi %sign3A_152, %sign3A_155 : i32
      %ne3A = arith.cmpi ne, %sign3A_149, %sign3A_156 : i32
      %rem3A = arith.remsi %add3A_143, %jit3A : i32
      %ne3A_157 = arith.constant 0 : i32
      %ne3A_158 = arith.cmpi ne, %rem3A, %ne3A_157 : i32
      %and3A = arith.andi %ne3A, %ne3A_158 : i1
      %sub3A = arith.constant 1 : i32
      %sub3A_159 = arith.subi %div3A, %sub3A : i32
      %select_n3A = arith.select %and3A, %sub3A_159, %div3A : i32
      %jit3A_160 = arith.constant 4 : i32
      %eq3A = arith.constant 0 : i32
      %eq3A_161 = arith.cmpi eq, %jit3A_160, %eq3A : i32
      %jit3A_162 = arith.constant 1 : i32
      %select_n3A_163 = arith.select %eq3A_161, %jit3A_162, %jit3A_160 : i32
      %rem3A_164 = arith.remsi %add3A_143, %select_n3A_163 : i32
      %ne3A_165 = arith.constant 0 : i32
      %ne3A_166 = arith.cmpi ne, %rem3A_164, %ne3A_165 : i32
      %lt3A = arith.constant 0 : i32
      %lt3A_167 = arith.cmpi slt, %rem3A_164, %lt3A : i32
      %lt3A_168 = arith.constant 0 : i32
      %lt3A_169 = arith.cmpi slt, %select_n3A_163, %lt3A_168 : i32
      %ne3A_170 = arith.xori %lt3A_167, %lt3A_169 : i1
      %and3A_171 = arith.andi %ne3A_170, %ne3A_166 : i1
      %add3A_172 = arith.addi %rem3A_164, %select_n3A_163 : i32
      %select_n3A_173 = arith.select %and3A_171, %add3A_172, %rem3A_164 : i32
      %mul3A_174 = arith.constant 256 : i32
      %mul3A_175 = arith.muli %select_n3A_173, %mul3A_174 : i32
      %dma_start3A_176 = arith.constant 0 : i32
      %dma_start3A_177 = arith.constant 0 : i32
      %dma_start3A_178 = arith.constant 0 : i32
      %dma_start3A_179 = arith.constant 0 : i32
      %dma_start3A_180 = tpu.memref_slice %arg7[%dma_start3A_176, %dma_start3A_178, %dma_start3A_179] : memref<2x64x256xf32, #tpu.memory_space<vmem>> -> memref<1x64x256xf32, #tpu.memory_space<vmem>>
      %dma_start3A_181 = tpu.memref_squeeze %dma_start3A_180 : memref<1x64x256xf32, #tpu.memory_space<vmem>> -> memref<64x256xf32, #tpu.memory_space<vmem>>
      %dma_start3A_182 = arith.constant 0 : i32
      %dma_start3A_183 = tpu.memref_slice %arg4[%select_n3A, %dma_start3A_182, %mul3A_175] : memref<256x64x1024xf32, #tpu.memory_space<hbm>> -> memref<1x64x256xf32, #tpu.memory_space<hbm>>
      %dma_start3A_184 = tpu.memref_squeeze %dma_start3A_183 : memref<1x64x256xf32, #tpu.memory_space<hbm>> -> memref<64x256xf32, #tpu.memory_space<hbm>>
      %dma_start3A_185 = tpu.memref_slice %arg9[%dma_start3A_177] : memref<2x!tpu.dma_semaphore, #tpu.memory_space<semaphore_mem>> -> memref<1x!tpu.dma_semaphore, #tpu.memory_space<semaphore_mem>>
      %dma_start3A_186 = tpu.memref_squeeze %dma_start3A_185 : memref<1x!tpu.dma_semaphore, #tpu.memory_space<semaphore_mem>> -> memref<!tpu.dma_semaphore, #tpu.memory_space<semaphore_mem>>
      %dma_start3A_187 = arith.constant 0 : i32
      %dma_start3A_188 = tpu.memref_slice %arg4[%select_n3A, %dma_start3A_187, %mul3A_175] : memref<256x64x1024xf32, #tpu.memory_space<hbm>> -> memref<1x64x256xf32, #tpu.memory_space<hbm>>
      %dma_start3A_189 = tpu.memref_squeeze %dma_start3A_188 : memref<1x64x256xf32, #tpu.memory_space<hbm>> -> memref<64x256xf32, #tpu.memory_space<hbm>>
      %dma_start3A_190 = arith.constant 0 : i32
      %dma_start3A_191 = arith.constant 0 : i32
      %dma_start3A_192 = tpu.memref_slice %arg7[%dma_start3A_176, %dma_start3A_190, %dma_start3A_191] : memref<2x64x256xf32, #tpu.memory_space<vmem>> -> memref<1x64x256xf32, #tpu.memory_space<vmem>>
      %dma_start3A_193 = tpu.memref_squeeze %dma_start3A_192 : memref<1x64x256xf32, #tpu.memory_space<vmem>> -> memref<64x256xf32, #tpu.memory_space<vmem>>
      tpu.enqueue_dma source(%dma_start3A_193 : memref<64x256xf32, #tpu.memory_space<vmem>>) target(%dma_start3A_189 : memref<64x256xf32, #tpu.memory_space<hbm>>) target_semaphore(%dma_start3A_186 : memref<!tpu.dma_semaphore, #tpu.memory_space<semaphore_mem>>)
      %add3A_194 = arith.constant 2 : i32
      %add3A_195 = arith.addi %add3A_114, %add3A_194 : i32
      %lt3A_196 = arith.constant 32 : i32
      %lt3A_197 = arith.cmpi slt, %add3A_195, %lt3A_196 : i32
      %convert_element_type3A_198 = arith.extui %lt3A_197 : i1 to i32
      %cond3A_199 = arith.constant 0 : i32
      %cond3A_200 = arith.cmpi ne, %convert_element_type3A_198, %cond3A_199 : i32
      scf.if %cond3A_200 {
        %add3A_305 = arith.constant 2 : i32
        %add3A_306 = arith.addi %add3A_114, %add3A_305 : i32
        %jit3A_307 = arith.constant 4 : i32
        %div3A_308 = arith.divsi %add3A_306, %jit3A_307 : i32
        %sign3A_309 = arith.constant 0 : i32
        %sign3A_310 = arith.cmpi sgt, %add3A_306, %sign3A_309 : i32
        %sign3A_311 = arith.extui %sign3A_310 : i1 to i32
        %sign3A_312 = arith.constant 0 : i32
        %sign3A_313 = arith.cmpi slt, %add3A_306, %sign3A_312 : i32
        %sign3A_314 = arith.extui %sign3A_313 : i1 to i32
        %sign3A_315 = arith.subi %sign3A_311, %sign3A_314 : i32
        %sign3A_316 = arith.constant 0 : i32
        %sign3A_317 = arith.cmpi sgt, %jit3A_307, %sign3A_316 : i32
        %sign3A_318 = arith.extui %sign3A_317 : i1 to i32
        %sign3A_319 = arith.constant 0 : i32
        %sign3A_320 = arith.cmpi slt, %jit3A_307, %sign3A_319 : i32
        %sign3A_321 = arith.extui %sign3A_320 : i1 to i32
        %sign3A_322 = arith.subi %sign3A_318, %sign3A_321 : i32
        %ne3A_323 = arith.cmpi ne, %sign3A_315, %sign3A_322 : i32
        %rem3A_324 = arith.remsi %add3A_306, %jit3A_307 : i32
        %ne3A_325 = arith.constant 0 : i32
        %ne3A_326 = arith.cmpi ne, %rem3A_324, %ne3A_325 : i32
        %and3A_327 = arith.andi %ne3A_323, %ne3A_326 : i1
        %sub3A_328 = arith.constant 1 : i32
        %sub3A_329 = arith.subi %div3A_308, %sub3A_328 : i32
        %select_n3A_330 = arith.select %and3A_327, %sub3A_329, %div3A_308 : i32
        %jit3A_331 = arith.constant 4 : i32
        %eq3A_332 = arith.constant 0 : i32
        %eq3A_333 = arith.cmpi eq, %jit3A_331, %eq3A_332 : i32
        %jit3A_334 = arith.constant 1 : i32
        %select_n3A_335 = arith.select %eq3A_333, %jit3A_334, %jit3A_331 : i32
        %rem3A_336 = arith.remsi %add3A_306, %select_n3A_335 : i32
        %ne3A_337 = arith.constant 0 : i32
        %ne3A_338 = arith.cmpi ne, %rem3A_336, %ne3A_337 : i32
        %lt3A_339 = arith.constant 0 : i32
        %lt3A_340 = arith.cmpi slt, %rem3A_336, %lt3A_339 : i32
        %lt3A_341 = arith.constant 0 : i32
        %lt3A_342 = arith.cmpi slt, %select_n3A_335, %lt3A_341 : i32
        %ne3A_343 = arith.xori %lt3A_340, %lt3A_342 : i1
        %and3A_344 = arith.andi %ne3A_343, %ne3A_338 : i1
        %add3A_345 = arith.addi %rem3A_336, %select_n3A_335 : i32
        %select_n3A_346 = arith.select %and3A_344, %add3A_345, %rem3A_336 : i32
        %mul3A_347 = arith.constant 256 : i32
        %mul3A_348 = arith.muli %select_n3A_346, %mul3A_347 : i32
        %add3A_349 = arith.constant 0 : i32
        %add3A_350 = arith.addi %mul3A_348, %add3A_349 : i32
        %dma_start3A_351 = arith.constant 0 : i32
        %dma_start3A_352 = arith.constant 0 : i32
        %dma_start3A_353 = arith.constant 0 : i32
        %dma_start3A_354 = arith.constant 0 : i32
        %dma_start3A_355 = tpu.memref_slice %arg6[%dma_start3A_351, %dma_start3A_353, %dma_start3A_354] : memref<2x256x128xf32, #tpu.memory_space<vmem>> -> memref<1x128x128xf32, #tpu.memory_space<vmem>>
        %dma_start3A_356 = tpu.memref_squeeze %dma_start3A_355 : memref<1x128x128xf32, #tpu.memory_space<vmem>> -> memref<128x128xf32, #tpu.memory_space<vmem>>
        %dma_start3A_357 = tpu.memref_slice %arg5[%select_n3A_330, %add3A_350] : memref<8x1024xi32, #tpu.memory_space<vmem>> -> memref<1x128xi32, #tpu.memory_space<vmem>>
        %dma_start3A_358 = tpu.memref_squeeze %dma_start3A_357 : memref<1x128xi32, #tpu.memory_space<vmem>> -> memref<128xi32, #tpu.memory_space<vmem>>
        %dma_start3A_359 = arith.constant 0 : i32
        %dma_start3A_360 = arith.constant 0 : i32
        %dma_start3A_361 = tpu.memref_slice %arg3[%dma_start3A_359, %dma_start3A_360] : memref<8192x128xf32, #tpu.memory_space<hbm>> -> memref<8192x128xf32, #tpu.memory_space<hbm>>
        %dma_start3A_362 = tpu.memref_slice %arg8[%dma_start3A_352] : memref<2x!tpu.dma_semaphore, #tpu.memory_space<semaphore_mem>> -> memref<1x!tpu.dma_semaphore, #tpu.memory_space<semaphore_mem>>
        %dma_start3A_363 = tpu.memref_squeeze %dma_start3A_362 : memref<1x!tpu.dma_semaphore, #tpu.memory_space<semaphore_mem>> -> memref<!tpu.dma_semaphore, #tpu.memory_space<semaphore_mem>>
        tpu.enqueue_indirect_dma source(%dma_start3A_361 : memref<8192x128xf32, #tpu.memory_space<hbm>>) target(%dma_start3A_356 : memref<128x128xf32, #tpu.memory_space<vmem>>) offsets(%dma_start3A_358 : memref<128xi32, #tpu.memory_space<vmem>>) semaphore(%dma_start3A_363 : memref<!tpu.dma_semaphore, #tpu.memory_space<semaphore_mem>>)
        %add3A_364 = arith.constant 128 : i32
        %add3A_365 = arith.addi %mul3A_348, %add3A_364 : i32
        %dma_start3A_366 = arith.constant 0 : i32
        %dma_start3A_367 = arith.constant 0 : i32
        %dma_start3A_368 = arith.constant 128 : i32
        %dma_start3A_369 = arith.constant 0 : i32
        %dma_start3A_370 = tpu.memref_slice %arg6[%dma_start3A_366, %dma_start3A_368, %dma_start3A_369] : memref<2x256x128xf32, #tpu.memory_space<vmem>> -> memref<1x128x128xf32, #tpu.memory_space<vmem>>
        %dma_start3A_371 = tpu.memref_squeeze %dma_start3A_370 : memref<1x128x128xf32, #tpu.memory_space<vmem>> -> memref<128x128xf32, #tpu.memory_space<vmem>>
        %dma_start3A_372 = tpu.memref_slice %arg5[%select_n3A_330, %add3A_365] : memref<8x1024xi32, #tpu.memory_space<vmem>> -> memref<1x128xi32, #tpu.memory_space<vmem>>
        %dma_start3A_373 = tpu.memref_squeeze %dma_start3A_372 : memref<1x128xi32, #tpu.memory_space<vmem>> -> memref<128xi32, #tpu.memory_space<vmem>>
        %dma_start3A_374 = arith.constant 0 : i32
        %dma_start3A_375 = arith.constant 0 : i32
        %dma_start3A_376 = tpu.memref_slice %arg3[%dma_start3A_374, %dma_start3A_375] : memref<8192x128xf32, #tpu.memory_space<hbm>> -> memref<8192x128xf32, #tpu.memory_space<hbm>>
        %dma_start3A_377 = tpu.memref_slice %arg8[%dma_start3A_367] : memref<2x!tpu.dma_semaphore, #tpu.memory_space<semaphore_mem>> -> memref<1x!tpu.dma_semaphore, #tpu.memory_space<semaphore_mem>>
        %dma_start3A_378 = tpu.memref_squeeze %dma_start3A_377 : memref<1x!tpu.dma_semaphore, #tpu.memory_space<semaphore_mem>> -> memref<!tpu.dma_semaphore, #tpu.memory_space<semaphore_mem>>
        tpu.enqueue_indirect_dma source(%dma_start3A_376 : memref<8192x128xf32, #tpu.memory_space<hbm>>) target(%dma_start3A_371 : memref<128x128xf32, #tpu.memory_space<vmem>>) offsets(%dma_start3A_373 : memref<128xi32, #tpu.memory_space<vmem>>) semaphore(%dma_start3A_378 : memref<!tpu.dma_semaphore, #tpu.memory_space<semaphore_mem>>)
      } else {
      }
      %mul3A_201 = arith.constant 2 : i32
      %mul3A_202 = arith.muli %scan3A_110, %mul3A_201 : i32
      %add3A_203 = arith.constant 1 : i32
      %add3A_204 = arith.addi %mul3A_202, %add3A_203 : i32
      %dma_wait3A_205 = arith.constant 1 : i32
      %dma_wait3A_206 = arith.constant 1 : i32
      %dma_wait3A_207 = arith.constant 0 : i32
      %dma_wait3A_208 = arith.constant 0 : i32
      %dma_wait3A_209 = tpu.memref_slice %arg6[%dma_wait3A_205, %dma_wait3A_207, %dma_wait3A_208] : memref<2x256x128xf32, #tpu.memory_space<vmem>> -> memref<1x256x128xf32, #tpu.memory_space<vmem>>
      %dma_wait3A_210 = tpu.memref_squeeze %dma_wait3A_209 : memref<1x256x128xf32, #tpu.memory_space<vmem>> -> memref<256x128xf32, #tpu.memory_space<vmem>>
      %dma_wait3A_211 = arith.constant 0 : i32
      %dma_wait3A_212 = arith.constant 0 : i32
      %dma_wait3A_213 = tpu.memref_slice %arg3[%dma_wait3A_211, %dma_wait3A_212] : memref<8192x128xf32, #tpu.memory_space<hbm>> -> memref<256x128xf32, #tpu.memory_space<hbm>>
      %dma_wait3A_214 = tpu.memref_slice %arg8[%dma_wait3A_206] : memref<2x!tpu.dma_semaphore, #tpu.memory_space<semaphore_mem>> -> memref<1x!tpu.dma_semaphore, #tpu.memory_space<semaphore_mem>>
      %dma_wait3A_215 = tpu.memref_squeeze %dma_wait3A_214 : memref<1x!tpu.dma_semaphore, #tpu.memory_space<semaphore_mem>> -> memref<!tpu.dma_semaphore, #tpu.memory_space<semaphore_mem>>
      %dma_wait3A_216 = arith.constant 0 : i32
      %dma_wait3A_217 = arith.constant 0 : i32
      %dma_wait3A_218 = tpu.memref_slice %arg6[%dma_wait3A_205, %dma_wait3A_216, %dma_wait3A_217] : memref<2x256x128xf32, #tpu.memory_space<vmem>> -> memref<1x256x128xf32, #tpu.memory_space<vmem>>
      %dma_wait3A_219 = tpu.memref_squeeze %dma_wait3A_218 : memref<1x256x128xf32, #tpu.memory_space<vmem>> -> memref<256x128xf32, #tpu.memory_space<vmem>>
      %dma_wait3A_220 = arith.constant 0 : i32
      %dma_wait3A_221 = arith.constant 0 : i32
      %dma_wait3A_222 = tpu.memref_slice %arg3[%dma_wait3A_220, %dma_wait3A_221] : memref<8192x128xf32, #tpu.memory_space<hbm>> -> memref<256x128xf32, #tpu.memory_space<hbm>>
      tpu.wait_dma2 semaphore(%dma_wait3A_215 : memref<!tpu.dma_semaphore, #tpu.memory_space<semaphore_mem>>) src(%dma_wait3A_222 : memref<256x128xf32, #tpu.memory_space<hbm>>) dst(%dma_wait3A_219 : memref<256x128xf32, #tpu.memory_space<vmem>>)
      %gt3A_223 = arith.constant 0 : i32
      %gt3A_224 = arith.cmpi sgt, %scan3A_110, %gt3A_223 : i32
      %convert_element_type3A_225 = arith.extui %gt3A_224 : i1 to i32
      %cond3A_226 = arith.constant 0 : i32
      %cond3A_227 = arith.cmpi ne, %convert_element_type3A_225, %cond3A_226 : i32
      scf.if %cond3A_227 {
        %dma_wait3A_305 = arith.constant 1 : i32
        %dma_wait3A_306 = arith.constant 0 : i32
        %dma_wait3A_307 = arith.constant 1 : i32
        %dma_wait3A_308 = arith.constant 0 : i32
        %dma_wait3A_309 = arith.constant 0 : i32
        %dma_wait3A_310 = tpu.memref_slice %arg7[%dma_wait3A_305, %dma_wait3A_308, %dma_wait3A_309] : memref<2x64x256xf32, #tpu.memory_space<vmem>> -> memref<1x64x256xf32, #tpu.memory_space<vmem>>
        %dma_wait3A_311 = tpu.memref_squeeze %dma_wait3A_310 : memref<1x64x256xf32, #tpu.memory_space<vmem>> -> memref<64x256xf32, #tpu.memory_space<vmem>>
        %dma_wait3A_312 = arith.constant 0 : i32
        %dma_wait3A_313 = arith.constant 0 : i32
        %dma_wait3A_314 = tpu.memref_slice %arg4[%dma_wait3A_306, %dma_wait3A_312, %dma_wait3A_313] : memref<256x64x1024xf32, #tpu.memory_space<hbm>> -> memref<1x64x256xf32, #tpu.memory_space<hbm>>
        %dma_wait3A_315 = tpu.memref_squeeze %dma_wait3A_314 : memref<1x64x256xf32, #tpu.memory_space<hbm>> -> memref<64x256xf32, #tpu.memory_space<hbm>>
        %dma_wait3A_316 = tpu.memref_slice %arg9[%dma_wait3A_307] : memref<2x!tpu.dma_semaphore, #tpu.memory_space<semaphore_mem>> -> memref<1x!tpu.dma_semaphore, #tpu.memory_space<semaphore_mem>>
        %dma_wait3A_317 = tpu.memref_squeeze %dma_wait3A_316 : memref<1x!tpu.dma_semaphore, #tpu.memory_space<semaphore_mem>> -> memref<!tpu.dma_semaphore, #tpu.memory_space<semaphore_mem>>
        %dma_wait3A_318 = arith.constant 0 : i32
        %dma_wait3A_319 = arith.constant 0 : i32
        %dma_wait3A_320 = tpu.memref_slice %arg4[%dma_wait3A_306, %dma_wait3A_318, %dma_wait3A_319] : memref<256x64x1024xf32, #tpu.memory_space<hbm>> -> memref<1x64x256xf32, #tpu.memory_space<hbm>>
        %dma_wait3A_321 = tpu.memref_squeeze %dma_wait3A_320 : memref<1x64x256xf32, #tpu.memory_space<hbm>> -> memref<64x256xf32, #tpu.memory_space<hbm>>
        %dma_wait3A_322 = arith.constant 0 : i32
        %dma_wait3A_323 = arith.constant 0 : i32
        %dma_wait3A_324 = tpu.memref_slice %arg7[%dma_wait3A_305, %dma_wait3A_322, %dma_wait3A_323] : memref<2x64x256xf32, #tpu.memory_space<vmem>> -> memref<1x64x256xf32, #tpu.memory_space<vmem>>
        %dma_wait3A_325 = tpu.memref_squeeze %dma_wait3A_324 : memref<1x64x256xf32, #tpu.memory_space<vmem>> -> memref<64x256xf32, #tpu.memory_space<vmem>>
        tpu.wait_dma2 semaphore(%dma_wait3A_317 : memref<!tpu.dma_semaphore, #tpu.memory_space<semaphore_mem>>) src(%dma_wait3A_325 : memref<64x256xf32, #tpu.memory_space<vmem>>) dst(%dma_wait3A_321 : memref<64x256xf32, #tpu.memory_space<hbm>>)
      } else {
      }
      %iota3A_228 = tpu.iota {dimensions = array<i32: 0>} : vector<16xi32>
      %scan3A_229 = arith.constant 0 : i32
      %scan3A_230 = arith.constant 1 : i32
      %scan3A_231 = arith.constant 1 : i32
      %scan3A_232 = arith.constant 0 : i32
      %scan3A_233 = arith.constant 16 : i32
      %scan3A_234 = arith.addi %scan3A_232, %scan3A_233 : i32
      %scan3A_235 = arith.constant 1 : i32
      scf.for %scan3A_305 = %scan3A_232 to %scan3A_234 step %scan3A_235  : i32 {
        %mul3A_306 = arith.constant 16 : i32
        %mul3A_307 = arith.muli %scan3A_305, %mul3A_306 : i32
        %add3A_308 = vector.broadcast %mul3A_307 : i32 to vector<16xi32>
        %add3A_309 = arith.addi %iota3A_228, %add3A_308 : vector<16xi32>
        %add3A_310 = arith.constant 0 : i32
        %add3A_311 = vector.broadcast %add3A_310 : i32 to vector<16xi32>
        %add3A_312 = arith.addi %iota3A_228, %add3A_311 : vector<16xi32>
        %and3A_313 = arith.constant 15 : i32
        %and3A_314 = vector.broadcast %and3A_313 : i32 to vector<16xi32>
        %and3A_315 = arith.andi %add3A_312, %and3A_314 : vector<16xi32>
        %add3A_316 = arith.constant 0 : i32
        %add3A_317 = vector.broadcast %add3A_316 : i32 to vector<16xi32>
        %add3A_318 = arith.addi %and3A_315, %add3A_317 : vector<16xi32>
        %gather3A = arith.constant 0 : i32
        %gather3A_319 = arith.constant 0 : i32
        %gather3A_320 = tpu.memref_slice %arg6[%scan3A_230, %gather3A, %gather3A_319] : memref<2x256x128xf32, #tpu.memory_space<vmem>> -> memref<1x256x128xf32, #tpu.memory_space<vmem>>
        %gather3A_321 = tpu.memref_squeeze %gather3A_320 : memref<1x256x128xf32, #tpu.memory_space<vmem>> -> memref<256x128xf32, #tpu.memory_space<vmem>>
        %gather3A_322 = tpu.vector_load_idx %gather3A_321[%add3A_309, %add3A_318] : memref<256x128xf32, #tpu.memory_space<vmem>>[vector<16xi32>, vector<16xi32>], vector<16xf32>,
        %add3A_323 = arith.constant 1 : i32
        %add3A_324 = vector.broadcast %add3A_323 : i32 to vector<16xi32>
        %add3A_325 = arith.addi %iota3A_228, %add3A_324 : vector<16xi32>
        %and3A_326 = arith.constant 15 : i32
        %and3A_327 = vector.broadcast %and3A_326 : i32 to vector<16xi32>
        %and3A_328 = arith.andi %add3A_325, %and3A_327 : vector<16xi32>
        %add3A_329 = arith.constant 0 : i32
        %add3A_330 = vector.broadcast %add3A_329 : i32 to vector<16xi32>
        %add3A_331 = arith.addi %and3A_328, %add3A_330 : vector<16xi32>
        %gather3A_332 = arith.constant 0 : i32
        %gather3A_333 = arith.constant 0 : i32
        %gather3A_334 = tpu.memref_slice %arg6[%scan3A_230, %gather3A_332, %gather3A_333] : memref<2x256x128xf32, #tpu.memory_space<vmem>> -> memref<1x256x128xf32, #tpu.memory_space<vmem>>
        %gather3A_335 = tpu.memref_squeeze %gather3A_334 : memref<1x256x128xf32, #tpu.memory_space<vmem>> -> memref<256x128xf32, #tpu.memory_space<vmem>>
        %gather3A_336 = tpu.vector_load_idx %gather3A_335[%add3A_309, %add3A_331] : memref<256x128xf32, #tpu.memory_space<vmem>>[vector<16xi32>, vector<16xi32>], vector<16xf32>,
        %add3A_337 = arith.constant 2 : i32
        %add3A_338 = vector.broadcast %add3A_337 : i32 to vector<16xi32>
        %add3A_339 = arith.addi %iota3A_228, %add3A_338 : vector<16xi32>
        %and3A_340 = arith.constant 15 : i32
        %and3A_341 = vector.broadcast %and3A_340 : i32 to vector<16xi32>
        %and3A_342 = arith.andi %add3A_339, %and3A_341 : vector<16xi32>
        %add3A_343 = arith.constant 0 : i32
        %add3A_344 = vector.broadcast %add3A_343 : i32 to vector<16xi32>
        %add3A_345 = arith.addi %and3A_342, %add3A_344 : vector<16xi32>
        %gather3A_346 = arith.constant 0 : i32
        %gather3A_347 = arith.constant 0 : i32
        %gather3A_348 = tpu.memref_slice %arg6[%scan3A_230, %gather3A_346, %gather3A_347] : memref<2x256x128xf32, #tpu.memory_space<vmem>> -> memref<1x256x128xf32, #tpu.memory_space<vmem>>
        %gather3A_349 = tpu.memref_squeeze %gather3A_348 : memref<1x256x128xf32, #tpu.memory_space<vmem>> -> memref<256x128xf32, #tpu.memory_space<vmem>>
        %gather3A_350 = tpu.vector_load_idx %gather3A_349[%add3A_309, %add3A_345] : memref<256x128xf32, #tpu.memory_space<vmem>>[vector<16xi32>, vector<16xi32>], vector<16xf32>,
        %add3A_351 = arith.constant 3 : i32
        %add3A_352 = vector.broadcast %add3A_351 : i32 to vector<16xi32>
        %add3A_353 = arith.addi %iota3A_228, %add3A_352 : vector<16xi32>
        %and3A_354 = arith.constant 15 : i32
        %and3A_355 = vector.broadcast %and3A_354 : i32 to vector<16xi32>
        %and3A_356 = arith.andi %add3A_353, %and3A_355 : vector<16xi32>
        %add3A_357 = arith.constant 0 : i32
        %add3A_358 = vector.broadcast %add3A_357 : i32 to vector<16xi32>
        %add3A_359 = arith.addi %and3A_356, %add3A_358 : vector<16xi32>
        %gather3A_360 = arith.constant 0 : i32
        %gather3A_361 = arith.constant 0 : i32
        %gather3A_362 = tpu.memref_slice %arg6[%scan3A_230, %gather3A_360, %gather3A_361] : memref<2x256x128xf32, #tpu.memory_space<vmem>> -> memref<1x256x128xf32, #tpu.memory_space<vmem>>
        %gather3A_363 = tpu.memref_squeeze %gather3A_362 : memref<1x256x128xf32, #tpu.memory_space<vmem>> -> memref<256x128xf32, #tpu.memory_space<vmem>>
        %gather3A_364 = tpu.vector_load_idx %gather3A_363[%add3A_309, %add3A_359] : memref<256x128xf32, #tpu.memory_space<vmem>>[vector<16xi32>, vector<16xi32>], vector<16xf32>,
        %add3A_365 = arith.constant 4 : i32
        %add3A_366 = vector.broadcast %add3A_365 : i32 to vector<16xi32>
        %add3A_367 = arith.addi %iota3A_228, %add3A_366 : vector<16xi32>
        %and3A_368 = arith.constant 15 : i32
        %and3A_369 = vector.broadcast %and3A_368 : i32 to vector<16xi32>
        %and3A_370 = arith.andi %add3A_367, %and3A_369 : vector<16xi32>
        %add3A_371 = arith.constant 0 : i32
        %add3A_372 = vector.broadcast %add3A_371 : i32 to vector<16xi32>
        %add3A_373 = arith.addi %and3A_370, %add3A_372 : vector<16xi32>
        %gather3A_374 = arith.constant 0 : i32
        %gather3A_375 = arith.constant 0 : i32
        %gather3A_376 = tpu.memref_slice %arg6[%scan3A_230, %gather3A_374, %gather3A_375] : memref<2x256x128xf32, #tpu.memory_space<vmem>> -> memref<1x256x128xf32, #tpu.memory_space<vmem>>
        %gather3A_377 = tpu.memref_squeeze %gather3A_376 : memref<1x256x128xf32, #tpu.memory_space<vmem>> -> memref<256x128xf32, #tpu.memory_space<vmem>>
        %gather3A_378 = tpu.vector_load_idx %gather3A_377[%add3A_309, %add3A_373] : memref<256x128xf32, #tpu.memory_space<vmem>>[vector<16xi32>, vector<16xi32>], vector<16xf32>,
        %add3A_379 = arith.constant 5 : i32
        %add3A_380 = vector.broadcast %add3A_379 : i32 to vector<16xi32>
        %add3A_381 = arith.addi %iota3A_228, %add3A_380 : vector<16xi32>
        %and3A_382 = arith.constant 15 : i32
        %and3A_383 = vector.broadcast %and3A_382 : i32 to vector<16xi32>
        %and3A_384 = arith.andi %add3A_381, %and3A_383 : vector<16xi32>
        %add3A_385 = arith.constant 0 : i32
        %add3A_386 = vector.broadcast %add3A_385 : i32 to vector<16xi32>
        %add3A_387 = arith.addi %and3A_384, %add3A_386 : vector<16xi32>
        %gather3A_388 = arith.constant 0 : i32
        %gather3A_389 = arith.constant 0 : i32
        %gather3A_390 = tpu.memref_slice %arg6[%scan3A_230, %gather3A_388, %gather3A_389] : memref<2x256x128xf32, #tpu.memory_space<vmem>> -> memref<1x256x128xf32, #tpu.memory_space<vmem>>
        %gather3A_391 = tpu.memref_squeeze %gather3A_390 : memref<1x256x128xf32, #tpu.memory_space<vmem>> -> memref<256x128xf32, #tpu.memory_space<vmem>>
        %gather3A_392 = tpu.vector_load_idx %gather3A_391[%add3A_309, %add3A_387] : memref<256x128xf32, #tpu.memory_space<vmem>>[vector<16xi32>, vector<16xi32>], vector<16xf32>,
        %add3A_393 = arith.constant 6 : i32
        %add3A_394 = vector.broadcast %add3A_393 : i32 to vector<16xi32>
        %add3A_395 = arith.addi %iota3A_228, %add3A_394 : vector<16xi32>
        %and3A_396 = arith.constant 15 : i32
        %and3A_397 = vector.broadcast %and3A_396 : i32 to vector<16xi32>
        %and3A_398 = arith.andi %add3A_395, %and3A_397 : vector<16xi32>
        %add3A_399 = arith.constant 0 : i32
        %add3A_400 = vector.broadcast %add3A_399 : i32 to vector<16xi32>
        %add3A_401 = arith.addi %and3A_398, %add3A_400 : vector<16xi32>
        %gather3A_402 = arith.constant 0 : i32
        %gather3A_403 = arith.constant 0 : i32
        %gather3A_404 = tpu.memref_slice %arg6[%scan3A_230, %gather3A_402, %gather3A_403] : memref<2x256x128xf32, #tpu.memory_space<vmem>> -> memref<1x256x128xf32, #tpu.memory_space<vmem>>
        %gather3A_405 = tpu.memref_squeeze %gather3A_404 : memref<1x256x128xf32, #tpu.memory_space<vmem>> -> memref<256x128xf32, #tpu.memory_space<vmem>>
        %gather3A_406 = tpu.vector_load_idx %gather3A_405[%add3A_309, %add3A_401] : memref<256x128xf32, #tpu.memory_space<vmem>>[vector<16xi32>, vector<16xi32>], vector<16xf32>,
        %add3A_407 = arith.constant 7 : i32
        %add3A_408 = vector.broadcast %add3A_407 : i32 to vector<16xi32>
        %add3A_409 = arith.addi %iota3A_228, %add3A_408 : vector<16xi32>
        %and3A_410 = arith.constant 15 : i32
        %and3A_411 = vector.broadcast %and3A_410 : i32 to vector<16xi32>
        %and3A_412 = arith.andi %add3A_409, %and3A_411 : vector<16xi32>
        %add3A_413 = arith.constant 0 : i32
        %add3A_414 = vector.broadcast %add3A_413 : i32 to vector<16xi32>
        %add3A_415 = arith.addi %and3A_412, %add3A_414 : vector<16xi32>
        %gather3A_416 = arith.constant 0 : i32
        %gather3A_417 = arith.constant 0 : i32
        %gather3A_418 = tpu.memref_slice %arg6[%scan3A_230, %gather3A_416, %gather3A_417] : memref<2x256x128xf32, #tpu.memory_space<vmem>> -> memref<1x256x128xf32, #tpu.memory_space<vmem>>
        %gather3A_419 = tpu.memref_squeeze %gather3A_418 : memref<1x256x128xf32, #tpu.memory_space<vmem>> -> memref<256x128xf32, #tpu.memory_space<vmem>>
        %gather3A_420 = tpu.vector_load_idx %gather3A_419[%add3A_309, %add3A_415] : memref<256x128xf32, #tpu.memory_space<vmem>>[vector<16xi32>, vector<16xi32>], vector<16xf32>,
        %add3A_421 = arith.constant 8 : i32
        %add3A_422 = vector.broadcast %add3A_421 : i32 to vector<16xi32>
        %add3A_423 = arith.addi %iota3A_228, %add3A_422 : vector<16xi32>
        %and3A_424 = arith.constant 15 : i32
        %and3A_425 = vector.broadcast %and3A_424 : i32 to vector<16xi32>
        %and3A_426 = arith.andi %add3A_423, %and3A_425 : vector<16xi32>
        %add3A_427 = arith.constant 0 : i32
        %add3A_428 = vector.broadcast %add3A_427 : i32 to vector<16xi32>
        %add3A_429 = arith.addi %and3A_426, %add3A_428 : vector<16xi32>
        %gather3A_430 = arith.constant 0 : i32
        %gather3A_431 = arith.constant 0 : i32
        %gather3A_432 = tpu.memref_slice %arg6[%scan3A_230, %gather3A_430, %gather3A_431] : memref<2x256x128xf32, #tpu.memory_space<vmem>> -> memref<1x256x128xf32, #tpu.memory_space<vmem>>
        %gather3A_433 = tpu.memref_squeeze %gather3A_432 : memref<1x256x128xf32, #tpu.memory_space<vmem>> -> memref<256x128xf32, #tpu.memory_space<vmem>>
        %gather3A_434 = tpu.vector_load_idx %gather3A_433[%add3A_309, %add3A_429] : memref<256x128xf32, #tpu.memory_space<vmem>>[vector<16xi32>, vector<16xi32>], vector<16xf32>,
        %add3A_435 = arith.constant 9 : i32
        %add3A_436 = vector.broadcast %add3A_435 : i32 to vector<16xi32>
        %add3A_437 = arith.addi %iota3A_228, %add3A_436 : vector<16xi32>
        %and3A_438 = arith.constant 15 : i32
        %and3A_439 = vector.broadcast %and3A_438 : i32 to vector<16xi32>
        %and3A_440 = arith.andi %add3A_437, %and3A_439 : vector<16xi32>
        %add3A_441 = arith.constant 0 : i32
        %add3A_442 = vector.broadcast %add3A_441 : i32 to vector<16xi32>
        %add3A_443 = arith.addi %and3A_440, %add3A_442 : vector<16xi32>
        %gather3A_444 = arith.constant 0 : i32
        %gather3A_445 = arith.constant 0 : i32
        %gather3A_446 = tpu.memref_slice %arg6[%scan3A_230, %gather3A_444, %gather3A_445] : memref<2x256x128xf32, #tpu.memory_space<vmem>> -> memref<1x256x128xf32, #tpu.memory_space<vmem>>
        %gather3A_447 = tpu.memref_squeeze %gather3A_446 : memref<1x256x128xf32, #tpu.memory_space<vmem>> -> memref<256x128xf32, #tpu.memory_space<vmem>>
        %gather3A_448 = tpu.vector_load_idx %gather3A_447[%add3A_309, %add3A_443] : memref<256x128xf32, #tpu.memory_space<vmem>>[vector<16xi32>, vector<16xi32>], vector<16xf32>,
        %add3A_449 = arith.constant 10 : i32
        %add3A_450 = vector.broadcast %add3A_449 : i32 to vector<16xi32>
        %add3A_451 = arith.addi %iota3A_228, %add3A_450 : vector<16xi32>
        %and3A_452 = arith.constant 15 : i32
        %and3A_453 = vector.broadcast %and3A_452 : i32 to vector<16xi32>
        %and3A_454 = arith.andi %add3A_451, %and3A_453 : vector<16xi32>
        %add3A_455 = arith.constant 0 : i32
        %add3A_456 = vector.broadcast %add3A_455 : i32 to vector<16xi32>
        %add3A_457 = arith.addi %and3A_454, %add3A_456 : vector<16xi32>
        %gather3A_458 = arith.constant 0 : i32
        %gather3A_459 = arith.constant 0 : i32
        %gather3A_460 = tpu.memref_slice %arg6[%scan3A_230, %gather3A_458, %gather3A_459] : memref<2x256x128xf32, #tpu.memory_space<vmem>> -> memref<1x256x128xf32, #tpu.memory_space<vmem>>
        %gather3A_461 = tpu.memref_squeeze %gather3A_460 : memref<1x256x128xf32, #tpu.memory_space<vmem>> -> memref<256x128xf32, #tpu.memory_space<vmem>>
        %gather3A_462 = tpu.vector_load_idx %gather3A_461[%add3A_309, %add3A_457] : memref<256x128xf32, #tpu.memory_space<vmem>>[vector<16xi32>, vector<16xi32>], vector<16xf32>,
        %add3A_463 = arith.constant 11 : i32
        %add3A_464 = vector.broadcast %add3A_463 : i32 to vector<16xi32>
        %add3A_465 = arith.addi %iota3A_228, %add3A_464 : vector<16xi32>
        %and3A_466 = arith.constant 15 : i32
        %and3A_467 = vector.broadcast %and3A_466 : i32 to vector<16xi32>
        %and3A_468 = arith.andi %add3A_465, %and3A_467 : vector<16xi32>
        %add3A_469 = arith.constant 0 : i32
        %add3A_470 = vector.broadcast %add3A_469 : i32 to vector<16xi32>
        %add3A_471 = arith.addi %and3A_468, %add3A_470 : vector<16xi32>
        %gather3A_472 = arith.constant 0 : i32
        %gather3A_473 = arith.constant 0 : i32
        %gather3A_474 = tpu.memref_slice %arg6[%scan3A_230, %gather3A_472, %gather3A_473] : memref<2x256x128xf32, #tpu.memory_space<vmem>> -> memref<1x256x128xf32, #tpu.memory_space<vmem>>
        %gather3A_475 = tpu.memref_squeeze %gather3A_474 : memref<1x256x128xf32, #tpu.memory_space<vmem>> -> memref<256x128xf32, #tpu.memory_space<vmem>>
        %gather3A_476 = tpu.vector_load_idx %gather3A_475[%add3A_309, %add3A_471] : memref<256x128xf32, #tpu.memory_space<vmem>>[vector<16xi32>, vector<16xi32>], vector<16xf32>,
        %add3A_477 = arith.constant 12 : i32
        %add3A_478 = vector.broadcast %add3A_477 : i32 to vector<16xi32>
        %add3A_479 = arith.addi %iota3A_228, %add3A_478 : vector<16xi32>
        %and3A_480 = arith.constant 15 : i32
        %and3A_481 = vector.broadcast %and3A_480 : i32 to vector<16xi32>
        %and3A_482 = arith.andi %add3A_479, %and3A_481 : vector<16xi32>
        %add3A_483 = arith.constant 0 : i32
        %add3A_484 = vector.broadcast %add3A_483 : i32 to vector<16xi32>
        %add3A_485 = arith.addi %and3A_482, %add3A_484 : vector<16xi32>
        %gather3A_486 = arith.constant 0 : i32
        %gather3A_487 = arith.constant 0 : i32
        %gather3A_488 = tpu.memref_slice %arg6[%scan3A_230, %gather3A_486, %gather3A_487] : memref<2x256x128xf32, #tpu.memory_space<vmem>> -> memref<1x256x128xf32, #tpu.memory_space<vmem>>
        %gather3A_489 = tpu.memref_squeeze %gather3A_488 : memref<1x256x128xf32, #tpu.memory_space<vmem>> -> memref<256x128xf32, #tpu.memory_space<vmem>>
        %gather3A_490 = tpu.vector_load_idx %gather3A_489[%add3A_309, %add3A_485] : memref<256x128xf32, #tpu.memory_space<vmem>>[vector<16xi32>, vector<16xi32>], vector<16xf32>,
        %add3A_491 = arith.constant 13 : i32
        %add3A_492 = vector.broadcast %add3A_491 : i32 to vector<16xi32>
        %add3A_493 = arith.addi %iota3A_228, %add3A_492 : vector<16xi32>
        %and3A_494 = arith.constant 15 : i32
        %and3A_495 = vector.broadcast %and3A_494 : i32 to vector<16xi32>
        %and3A_496 = arith.andi %add3A_493, %and3A_495 : vector<16xi32>
        %add3A_497 = arith.constant 0 : i32
        %add3A_498 = vector.broadcast %add3A_497 : i32 to vector<16xi32>
        %add3A_499 = arith.addi %and3A_496, %add3A_498 : vector<16xi32>
        %gather3A_500 = arith.constant 0 : i32
        %gather3A_501 = arith.constant 0 : i32
        %gather3A_502 = tpu.memref_slice %arg6[%scan3A_230, %gather3A_500, %gather3A_501] : memref<2x256x128xf32, #tpu.memory_space<vmem>> -> memref<1x256x128xf32, #tpu.memory_space<vmem>>
        %gather3A_503 = tpu.memref_squeeze %gather3A_502 : memref<1x256x128xf32, #tpu.memory_space<vmem>> -> memref<256x128xf32, #tpu.memory_space<vmem>>
        %gather3A_504 = tpu.vector_load_idx %gather3A_503[%add3A_309, %add3A_499] : memref<256x128xf32, #tpu.memory_space<vmem>>[vector<16xi32>, vector<16xi32>], vector<16xf32>,
        %add3A_505 = arith.constant 14 : i32
        %add3A_506 = vector.broadcast %add3A_505 : i32 to vector<16xi32>
        %add3A_507 = arith.addi %iota3A_228, %add3A_506 : vector<16xi32>
        %and3A_508 = arith.constant 15 : i32
        %and3A_509 = vector.broadcast %and3A_508 : i32 to vector<16xi32>
        %and3A_510 = arith.andi %add3A_507, %and3A_509 : vector<16xi32>
        %add3A_511 = arith.constant 0 : i32
        %add3A_512 = vector.broadcast %add3A_511 : i32 to vector<16xi32>
        %add3A_513 = arith.addi %and3A_510, %add3A_512 : vector<16xi32>
        %gather3A_514 = arith.constant 0 : i32
        %gather3A_515 = arith.constant 0 : i32
        %gather3A_516 = tpu.memref_slice %arg6[%scan3A_230, %gather3A_514, %gather3A_515] : memref<2x256x128xf32, #tpu.memory_space<vmem>> -> memref<1x256x128xf32, #tpu.memory_space<vmem>>
        %gather3A_517 = tpu.memref_squeeze %gather3A_516 : memref<1x256x128xf32, #tpu.memory_space<vmem>> -> memref<256x128xf32, #tpu.memory_space<vmem>>
        %gather3A_518 = tpu.vector_load_idx %gather3A_517[%add3A_309, %add3A_513] : memref<256x128xf32, #tpu.memory_space<vmem>>[vector<16xi32>, vector<16xi32>], vector<16xf32>,
        %add3A_519 = arith.constant 15 : i32
        %add3A_520 = vector.broadcast %add3A_519 : i32 to vector<16xi32>
        %add3A_521 = arith.addi %iota3A_228, %add3A_520 : vector<16xi32>
        %and3A_522 = arith.constant 15 : i32
        %and3A_523 = vector.broadcast %and3A_522 : i32 to vector<16xi32>
        %and3A_524 = arith.andi %add3A_521, %and3A_523 : vector<16xi32>
        %add3A_525 = arith.constant 0 : i32
        %add3A_526 = vector.broadcast %add3A_525 : i32 to vector<16xi32>
        %add3A_527 = arith.addi %and3A_524, %add3A_526 : vector<16xi32>
        %gather3A_528 = arith.constant 0 : i32
        %gather3A_529 = arith.constant 0 : i32
        %gather3A_530 = tpu.memref_slice %arg6[%scan3A_230, %gather3A_528, %gather3A_529] : memref<2x256x128xf32, #tpu.memory_space<vmem>> -> memref<1x256x128xf32, #tpu.memory_space<vmem>>
        %gather3A_531 = tpu.memref_squeeze %gather3A_530 : memref<1x256x128xf32, #tpu.memory_space<vmem>> -> memref<256x128xf32, #tpu.memory_space<vmem>>
        %gather3A_532 = tpu.vector_load_idx %gather3A_531[%add3A_309, %add3A_527] : memref<256x128xf32, #tpu.memory_space<vmem>>[vector<16xi32>, vector<16xi32>], vector<16xf32>,
        %add3A_533 = arith.constant 0 : i32
        %add3A_534 = vector.broadcast %add3A_533 : i32 to vector<16xi32>
        %add3A_535 = arith.addi %and3A_315, %add3A_534 : vector<16xi32>
        %scatter3A = arith.constant 0 : i32
        %scatter3A_536 = arith.constant 0 : i32
        %scatter3A_537 = tpu.memref_slice %arg7[%scan3A_231, %scatter3A, %scatter3A_536] : memref<2x64x256xf32, #tpu.memory_space<vmem>> -> memref<1x64x256xf32, #tpu.memory_space<vmem>>
        %scatter3A_538 = tpu.memref_squeeze %scatter3A_537 : memref<1x64x256xf32, #tpu.memory_space<vmem>> -> memref<64x256xf32, #tpu.memory_space<vmem>>
        tpu.vector_store_idx %scatter3A_538[%add3A_535, %add3A_309], %gather3A_322 : memref<64x256xf32, #tpu.memory_space<vmem>>[vector<16xi32>, vector<16xi32>], vector<16xf32>,
        %add3A_539 = arith.constant 0 : i32
        %add3A_540 = vector.broadcast %add3A_539 : i32 to vector<16xi32>
        %add3A_541 = arith.addi %and3A_328, %add3A_540 : vector<16xi32>
        %scatter3A_542 = arith.constant 0 : i32
        %scatter3A_543 = arith.constant 0 : i32
        %scatter3A_544 = tpu.memref_slice %arg7[%scan3A_231, %scatter3A_542, %scatter3A_543] : memref<2x64x256xf32, #tpu.memory_space<vmem>> -> memref<1x64x256xf32, #tpu.memory_space<vmem>>
        %scatter3A_545 = tpu.memref_squeeze %scatter3A_544 : memref<1x64x256xf32, #tpu.memory_space<vmem>> -> memref<64x256xf32, #tpu.memory_space<vmem>>
        tpu.vector_store_idx %scatter3A_545[%add3A_541, %add3A_309], %gather3A_336 : memref<64x256xf32, #tpu.memory_space<vmem>>[vector<16xi32>, vector<16xi32>], vector<16xf32>,
        %add3A_546 = arith.constant 0 : i32
        %add3A_547 = vector.broadcast %add3A_546 : i32 to vector<16xi32>
        %add3A_548 = arith.addi %and3A_342, %add3A_547 : vector<16xi32>
        %scatter3A_549 = arith.constant 0 : i32
        %scatter3A_550 = arith.constant 0 : i32
        %scatter3A_551 = tpu.memref_slice %arg7[%scan3A_231, %scatter3A_549, %scatter3A_550] : memref<2x64x256xf32, #tpu.memory_space<vmem>> -> memref<1x64x256xf32, #tpu.memory_space<vmem>>
        %scatter3A_552 = tpu.memref_squeeze %scatter3A_551 : memref<1x64x256xf32, #tpu.memory_space<vmem>> -> memref<64x256xf32, #tpu.memory_space<vmem>>
        tpu.vector_store_idx %scatter3A_552[%add3A_548, %add3A_309], %gather3A_350 : memref<64x256xf32, #tpu.memory_space<vmem>>[vector<16xi32>, vector<16xi32>], vector<16xf32>,
        %add3A_553 = arith.constant 0 : i32
        %add3A_554 = vector.broadcast %add3A_553 : i32 to vector<16xi32>
        %add3A_555 = arith.addi %and3A_356, %add3A_554 : vector<16xi32>
        %scatter3A_556 = arith.constant 0 : i32
        %scatter3A_557 = arith.constant 0 : i32
        %scatter3A_558 = tpu.memref_slice %arg7[%scan3A_231, %scatter3A_556, %scatter3A_557] : memref<2x64x256xf32, #tpu.memory_space<vmem>> -> memref<1x64x256xf32, #tpu.memory_space<vmem>>
        %scatter3A_559 = tpu.memref_squeeze %scatter3A_558 : memref<1x64x256xf32, #tpu.memory_space<vmem>> -> memref<64x256xf32, #tpu.memory_space<vmem>>
        tpu.vector_store_idx %scatter3A_559[%add3A_555, %add3A_309], %gather3A_364 : memref<64x256xf32, #tpu.memory_space<vmem>>[vector<16xi32>, vector<16xi32>], vector<16xf32>,
        %add3A_560 = arith.constant 0 : i32
        %add3A_561 = vector.broadcast %add3A_560 : i32 to vector<16xi32>
        %add3A_562 = arith.addi %and3A_370, %add3A_561 : vector<16xi32>
        %scatter3A_563 = arith.constant 0 : i32
        %scatter3A_564 = arith.constant 0 : i32
        %scatter3A_565 = tpu.memref_slice %arg7[%scan3A_231, %scatter3A_563, %scatter3A_564] : memref<2x64x256xf32, #tpu.memory_space<vmem>> -> memref<1x64x256xf32, #tpu.memory_space<vmem>>
        %scatter3A_566 = tpu.memref_squeeze %scatter3A_565 : memref<1x64x256xf32, #tpu.memory_space<vmem>> -> memref<64x256xf32, #tpu.memory_space<vmem>>
        tpu.vector_store_idx %scatter3A_566[%add3A_562, %add3A_309], %gather3A_378 : memref<64x256xf32, #tpu.memory_space<vmem>>[vector<16xi32>, vector<16xi32>], vector<16xf32>,
        %add3A_567 = arith.constant 0 : i32
        %add3A_568 = vector.broadcast %add3A_567 : i32 to vector<16xi32>
        %add3A_569 = arith.addi %and3A_384, %add3A_568 : vector<16xi32>
        %scatter3A_570 = arith.constant 0 : i32
        %scatter3A_571 = arith.constant 0 : i32
        %scatter3A_572 = tpu.memref_slice %arg7[%scan3A_231, %scatter3A_570, %scatter3A_571] : memref<2x64x256xf32, #tpu.memory_space<vmem>> -> memref<1x64x256xf32, #tpu.memory_space<vmem>>
        %scatter3A_573 = tpu.memref_squeeze %scatter3A_572 : memref<1x64x256xf32, #tpu.memory_space<vmem>> -> memref<64x256xf32, #tpu.memory_space<vmem>>
        tpu.vector_store_idx %scatter3A_573[%add3A_569, %add3A_309], %gather3A_392 : memref<64x256xf32, #tpu.memory_space<vmem>>[vector<16xi32>, vector<16xi32>], vector<16xf32>,
        %add3A_574 = arith.constant 0 : i32
        %add3A_575 = vector.broadcast %add3A_574 : i32 to vector<16xi32>
        %add3A_576 = arith.addi %and3A_398, %add3A_575 : vector<16xi32>
        %scatter3A_577 = arith.constant 0 : i32
        %scatter3A_578 = arith.constant 0 : i32
        %scatter3A_579 = tpu.memref_slice %arg7[%scan3A_231, %scatter3A_577, %scatter3A_578] : memref<2x64x256xf32, #tpu.memory_space<vmem>> -> memref<1x64x256xf32, #tpu.memory_space<vmem>>
        %scatter3A_580 = tpu.memref_squeeze %scatter3A_579 : memref<1x64x256xf32, #tpu.memory_space<vmem>> -> memref<64x256xf32, #tpu.memory_space<vmem>>
        tpu.vector_store_idx %scatter3A_580[%add3A_576, %add3A_309], %gather3A_406 : memref<64x256xf32, #tpu.memory_space<vmem>>[vector<16xi32>, vector<16xi32>], vector<16xf32>,
        %add3A_581 = arith.constant 0 : i32
        %add3A_582 = vector.broadcast %add3A_581 : i32 to vector<16xi32>
        %add3A_583 = arith.addi %and3A_412, %add3A_582 : vector<16xi32>
        %scatter3A_584 = arith.constant 0 : i32
        %scatter3A_585 = arith.constant 0 : i32
        %scatter3A_586 = tpu.memref_slice %arg7[%scan3A_231, %scatter3A_584, %scatter3A_585] : memref<2x64x256xf32, #tpu.memory_space<vmem>> -> memref<1x64x256xf32, #tpu.memory_space<vmem>>
        %scatter3A_587 = tpu.memref_squeeze %scatter3A_586 : memref<1x64x256xf32, #tpu.memory_space<vmem>> -> memref<64x256xf32, #tpu.memory_space<vmem>>
        tpu.vector_store_idx %scatter3A_587[%add3A_583, %add3A_309], %gather3A_420 : memref<64x256xf32, #tpu.memory_space<vmem>>[vector<16xi32>, vector<16xi32>], vector<16xf32>,
        %add3A_588 = arith.constant 0 : i32
        %add3A_589 = vector.broadcast %add3A_588 : i32 to vector<16xi32>
        %add3A_590 = arith.addi %and3A_426, %add3A_589 : vector<16xi32>
        %scatter3A_591 = arith.constant 0 : i32
        %scatter3A_592 = arith.constant 0 : i32
        %scatter3A_593 = tpu.memref_slice %arg7[%scan3A_231, %scatter3A_591, %scatter3A_592] : memref<2x64x256xf32, #tpu.memory_space<vmem>> -> memref<1x64x256xf32, #tpu.memory_space<vmem>>
        %scatter3A_594 = tpu.memref_squeeze %scatter3A_593 : memref<1x64x256xf32, #tpu.memory_space<vmem>> -> memref<64x256xf32, #tpu.memory_space<vmem>>
        tpu.vector_store_idx %scatter3A_594[%add3A_590, %add3A_309], %gather3A_434 : memref<64x256xf32, #tpu.memory_space<vmem>>[vector<16xi32>, vector<16xi32>], vector<16xf32>,
        %add3A_595 = arith.constant 0 : i32
        %add3A_596 = vector.broadcast %add3A_595 : i32 to vector<16xi32>
        %add3A_597 = arith.addi %and3A_440, %add3A_596 : vector<16xi32>
        %scatter3A_598 = arith.constant 0 : i32
        %scatter3A_599 = arith.constant 0 : i32
        %scatter3A_600 = tpu.memref_slice %arg7[%scan3A_231, %scatter3A_598, %scatter3A_599] : memref<2x64x256xf32, #tpu.memory_space<vmem>> -> memref<1x64x256xf32, #tpu.memory_space<vmem>>
        %scatter3A_601 = tpu.memref_squeeze %scatter3A_600 : memref<1x64x256xf32, #tpu.memory_space<vmem>> -> memref<64x256xf32, #tpu.memory_space<vmem>>
        tpu.vector_store_idx %scatter3A_601[%add3A_597, %add3A_309], %gather3A_448 : memref<64x256xf32, #tpu.memory_space<vmem>>[vector<16xi32>, vector<16xi32>], vector<16xf32>,
        %add3A_602 = arith.constant 0 : i32
        %add3A_603 = vector.broadcast %add3A_602 : i32 to vector<16xi32>
        %add3A_604 = arith.addi %and3A_454, %add3A_603 : vector<16xi32>
        %scatter3A_605 = arith.constant 0 : i32
        %scatter3A_606 = arith.constant 0 : i32
        %scatter3A_607 = tpu.memref_slice %arg7[%scan3A_231, %scatter3A_605, %scatter3A_606] : memref<2x64x256xf32, #tpu.memory_space<vmem>> -> memref<1x64x256xf32, #tpu.memory_space<vmem>>
        %scatter3A_608 = tpu.memref_squeeze %scatter3A_607 : memref<1x64x256xf32, #tpu.memory_space<vmem>> -> memref<64x256xf32, #tpu.memory_space<vmem>>
        tpu.vector_store_idx %scatter3A_608[%add3A_604, %add3A_309], %gather3A_462 : memref<64x256xf32, #tpu.memory_space<vmem>>[vector<16xi32>, vector<16xi32>], vector<16xf32>,
        %add3A_609 = arith.constant 0 : i32
        %add3A_610 = vector.broadcast %add3A_609 : i32 to vector<16xi32>
        %add3A_611 = arith.addi %and3A_468, %add3A_610 : vector<16xi32>
        %scatter3A_612 = arith.constant 0 : i32
        %scatter3A_613 = arith.constant 0 : i32
        %scatter3A_614 = tpu.memref_slice %arg7[%scan3A_231, %scatter3A_612, %scatter3A_613] : memref<2x64x256xf32, #tpu.memory_space<vmem>> -> memref<1x64x256xf32, #tpu.memory_space<vmem>>
        %scatter3A_615 = tpu.memref_squeeze %scatter3A_614 : memref<1x64x256xf32, #tpu.memory_space<vmem>> -> memref<64x256xf32, #tpu.memory_space<vmem>>
        tpu.vector_store_idx %scatter3A_615[%add3A_611, %add3A_309], %gather3A_476 : memref<64x256xf32, #tpu.memory_space<vmem>>[vector<16xi32>, vector<16xi32>], vector<16xf32>,
        %add3A_616 = arith.constant 0 : i32
        %add3A_617 = vector.broadcast %add3A_616 : i32 to vector<16xi32>
        %add3A_618 = arith.addi %and3A_482, %add3A_617 : vector<16xi32>
        %scatter3A_619 = arith.constant 0 : i32
        %scatter3A_620 = arith.constant 0 : i32
        %scatter3A_621 = tpu.memref_slice %arg7[%scan3A_231, %scatter3A_619, %scatter3A_620] : memref<2x64x256xf32, #tpu.memory_space<vmem>> -> memref<1x64x256xf32, #tpu.memory_space<vmem>>
        %scatter3A_622 = tpu.memref_squeeze %scatter3A_621 : memref<1x64x256xf32, #tpu.memory_space<vmem>> -> memref<64x256xf32, #tpu.memory_space<vmem>>
        tpu.vector_store_idx %scatter3A_622[%add3A_618, %add3A_309], %gather3A_490 : memref<64x256xf32, #tpu.memory_space<vmem>>[vector<16xi32>, vector<16xi32>], vector<16xf32>,
        %add3A_623 = arith.constant 0 : i32
        %add3A_624 = vector.broadcast %add3A_623 : i32 to vector<16xi32>
        %add3A_625 = arith.addi %and3A_496, %add3A_624 : vector<16xi32>
        %scatter3A_626 = arith.constant 0 : i32
        %scatter3A_627 = arith.constant 0 : i32
        %scatter3A_628 = tpu.memref_slice %arg7[%scan3A_231, %scatter3A_626, %scatter3A_627] : memref<2x64x256xf32, #tpu.memory_space<vmem>> -> memref<1x64x256xf32, #tpu.memory_space<vmem>>
        %scatter3A_629 = tpu.memref_squeeze %scatter3A_628 : memref<1x64x256xf32, #tpu.memory_space<vmem>> -> memref<64x256xf32, #tpu.memory_space<vmem>>
        tpu.vector_store_idx %scatter3A_629[%add3A_625, %add3A_309], %gather3A_504 : memref<64x256xf32, #tpu.memory_space<vmem>>[vector<16xi32>, vector<16xi32>], vector<16xf32>,
        %add3A_630 = arith.constant 0 : i32
        %add3A_631 = vector.broadcast %add3A_630 : i32 to vector<16xi32>
        %add3A_632 = arith.addi %and3A_510, %add3A_631 : vector<16xi32>
        %scatter3A_633 = arith.constant 0 : i32
        %scatter3A_634 = arith.constant 0 : i32
        %scatter3A_635 = tpu.memref_slice %arg7[%scan3A_231, %scatter3A_633, %scatter3A_634] : memref<2x64x256xf32, #tpu.memory_space<vmem>> -> memref<1x64x256xf32, #tpu.memory_space<vmem>>
        %scatter3A_636 = tpu.memref_squeeze %scatter3A_635 : memref<1x64x256xf32, #tpu.memory_space<vmem>> -> memref<64x256xf32, #tpu.memory_space<vmem>>
        tpu.vector_store_idx %scatter3A_636[%add3A_632, %add3A_309], %gather3A_518 : memref<64x256xf32, #tpu.memory_space<vmem>>[vector<16xi32>, vector<16xi32>], vector<16xf32>,
        %add3A_637 = arith.constant 0 : i32
        %add3A_638 = vector.broadcast %add3A_637 : i32 to vector<16xi32>
        %add3A_639 = arith.addi %and3A_524, %add3A_638 : vector<16xi32>
        %scatter3A_640 = arith.constant 0 : i32
        %scatter3A_641 = arith.constant 0 : i32
        %scatter3A_642 = tpu.memref_slice %arg7[%scan3A_231, %scatter3A_640, %scatter3A_641] : memref<2x64x256xf32, #tpu.memory_space<vmem>> -> memref<1x64x256xf32, #tpu.memory_space<vmem>>
        %scatter3A_643 = tpu.memref_squeeze %scatter3A_642 : memref<1x64x256xf32, #tpu.memory_space<vmem>> -> memref<64x256xf32, #tpu.memory_space<vmem>>
        tpu.vector_store_idx %scatter3A_643[%add3A_639, %add3A_309], %gather3A_532 : memref<64x256xf32, #tpu.memory_space<vmem>>[vector<16xi32>, vector<16xi32>], vector<16xf32>,
        %add3A_644 = arith.constant 0 : i32
        %add3A_645 = vector.broadcast %add3A_644 : i32 to vector<16xi32>
        %add3A_646 = arith.addi %iota3A_228, %add3A_645 : vector<16xi32>
        %and3A_647 = arith.constant 15 : i32
        %and3A_648 = vector.broadcast %and3A_647 : i32 to vector<16xi32>
        %and3A_649 = arith.andi %add3A_646, %and3A_648 : vector<16xi32>
        %add3A_650 = arith.constant 16 : i32
        %add3A_651 = vector.broadcast %add3A_650 : i32 to vector<16xi32>
        %add3A_652 = arith.addi %and3A_649, %add3A_651 : vector<16xi32>
        %gather3A_653 = arith.constant 0 : i32
        %gather3A_654 = arith.constant 0 : i32
        %gather3A_655 = tpu.memref_slice %arg6[%scan3A_230, %gather3A_653, %gather3A_654] : memref<2x256x128xf32, #tpu.memory_space<vmem>> -> memref<1x256x128xf32, #tpu.memory_space<vmem>>
        %gather3A_656 = tpu.memref_squeeze %gather3A_655 : memref<1x256x128xf32, #tpu.memory_space<vmem>> -> memref<256x128xf32, #tpu.memory_space<vmem>>
        %gather3A_657 = tpu.vector_load_idx %gather3A_656[%add3A_309, %add3A_652] : memref<256x128xf32, #tpu.memory_space<vmem>>[vector<16xi32>, vector<16xi32>], vector<16xf32>,
        %add3A_658 = arith.constant 1 : i32
        %add3A_659 = vector.broadcast %add3A_658 : i32 to vector<16xi32>
        %add3A_660 = arith.addi %iota3A_228, %add3A_659 : vector<16xi32>
        %and3A_661 = arith.constant 15 : i32
        %and3A_662 = vector.broadcast %and3A_661 : i32 to vector<16xi32>
        %and3A_663 = arith.andi %add3A_660, %and3A_662 : vector<16xi32>
        %add3A_664 = arith.constant 16 : i32
        %add3A_665 = vector.broadcast %add3A_664 : i32 to vector<16xi32>
        %add3A_666 = arith.addi %and3A_663, %add3A_665 : vector<16xi32>
        %gather3A_667 = arith.constant 0 : i32
        %gather3A_668 = arith.constant 0 : i32
        %gather3A_669 = tpu.memref_slice %arg6[%scan3A_230, %gather3A_667, %gather3A_668] : memref<2x256x128xf32, #tpu.memory_space<vmem>> -> memref<1x256x128xf32, #tpu.memory_space<vmem>>
        %gather3A_670 = tpu.memref_squeeze %gather3A_669 : memref<1x256x128xf32, #tpu.memory_space<vmem>> -> memref<256x128xf32, #tpu.memory_space<vmem>>
        %gather3A_671 = tpu.vector_load_idx %gather3A_670[%add3A_309, %add3A_666] : memref<256x128xf32, #tpu.memory_space<vmem>>[vector<16xi32>, vector<16xi32>], vector<16xf32>,
        %add3A_672 = arith.constant 2 : i32
        %add3A_673 = vector.broadcast %add3A_672 : i32 to vector<16xi32>
        %add3A_674 = arith.addi %iota3A_228, %add3A_673 : vector<16xi32>
        %and3A_675 = arith.constant 15 : i32
        %and3A_676 = vector.broadcast %and3A_675 : i32 to vector<16xi32>
        %and3A_677 = arith.andi %add3A_674, %and3A_676 : vector<16xi32>
        %add3A_678 = arith.constant 16 : i32
        %add3A_679 = vector.broadcast %add3A_678 : i32 to vector<16xi32>
        %add3A_680 = arith.addi %and3A_677, %add3A_679 : vector<16xi32>
        %gather3A_681 = arith.constant 0 : i32
        %gather3A_682 = arith.constant 0 : i32
        %gather3A_683 = tpu.memref_slice %arg6[%scan3A_230, %gather3A_681, %gather3A_682] : memref<2x256x128xf32, #tpu.memory_space<vmem>> -> memref<1x256x128xf32, #tpu.memory_space<vmem>>
        %gather3A_684 = tpu.memref_squeeze %gather3A_683 : memref<1x256x128xf32, #tpu.memory_space<vmem>> -> memref<256x128xf32, #tpu.memory_space<vmem>>
        %gather3A_685 = tpu.vector_load_idx %gather3A_684[%add3A_309, %add3A_680] : memref<256x128xf32, #tpu.memory_space<vmem>>[vector<16xi32>, vector<16xi32>], vector<16xf32>,
        %add3A_686 = arith.constant 3 : i32
        %add3A_687 = vector.broadcast %add3A_686 : i32 to vector<16xi32>
        %add3A_688 = arith.addi %iota3A_228, %add3A_687 : vector<16xi32>
        %and3A_689 = arith.constant 15 : i32
        %and3A_690 = vector.broadcast %and3A_689 : i32 to vector<16xi32>
        %and3A_691 = arith.andi %add3A_688, %and3A_690 : vector<16xi32>
        %add3A_692 = arith.constant 16 : i32
        %add3A_693 = vector.broadcast %add3A_692 : i32 to vector<16xi32>
        %add3A_694 = arith.addi %and3A_691, %add3A_693 : vector<16xi32>
        %gather3A_695 = arith.constant 0 : i32
        %gather3A_696 = arith.constant 0 : i32
        %gather3A_697 = tpu.memref_slice %arg6[%scan3A_230, %gather3A_695, %gather3A_696] : memref<2x256x128xf32, #tpu.memory_space<vmem>> -> memref<1x256x128xf32, #tpu.memory_space<vmem>>
        %gather3A_698 = tpu.memref_squeeze %gather3A_697 : memref<1x256x128xf32, #tpu.memory_space<vmem>> -> memref<256x128xf32, #tpu.memory_space<vmem>>
        %gather3A_699 = tpu.vector_load_idx %gather3A_698[%add3A_309, %add3A_694] : memref<256x128xf32, #tpu.memory_space<vmem>>[vector<16xi32>, vector<16xi32>], vector<16xf32>,
        %add3A_700 = arith.constant 4 : i32
        %add3A_701 = vector.broadcast %add3A_700 : i32 to vector<16xi32>
        %add3A_702 = arith.addi %iota3A_228, %add3A_701 : vector<16xi32>
        %and3A_703 = arith.constant 15 : i32
        %and3A_704 = vector.broadcast %and3A_703 : i32 to vector<16xi32>
        %and3A_705 = arith.andi %add3A_702, %and3A_704 : vector<16xi32>
        %add3A_706 = arith.constant 16 : i32
        %add3A_707 = vector.broadcast %add3A_706 : i32 to vector<16xi32>
        %add3A_708 = arith.addi %and3A_705, %add3A_707 : vector<16xi32>
        %gather3A_709 = arith.constant 0 : i32
        %gather3A_710 = arith.constant 0 : i32
        %gather3A_711 = tpu.memref_slice %arg6[%scan3A_230, %gather3A_709, %gather3A_710] : memref<2x256x128xf32, #tpu.memory_space<vmem>> -> memref<1x256x128xf32, #tpu.memory_space<vmem>>
        %gather3A_712 = tpu.memref_squeeze %gather3A_711 : memref<1x256x128xf32, #tpu.memory_space<vmem>> -> memref<256x128xf32, #tpu.memory_space<vmem>>
        %gather3A_713 = tpu.vector_load_idx %gather3A_712[%add3A_309, %add3A_708] : memref<256x128xf32, #tpu.memory_space<vmem>>[vector<16xi32>, vector<16xi32>], vector<16xf32>,
        %add3A_714 = arith.constant 5 : i32
        %add3A_715 = vector.broadcast %add3A_714 : i32 to vector<16xi32>
        %add3A_716 = arith.addi %iota3A_228, %add3A_715 : vector<16xi32>
        %and3A_717 = arith.constant 15 : i32
        %and3A_718 = vector.broadcast %and3A_717 : i32 to vector<16xi32>
        %and3A_719 = arith.andi %add3A_716, %and3A_718 : vector<16xi32>
        %add3A_720 = arith.constant 16 : i32
        %add3A_721 = vector.broadcast %add3A_720 : i32 to vector<16xi32>
        %add3A_722 = arith.addi %and3A_719, %add3A_721 : vector<16xi32>
        %gather3A_723 = arith.constant 0 : i32
        %gather3A_724 = arith.constant 0 : i32
        %gather3A_725 = tpu.memref_slice %arg6[%scan3A_230, %gather3A_723, %gather3A_724] : memref<2x256x128xf32, #tpu.memory_space<vmem>> -> memref<1x256x128xf32, #tpu.memory_space<vmem>>
        %gather3A_726 = tpu.memref_squeeze %gather3A_725 : memref<1x256x128xf32, #tpu.memory_space<vmem>> -> memref<256x128xf32, #tpu.memory_space<vmem>>
        %gather3A_727 = tpu.vector_load_idx %gather3A_726[%add3A_309, %add3A_722] : memref<256x128xf32, #tpu.memory_space<vmem>>[vector<16xi32>, vector<16xi32>], vector<16xf32>,
        %add3A_728 = arith.constant 6 : i32
        %add3A_729 = vector.broadcast %add3A_728 : i32 to vector<16xi32>
        %add3A_730 = arith.addi %iota3A_228, %add3A_729 : vector<16xi32>
        %and3A_731 = arith.constant 15 : i32
        %and3A_732 = vector.broadcast %and3A_731 : i32 to vector<16xi32>
        %and3A_733 = arith.andi %add3A_730, %and3A_732 : vector<16xi32>
        %add3A_734 = arith.constant 16 : i32
        %add3A_735 = vector.broadcast %add3A_734 : i32 to vector<16xi32>
        %add3A_736 = arith.addi %and3A_733, %add3A_735 : vector<16xi32>
        %gather3A_737 = arith.constant 0 : i32
        %gather3A_738 = arith.constant 0 : i32
        %gather3A_739 = tpu.memref_slice %arg6[%scan3A_230, %gather3A_737, %gather3A_738] : memref<2x256x128xf32, #tpu.memory_space<vmem>> -> memref<1x256x128xf32, #tpu.memory_space<vmem>>
        %gather3A_740 = tpu.memref_squeeze %gather3A_739 : memref<1x256x128xf32, #tpu.memory_space<vmem>> -> memref<256x128xf32, #tpu.memory_space<vmem>>
        %gather3A_741 = tpu.vector_load_idx %gather3A_740[%add3A_309, %add3A_736] : memref<256x128xf32, #tpu.memory_space<vmem>>[vector<16xi32>, vector<16xi32>], vector<16xf32>,
        %add3A_742 = arith.constant 7 : i32
        %add3A_743 = vector.broadcast %add3A_742 : i32 to vector<16xi32>
        %add3A_744 = arith.addi %iota3A_228, %add3A_743 : vector<16xi32>
        %and3A_745 = arith.constant 15 : i32
        %and3A_746 = vector.broadcast %and3A_745 : i32 to vector<16xi32>
        %and3A_747 = arith.andi %add3A_744, %and3A_746 : vector<16xi32>
        %add3A_748 = arith.constant 16 : i32
        %add3A_749 = vector.broadcast %add3A_748 : i32 to vector<16xi32>
        %add3A_750 = arith.addi %and3A_747, %add3A_749 : vector<16xi32>
        %gather3A_751 = arith.constant 0 : i32
        %gather3A_752 = arith.constant 0 : i32
        %gather3A_753 = tpu.memref_slice %arg6[%scan3A_230, %gather3A_751, %gather3A_752] : memref<2x256x128xf32, #tpu.memory_space<vmem>> -> memref<1x256x128xf32, #tpu.memory_space<vmem>>
        %gather3A_754 = tpu.memref_squeeze %gather3A_753 : memref<1x256x128xf32, #tpu.memory_space<vmem>> -> memref<256x128xf32, #tpu.memory_space<vmem>>
        %gather3A_755 = tpu.vector_load_idx %gather3A_754[%add3A_309, %add3A_750] : memref<256x128xf32, #tpu.memory_space<vmem>>[vector<16xi32>, vector<16xi32>], vector<16xf32>,
        %add3A_756 = arith.constant 8 : i32
        %add3A_757 = vector.broadcast %add3A_756 : i32 to vector<16xi32>
        %add3A_758 = arith.addi %iota3A_228, %add3A_757 : vector<16xi32>
        %and3A_759 = arith.constant 15 : i32
        %and3A_760 = vector.broadcast %and3A_759 : i32 to vector<16xi32>
        %and3A_761 = arith.andi %add3A_758, %and3A_760 : vector<16xi32>
        %add3A_762 = arith.constant 16 : i32
        %add3A_763 = vector.broadcast %add3A_762 : i32 to vector<16xi32>
        %add3A_764 = arith.addi %and3A_761, %add3A_763 : vector<16xi32>
        %gather3A_765 = arith.constant 0 : i32
        %gather3A_766 = arith.constant 0 : i32
        %gather3A_767 = tpu.memref_slice %arg6[%scan3A_230, %gather3A_765, %gather3A_766] : memref<2x256x128xf32, #tpu.memory_space<vmem>> -> memref<1x256x128xf32, #tpu.memory_space<vmem>>
        %gather3A_768 = tpu.memref_squeeze %gather3A_767 : memref<1x256x128xf32, #tpu.memory_space<vmem>> -> memref<256x128xf32, #tpu.memory_space<vmem>>
        %gather3A_769 = tpu.vector_load_idx %gather3A_768[%add3A_309, %add3A_764] : memref<256x128xf32, #tpu.memory_space<vmem>>[vector<16xi32>, vector<16xi32>], vector<16xf32>,
        %add3A_770 = arith.constant 9 : i32
        %add3A_771 = vector.broadcast %add3A_770 : i32 to vector<16xi32>
        %add3A_772 = arith.addi %iota3A_228, %add3A_771 : vector<16xi32>
        %and3A_773 = arith.constant 15 : i32
        %and3A_774 = vector.broadcast %and3A_773 : i32 to vector<16xi32>
        %and3A_775 = arith.andi %add3A_772, %and3A_774 : vector<16xi32>
        %add3A_776 = arith.constant 16 : i32
        %add3A_777 = vector.broadcast %add3A_776 : i32 to vector<16xi32>
        %add3A_778 = arith.addi %and3A_775, %add3A_777 : vector<16xi32>
        %gather3A_779 = arith.constant 0 : i32
        %gather3A_780 = arith.constant 0 : i32
        %gather3A_781 = tpu.memref_slice %arg6[%scan3A_230, %gather3A_779, %gather3A_780] : memref<2x256x128xf32, #tpu.memory_space<vmem>> -> memref<1x256x128xf32, #tpu.memory_space<vmem>>
        %gather3A_782 = tpu.memref_squeeze %gather3A_781 : memref<1x256x128xf32, #tpu.memory_space<vmem>> -> memref<256x128xf32, #tpu.memory_space<vmem>>
        %gather3A_783 = tpu.vector_load_idx %gather3A_782[%add3A_309, %add3A_778] : memref<256x128xf32, #tpu.memory_space<vmem>>[vector<16xi32>, vector<16xi32>], vector<16xf32>,
        %add3A_784 = arith.constant 10 : i32
        %add3A_785 = vector.broadcast %add3A_784 : i32 to vector<16xi32>
        %add3A_786 = arith.addi %iota3A_228, %add3A_785 : vector<16xi32>
        %and3A_787 = arith.constant 15 : i32
        %and3A_788 = vector.broadcast %and3A_787 : i32 to vector<16xi32>
        %and3A_789 = arith.andi %add3A_786, %and3A_788 : vector<16xi32>
        %add3A_790 = arith.constant 16 : i32
        %add3A_791 = vector.broadcast %add3A_790 : i32 to vector<16xi32>
        %add3A_792 = arith.addi %and3A_789, %add3A_791 : vector<16xi32>
        %gather3A_793 = arith.constant 0 : i32
        %gather3A_794 = arith.constant 0 : i32
        %gather3A_795 = tpu.memref_slice %arg6[%scan3A_230, %gather3A_793, %gather3A_794] : memref<2x256x128xf32, #tpu.memory_space<vmem>> -> memref<1x256x128xf32, #tpu.memory_space<vmem>>
        %gather3A_796 = tpu.memref_squeeze %gather3A_795 : memref<1x256x128xf32, #tpu.memory_space<vmem>> -> memref<256x128xf32, #tpu.memory_space<vmem>>
        %gather3A_797 = tpu.vector_load_idx %gather3A_796[%add3A_309, %add3A_792] : memref<256x128xf32, #tpu.memory_space<vmem>>[vector<16xi32>, vector<16xi32>], vector<16xf32>,
        %add3A_798 = arith.constant 11 : i32
        %add3A_799 = vector.broadcast %add3A_798 : i32 to vector<16xi32>
        %add3A_800 = arith.addi %iota3A_228, %add3A_799 : vector<16xi32>
        %and3A_801 = arith.constant 15 : i32
        %and3A_802 = vector.broadcast %and3A_801 : i32 to vector<16xi32>
        %and3A_803 = arith.andi %add3A_800, %and3A_802 : vector<16xi32>
        %add3A_804 = arith.constant 16 : i32
        %add3A_805 = vector.broadcast %add3A_804 : i32 to vector<16xi32>
        %add3A_806 = arith.addi %and3A_803, %add3A_805 : vector<16xi32>
        %gather3A_807 = arith.constant 0 : i32
        %gather3A_808 = arith.constant 0 : i32
        %gather3A_809 = tpu.memref_slice %arg6[%scan3A_230, %gather3A_807, %gather3A_808] : memref<2x256x128xf32, #tpu.memory_space<vmem>> -> memref<1x256x128xf32, #tpu.memory_space<vmem>>
        %gather3A_810 = tpu.memref_squeeze %gather3A_809 : memref<1x256x128xf32, #tpu.memory_space<vmem>> -> memref<256x128xf32, #tpu.memory_space<vmem>>
        %gather3A_811 = tpu.vector_load_idx %gather3A_810[%add3A_309, %add3A_806] : memref<256x128xf32, #tpu.memory_space<vmem>>[vector<16xi32>, vector<16xi32>], vector<16xf32>,
        %add3A_812 = arith.constant 12 : i32
        %add3A_813 = vector.broadcast %add3A_812 : i32 to vector<16xi32>
        %add3A_814 = arith.addi %iota3A_228, %add3A_813 : vector<16xi32>
        %and3A_815 = arith.constant 15 : i32
        %and3A_816 = vector.broadcast %and3A_815 : i32 to vector<16xi32>
        %and3A_817 = arith.andi %add3A_814, %and3A_816 : vector<16xi32>
        %add3A_818 = arith.constant 16 : i32
        %add3A_819 = vector.broadcast %add3A_818 : i32 to vector<16xi32>
        %add3A_820 = arith.addi %and3A_817, %add3A_819 : vector<16xi32>
        %gather3A_821 = arith.constant 0 : i32
        %gather3A_822 = arith.constant 0 : i32
        %gather3A_823 = tpu.memref_slice %arg6[%scan3A_230, %gather3A_821, %gather3A_822] : memref<2x256x128xf32, #tpu.memory_space<vmem>> -> memref<1x256x128xf32, #tpu.memory_space<vmem>>
        %gather3A_824 = tpu.memref_squeeze %gather3A_823 : memref<1x256x128xf32, #tpu.memory_space<vmem>> -> memref<256x128xf32, #tpu.memory_space<vmem>>
        %gather3A_825 = tpu.vector_load_idx %gather3A_824[%add3A_309, %add3A_820] : memref<256x128xf32, #tpu.memory_space<vmem>>[vector<16xi32>, vector<16xi32>], vector<16xf32>,
        %add3A_826 = arith.constant 13 : i32
        %add3A_827 = vector.broadcast %add3A_826 : i32 to vector<16xi32>
        %add3A_828 = arith.addi %iota3A_228, %add3A_827 : vector<16xi32>
        %and3A_829 = arith.constant 15 : i32
        %and3A_830 = vector.broadcast %and3A_829 : i32 to vector<16xi32>
        %and3A_831 = arith.andi %add3A_828, %and3A_830 : vector<16xi32>
        %add3A_832 = arith.constant 16 : i32
        %add3A_833 = vector.broadcast %add3A_832 : i32 to vector<16xi32>
        %add3A_834 = arith.addi %and3A_831, %add3A_833 : vector<16xi32>
        %gather3A_835 = arith.constant 0 : i32
        %gather3A_836 = arith.constant 0 : i32
        %gather3A_837 = tpu.memref_slice %arg6[%scan3A_230, %gather3A_835, %gather3A_836] : memref<2x256x128xf32, #tpu.memory_space<vmem>> -> memref<1x256x128xf32, #tpu.memory_space<vmem>>
        %gather3A_838 = tpu.memref_squeeze %gather3A_837 : memref<1x256x128xf32, #tpu.memory_space<vmem>> -> memref<256x128xf32, #tpu.memory_space<vmem>>
        %gather3A_839 = tpu.vector_load_idx %gather3A_838[%add3A_309, %add3A_834] : memref<256x128xf32, #tpu.memory_space<vmem>>[vector<16xi32>, vector<16xi32>], vector<16xf32>,
        %add3A_840 = arith.constant 14 : i32
        %add3A_841 = vector.broadcast %add3A_840 : i32 to vector<16xi32>
        %add3A_842 = arith.addi %iota3A_228, %add3A_841 : vector<16xi32>
        %and3A_843 = arith.constant 15 : i32
        %and3A_844 = vector.broadcast %and3A_843 : i32 to vector<16xi32>
        %and3A_845 = arith.andi %add3A_842, %and3A_844 : vector<16xi32>
        %add3A_846 = arith.constant 16 : i32
        %add3A_847 = vector.broadcast %add3A_846 : i32 to vector<16xi32>
        %add3A_848 = arith.addi %and3A_845, %add3A_847 : vector<16xi32>
        %gather3A_849 = arith.constant 0 : i32
        %gather3A_850 = arith.constant 0 : i32
        %gather3A_851 = tpu.memref_slice %arg6[%scan3A_230, %gather3A_849, %gather3A_850] : memref<2x256x128xf32, #tpu.memory_space<vmem>> -> memref<1x256x128xf32, #tpu.memory_space<vmem>>
        %gather3A_852 = tpu.memref_squeeze %gather3A_851 : memref<1x256x128xf32, #tpu.memory_space<vmem>> -> memref<256x128xf32, #tpu.memory_space<vmem>>
        %gather3A_853 = tpu.vector_load_idx %gather3A_852[%add3A_309, %add3A_848] : memref<256x128xf32, #tpu.memory_space<vmem>>[vector<16xi32>, vector<16xi32>], vector<16xf32>,
        %add3A_854 = arith.constant 15 : i32
        %add3A_855 = vector.broadcast %add3A_854 : i32 to vector<16xi32>
        %add3A_856 = arith.addi %iota3A_228, %add3A_855 : vector<16xi32>
        %and3A_857 = arith.constant 15 : i32
        %and3A_858 = vector.broadcast %and3A_857 : i32 to vector<16xi32>
        %and3A_859 = arith.andi %add3A_856, %and3A_858 : vector<16xi32>
        %add3A_860 = arith.constant 16 : i32
        %add3A_861 = vector.broadcast %add3A_860 : i32 to vector<16xi32>
        %add3A_862 = arith.addi %and3A_859, %add3A_861 : vector<16xi32>
        %gather3A_863 = arith.constant 0 : i32
        %gather3A_864 = arith.constant 0 : i32
        %gather3A_865 = tpu.memref_slice %arg6[%scan3A_230, %gather3A_863, %gather3A_864] : memref<2x256x128xf32, #tpu.memory_space<vmem>> -> memref<1x256x128xf32, #tpu.memory_space<vmem>>
        %gather3A_866 = tpu.memref_squeeze %gather3A_865 : memref<1x256x128xf32, #tpu.memory_space<vmem>> -> memref<256x128xf32, #tpu.memory_space<vmem>>
        %gather3A_867 = tpu.vector_load_idx %gather3A_866[%add3A_309, %add3A_862] : memref<256x128xf32, #tpu.memory_space<vmem>>[vector<16xi32>, vector<16xi32>], vector<16xf32>,
        %add3A_868 = arith.constant 16 : i32
        %add3A_869 = vector.broadcast %add3A_868 : i32 to vector<16xi32>
        %add3A_870 = arith.addi %and3A_649, %add3A_869 : vector<16xi32>
        %scatter3A_871 = arith.constant 0 : i32
        %scatter3A_872 = arith.constant 0 : i32
        %scatter3A_873 = tpu.memref_slice %arg7[%scan3A_231, %scatter3A_871, %scatter3A_872] : memref<2x64x256xf32, #tpu.memory_space<vmem>> -> memref<1x64x256xf32, #tpu.memory_space<vmem>>
        %scatter3A_874 = tpu.memref_squeeze %scatter3A_873 : memref<1x64x256xf32, #tpu.memory_space<vmem>> -> memref<64x256xf32, #tpu.memory_space<vmem>>
        tpu.vector_store_idx %scatter3A_874[%add3A_870, %add3A_309], %gather3A_657 : memref<64x256xf32, #tpu.memory_space<vmem>>[vector<16xi32>, vector<16xi32>], vector<16xf32>,
        %add3A_875 = arith.constant 16 : i32
        %add3A_876 = vector.broadcast %add3A_875 : i32 to vector<16xi32>
        %add3A_877 = arith.addi %and3A_663, %add3A_876 : vector<16xi32>
        %scatter3A_878 = arith.constant 0 : i32
        %scatter3A_879 = arith.constant 0 : i32
        %scatter3A_880 = tpu.memref_slice %arg7[%scan3A_231, %scatter3A_878, %scatter3A_879] : memref<2x64x256xf32, #tpu.memory_space<vmem>> -> memref<1x64x256xf32, #tpu.memory_space<vmem>>
        %scatter3A_881 = tpu.memref_squeeze %scatter3A_880 : memref<1x64x256xf32, #tpu.memory_space<vmem>> -> memref<64x256xf32, #tpu.memory_space<vmem>>
        tpu.vector_store_idx %scatter3A_881[%add3A_877, %add3A_309], %gather3A_671 : memref<64x256xf32, #tpu.memory_space<vmem>>[vector<16xi32>, vector<16xi32>], vector<16xf32>,
        %add3A_882 = arith.constant 16 : i32
        %add3A_883 = vector.broadcast %add3A_882 : i32 to vector<16xi32>
        %add3A_884 = arith.addi %and3A_677, %add3A_883 : vector<16xi32>
        %scatter3A_885 = arith.constant 0 : i32
        %scatter3A_886 = arith.constant 0 : i32
        %scatter3A_887 = tpu.memref_slice %arg7[%scan3A_231, %scatter3A_885, %scatter3A_886] : memref<2x64x256xf32, #tpu.memory_space<vmem>> -> memref<1x64x256xf32, #tpu.memory_space<vmem>>
        %scatter3A_888 = tpu.memref_squeeze %scatter3A_887 : memref<1x64x256xf32, #tpu.memory_space<vmem>> -> memref<64x256xf32, #tpu.memory_space<vmem>>
        tpu.vector_store_idx %scatter3A_888[%add3A_884, %add3A_309], %gather3A_685 : memref<64x256xf32, #tpu.memory_space<vmem>>[vector<16xi32>, vector<16xi32>], vector<16xf32>,
        %add3A_889 = arith.constant 16 : i32
        %add3A_890 = vector.broadcast %add3A_889 : i32 to vector<16xi32>
        %add3A_891 = arith.addi %and3A_691, %add3A_890 : vector<16xi32>
        %scatter3A_892 = arith.constant 0 : i32
        %scatter3A_893 = arith.constant 0 : i32
        %scatter3A_894 = tpu.memref_slice %arg7[%scan3A_231, %scatter3A_892, %scatter3A_893] : memref<2x64x256xf32, #tpu.memory_space<vmem>> -> memref<1x64x256xf32, #tpu.memory_space<vmem>>
        %scatter3A_895 = tpu.memref_squeeze %scatter3A_894 : memref<1x64x256xf32, #tpu.memory_space<vmem>> -> memref<64x256xf32, #tpu.memory_space<vmem>>
        tpu.vector_store_idx %scatter3A_895[%add3A_891, %add3A_309], %gather3A_699 : memref<64x256xf32, #tpu.memory_space<vmem>>[vector<16xi32>, vector<16xi32>], vector<16xf32>,
        %add3A_896 = arith.constant 16 : i32
        %add3A_897 = vector.broadcast %add3A_896 : i32 to vector<16xi32>
        %add3A_898 = arith.addi %and3A_705, %add3A_897 : vector<16xi32>
        %scatter3A_899 = arith.constant 0 : i32
        %scatter3A_900 = arith.constant 0 : i32
        %scatter3A_901 = tpu.memref_slice %arg7[%scan3A_231, %scatter3A_899, %scatter3A_900] : memref<2x64x256xf32, #tpu.memory_space<vmem>> -> memref<1x64x256xf32, #tpu.memory_space<vmem>>
        %scatter3A_902 = tpu.memref_squeeze %scatter3A_901 : memref<1x64x256xf32, #tpu.memory_space<vmem>> -> memref<64x256xf32, #tpu.memory_space<vmem>>
        tpu.vector_store_idx %scatter3A_902[%add3A_898, %add3A_309], %gather3A_713 : memref<64x256xf32, #tpu.memory_space<vmem>>[vector<16xi32>, vector<16xi32>], vector<16xf32>,
        %add3A_903 = arith.constant 16 : i32
        %add3A_904 = vector.broadcast %add3A_903 : i32 to vector<16xi32>
        %add3A_905 = arith.addi %and3A_719, %add3A_904 : vector<16xi32>
        %scatter3A_906 = arith.constant 0 : i32
        %scatter3A_907 = arith.constant 0 : i32
        %scatter3A_908 = tpu.memref_slice %arg7[%scan3A_231, %scatter3A_906, %scatter3A_907] : memref<2x64x256xf32, #tpu.memory_space<vmem>> -> memref<1x64x256xf32, #tpu.memory_space<vmem>>
        %scatter3A_909 = tpu.memref_squeeze %scatter3A_908 : memref<1x64x256xf32, #tpu.memory_space<vmem>> -> memref<64x256xf32, #tpu.memory_space<vmem>>
        tpu.vector_store_idx %scatter3A_909[%add3A_905, %add3A_309], %gather3A_727 : memref<64x256xf32, #tpu.memory_space<vmem>>[vector<16xi32>, vector<16xi32>], vector<16xf32>,
        %add3A_910 = arith.constant 16 : i32
        %add3A_911 = vector.broadcast %add3A_910 : i32 to vector<16xi32>
        %add3A_912 = arith.addi %and3A_733, %add3A_911 : vector<16xi32>
        %scatter3A_913 = arith.constant 0 : i32
        %scatter3A_914 = arith.constant 0 : i32
        %scatter3A_915 = tpu.memref_slice %arg7[%scan3A_231, %scatter3A_913, %scatter3A_914] : memref<2x64x256xf32, #tpu.memory_space<vmem>> -> memref<1x64x256xf32, #tpu.memory_space<vmem>>
        %scatter3A_916 = tpu.memref_squeeze %scatter3A_915 : memref<1x64x256xf32, #tpu.memory_space<vmem>> -> memref<64x256xf32, #tpu.memory_space<vmem>>
        tpu.vector_store_idx %scatter3A_916[%add3A_912, %add3A_309], %gather3A_741 : memref<64x256xf32, #tpu.memory_space<vmem>>[vector<16xi32>, vector<16xi32>], vector<16xf32>,
        %add3A_917 = arith.constant 16 : i32
        %add3A_918 = vector.broadcast %add3A_917 : i32 to vector<16xi32>
        %add3A_919 = arith.addi %and3A_747, %add3A_918 : vector<16xi32>
        %scatter3A_920 = arith.constant 0 : i32
        %scatter3A_921 = arith.constant 0 : i32
        %scatter3A_922 = tpu.memref_slice %arg7[%scan3A_231, %scatter3A_920, %scatter3A_921] : memref<2x64x256xf32, #tpu.memory_space<vmem>> -> memref<1x64x256xf32, #tpu.memory_space<vmem>>
        %scatter3A_923 = tpu.memref_squeeze %scatter3A_922 : memref<1x64x256xf32, #tpu.memory_space<vmem>> -> memref<64x256xf32, #tpu.memory_space<vmem>>
        tpu.vector_store_idx %scatter3A_923[%add3A_919, %add3A_309], %gather3A_755 : memref<64x256xf32, #tpu.memory_space<vmem>>[vector<16xi32>, vector<16xi32>], vector<16xf32>,
        %add3A_924 = arith.constant 16 : i32
        %add3A_925 = vector.broadcast %add3A_924 : i32 to vector<16xi32>
        %add3A_926 = arith.addi %and3A_761, %add3A_925 : vector<16xi32>
        %scatter3A_927 = arith.constant 0 : i32
        %scatter3A_928 = arith.constant 0 : i32
        %scatter3A_929 = tpu.memref_slice %arg7[%scan3A_231, %scatter3A_927, %scatter3A_928] : memref<2x64x256xf32, #tpu.memory_space<vmem>> -> memref<1x64x256xf32, #tpu.memory_space<vmem>>
        %scatter3A_930 = tpu.memref_squeeze %scatter3A_929 : memref<1x64x256xf32, #tpu.memory_space<vmem>> -> memref<64x256xf32, #tpu.memory_space<vmem>>
        tpu.vector_store_idx %scatter3A_930[%add3A_926, %add3A_309], %gather3A_769 : memref<64x256xf32, #tpu.memory_space<vmem>>[vector<16xi32>, vector<16xi32>], vector<16xf32>,
        %add3A_931 = arith.constant 16 : i32
        %add3A_932 = vector.broadcast %add3A_931 : i32 to vector<16xi32>
        %add3A_933 = arith.addi %and3A_775, %add3A_932 : vector<16xi32>
        %scatter3A_934 = arith.constant 0 : i32
        %scatter3A_935 = arith.constant 0 : i32
        %scatter3A_936 = tpu.memref_slice %arg7[%scan3A_231, %scatter3A_934, %scatter3A_935] : memref<2x64x256xf32, #tpu.memory_space<vmem>> -> memref<1x64x256xf32, #tpu.memory_space<vmem>>
        %scatter3A_937 = tpu.memref_squeeze %scatter3A_936 : memref<1x64x256xf32, #tpu.memory_space<vmem>> -> memref<64x256xf32, #tpu.memory_space<vmem>>
        tpu.vector_store_idx %scatter3A_937[%add3A_933, %add3A_309], %gather3A_783 : memref<64x256xf32, #tpu.memory_space<vmem>>[vector<16xi32>, vector<16xi32>], vector<16xf32>,
        %add3A_938 = arith.constant 16 : i32
        %add3A_939 = vector.broadcast %add3A_938 : i32 to vector<16xi32>
        %add3A_940 = arith.addi %and3A_789, %add3A_939 : vector<16xi32>
        %scatter3A_941 = arith.constant 0 : i32
        %scatter3A_942 = arith.constant 0 : i32
        %scatter3A_943 = tpu.memref_slice %arg7[%scan3A_231, %scatter3A_941, %scatter3A_942] : memref<2x64x256xf32, #tpu.memory_space<vmem>> -> memref<1x64x256xf32, #tpu.memory_space<vmem>>
        %scatter3A_944 = tpu.memref_squeeze %scatter3A_943 : memref<1x64x256xf32, #tpu.memory_space<vmem>> -> memref<64x256xf32, #tpu.memory_space<vmem>>
        tpu.vector_store_idx %scatter3A_944[%add3A_940, %add3A_309], %gather3A_797 : memref<64x256xf32, #tpu.memory_space<vmem>>[vector<16xi32>, vector<16xi32>], vector<16xf32>,
        %add3A_945 = arith.constant 16 : i32
        %add3A_946 = vector.broadcast %add3A_945 : i32 to vector<16xi32>
        %add3A_947 = arith.addi %and3A_803, %add3A_946 : vector<16xi32>
        %scatter3A_948 = arith.constant 0 : i32
        %scatter3A_949 = arith.constant 0 : i32
        %scatter3A_950 = tpu.memref_slice %arg7[%scan3A_231, %scatter3A_948, %scatter3A_949] : memref<2x64x256xf32, #tpu.memory_space<vmem>> -> memref<1x64x256xf32, #tpu.memory_space<vmem>>
        %scatter3A_951 = tpu.memref_squeeze %scatter3A_950 : memref<1x64x256xf32, #tpu.memory_space<vmem>> -> memref<64x256xf32, #tpu.memory_space<vmem>>
        tpu.vector_store_idx %scatter3A_951[%add3A_947, %add3A_309], %gather3A_811 : memref<64x256xf32, #tpu.memory_space<vmem>>[vector<16xi32>, vector<16xi32>], vector<16xf32>,
        %add3A_952 = arith.constant 16 : i32
        %add3A_953 = vector.broadcast %add3A_952 : i32 to vector<16xi32>
        %add3A_954 = arith.addi %and3A_817, %add3A_953 : vector<16xi32>
        %scatter3A_955 = arith.constant 0 : i32
        %scatter3A_956 = arith.constant 0 : i32
        %scatter3A_957 = tpu.memref_slice %arg7[%scan3A_231, %scatter3A_955, %scatter3A_956] : memref<2x64x256xf32, #tpu.memory_space<vmem>> -> memref<1x64x256xf32, #tpu.memory_space<vmem>>
        %scatter3A_958 = tpu.memref_squeeze %scatter3A_957 : memref<1x64x256xf32, #tpu.memory_space<vmem>> -> memref<64x256xf32, #tpu.memory_space<vmem>>
        tpu.vector_store_idx %scatter3A_958[%add3A_954, %add3A_309], %gather3A_825 : memref<64x256xf32, #tpu.memory_space<vmem>>[vector<16xi32>, vector<16xi32>], vector<16xf32>,
        %add3A_959 = arith.constant 16 : i32
        %add3A_960 = vector.broadcast %add3A_959 : i32 to vector<16xi32>
        %add3A_961 = arith.addi %and3A_831, %add3A_960 : vector<16xi32>
        %scatter3A_962 = arith.constant 0 : i32
        %scatter3A_963 = arith.constant 0 : i32
        %scatter3A_964 = tpu.memref_slice %arg7[%scan3A_231, %scatter3A_962, %scatter3A_963] : memref<2x64x256xf32, #tpu.memory_space<vmem>> -> memref<1x64x256xf32, #tpu.memory_space<vmem>>
        %scatter3A_965 = tpu.memref_squeeze %scatter3A_964 : memref<1x64x256xf32, #tpu.memory_space<vmem>> -> memref<64x256xf32, #tpu.memory_space<vmem>>
        tpu.vector_store_idx %scatter3A_965[%add3A_961, %add3A_309], %gather3A_839 : memref<64x256xf32, #tpu.memory_space<vmem>>[vector<16xi32>, vector<16xi32>], vector<16xf32>,
        %add3A_966 = arith.constant 16 : i32
        %add3A_967 = vector.broadcast %add3A_966 : i32 to vector<16xi32>
        %add3A_968 = arith.addi %and3A_845, %add3A_967 : vector<16xi32>
        %scatter3A_969 = arith.constant 0 : i32
        %scatter3A_970 = arith.constant 0 : i32
        %scatter3A_971 = tpu.memref_slice %arg7[%scan3A_231, %scatter3A_969, %scatter3A_970] : memref<2x64x256xf32, #tpu.memory_space<vmem>> -> memref<1x64x256xf32, #tpu.memory_space<vmem>>
        %scatter3A_972 = tpu.memref_squeeze %scatter3A_971 : memref<1x64x256xf32, #tpu.memory_space<vmem>> -> memref<64x256xf32, #tpu.memory_space<vmem>>
        tpu.vector_store_idx %scatter3A_972[%add3A_968, %add3A_309], %gather3A_853 : memref<64x256xf32, #tpu.memory_space<vmem>>[vector<16xi32>, vector<16xi32>], vector<16xf32>,
        %add3A_973 = arith.constant 16 : i32
        %add3A_974 = vector.broadcast %add3A_973 : i32 to vector<16xi32>
        %add3A_975 = arith.addi %and3A_859, %add3A_974 : vector<16xi32>
        %scatter3A_976 = arith.constant 0 : i32
        %scatter3A_977 = arith.constant 0 : i32
        %scatter3A_978 = tpu.memref_slice %arg7[%scan3A_231, %scatter3A_976, %scatter3A_977] : memref<2x64x256xf32, #tpu.memory_space<vmem>> -> memref<1x64x256xf32, #tpu.memory_space<vmem>>
        %scatter3A_979 = tpu.memref_squeeze %scatter3A_978 : memref<1x64x256xf32, #tpu.memory_space<vmem>> -> memref<64x256xf32, #tpu.memory_space<vmem>>
        tpu.vector_store_idx %scatter3A_979[%add3A_975, %add3A_309], %gather3A_867 : memref<64x256xf32, #tpu.memory_space<vmem>>[vector<16xi32>, vector<16xi32>], vector<16xf32>,
        %add3A_980 = arith.constant 0 : i32
        %add3A_981 = vector.broadcast %add3A_980 : i32 to vector<16xi32>
        %add3A_982 = arith.addi %iota3A_228, %add3A_981 : vector<16xi32>
        %and3A_983 = arith.constant 15 : i32
        %and3A_984 = vector.broadcast %and3A_983 : i32 to vector<16xi32>
        %and3A_985 = arith.andi %add3A_982, %and3A_984 : vector<16xi32>
        %add3A_986 = arith.constant 32 : i32
        %add3A_987 = vector.broadcast %add3A_986 : i32 to vector<16xi32>
        %add3A_988 = arith.addi %and3A_985, %add3A_987 : vector<16xi32>
        %gather3A_989 = arith.constant 0 : i32
        %gather3A_990 = arith.constant 0 : i32
        %gather3A_991 = tpu.memref_slice %arg6[%scan3A_230, %gather3A_989, %gather3A_990] : memref<2x256x128xf32, #tpu.memory_space<vmem>> -> memref<1x256x128xf32, #tpu.memory_space<vmem>>
        %gather3A_992 = tpu.memref_squeeze %gather3A_991 : memref<1x256x128xf32, #tpu.memory_space<vmem>> -> memref<256x128xf32, #tpu.memory_space<vmem>>
        %gather3A_993 = tpu.vector_load_idx %gather3A_992[%add3A_309, %add3A_988] : memref<256x128xf32, #tpu.memory_space<vmem>>[vector<16xi32>, vector<16xi32>], vector<16xf32>,
        %add3A_994 = arith.constant 1 : i32
        %add3A_995 = vector.broadcast %add3A_994 : i32 to vector<16xi32>
        %add3A_996 = arith.addi %iota3A_228, %add3A_995 : vector<16xi32>
        %and3A_997 = arith.constant 15 : i32
        %and3A_998 = vector.broadcast %and3A_997 : i32 to vector<16xi32>
        %and3A_999 = arith.andi %add3A_996, %and3A_998 : vector<16xi32>
        %add3A_1000 = arith.constant 32 : i32
        %add3A_1001 = vector.broadcast %add3A_1000 : i32 to vector<16xi32>
        %add3A_1002 = arith.addi %and3A_999, %add3A_1001 : vector<16xi32>
        %gather3A_1003 = arith.constant 0 : i32
        %gather3A_1004 = arith.constant 0 : i32
        %gather3A_1005 = tpu.memref_slice %arg6[%scan3A_230, %gather3A_1003, %gather3A_1004] : memref<2x256x128xf32, #tpu.memory_space<vmem>> -> memref<1x256x128xf32, #tpu.memory_space<vmem>>
        %gather3A_1006 = tpu.memref_squeeze %gather3A_1005 : memref<1x256x128xf32, #tpu.memory_space<vmem>> -> memref<256x128xf32, #tpu.memory_space<vmem>>
        %gather3A_1007 = tpu.vector_load_idx %gather3A_1006[%add3A_309, %add3A_1002] : memref<256x128xf32, #tpu.memory_space<vmem>>[vector<16xi32>, vector<16xi32>], vector<16xf32>,
        %add3A_1008 = arith.constant 2 : i32
        %add3A_1009 = vector.broadcast %add3A_1008 : i32 to vector<16xi32>
        %add3A_1010 = arith.addi %iota3A_228, %add3A_1009 : vector<16xi32>
        %and3A_1011 = arith.constant 15 : i32
        %and3A_1012 = vector.broadcast %and3A_1011 : i32 to vector<16xi32>
        %and3A_1013 = arith.andi %add3A_1010, %and3A_1012 : vector<16xi32>
        %add3A_1014 = arith.constant 32 : i32
        %add3A_1015 = vector.broadcast %add3A_1014 : i32 to vector<16xi32>
        %add3A_1016 = arith.addi %and3A_1013, %add3A_1015 : vector<16xi32>
        %gather3A_1017 = arith.constant 0 : i32
        %gather3A_1018 = arith.constant 0 : i32
        %gather3A_1019 = tpu.memref_slice %arg6[%scan3A_230, %gather3A_1017, %gather3A_1018] : memref<2x256x128xf32, #tpu.memory_space<vmem>> -> memref<1x256x128xf32, #tpu.memory_space<vmem>>
        %gather3A_1020 = tpu.memref_squeeze %gather3A_1019 : memref<1x256x128xf32, #tpu.memory_space<vmem>> -> memref<256x128xf32, #tpu.memory_space<vmem>>
        %gather3A_1021 = tpu.vector_load_idx %gather3A_1020[%add3A_309, %add3A_1016] : memref<256x128xf32, #tpu.memory_space<vmem>>[vector<16xi32>, vector<16xi32>], vector<16xf32>,
        %add3A_1022 = arith.constant 3 : i32
        %add3A_1023 = vector.broadcast %add3A_1022 : i32 to vector<16xi32>
        %add3A_1024 = arith.addi %iota3A_228, %add3A_1023 : vector<16xi32>
        %and3A_1025 = arith.constant 15 : i32
        %and3A_1026 = vector.broadcast %and3A_1025 : i32 to vector<16xi32>
        %and3A_1027 = arith.andi %add3A_1024, %and3A_1026 : vector<16xi32>
        %add3A_1028 = arith.constant 32 : i32
        %add3A_1029 = vector.broadcast %add3A_1028 : i32 to vector<16xi32>
        %add3A_1030 = arith.addi %and3A_1027, %add3A_1029 : vector<16xi32>
        %gather3A_1031 = arith.constant 0 : i32
        %gather3A_1032 = arith.constant 0 : i32
        %gather3A_1033 = tpu.memref_slice %arg6[%scan3A_230, %gather3A_1031, %gather3A_1032] : memref<2x256x128xf32, #tpu.memory_space<vmem>> -> memref<1x256x128xf32, #tpu.memory_space<vmem>>
        %gather3A_1034 = tpu.memref_squeeze %gather3A_1033 : memref<1x256x128xf32, #tpu.memory_space<vmem>> -> memref<256x128xf32, #tpu.memory_space<vmem>>
        %gather3A_1035 = tpu.vector_load_idx %gather3A_1034[%add3A_309, %add3A_1030] : memref<256x128xf32, #tpu.memory_space<vmem>>[vector<16xi32>, vector<16xi32>], vector<16xf32>,
        %add3A_1036 = arith.constant 4 : i32
        %add3A_1037 = vector.broadcast %add3A_1036 : i32 to vector<16xi32>
        %add3A_1038 = arith.addi %iota3A_228, %add3A_1037 : vector<16xi32>
        %and3A_1039 = arith.constant 15 : i32
        %and3A_1040 = vector.broadcast %and3A_1039 : i32 to vector<16xi32>
        %and3A_1041 = arith.andi %add3A_1038, %and3A_1040 : vector<16xi32>
        %add3A_1042 = arith.constant 32 : i32
        %add3A_1043 = vector.broadcast %add3A_1042 : i32 to vector<16xi32>
        %add3A_1044 = arith.addi %and3A_1041, %add3A_1043 : vector<16xi32>
        %gather3A_1045 = arith.constant 0 : i32
        %gather3A_1046 = arith.constant 0 : i32
        %gather3A_1047 = tpu.memref_slice %arg6[%scan3A_230, %gather3A_1045, %gather3A_1046] : memref<2x256x128xf32, #tpu.memory_space<vmem>> -> memref<1x256x128xf32, #tpu.memory_space<vmem>>
        %gather3A_1048 = tpu.memref_squeeze %gather3A_1047 : memref<1x256x128xf32, #tpu.memory_space<vmem>> -> memref<256x128xf32, #tpu.memory_space<vmem>>
        %gather3A_1049 = tpu.vector_load_idx %gather3A_1048[%add3A_309, %add3A_1044] : memref<256x128xf32, #tpu.memory_space<vmem>>[vector<16xi32>, vector<16xi32>], vector<16xf32>,
        %add3A_1050 = arith.constant 5 : i32
        %add3A_1051 = vector.broadcast %add3A_1050 : i32 to vector<16xi32>
        %add3A_1052 = arith.addi %iota3A_228, %add3A_1051 : vector<16xi32>
        %and3A_1053 = arith.constant 15 : i32
        %and3A_1054 = vector.broadcast %and3A_1053 : i32 to vector<16xi32>
        %and3A_1055 = arith.andi %add3A_1052, %and3A_1054 : vector<16xi32>
        %add3A_1056 = arith.constant 32 : i32
        %add3A_1057 = vector.broadcast %add3A_1056 : i32 to vector<16xi32>
        %add3A_1058 = arith.addi %and3A_1055, %add3A_1057 : vector<16xi32>
        %gather3A_1059 = arith.constant 0 : i32
        %gather3A_1060 = arith.constant 0 : i32
        %gather3A_1061 = tpu.memref_slice %arg6[%scan3A_230, %gather3A_1059, %gather3A_1060] : memref<2x256x128xf32, #tpu.memory_space<vmem>> -> memref<1x256x128xf32, #tpu.memory_space<vmem>>
        %gather3A_1062 = tpu.memref_squeeze %gather3A_1061 : memref<1x256x128xf32, #tpu.memory_space<vmem>> -> memref<256x128xf32, #tpu.memory_space<vmem>>
        %gather3A_1063 = tpu.vector_load_idx %gather3A_1062[%add3A_309, %add3A_1058] : memref<256x128xf32, #tpu.memory_space<vmem>>[vector<16xi32>, vector<16xi32>], vector<16xf32>,
        %add3A_1064 = arith.constant 6 : i32
        %add3A_1065 = vector.broadcast %add3A_1064 : i32 to vector<16xi32>
        %add3A_1066 = arith.addi %iota3A_228, %add3A_1065 : vector<16xi32>
        %and3A_1067 = arith.constant 15 : i32
        %and3A_1068 = vector.broadcast %and3A_1067 : i32 to vector<16xi32>
        %and3A_1069 = arith.andi %add3A_1066, %and3A_1068 : vector<16xi32>
        %add3A_1070 = arith.constant 32 : i32
        %add3A_1071 = vector.broadcast %add3A_1070 : i32 to vector<16xi32>
        %add3A_1072 = arith.addi %and3A_1069, %add3A_1071 : vector<16xi32>
        %gather3A_1073 = arith.constant 0 : i32
        %gather3A_1074 = arith.constant 0 : i32
        %gather3A_1075 = tpu.memref_slice %arg6[%scan3A_230, %gather3A_1073, %gather3A_1074] : memref<2x256x128xf32, #tpu.memory_space<vmem>> -> memref<1x256x128xf32, #tpu.memory_space<vmem>>
        %gather3A_1076 = tpu.memref_squeeze %gather3A_1075 : memref<1x256x128xf32, #tpu.memory_space<vmem>> -> memref<256x128xf32, #tpu.memory_space<vmem>>
        %gather3A_1077 = tpu.vector_load_idx %gather3A_1076[%add3A_309, %add3A_1072] : memref<256x128xf32, #tpu.memory_space<vmem>>[vector<16xi32>, vector<16xi32>], vector<16xf32>,
        %add3A_1078 = arith.constant 7 : i32
        %add3A_1079 = vector.broadcast %add3A_1078 : i32 to vector<16xi32>
        %add3A_1080 = arith.addi %iota3A_228, %add3A_1079 : vector<16xi32>
        %and3A_1081 = arith.constant 15 : i32
        %and3A_1082 = vector.broadcast %and3A_1081 : i32 to vector<16xi32>
        %and3A_1083 = arith.andi %add3A_1080, %and3A_1082 : vector<16xi32>
        %add3A_1084 = arith.constant 32 : i32
        %add3A_1085 = vector.broadcast %add3A_1084 : i32 to vector<16xi32>
        %add3A_1086 = arith.addi %and3A_1083, %add3A_1085 : vector<16xi32>
        %gather3A_1087 = arith.constant 0 : i32
        %gather3A_1088 = arith.constant 0 : i32
        %gather3A_1089 = tpu.memref_slice %arg6[%scan3A_230, %gather3A_1087, %gather3A_1088] : memref<2x256x128xf32, #tpu.memory_space<vmem>> -> memref<1x256x128xf32, #tpu.memory_space<vmem>>
        %gather3A_1090 = tpu.memref_squeeze %gather3A_1089 : memref<1x256x128xf32, #tpu.memory_space<vmem>> -> memref<256x128xf32, #tpu.memory_space<vmem>>
        %gather3A_1091 = tpu.vector_load_idx %gather3A_1090[%add3A_309, %add3A_1086] : memref<256x128xf32, #tpu.memory_space<vmem>>[vector<16xi32>, vector<16xi32>], vector<16xf32>,
        %add3A_1092 = arith.constant 8 : i32
        %add3A_1093 = vector.broadcast %add3A_1092 : i32 to vector<16xi32>
        %add3A_1094 = arith.addi %iota3A_228, %add3A_1093 : vector<16xi32>
        %and3A_1095 = arith.constant 15 : i32
        %and3A_1096 = vector.broadcast %and3A_1095 : i32 to vector<16xi32>
        %and3A_1097 = arith.andi %add3A_1094, %and3A_1096 : vector<16xi32>
        %add3A_1098 = arith.constant 32 : i32
        %add3A_1099 = vector.broadcast %add3A_1098 : i32 to vector<16xi32>
        %add3A_1100 = arith.addi %and3A_1097, %add3A_1099 : vector<16xi32>
        %gather3A_1101 = arith.constant 0 : i32
        %gather3A_1102 = arith.constant 0 : i32
        %gather3A_1103 = tpu.memref_slice %arg6[%scan3A_230, %gather3A_1101, %gather3A_1102] : memref<2x256x128xf32, #tpu.memory_space<vmem>> -> memref<1x256x128xf32, #tpu.memory_space<vmem>>
        %gather3A_1104 = tpu.memref_squeeze %gather3A_1103 : memref<1x256x128xf32, #tpu.memory_space<vmem>> -> memref<256x128xf32, #tpu.memory_space<vmem>>
        %gather3A_1105 = tpu.vector_load_idx %gather3A_1104[%add3A_309, %add3A_1100] : memref<256x128xf32, #tpu.memory_space<vmem>>[vector<16xi32>, vector<16xi32>], vector<16xf32>,
        %add3A_1106 = arith.constant 9 : i32
        %add3A_1107 = vector.broadcast %add3A_1106 : i32 to vector<16xi32>
        %add3A_1108 = arith.addi %iota3A_228, %add3A_1107 : vector<16xi32>
        %and3A_1109 = arith.constant 15 : i32
        %and3A_1110 = vector.broadcast %and3A_1109 : i32 to vector<16xi32>
        %and3A_1111 = arith.andi %add3A_1108, %and3A_1110 : vector<16xi32>
        %add3A_1112 = arith.constant 32 : i32
        %add3A_1113 = vector.broadcast %add3A_1112 : i32 to vector<16xi32>
        %add3A_1114 = arith.addi %and3A_1111, %add3A_1113 : vector<16xi32>
        %gather3A_1115 = arith.constant 0 : i32
        %gather3A_1116 = arith.constant 0 : i32
        %gather3A_1117 = tpu.memref_slice %arg6[%scan3A_230, %gather3A_1115, %gather3A_1116] : memref<2x256x128xf32, #tpu.memory_space<vmem>> -> memref<1x256x128xf32, #tpu.memory_space<vmem>>
        %gather3A_1118 = tpu.memref_squeeze %gather3A_1117 : memref<1x256x128xf32, #tpu.memory_space<vmem>> -> memref<256x128xf32, #tpu.memory_space<vmem>>
        %gather3A_1119 = tpu.vector_load_idx %gather3A_1118[%add3A_309, %add3A_1114] : memref<256x128xf32, #tpu.memory_space<vmem>>[vector<16xi32>, vector<16xi32>], vector<16xf32>,
        %add3A_1120 = arith.constant 10 : i32
        %add3A_1121 = vector.broadcast %add3A_1120 : i32 to vector<16xi32>
        %add3A_1122 = arith.addi %iota3A_228, %add3A_1121 : vector<16xi32>
        %and3A_1123 = arith.constant 15 : i32
        %and3A_1124 = vector.broadcast %and3A_1123 : i32 to vector<16xi32>
        %and3A_1125 = arith.andi %add3A_1122, %and3A_1124 : vector<16xi32>
        %add3A_1126 = arith.constant 32 : i32
        %add3A_1127 = vector.broadcast %add3A_1126 : i32 to vector<16xi32>
        %add3A_1128 = arith.addi %and3A_1125, %add3A_1127 : vector<16xi32>
        %gather3A_1129 = arith.constant 0 : i32
        %gather3A_1130 = arith.constant 0 : i32
        %gather3A_1131 = tpu.memref_slice %arg6[%scan3A_230, %gather3A_1129, %gather3A_1130] : memref<2x256x128xf32, #tpu.memory_space<vmem>> -> memref<1x256x128xf32, #tpu.memory_space<vmem>>
        %gather3A_1132 = tpu.memref_squeeze %gather3A_1131 : memref<1x256x128xf32, #tpu.memory_space<vmem>> -> memref<256x128xf32, #tpu.memory_space<vmem>>
        %gather3A_1133 = tpu.vector_load_idx %gather3A_1132[%add3A_309, %add3A_1128] : memref<256x128xf32, #tpu.memory_space<vmem>>[vector<16xi32>, vector<16xi32>], vector<16xf32>,
        %add3A_1134 = arith.constant 11 : i32
        %add3A_1135 = vector.broadcast %add3A_1134 : i32 to vector<16xi32>
        %add3A_1136 = arith.addi %iota3A_228, %add3A_1135 : vector<16xi32>
        %and3A_1137 = arith.constant 15 : i32
        %and3A_1138 = vector.broadcast %and3A_1137 : i32 to vector<16xi32>
        %and3A_1139 = arith.andi %add3A_1136, %and3A_1138 : vector<16xi32>
        %add3A_1140 = arith.constant 32 : i32
        %add3A_1141 = vector.broadcast %add3A_1140 : i32 to vector<16xi32>
        %add3A_1142 = arith.addi %and3A_1139, %add3A_1141 : vector<16xi32>
        %gather3A_1143 = arith.constant 0 : i32
        %gather3A_1144 = arith.constant 0 : i32
        %gather3A_1145 = tpu.memref_slice %arg6[%scan3A_230, %gather3A_1143, %gather3A_1144] : memref<2x256x128xf32, #tpu.memory_space<vmem>> -> memref<1x256x128xf32, #tpu.memory_space<vmem>>
        %gather3A_1146 = tpu.memref_squeeze %gather3A_1145 : memref<1x256x128xf32, #tpu.memory_space<vmem>> -> memref<256x128xf32, #tpu.memory_space<vmem>>
        %gather3A_1147 = tpu.vector_load_idx %gather3A_1146[%add3A_309, %add3A_1142] : memref<256x128xf32, #tpu.memory_space<vmem>>[vector<16xi32>, vector<16xi32>], vector<16xf32>,
        %add3A_1148 = arith.constant 12 : i32
        %add3A_1149 = vector.broadcast %add3A_1148 : i32 to vector<16xi32>
        %add3A_1150 = arith.addi %iota3A_228, %add3A_1149 : vector<16xi32>
        %and3A_1151 = arith.constant 15 : i32
        %and3A_1152 = vector.broadcast %and3A_1151 : i32 to vector<16xi32>
        %and3A_1153 = arith.andi %add3A_1150, %and3A_1152 : vector<16xi32>
        %add3A_1154 = arith.constant 32 : i32
        %add3A_1155 = vector.broadcast %add3A_1154 : i32 to vector<16xi32>
        %add3A_1156 = arith.addi %and3A_1153, %add3A_1155 : vector<16xi32>
        %gather3A_1157 = arith.constant 0 : i32
        %gather3A_1158 = arith.constant 0 : i32
        %gather3A_1159 = tpu.memref_slice %arg6[%scan3A_230, %gather3A_1157, %gather3A_1158] : memref<2x256x128xf32, #tpu.memory_space<vmem>> -> memref<1x256x128xf32, #tpu.memory_space<vmem>>
        %gather3A_1160 = tpu.memref_squeeze %gather3A_1159 : memref<1x256x128xf32, #tpu.memory_space<vmem>> -> memref<256x128xf32, #tpu.memory_space<vmem>>
        %gather3A_1161 = tpu.vector_load_idx %gather3A_1160[%add3A_309, %add3A_1156] : memref<256x128xf32, #tpu.memory_space<vmem>>[vector<16xi32>, vector<16xi32>], vector<16xf32>,
        %add3A_1162 = arith.constant 13 : i32
        %add3A_1163 = vector.broadcast %add3A_1162 : i32 to vector<16xi32>
        %add3A_1164 = arith.addi %iota3A_228, %add3A_1163 : vector<16xi32>
        %and3A_1165 = arith.constant 15 : i32
        %and3A_1166 = vector.broadcast %and3A_1165 : i32 to vector<16xi32>
        %and3A_1167 = arith.andi %add3A_1164, %and3A_1166 : vector<16xi32>
        %add3A_1168 = arith.constant 32 : i32
        %add3A_1169 = vector.broadcast %add3A_1168 : i32 to vector<16xi32>
        %add3A_1170 = arith.addi %and3A_1167, %add3A_1169 : vector<16xi32>
        %gather3A_1171 = arith.constant 0 : i32
        %gather3A_1172 = arith.constant 0 : i32
        %gather3A_1173 = tpu.memref_slice %arg6[%scan3A_230, %gather3A_1171, %gather3A_1172] : memref<2x256x128xf32, #tpu.memory_space<vmem>> -> memref<1x256x128xf32, #tpu.memory_space<vmem>>
        %gather3A_1174 = tpu.memref_squeeze %gather3A_1173 : memref<1x256x128xf32, #tpu.memory_space<vmem>> -> memref<256x128xf32, #tpu.memory_space<vmem>>
        %gather3A_1175 = tpu.vector_load_idx %gather3A_1174[%add3A_309, %add3A_1170] : memref<256x128xf32, #tpu.memory_space<vmem>>[vector<16xi32>, vector<16xi32>], vector<16xf32>,
        %add3A_1176 = arith.constant 14 : i32
        %add3A_1177 = vector.broadcast %add3A_1176 : i32 to vector<16xi32>
        %add3A_1178 = arith.addi %iota3A_228, %add3A_1177 : vector<16xi32>
        %and3A_1179 = arith.constant 15 : i32
        %and3A_1180 = vector.broadcast %and3A_1179 : i32 to vector<16xi32>
        %and3A_1181 = arith.andi %add3A_1178, %and3A_1180 : vector<16xi32>
        %add3A_1182 = arith.constant 32 : i32
        %add3A_1183 = vector.broadcast %add3A_1182 : i32 to vector<16xi32>
        %add3A_1184 = arith.addi %and3A_1181, %add3A_1183 : vector<16xi32>
        %gather3A_1185 = arith.constant 0 : i32
        %gather3A_1186 = arith.constant 0 : i32
        %gather3A_1187 = tpu.memref_slice %arg6[%scan3A_230, %gather3A_1185, %gather3A_1186] : memref<2x256x128xf32, #tpu.memory_space<vmem>> -> memref<1x256x128xf32, #tpu.memory_space<vmem>>
        %gather3A_1188 = tpu.memref_squeeze %gather3A_1187 : memref<1x256x128xf32, #tpu.memory_space<vmem>> -> memref<256x128xf32, #tpu.memory_space<vmem>>
        %gather3A_1189 = tpu.vector_load_idx %gather3A_1188[%add3A_309, %add3A_1184] : memref<256x128xf32, #tpu.memory_space<vmem>>[vector<16xi32>, vector<16xi32>], vector<16xf32>,
        %add3A_1190 = arith.constant 15 : i32
        %add3A_1191 = vector.broadcast %add3A_1190 : i32 to vector<16xi32>
        %add3A_1192 = arith.addi %iota3A_228, %add3A_1191 : vector<16xi32>
        %and3A_1193 = arith.constant 15 : i32
        %and3A_1194 = vector.broadcast %and3A_1193 : i32 to vector<16xi32>
        %and3A_1195 = arith.andi %add3A_1192, %and3A_1194 : vector<16xi32>
        %add3A_1196 = arith.constant 32 : i32
        %add3A_1197 = vector.broadcast %add3A_1196 : i32 to vector<16xi32>
        %add3A_1198 = arith.addi %and3A_1195, %add3A_1197 : vector<16xi32>
        %gather3A_1199 = arith.constant 0 : i32
        %gather3A_1200 = arith.constant 0 : i32
        %gather3A_1201 = tpu.memref_slice %arg6[%scan3A_230, %gather3A_1199, %gather3A_1200] : memref<2x256x128xf32, #tpu.memory_space<vmem>> -> memref<1x256x128xf32, #tpu.memory_space<vmem>>
        %gather3A_1202 = tpu.memref_squeeze %gather3A_1201 : memref<1x256x128xf32, #tpu.memory_space<vmem>> -> memref<256x128xf32, #tpu.memory_space<vmem>>
        %gather3A_1203 = tpu.vector_load_idx %gather3A_1202[%add3A_309, %add3A_1198] : memref<256x128xf32, #tpu.memory_space<vmem>>[vector<16xi32>, vector<16xi32>], vector<16xf32>,
        %add3A_1204 = arith.constant 32 : i32
        %add3A_1205 = vector.broadcast %add3A_1204 : i32 to vector<16xi32>
        %add3A_1206 = arith.addi %and3A_985, %add3A_1205 : vector<16xi32>
        %scatter3A_1207 = arith.constant 0 : i32
        %scatter3A_1208 = arith.constant 0 : i32
        %scatter3A_1209 = tpu.memref_slice %arg7[%scan3A_231, %scatter3A_1207, %scatter3A_1208] : memref<2x64x256xf32, #tpu.memory_space<vmem>> -> memref<1x64x256xf32, #tpu.memory_space<vmem>>
        %scatter3A_1210 = tpu.memref_squeeze %scatter3A_1209 : memref<1x64x256xf32, #tpu.memory_space<vmem>> -> memref<64x256xf32, #tpu.memory_space<vmem>>
        tpu.vector_store_idx %scatter3A_1210[%add3A_1206, %add3A_309], %gather3A_993 : memref<64x256xf32, #tpu.memory_space<vmem>>[vector<16xi32>, vector<16xi32>], vector<16xf32>,
        %add3A_1211 = arith.constant 32 : i32
        %add3A_1212 = vector.broadcast %add3A_1211 : i32 to vector<16xi32>
        %add3A_1213 = arith.addi %and3A_999, %add3A_1212 : vector<16xi32>
        %scatter3A_1214 = arith.constant 0 : i32
        %scatter3A_1215 = arith.constant 0 : i32
        %scatter3A_1216 = tpu.memref_slice %arg7[%scan3A_231, %scatter3A_1214, %scatter3A_1215] : memref<2x64x256xf32, #tpu.memory_space<vmem>> -> memref<1x64x256xf32, #tpu.memory_space<vmem>>
        %scatter3A_1217 = tpu.memref_squeeze %scatter3A_1216 : memref<1x64x256xf32, #tpu.memory_space<vmem>> -> memref<64x256xf32, #tpu.memory_space<vmem>>
        tpu.vector_store_idx %scatter3A_1217[%add3A_1213, %add3A_309], %gather3A_1007 : memref<64x256xf32, #tpu.memory_space<vmem>>[vector<16xi32>, vector<16xi32>], vector<16xf32>,
        %add3A_1218 = arith.constant 32 : i32
        %add3A_1219 = vector.broadcast %add3A_1218 : i32 to vector<16xi32>
        %add3A_1220 = arith.addi %and3A_1013, %add3A_1219 : vector<16xi32>
        %scatter3A_1221 = arith.constant 0 : i32
        %scatter3A_1222 = arith.constant 0 : i32
        %scatter3A_1223 = tpu.memref_slice %arg7[%scan3A_231, %scatter3A_1221, %scatter3A_1222] : memref<2x64x256xf32, #tpu.memory_space<vmem>> -> memref<1x64x256xf32, #tpu.memory_space<vmem>>
        %scatter3A_1224 = tpu.memref_squeeze %scatter3A_1223 : memref<1x64x256xf32, #tpu.memory_space<vmem>> -> memref<64x256xf32, #tpu.memory_space<vmem>>
        tpu.vector_store_idx %scatter3A_1224[%add3A_1220, %add3A_309], %gather3A_1021 : memref<64x256xf32, #tpu.memory_space<vmem>>[vector<16xi32>, vector<16xi32>], vector<16xf32>,
        %add3A_1225 = arith.constant 32 : i32
        %add3A_1226 = vector.broadcast %add3A_1225 : i32 to vector<16xi32>
        %add3A_1227 = arith.addi %and3A_1027, %add3A_1226 : vector<16xi32>
        %scatter3A_1228 = arith.constant 0 : i32
        %scatter3A_1229 = arith.constant 0 : i32
        %scatter3A_1230 = tpu.memref_slice %arg7[%scan3A_231, %scatter3A_1228, %scatter3A_1229] : memref<2x64x256xf32, #tpu.memory_space<vmem>> -> memref<1x64x256xf32, #tpu.memory_space<vmem>>
        %scatter3A_1231 = tpu.memref_squeeze %scatter3A_1230 : memref<1x64x256xf32, #tpu.memory_space<vmem>> -> memref<64x256xf32, #tpu.memory_space<vmem>>
        tpu.vector_store_idx %scatter3A_1231[%add3A_1227, %add3A_309], %gather3A_1035 : memref<64x256xf32, #tpu.memory_space<vmem>>[vector<16xi32>, vector<16xi32>], vector<16xf32>,
        %add3A_1232 = arith.constant 32 : i32
        %add3A_1233 = vector.broadcast %add3A_1232 : i32 to vector<16xi32>
        %add3A_1234 = arith.addi %and3A_1041, %add3A_1233 : vector<16xi32>
        %scatter3A_1235 = arith.constant 0 : i32
        %scatter3A_1236 = arith.constant 0 : i32
        %scatter3A_1237 = tpu.memref_slice %arg7[%scan3A_231, %scatter3A_1235, %scatter3A_1236] : memref<2x64x256xf32, #tpu.memory_space<vmem>> -> memref<1x64x256xf32, #tpu.memory_space<vmem>>
        %scatter3A_1238 = tpu.memref_squeeze %scatter3A_1237 : memref<1x64x256xf32, #tpu.memory_space<vmem>> -> memref<64x256xf32, #tpu.memory_space<vmem>>
        tpu.vector_store_idx %scatter3A_1238[%add3A_1234, %add3A_309], %gather3A_1049 : memref<64x256xf32, #tpu.memory_space<vmem>>[vector<16xi32>, vector<16xi32>], vector<16xf32>,
        %add3A_1239 = arith.constant 32 : i32
        %add3A_1240 = vector.broadcast %add3A_1239 : i32 to vector<16xi32>
        %add3A_1241 = arith.addi %and3A_1055, %add3A_1240 : vector<16xi32>
        %scatter3A_1242 = arith.constant 0 : i32
        %scatter3A_1243 = arith.constant 0 : i32
        %scatter3A_1244 = tpu.memref_slice %arg7[%scan3A_231, %scatter3A_1242, %scatter3A_1243] : memref<2x64x256xf32, #tpu.memory_space<vmem>> -> memref<1x64x256xf32, #tpu.memory_space<vmem>>
        %scatter3A_1245 = tpu.memref_squeeze %scatter3A_1244 : memref<1x64x256xf32, #tpu.memory_space<vmem>> -> memref<64x256xf32, #tpu.memory_space<vmem>>
        tpu.vector_store_idx %scatter3A_1245[%add3A_1241, %add3A_309], %gather3A_1063 : memref<64x256xf32, #tpu.memory_space<vmem>>[vector<16xi32>, vector<16xi32>], vector<16xf32>,
        %add3A_1246 = arith.constant 32 : i32
        %add3A_1247 = vector.broadcast %add3A_1246 : i32 to vector<16xi32>
        %add3A_1248 = arith.addi %and3A_1069, %add3A_1247 : vector<16xi32>
        %scatter3A_1249 = arith.constant 0 : i32
        %scatter3A_1250 = arith.constant 0 : i32
        %scatter3A_1251 = tpu.memref_slice %arg7[%scan3A_231, %scatter3A_1249, %scatter3A_1250] : memref<2x64x256xf32, #tpu.memory_space<vmem>> -> memref<1x64x256xf32, #tpu.memory_space<vmem>>
        %scatter3A_1252 = tpu.memref_squeeze %scatter3A_1251 : memref<1x64x256xf32, #tpu.memory_space<vmem>> -> memref<64x256xf32, #tpu.memory_space<vmem>>
        tpu.vector_store_idx %scatter3A_1252[%add3A_1248, %add3A_309], %gather3A_1077 : memref<64x256xf32, #tpu.memory_space<vmem>>[vector<16xi32>, vector<16xi32>], vector<16xf32>,
        %add3A_1253 = arith.constant 32 : i32
        %add3A_1254 = vector.broadcast %add3A_1253 : i32 to vector<16xi32>
        %add3A_1255 = arith.addi %and3A_1083, %add3A_1254 : vector<16xi32>
        %scatter3A_1256 = arith.constant 0 : i32
        %scatter3A_1257 = arith.constant 0 : i32
        %scatter3A_1258 = tpu.memref_slice %arg7[%scan3A_231, %scatter3A_1256, %scatter3A_1257] : memref<2x64x256xf32, #tpu.memory_space<vmem>> -> memref<1x64x256xf32, #tpu.memory_space<vmem>>
        %scatter3A_1259 = tpu.memref_squeeze %scatter3A_1258 : memref<1x64x256xf32, #tpu.memory_space<vmem>> -> memref<64x256xf32, #tpu.memory_space<vmem>>
        tpu.vector_store_idx %scatter3A_1259[%add3A_1255, %add3A_309], %gather3A_1091 : memref<64x256xf32, #tpu.memory_space<vmem>>[vector<16xi32>, vector<16xi32>], vector<16xf32>,
        %add3A_1260 = arith.constant 32 : i32
        %add3A_1261 = vector.broadcast %add3A_1260 : i32 to vector<16xi32>
        %add3A_1262 = arith.addi %and3A_1097, %add3A_1261 : vector<16xi32>
        %scatter3A_1263 = arith.constant 0 : i32
        %scatter3A_1264 = arith.constant 0 : i32
        %scatter3A_1265 = tpu.memref_slice %arg7[%scan3A_231, %scatter3A_1263, %scatter3A_1264] : memref<2x64x256xf32, #tpu.memory_space<vmem>> -> memref<1x64x256xf32, #tpu.memory_space<vmem>>
        %scatter3A_1266 = tpu.memref_squeeze %scatter3A_1265 : memref<1x64x256xf32, #tpu.memory_space<vmem>> -> memref<64x256xf32, #tpu.memory_space<vmem>>
        tpu.vector_store_idx %scatter3A_1266[%add3A_1262, %add3A_309], %gather3A_1105 : memref<64x256xf32, #tpu.memory_space<vmem>>[vector<16xi32>, vector<16xi32>], vector<16xf32>,
        %add3A_1267 = arith.constant 32 : i32
        %add3A_1268 = vector.broadcast %add3A_1267 : i32 to vector<16xi32>
        %add3A_1269 = arith.addi %and3A_1111, %add3A_1268 : vector<16xi32>
        %scatter3A_1270 = arith.constant 0 : i32
        %scatter3A_1271 = arith.constant 0 : i32
        %scatter3A_1272 = tpu.memref_slice %arg7[%scan3A_231, %scatter3A_1270, %scatter3A_1271] : memref<2x64x256xf32, #tpu.memory_space<vmem>> -> memref<1x64x256xf32, #tpu.memory_space<vmem>>
        %scatter3A_1273 = tpu.memref_squeeze %scatter3A_1272 : memref<1x64x256xf32, #tpu.memory_space<vmem>> -> memref<64x256xf32, #tpu.memory_space<vmem>>
        tpu.vector_store_idx %scatter3A_1273[%add3A_1269, %add3A_309], %gather3A_1119 : memref<64x256xf32, #tpu.memory_space<vmem>>[vector<16xi32>, vector<16xi32>], vector<16xf32>,
        %add3A_1274 = arith.constant 32 : i32
        %add3A_1275 = vector.broadcast %add3A_1274 : i32 to vector<16xi32>
        %add3A_1276 = arith.addi %and3A_1125, %add3A_1275 : vector<16xi32>
        %scatter3A_1277 = arith.constant 0 : i32
        %scatter3A_1278 = arith.constant 0 : i32
        %scatter3A_1279 = tpu.memref_slice %arg7[%scan3A_231, %scatter3A_1277, %scatter3A_1278] : memref<2x64x256xf32, #tpu.memory_space<vmem>> -> memref<1x64x256xf32, #tpu.memory_space<vmem>>
        %scatter3A_1280 = tpu.memref_squeeze %scatter3A_1279 : memref<1x64x256xf32, #tpu.memory_space<vmem>> -> memref<64x256xf32, #tpu.memory_space<vmem>>
        tpu.vector_store_idx %scatter3A_1280[%add3A_1276, %add3A_309], %gather3A_1133 : memref<64x256xf32, #tpu.memory_space<vmem>>[vector<16xi32>, vector<16xi32>], vector<16xf32>,
        %add3A_1281 = arith.constant 32 : i32
        %add3A_1282 = vector.broadcast %add3A_1281 : i32 to vector<16xi32>
        %add3A_1283 = arith.addi %and3A_1139, %add3A_1282 : vector<16xi32>
        %scatter3A_1284 = arith.constant 0 : i32
        %scatter3A_1285 = arith.constant 0 : i32
        %scatter3A_1286 = tpu.memref_slice %arg7[%scan3A_231, %scatter3A_1284, %scatter3A_1285] : memref<2x64x256xf32, #tpu.memory_space<vmem>> -> memref<1x64x256xf32, #tpu.memory_space<vmem>>
        %scatter3A_1287 = tpu.memref_squeeze %scatter3A_1286 : memref<1x64x256xf32, #tpu.memory_space<vmem>> -> memref<64x256xf32, #tpu.memory_space<vmem>>
        tpu.vector_store_idx %scatter3A_1287[%add3A_1283, %add3A_309], %gather3A_1147 : memref<64x256xf32, #tpu.memory_space<vmem>>[vector<16xi32>, vector<16xi32>], vector<16xf32>,
        %add3A_1288 = arith.constant 32 : i32
        %add3A_1289 = vector.broadcast %add3A_1288 : i32 to vector<16xi32>
        %add3A_1290 = arith.addi %and3A_1153, %add3A_1289 : vector<16xi32>
        %scatter3A_1291 = arith.constant 0 : i32
        %scatter3A_1292 = arith.constant 0 : i32
        %scatter3A_1293 = tpu.memref_slice %arg7[%scan3A_231, %scatter3A_1291, %scatter3A_1292] : memref<2x64x256xf32, #tpu.memory_space<vmem>> -> memref<1x64x256xf32, #tpu.memory_space<vmem>>
        %scatter3A_1294 = tpu.memref_squeeze %scatter3A_1293 : memref<1x64x256xf32, #tpu.memory_space<vmem>> -> memref<64x256xf32, #tpu.memory_space<vmem>>
        tpu.vector_store_idx %scatter3A_1294[%add3A_1290, %add3A_309], %gather3A_1161 : memref<64x256xf32, #tpu.memory_space<vmem>>[vector<16xi32>, vector<16xi32>], vector<16xf32>,
        %add3A_1295 = arith.constant 32 : i32
        %add3A_1296 = vector.broadcast %add3A_1295 : i32 to vector<16xi32>
        %add3A_1297 = arith.addi %and3A_1167, %add3A_1296 : vector<16xi32>
        %scatter3A_1298 = arith.constant 0 : i32
        %scatter3A_1299 = arith.constant 0 : i32
        %scatter3A_1300 = tpu.memref_slice %arg7[%scan3A_231, %scatter3A_1298, %scatter3A_1299] : memref<2x64x256xf32, #tpu.memory_space<vmem>> -> memref<1x64x256xf32, #tpu.memory_space<vmem>>
        %scatter3A_1301 = tpu.memref_squeeze %scatter3A_1300 : memref<1x64x256xf32, #tpu.memory_space<vmem>> -> memref<64x256xf32, #tpu.memory_space<vmem>>
        tpu.vector_store_idx %scatter3A_1301[%add3A_1297, %add3A_309], %gather3A_1175 : memref<64x256xf32, #tpu.memory_space<vmem>>[vector<16xi32>, vector<16xi32>], vector<16xf32>,
        %add3A_1302 = arith.constant 32 : i32
        %add3A_1303 = vector.broadcast %add3A_1302 : i32 to vector<16xi32>
        %add3A_1304 = arith.addi %and3A_1181, %add3A_1303 : vector<16xi32>
        %scatter3A_1305 = arith.constant 0 : i32
        %scatter3A_1306 = arith.constant 0 : i32
        %scatter3A_1307 = tpu.memref_slice %arg7[%scan3A_231, %scatter3A_1305, %scatter3A_1306] : memref<2x64x256xf32, #tpu.memory_space<vmem>> -> memref<1x64x256xf32, #tpu.memory_space<vmem>>
        %scatter3A_1308 = tpu.memref_squeeze %scatter3A_1307 : memref<1x64x256xf32, #tpu.memory_space<vmem>> -> memref<64x256xf32, #tpu.memory_space<vmem>>
        tpu.vector_store_idx %scatter3A_1308[%add3A_1304, %add3A_309], %gather3A_1189 : memref<64x256xf32, #tpu.memory_space<vmem>>[vector<16xi32>, vector<16xi32>], vector<16xf32>,
        %add3A_1309 = arith.constant 32 : i32
        %add3A_1310 = vector.broadcast %add3A_1309 : i32 to vector<16xi32>
        %add3A_1311 = arith.addi %and3A_1195, %add3A_1310 : vector<16xi32>
        %scatter3A_1312 = arith.constant 0 : i32
        %scatter3A_1313 = arith.constant 0 : i32
        %scatter3A_1314 = tpu.memref_slice %arg7[%scan3A_231, %scatter3A_1312, %scatter3A_1313] : memref<2x64x256xf32, #tpu.memory_space<vmem>> -> memref<1x64x256xf32, #tpu.memory_space<vmem>>
        %scatter3A_1315 = tpu.memref_squeeze %scatter3A_1314 : memref<1x64x256xf32, #tpu.memory_space<vmem>> -> memref<64x256xf32, #tpu.memory_space<vmem>>
        tpu.vector_store_idx %scatter3A_1315[%add3A_1311, %add3A_309], %gather3A_1203 : memref<64x256xf32, #tpu.memory_space<vmem>>[vector<16xi32>, vector<16xi32>], vector<16xf32>,
        %add3A_1316 = arith.constant 0 : i32
        %add3A_1317 = vector.broadcast %add3A_1316 : i32 to vector<16xi32>
        %add3A_1318 = arith.addi %iota3A_228, %add3A_1317 : vector<16xi32>
        %and3A_1319 = arith.constant 15 : i32
        %and3A_1320 = vector.broadcast %and3A_1319 : i32 to vector<16xi32>
        %and3A_1321 = arith.andi %add3A_1318, %and3A_1320 : vector<16xi32>
        %add3A_1322 = arith.constant 48 : i32
        %add3A_1323 = vector.broadcast %add3A_1322 : i32 to vector<16xi32>
        %add3A_1324 = arith.addi %and3A_1321, %add3A_1323 : vector<16xi32>
        %gather3A_1325 = arith.constant 0 : i32
        %gather3A_1326 = arith.constant 0 : i32
        %gather3A_1327 = tpu.memref_slice %arg6[%scan3A_230, %gather3A_1325, %gather3A_1326] : memref<2x256x128xf32, #tpu.memory_space<vmem>> -> memref<1x256x128xf32, #tpu.memory_space<vmem>>
        %gather3A_1328 = tpu.memref_squeeze %gather3A_1327 : memref<1x256x128xf32, #tpu.memory_space<vmem>> -> memref<256x128xf32, #tpu.memory_space<vmem>>
        %gather3A_1329 = tpu.vector_load_idx %gather3A_1328[%add3A_309, %add3A_1324] : memref<256x128xf32, #tpu.memory_space<vmem>>[vector<16xi32>, vector<16xi32>], vector<16xf32>,
        %add3A_1330 = arith.constant 1 : i32
        %add3A_1331 = vector.broadcast %add3A_1330 : i32 to vector<16xi32>
        %add3A_1332 = arith.addi %iota3A_228, %add3A_1331 : vector<16xi32>
        %and3A_1333 = arith.constant 15 : i32
        %and3A_1334 = vector.broadcast %and3A_1333 : i32 to vector<16xi32>
        %and3A_1335 = arith.andi %add3A_1332, %and3A_1334 : vector<16xi32>
        %add3A_1336 = arith.constant 48 : i32
        %add3A_1337 = vector.broadcast %add3A_1336 : i32 to vector<16xi32>
        %add3A_1338 = arith.addi %and3A_1335, %add3A_1337 : vector<16xi32>
        %gather3A_1339 = arith.constant 0 : i32
        %gather3A_1340 = arith.constant 0 : i32
        %gather3A_1341 = tpu.memref_slice %arg6[%scan3A_230, %gather3A_1339, %gather3A_1340] : memref<2x256x128xf32, #tpu.memory_space<vmem>> -> memref<1x256x128xf32, #tpu.memory_space<vmem>>
        %gather3A_1342 = tpu.memref_squeeze %gather3A_1341 : memref<1x256x128xf32, #tpu.memory_space<vmem>> -> memref<256x128xf32, #tpu.memory_space<vmem>>
        %gather3A_1343 = tpu.vector_load_idx %gather3A_1342[%add3A_309, %add3A_1338] : memref<256x128xf32, #tpu.memory_space<vmem>>[vector<16xi32>, vector<16xi32>], vector<16xf32>,
        %add3A_1344 = arith.constant 2 : i32
        %add3A_1345 = vector.broadcast %add3A_1344 : i32 to vector<16xi32>
        %add3A_1346 = arith.addi %iota3A_228, %add3A_1345 : vector<16xi32>
        %and3A_1347 = arith.constant 15 : i32
        %and3A_1348 = vector.broadcast %and3A_1347 : i32 to vector<16xi32>
        %and3A_1349 = arith.andi %add3A_1346, %and3A_1348 : vector<16xi32>
        %add3A_1350 = arith.constant 48 : i32
        %add3A_1351 = vector.broadcast %add3A_1350 : i32 to vector<16xi32>
        %add3A_1352 = arith.addi %and3A_1349, %add3A_1351 : vector<16xi32>
        %gather3A_1353 = arith.constant 0 : i32
        %gather3A_1354 = arith.constant 0 : i32
        %gather3A_1355 = tpu.memref_slice %arg6[%scan3A_230, %gather3A_1353, %gather3A_1354] : memref<2x256x128xf32, #tpu.memory_space<vmem>> -> memref<1x256x128xf32, #tpu.memory_space<vmem>>
        %gather3A_1356 = tpu.memref_squeeze %gather3A_1355 : memref<1x256x128xf32, #tpu.memory_space<vmem>> -> memref<256x128xf32, #tpu.memory_space<vmem>>
        %gather3A_1357 = tpu.vector_load_idx %gather3A_1356[%add3A_309, %add3A_1352] : memref<256x128xf32, #tpu.memory_space<vmem>>[vector<16xi32>, vector<16xi32>], vector<16xf32>,
        %add3A_1358 = arith.constant 3 : i32
        %add3A_1359 = vector.broadcast %add3A_1358 : i32 to vector<16xi32>
        %add3A_1360 = arith.addi %iota3A_228, %add3A_1359 : vector<16xi32>
        %and3A_1361 = arith.constant 15 : i32
        %and3A_1362 = vector.broadcast %and3A_1361 : i32 to vector<16xi32>
        %and3A_1363 = arith.andi %add3A_1360, %and3A_1362 : vector<16xi32>
        %add3A_1364 = arith.constant 48 : i32
        %add3A_1365 = vector.broadcast %add3A_1364 : i32 to vector<16xi32>
        %add3A_1366 = arith.addi %and3A_1363, %add3A_1365 : vector<16xi32>
        %gather3A_1367 = arith.constant 0 : i32
        %gather3A_1368 = arith.constant 0 : i32
        %gather3A_1369 = tpu.memref_slice %arg6[%scan3A_230, %gather3A_1367, %gather3A_1368] : memref<2x256x128xf32, #tpu.memory_space<vmem>> -> memref<1x256x128xf32, #tpu.memory_space<vmem>>
        %gather3A_1370 = tpu.memref_squeeze %gather3A_1369 : memref<1x256x128xf32, #tpu.memory_space<vmem>> -> memref<256x128xf32, #tpu.memory_space<vmem>>
        %gather3A_1371 = tpu.vector_load_idx %gather3A_1370[%add3A_309, %add3A_1366] : memref<256x128xf32, #tpu.memory_space<vmem>>[vector<16xi32>, vector<16xi32>], vector<16xf32>,
        %add3A_1372 = arith.constant 4 : i32
        %add3A_1373 = vector.broadcast %add3A_1372 : i32 to vector<16xi32>
        %add3A_1374 = arith.addi %iota3A_228, %add3A_1373 : vector<16xi32>
        %and3A_1375 = arith.constant 15 : i32
        %and3A_1376 = vector.broadcast %and3A_1375 : i32 to vector<16xi32>
        %and3A_1377 = arith.andi %add3A_1374, %and3A_1376 : vector<16xi32>
        %add3A_1378 = arith.constant 48 : i32
        %add3A_1379 = vector.broadcast %add3A_1378 : i32 to vector<16xi32>
        %add3A_1380 = arith.addi %and3A_1377, %add3A_1379 : vector<16xi32>
        %gather3A_1381 = arith.constant 0 : i32
        %gather3A_1382 = arith.constant 0 : i32
        %gather3A_1383 = tpu.memref_slice %arg6[%scan3A_230, %gather3A_1381, %gather3A_1382] : memref<2x256x128xf32, #tpu.memory_space<vmem>> -> memref<1x256x128xf32, #tpu.memory_space<vmem>>
        %gather3A_1384 = tpu.memref_squeeze %gather3A_1383 : memref<1x256x128xf32, #tpu.memory_space<vmem>> -> memref<256x128xf32, #tpu.memory_space<vmem>>
        %gather3A_1385 = tpu.vector_load_idx %gather3A_1384[%add3A_309, %add3A_1380] : memref<256x128xf32, #tpu.memory_space<vmem>>[vector<16xi32>, vector<16xi32>], vector<16xf32>,
        %add3A_1386 = arith.constant 5 : i32
        %add3A_1387 = vector.broadcast %add3A_1386 : i32 to vector<16xi32>
        %add3A_1388 = arith.addi %iota3A_228, %add3A_1387 : vector<16xi32>
        %and3A_1389 = arith.constant 15 : i32
        %and3A_1390 = vector.broadcast %and3A_1389 : i32 to vector<16xi32>
        %and3A_1391 = arith.andi %add3A_1388, %and3A_1390 : vector<16xi32>
        %add3A_1392 = arith.constant 48 : i32
        %add3A_1393 = vector.broadcast %add3A_1392 : i32 to vector<16xi32>
        %add3A_1394 = arith.addi %and3A_1391, %add3A_1393 : vector<16xi32>
        %gather3A_1395 = arith.constant 0 : i32
        %gather3A_1396 = arith.constant 0 : i32
        %gather3A_1397 = tpu.memref_slice %arg6[%scan3A_230, %gather3A_1395, %gather3A_1396] : memref<2x256x128xf32, #tpu.memory_space<vmem>> -> memref<1x256x128xf32, #tpu.memory_space<vmem>>
        %gather3A_1398 = tpu.memref_squeeze %gather3A_1397 : memref<1x256x128xf32, #tpu.memory_space<vmem>> -> memref<256x128xf32, #tpu.memory_space<vmem>>
        %gather3A_1399 = tpu.vector_load_idx %gather3A_1398[%add3A_309, %add3A_1394] : memref<256x128xf32, #tpu.memory_space<vmem>>[vector<16xi32>, vector<16xi32>], vector<16xf32>,
        %add3A_1400 = arith.constant 6 : i32
        %add3A_1401 = vector.broadcast %add3A_1400 : i32 to vector<16xi32>
        %add3A_1402 = arith.addi %iota3A_228, %add3A_1401 : vector<16xi32>
        %and3A_1403 = arith.constant 15 : i32
        %and3A_1404 = vector.broadcast %and3A_1403 : i32 to vector<16xi32>
        %and3A_1405 = arith.andi %add3A_1402, %and3A_1404 : vector<16xi32>
        %add3A_1406 = arith.constant 48 : i32
        %add3A_1407 = vector.broadcast %add3A_1406 : i32 to vector<16xi32>
        %add3A_1408 = arith.addi %and3A_1405, %add3A_1407 : vector<16xi32>
        %gather3A_1409 = arith.constant 0 : i32
        %gather3A_1410 = arith.constant 0 : i32
        %gather3A_1411 = tpu.memref_slice %arg6[%scan3A_230, %gather3A_1409, %gather3A_1410] : memref<2x256x128xf32, #tpu.memory_space<vmem>> -> memref<1x256x128xf32, #tpu.memory_space<vmem>>
        %gather3A_1412 = tpu.memref_squeeze %gather3A_1411 : memref<1x256x128xf32, #tpu.memory_space<vmem>> -> memref<256x128xf32, #tpu.memory_space<vmem>>
        %gather3A_1413 = tpu.vector_load_idx %gather3A_1412[%add3A_309, %add3A_1408] : memref<256x128xf32, #tpu.memory_space<vmem>>[vector<16xi32>, vector<16xi32>], vector<16xf32>,
        %add3A_1414 = arith.constant 7 : i32
        %add3A_1415 = vector.broadcast %add3A_1414 : i32 to vector<16xi32>
        %add3A_1416 = arith.addi %iota3A_228, %add3A_1415 : vector<16xi32>
        %and3A_1417 = arith.constant 15 : i32
        %and3A_1418 = vector.broadcast %and3A_1417 : i32 to vector<16xi32>
        %and3A_1419 = arith.andi %add3A_1416, %and3A_1418 : vector<16xi32>
        %add3A_1420 = arith.constant 48 : i32
        %add3A_1421 = vector.broadcast %add3A_1420 : i32 to vector<16xi32>
        %add3A_1422 = arith.addi %and3A_1419, %add3A_1421 : vector<16xi32>
        %gather3A_1423 = arith.constant 0 : i32
        %gather3A_1424 = arith.constant 0 : i32
        %gather3A_1425 = tpu.memref_slice %arg6[%scan3A_230, %gather3A_1423, %gather3A_1424] : memref<2x256x128xf32, #tpu.memory_space<vmem>> -> memref<1x256x128xf32, #tpu.memory_space<vmem>>
        %gather3A_1426 = tpu.memref_squeeze %gather3A_1425 : memref<1x256x128xf32, #tpu.memory_space<vmem>> -> memref<256x128xf32, #tpu.memory_space<vmem>>
        %gather3A_1427 = tpu.vector_load_idx %gather3A_1426[%add3A_309, %add3A_1422] : memref<256x128xf32, #tpu.memory_space<vmem>>[vector<16xi32>, vector<16xi32>], vector<16xf32>,
        %add3A_1428 = arith.constant 8 : i32
        %add3A_1429 = vector.broadcast %add3A_1428 : i32 to vector<16xi32>
        %add3A_1430 = arith.addi %iota3A_228, %add3A_1429 : vector<16xi32>
        %and3A_1431 = arith.constant 15 : i32
        %and3A_1432 = vector.broadcast %and3A_1431 : i32 to vector<16xi32>
        %and3A_1433 = arith.andi %add3A_1430, %and3A_1432 : vector<16xi32>
        %add3A_1434 = arith.constant 48 : i32
        %add3A_1435 = vector.broadcast %add3A_1434 : i32 to vector<16xi32>
        %add3A_1436 = arith.addi %and3A_1433, %add3A_1435 : vector<16xi32>
        %gather3A_1437 = arith.constant 0 : i32
        %gather3A_1438 = arith.constant 0 : i32
        %gather3A_1439 = tpu.memref_slice %arg6[%scan3A_230, %gather3A_1437, %gather3A_1438] : memref<2x256x128xf32, #tpu.memory_space<vmem>> -> memref<1x256x128xf32, #tpu.memory_space<vmem>>
        %gather3A_1440 = tpu.memref_squeeze %gather3A_1439 : memref<1x256x128xf32, #tpu.memory_space<vmem>> -> memref<256x128xf32, #tpu.memory_space<vmem>>
        %gather3A_1441 = tpu.vector_load_idx %gather3A_1440[%add3A_309, %add3A_1436] : memref<256x128xf32, #tpu.memory_space<vmem>>[vector<16xi32>, vector<16xi32>], vector<16xf32>,
        %add3A_1442 = arith.constant 9 : i32
        %add3A_1443 = vector.broadcast %add3A_1442 : i32 to vector<16xi32>
        %add3A_1444 = arith.addi %iota3A_228, %add3A_1443 : vector<16xi32>
        %and3A_1445 = arith.constant 15 : i32
        %and3A_1446 = vector.broadcast %and3A_1445 : i32 to vector<16xi32>
        %and3A_1447 = arith.andi %add3A_1444, %and3A_1446 : vector<16xi32>
        %add3A_1448 = arith.constant 48 : i32
        %add3A_1449 = vector.broadcast %add3A_1448 : i32 to vector<16xi32>
        %add3A_1450 = arith.addi %and3A_1447, %add3A_1449 : vector<16xi32>
        %gather3A_1451 = arith.constant 0 : i32
        %gather3A_1452 = arith.constant 0 : i32
        %gather3A_1453 = tpu.memref_slice %arg6[%scan3A_230, %gather3A_1451, %gather3A_1452] : memref<2x256x128xf32, #tpu.memory_space<vmem>> -> memref<1x256x128xf32, #tpu.memory_space<vmem>>
        %gather3A_1454 = tpu.memref_squeeze %gather3A_1453 : memref<1x256x128xf32, #tpu.memory_space<vmem>> -> memref<256x128xf32, #tpu.memory_space<vmem>>
        %gather3A_1455 = tpu.vector_load_idx %gather3A_1454[%add3A_309, %add3A_1450] : memref<256x128xf32, #tpu.memory_space<vmem>>[vector<16xi32>, vector<16xi32>], vector<16xf32>,
        %add3A_1456 = arith.constant 10 : i32
        %add3A_1457 = vector.broadcast %add3A_1456 : i32 to vector<16xi32>
        %add3A_1458 = arith.addi %iota3A_228, %add3A_1457 : vector<16xi32>
        %and3A_1459 = arith.constant 15 : i32
        %and3A_1460 = vector.broadcast %and3A_1459 : i32 to vector<16xi32>
        %and3A_1461 = arith.andi %add3A_1458, %and3A_1460 : vector<16xi32>
        %add3A_1462 = arith.constant 48 : i32
        %add3A_1463 = vector.broadcast %add3A_1462 : i32 to vector<16xi32>
        %add3A_1464 = arith.addi %and3A_1461, %add3A_1463 : vector<16xi32>
        %gather3A_1465 = arith.constant 0 : i32
        %gather3A_1466 = arith.constant 0 : i32
        %gather3A_1467 = tpu.memref_slice %arg6[%scan3A_230, %gather3A_1465, %gather3A_1466] : memref<2x256x128xf32, #tpu.memory_space<vmem>> -> memref<1x256x128xf32, #tpu.memory_space<vmem>>
        %gather3A_1468 = tpu.memref_squeeze %gather3A_1467 : memref<1x256x128xf32, #tpu.memory_space<vmem>> -> memref<256x128xf32, #tpu.memory_space<vmem>>
        %gather3A_1469 = tpu.vector_load_idx %gather3A_1468[%add3A_309, %add3A_1464] : memref<256x128xf32, #tpu.memory_space<vmem>>[vector<16xi32>, vector<16xi32>], vector<16xf32>,
        %add3A_1470 = arith.constant 11 : i32
        %add3A_1471 = vector.broadcast %add3A_1470 : i32 to vector<16xi32>
        %add3A_1472 = arith.addi %iota3A_228, %add3A_1471 : vector<16xi32>
        %and3A_1473 = arith.constant 15 : i32
        %and3A_1474 = vector.broadcast %and3A_1473 : i32 to vector<16xi32>
        %and3A_1475 = arith.andi %add3A_1472, %and3A_1474 : vector<16xi32>
        %add3A_1476 = arith.constant 48 : i32
        %add3A_1477 = vector.broadcast %add3A_1476 : i32 to vector<16xi32>
        %add3A_1478 = arith.addi %and3A_1475, %add3A_1477 : vector<16xi32>
        %gather3A_1479 = arith.constant 0 : i32
        %gather3A_1480 = arith.constant 0 : i32
        %gather3A_1481 = tpu.memref_slice %arg6[%scan3A_230, %gather3A_1479, %gather3A_1480] : memref<2x256x128xf32, #tpu.memory_space<vmem>> -> memref<1x256x128xf32, #tpu.memory_space<vmem>>
        %gather3A_1482 = tpu.memref_squeeze %gather3A_1481 : memref<1x256x128xf32, #tpu.memory_space<vmem>> -> memref<256x128xf32, #tpu.memory_space<vmem>>
        %gather3A_1483 = tpu.vector_load_idx %gather3A_1482[%add3A_309, %add3A_1478] : memref<256x128xf32, #tpu.memory_space<vmem>>[vector<16xi32>, vector<16xi32>], vector<16xf32>,
        %add3A_1484 = arith.constant 12 : i32
        %add3A_1485 = vector.broadcast %add3A_1484 : i32 to vector<16xi32>
        %add3A_1486 = arith.addi %iota3A_228, %add3A_1485 : vector<16xi32>
        %and3A_1487 = arith.constant 15 : i32
        %and3A_1488 = vector.broadcast %and3A_1487 : i32 to vector<16xi32>
        %and3A_1489 = arith.andi %add3A_1486, %and3A_1488 : vector<16xi32>
        %add3A_1490 = arith.constant 48 : i32
        %add3A_1491 = vector.broadcast %add3A_1490 : i32 to vector<16xi32>
        %add3A_1492 = arith.addi %and3A_1489, %add3A_1491 : vector<16xi32>
        %gather3A_1493 = arith.constant 0 : i32
        %gather3A_1494 = arith.constant 0 : i32
        %gather3A_1495 = tpu.memref_slice %arg6[%scan3A_230, %gather3A_1493, %gather3A_1494] : memref<2x256x128xf32, #tpu.memory_space<vmem>> -> memref<1x256x128xf32, #tpu.memory_space<vmem>>
        %gather3A_1496 = tpu.memref_squeeze %gather3A_1495 : memref<1x256x128xf32, #tpu.memory_space<vmem>> -> memref<256x128xf32, #tpu.memory_space<vmem>>
        %gather3A_1497 = tpu.vector_load_idx %gather3A_1496[%add3A_309, %add3A_1492] : memref<256x128xf32, #tpu.memory_space<vmem>>[vector<16xi32>, vector<16xi32>], vector<16xf32>,
        %add3A_1498 = arith.constant 13 : i32
        %add3A_1499 = vector.broadcast %add3A_1498 : i32 to vector<16xi32>
        %add3A_1500 = arith.addi %iota3A_228, %add3A_1499 : vector<16xi32>
        %and3A_1501 = arith.constant 15 : i32
        %and3A_1502 = vector.broadcast %and3A_1501 : i32 to vector<16xi32>
        %and3A_1503 = arith.andi %add3A_1500, %and3A_1502 : vector<16xi32>
        %add3A_1504 = arith.constant 48 : i32
        %add3A_1505 = vector.broadcast %add3A_1504 : i32 to vector<16xi32>
        %add3A_1506 = arith.addi %and3A_1503, %add3A_1505 : vector<16xi32>
        %gather3A_1507 = arith.constant 0 : i32
        %gather3A_1508 = arith.constant 0 : i32
        %gather3A_1509 = tpu.memref_slice %arg6[%scan3A_230, %gather3A_1507, %gather3A_1508] : memref<2x256x128xf32, #tpu.memory_space<vmem>> -> memref<1x256x128xf32, #tpu.memory_space<vmem>>
        %gather3A_1510 = tpu.memref_squeeze %gather3A_1509 : memref<1x256x128xf32, #tpu.memory_space<vmem>> -> memref<256x128xf32, #tpu.memory_space<vmem>>
        %gather3A_1511 = tpu.vector_load_idx %gather3A_1510[%add3A_309, %add3A_1506] : memref<256x128xf32, #tpu.memory_space<vmem>>[vector<16xi32>, vector<16xi32>], vector<16xf32>,
        %add3A_1512 = arith.constant 14 : i32
        %add3A_1513 = vector.broadcast %add3A_1512 : i32 to vector<16xi32>
        %add3A_1514 = arith.addi %iota3A_228, %add3A_1513 : vector<16xi32>
        %and3A_1515 = arith.constant 15 : i32
        %and3A_1516 = vector.broadcast %and3A_1515 : i32 to vector<16xi32>
        %and3A_1517 = arith.andi %add3A_1514, %and3A_1516 : vector<16xi32>
        %add3A_1518 = arith.constant 48 : i32
        %add3A_1519 = vector.broadcast %add3A_1518 : i32 to vector<16xi32>
        %add3A_1520 = arith.addi %and3A_1517, %add3A_1519 : vector<16xi32>
        %gather3A_1521 = arith.constant 0 : i32
        %gather3A_1522 = arith.constant 0 : i32
        %gather3A_1523 = tpu.memref_slice %arg6[%scan3A_230, %gather3A_1521, %gather3A_1522] : memref<2x256x128xf32, #tpu.memory_space<vmem>> -> memref<1x256x128xf32, #tpu.memory_space<vmem>>
        %gather3A_1524 = tpu.memref_squeeze %gather3A_1523 : memref<1x256x128xf32, #tpu.memory_space<vmem>> -> memref<256x128xf32, #tpu.memory_space<vmem>>
        %gather3A_1525 = tpu.vector_load_idx %gather3A_1524[%add3A_309, %add3A_1520] : memref<256x128xf32, #tpu.memory_space<vmem>>[vector<16xi32>, vector<16xi32>], vector<16xf32>,
        %add3A_1526 = arith.constant 15 : i32
        %add3A_1527 = vector.broadcast %add3A_1526 : i32 to vector<16xi32>
        %add3A_1528 = arith.addi %iota3A_228, %add3A_1527 : vector<16xi32>
        %and3A_1529 = arith.constant 15 : i32
        %and3A_1530 = vector.broadcast %and3A_1529 : i32 to vector<16xi32>
        %and3A_1531 = arith.andi %add3A_1528, %and3A_1530 : vector<16xi32>
        %add3A_1532 = arith.constant 48 : i32
        %add3A_1533 = vector.broadcast %add3A_1532 : i32 to vector<16xi32>
        %add3A_1534 = arith.addi %and3A_1531, %add3A_1533 : vector<16xi32>
        %gather3A_1535 = arith.constant 0 : i32
        %gather3A_1536 = arith.constant 0 : i32
        %gather3A_1537 = tpu.memref_slice %arg6[%scan3A_230, %gather3A_1535, %gather3A_1536] : memref<2x256x128xf32, #tpu.memory_space<vmem>> -> memref<1x256x128xf32, #tpu.memory_space<vmem>>
        %gather3A_1538 = tpu.memref_squeeze %gather3A_1537 : memref<1x256x128xf32, #tpu.memory_space<vmem>> -> memref<256x128xf32, #tpu.memory_space<vmem>>
        %gather3A_1539 = tpu.vector_load_idx %gather3A_1538[%add3A_309, %add3A_1534] : memref<256x128xf32, #tpu.memory_space<vmem>>[vector<16xi32>, vector<16xi32>], vector<16xf32>,
        %add3A_1540 = arith.constant 48 : i32
        %add3A_1541 = vector.broadcast %add3A_1540 : i32 to vector<16xi32>
        %add3A_1542 = arith.addi %and3A_1321, %add3A_1541 : vector<16xi32>
        %scatter3A_1543 = arith.constant 0 : i32
        %scatter3A_1544 = arith.constant 0 : i32
        %scatter3A_1545 = tpu.memref_slice %arg7[%scan3A_231, %scatter3A_1543, %scatter3A_1544] : memref<2x64x256xf32, #tpu.memory_space<vmem>> -> memref<1x64x256xf32, #tpu.memory_space<vmem>>
        %scatter3A_1546 = tpu.memref_squeeze %scatter3A_1545 : memref<1x64x256xf32, #tpu.memory_space<vmem>> -> memref<64x256xf32, #tpu.memory_space<vmem>>
        tpu.vector_store_idx %scatter3A_1546[%add3A_1542, %add3A_309], %gather3A_1329 : memref<64x256xf32, #tpu.memory_space<vmem>>[vector<16xi32>, vector<16xi32>], vector<16xf32>,
        %add3A_1547 = arith.constant 48 : i32
        %add3A_1548 = vector.broadcast %add3A_1547 : i32 to vector<16xi32>
        %add3A_1549 = arith.addi %and3A_1335, %add3A_1548 : vector<16xi32>
        %scatter3A_1550 = arith.constant 0 : i32
        %scatter3A_1551 = arith.constant 0 : i32
        %scatter3A_1552 = tpu.memref_slice %arg7[%scan3A_231, %scatter3A_1550, %scatter3A_1551] : memref<2x64x256xf32, #tpu.memory_space<vmem>> -> memref<1x64x256xf32, #tpu.memory_space<vmem>>
        %scatter3A_1553 = tpu.memref_squeeze %scatter3A_1552 : memref<1x64x256xf32, #tpu.memory_space<vmem>> -> memref<64x256xf32, #tpu.memory_space<vmem>>
        tpu.vector_store_idx %scatter3A_1553[%add3A_1549, %add3A_309], %gather3A_1343 : memref<64x256xf32, #tpu.memory_space<vmem>>[vector<16xi32>, vector<16xi32>], vector<16xf32>,
        %add3A_1554 = arith.constant 48 : i32
        %add3A_1555 = vector.broadcast %add3A_1554 : i32 to vector<16xi32>
        %add3A_1556 = arith.addi %and3A_1349, %add3A_1555 : vector<16xi32>
        %scatter3A_1557 = arith.constant 0 : i32
        %scatter3A_1558 = arith.constant 0 : i32
        %scatter3A_1559 = tpu.memref_slice %arg7[%scan3A_231, %scatter3A_1557, %scatter3A_1558] : memref<2x64x256xf32, #tpu.memory_space<vmem>> -> memref<1x64x256xf32, #tpu.memory_space<vmem>>
        %scatter3A_1560 = tpu.memref_squeeze %scatter3A_1559 : memref<1x64x256xf32, #tpu.memory_space<vmem>> -> memref<64x256xf32, #tpu.memory_space<vmem>>
        tpu.vector_store_idx %scatter3A_1560[%add3A_1556, %add3A_309], %gather3A_1357 : memref<64x256xf32, #tpu.memory_space<vmem>>[vector<16xi32>, vector<16xi32>], vector<16xf32>,
        %add3A_1561 = arith.constant 48 : i32
        %add3A_1562 = vector.broadcast %add3A_1561 : i32 to vector<16xi32>
        %add3A_1563 = arith.addi %and3A_1363, %add3A_1562 : vector<16xi32>
        %scatter3A_1564 = arith.constant 0 : i32
        %scatter3A_1565 = arith.constant 0 : i32
        %scatter3A_1566 = tpu.memref_slice %arg7[%scan3A_231, %scatter3A_1564, %scatter3A_1565] : memref<2x64x256xf32, #tpu.memory_space<vmem>> -> memref<1x64x256xf32, #tpu.memory_space<vmem>>
        %scatter3A_1567 = tpu.memref_squeeze %scatter3A_1566 : memref<1x64x256xf32, #tpu.memory_space<vmem>> -> memref<64x256xf32, #tpu.memory_space<vmem>>
        tpu.vector_store_idx %scatter3A_1567[%add3A_1563, %add3A_309], %gather3A_1371 : memref<64x256xf32, #tpu.memory_space<vmem>>[vector<16xi32>, vector<16xi32>], vector<16xf32>,
        %add3A_1568 = arith.constant 48 : i32
        %add3A_1569 = vector.broadcast %add3A_1568 : i32 to vector<16xi32>
        %add3A_1570 = arith.addi %and3A_1377, %add3A_1569 : vector<16xi32>
        %scatter3A_1571 = arith.constant 0 : i32
        %scatter3A_1572 = arith.constant 0 : i32
        %scatter3A_1573 = tpu.memref_slice %arg7[%scan3A_231, %scatter3A_1571, %scatter3A_1572] : memref<2x64x256xf32, #tpu.memory_space<vmem>> -> memref<1x64x256xf32, #tpu.memory_space<vmem>>
        %scatter3A_1574 = tpu.memref_squeeze %scatter3A_1573 : memref<1x64x256xf32, #tpu.memory_space<vmem>> -> memref<64x256xf32, #tpu.memory_space<vmem>>
        tpu.vector_store_idx %scatter3A_1574[%add3A_1570, %add3A_309], %gather3A_1385 : memref<64x256xf32, #tpu.memory_space<vmem>>[vector<16xi32>, vector<16xi32>], vector<16xf32>,
        %add3A_1575 = arith.constant 48 : i32
        %add3A_1576 = vector.broadcast %add3A_1575 : i32 to vector<16xi32>
        %add3A_1577 = arith.addi %and3A_1391, %add3A_1576 : vector<16xi32>
        %scatter3A_1578 = arith.constant 0 : i32
        %scatter3A_1579 = arith.constant 0 : i32
        %scatter3A_1580 = tpu.memref_slice %arg7[%scan3A_231, %scatter3A_1578, %scatter3A_1579] : memref<2x64x256xf32, #tpu.memory_space<vmem>> -> memref<1x64x256xf32, #tpu.memory_space<vmem>>
        %scatter3A_1581 = tpu.memref_squeeze %scatter3A_1580 : memref<1x64x256xf32, #tpu.memory_space<vmem>> -> memref<64x256xf32, #tpu.memory_space<vmem>>
        tpu.vector_store_idx %scatter3A_1581[%add3A_1577, %add3A_309], %gather3A_1399 : memref<64x256xf32, #tpu.memory_space<vmem>>[vector<16xi32>, vector<16xi32>], vector<16xf32>,
        %add3A_1582 = arith.constant 48 : i32
        %add3A_1583 = vector.broadcast %add3A_1582 : i32 to vector<16xi32>
        %add3A_1584 = arith.addi %and3A_1405, %add3A_1583 : vector<16xi32>
        %scatter3A_1585 = arith.constant 0 : i32
        %scatter3A_1586 = arith.constant 0 : i32
        %scatter3A_1587 = tpu.memref_slice %arg7[%scan3A_231, %scatter3A_1585, %scatter3A_1586] : memref<2x64x256xf32, #tpu.memory_space<vmem>> -> memref<1x64x256xf32, #tpu.memory_space<vmem>>
        %scatter3A_1588 = tpu.memref_squeeze %scatter3A_1587 : memref<1x64x256xf32, #tpu.memory_space<vmem>> -> memref<64x256xf32, #tpu.memory_space<vmem>>
        tpu.vector_store_idx %scatter3A_1588[%add3A_1584, %add3A_309], %gather3A_1413 : memref<64x256xf32, #tpu.memory_space<vmem>>[vector<16xi32>, vector<16xi32>], vector<16xf32>,
        %add3A_1589 = arith.constant 48 : i32
        %add3A_1590 = vector.broadcast %add3A_1589 : i32 to vector<16xi32>
        %add3A_1591 = arith.addi %and3A_1419, %add3A_1590 : vector<16xi32>
        %scatter3A_1592 = arith.constant 0 : i32
        %scatter3A_1593 = arith.constant 0 : i32
        %scatter3A_1594 = tpu.memref_slice %arg7[%scan3A_231, %scatter3A_1592, %scatter3A_1593] : memref<2x64x256xf32, #tpu.memory_space<vmem>> -> memref<1x64x256xf32, #tpu.memory_space<vmem>>
        %scatter3A_1595 = tpu.memref_squeeze %scatter3A_1594 : memref<1x64x256xf32, #tpu.memory_space<vmem>> -> memref<64x256xf32, #tpu.memory_space<vmem>>
        tpu.vector_store_idx %scatter3A_1595[%add3A_1591, %add3A_309], %gather3A_1427 : memref<64x256xf32, #tpu.memory_space<vmem>>[vector<16xi32>, vector<16xi32>], vector<16xf32>,
        %add3A_1596 = arith.constant 48 : i32
        %add3A_1597 = vector.broadcast %add3A_1596 : i32 to vector<16xi32>
        %add3A_1598 = arith.addi %and3A_1433, %add3A_1597 : vector<16xi32>
        %scatter3A_1599 = arith.constant 0 : i32
        %scatter3A_1600 = arith.constant 0 : i32
        %scatter3A_1601 = tpu.memref_slice %arg7[%scan3A_231, %scatter3A_1599, %scatter3A_1600] : memref<2x64x256xf32, #tpu.memory_space<vmem>> -> memref<1x64x256xf32, #tpu.memory_space<vmem>>
        %scatter3A_1602 = tpu.memref_squeeze %scatter3A_1601 : memref<1x64x256xf32, #tpu.memory_space<vmem>> -> memref<64x256xf32, #tpu.memory_space<vmem>>
        tpu.vector_store_idx %scatter3A_1602[%add3A_1598, %add3A_309], %gather3A_1441 : memref<64x256xf32, #tpu.memory_space<vmem>>[vector<16xi32>, vector<16xi32>], vector<16xf32>,
        %add3A_1603 = arith.constant 48 : i32
        %add3A_1604 = vector.broadcast %add3A_1603 : i32 to vector<16xi32>
        %add3A_1605 = arith.addi %and3A_1447, %add3A_1604 : vector<16xi32>
        %scatter3A_1606 = arith.constant 0 : i32
        %scatter3A_1607 = arith.constant 0 : i32
        %scatter3A_1608 = tpu.memref_slice %arg7[%scan3A_231, %scatter3A_1606, %scatter3A_1607] : memref<2x64x256xf32, #tpu.memory_space<vmem>> -> memref<1x64x256xf32, #tpu.memory_space<vmem>>
        %scatter3A_1609 = tpu.memref_squeeze %scatter3A_1608 : memref<1x64x256xf32, #tpu.memory_space<vmem>> -> memref<64x256xf32, #tpu.memory_space<vmem>>
        tpu.vector_store_idx %scatter3A_1609[%add3A_1605, %add3A_309], %gather3A_1455 : memref<64x256xf32, #tpu.memory_space<vmem>>[vector<16xi32>, vector<16xi32>], vector<16xf32>,
        %add3A_1610 = arith.constant 48 : i32
        %add3A_1611 = vector.broadcast %add3A_1610 : i32 to vector<16xi32>
        %add3A_1612 = arith.addi %and3A_1461, %add3A_1611 : vector<16xi32>
        %scatter3A_1613 = arith.constant 0 : i32
        %scatter3A_1614 = arith.constant 0 : i32
        %scatter3A_1615 = tpu.memref_slice %arg7[%scan3A_231, %scatter3A_1613, %scatter3A_1614] : memref<2x64x256xf32, #tpu.memory_space<vmem>> -> memref<1x64x256xf32, #tpu.memory_space<vmem>>
        %scatter3A_1616 = tpu.memref_squeeze %scatter3A_1615 : memref<1x64x256xf32, #tpu.memory_space<vmem>> -> memref<64x256xf32, #tpu.memory_space<vmem>>
        tpu.vector_store_idx %scatter3A_1616[%add3A_1612, %add3A_309], %gather3A_1469 : memref<64x256xf32, #tpu.memory_space<vmem>>[vector<16xi32>, vector<16xi32>], vector<16xf32>,
        %add3A_1617 = arith.constant 48 : i32
        %add3A_1618 = vector.broadcast %add3A_1617 : i32 to vector<16xi32>
        %add3A_1619 = arith.addi %and3A_1475, %add3A_1618 : vector<16xi32>
        %scatter3A_1620 = arith.constant 0 : i32
        %scatter3A_1621 = arith.constant 0 : i32
        %scatter3A_1622 = tpu.memref_slice %arg7[%scan3A_231, %scatter3A_1620, %scatter3A_1621] : memref<2x64x256xf32, #tpu.memory_space<vmem>> -> memref<1x64x256xf32, #tpu.memory_space<vmem>>
        %scatter3A_1623 = tpu.memref_squeeze %scatter3A_1622 : memref<1x64x256xf32, #tpu.memory_space<vmem>> -> memref<64x256xf32, #tpu.memory_space<vmem>>
        tpu.vector_store_idx %scatter3A_1623[%add3A_1619, %add3A_309], %gather3A_1483 : memref<64x256xf32, #tpu.memory_space<vmem>>[vector<16xi32>, vector<16xi32>], vector<16xf32>,
        %add3A_1624 = arith.constant 48 : i32
        %add3A_1625 = vector.broadcast %add3A_1624 : i32 to vector<16xi32>
        %add3A_1626 = arith.addi %and3A_1489, %add3A_1625 : vector<16xi32>
        %scatter3A_1627 = arith.constant 0 : i32
        %scatter3A_1628 = arith.constant 0 : i32
        %scatter3A_1629 = tpu.memref_slice %arg7[%scan3A_231, %scatter3A_1627, %scatter3A_1628] : memref<2x64x256xf32, #tpu.memory_space<vmem>> -> memref<1x64x256xf32, #tpu.memory_space<vmem>>
        %scatter3A_1630 = tpu.memref_squeeze %scatter3A_1629 : memref<1x64x256xf32, #tpu.memory_space<vmem>> -> memref<64x256xf32, #tpu.memory_space<vmem>>
        tpu.vector_store_idx %scatter3A_1630[%add3A_1626, %add3A_309], %gather3A_1497 : memref<64x256xf32, #tpu.memory_space<vmem>>[vector<16xi32>, vector<16xi32>], vector<16xf32>,
        %add3A_1631 = arith.constant 48 : i32
        %add3A_1632 = vector.broadcast %add3A_1631 : i32 to vector<16xi32>
        %add3A_1633 = arith.addi %and3A_1503, %add3A_1632 : vector<16xi32>
        %scatter3A_1634 = arith.constant 0 : i32
        %scatter3A_1635 = arith.constant 0 : i32
        %scatter3A_1636 = tpu.memref_slice %arg7[%scan3A_231, %scatter3A_1634, %scatter3A_1635] : memref<2x64x256xf32, #tpu.memory_space<vmem>> -> memref<1x64x256xf32, #tpu.memory_space<vmem>>
        %scatter3A_1637 = tpu.memref_squeeze %scatter3A_1636 : memref<1x64x256xf32, #tpu.memory_space<vmem>> -> memref<64x256xf32, #tpu.memory_space<vmem>>
        tpu.vector_store_idx %scatter3A_1637[%add3A_1633, %add3A_309], %gather3A_1511 : memref<64x256xf32, #tpu.memory_space<vmem>>[vector<16xi32>, vector<16xi32>], vector<16xf32>,
        %add3A_1638 = arith.constant 48 : i32
        %add3A_1639 = vector.broadcast %add3A_1638 : i32 to vector<16xi32>
        %add3A_1640 = arith.addi %and3A_1517, %add3A_1639 : vector<16xi32>
        %scatter3A_1641 = arith.constant 0 : i32
        %scatter3A_1642 = arith.constant 0 : i32
        %scatter3A_1643 = tpu.memref_slice %arg7[%scan3A_231, %scatter3A_1641, %scatter3A_1642] : memref<2x64x256xf32, #tpu.memory_space<vmem>> -> memref<1x64x256xf32, #tpu.memory_space<vmem>>
        %scatter3A_1644 = tpu.memref_squeeze %scatter3A_1643 : memref<1x64x256xf32, #tpu.memory_space<vmem>> -> memref<64x256xf32, #tpu.memory_space<vmem>>
        tpu.vector_store_idx %scatter3A_1644[%add3A_1640, %add3A_309], %gather3A_1525 : memref<64x256xf32, #tpu.memory_space<vmem>>[vector<16xi32>, vector<16xi32>], vector<16xf32>,
        %add3A_1645 = arith.constant 48 : i32
        %add3A_1646 = vector.broadcast %add3A_1645 : i32 to vector<16xi32>
        %add3A_1647 = arith.addi %and3A_1531, %add3A_1646 : vector<16xi32>
        %scatter3A_1648 = arith.constant 0 : i32
        %scatter3A_1649 = arith.constant 0 : i32
        %scatter3A_1650 = tpu.memref_slice %arg7[%scan3A_231, %scatter3A_1648, %scatter3A_1649] : memref<2x64x256xf32, #tpu.memory_space<vmem>> -> memref<1x64x256xf32, #tpu.memory_space<vmem>>
        %scatter3A_1651 = tpu.memref_squeeze %scatter3A_1650 : memref<1x64x256xf32, #tpu.memory_space<vmem>> -> memref<64x256xf32, #tpu.memory_space<vmem>>
        tpu.vector_store_idx %scatter3A_1651[%add3A_1647, %add3A_309], %gather3A_1539 : memref<64x256xf32, #tpu.memory_space<vmem>>[vector<16xi32>, vector<16xi32>], vector<16xf32>,
      }
      %scan3A_236 = arith.constant 16 : i32
      %add3A_237 = arith.addi %mul3A_2, %add3A_204 : i32
      %jit3A_238 = arith.constant 4 : i32
      %div3A_239 = arith.divsi %add3A_237, %jit3A_238 : i32
      %sign3A_240 = arith.constant 0 : i32
      %sign3A_241 = arith.cmpi sgt, %add3A_237, %sign3A_240 : i32
      %sign3A_242 = arith.extui %sign3A_241 : i1 to i32
      %sign3A_243 = arith.constant 0 : i32
      %sign3A_244 = arith.cmpi slt, %add3A_237, %sign3A_243 : i32
      %sign3A_245 = arith.extui %sign3A_244 : i1 to i32
      %sign3A_246 = arith.subi %sign3A_242, %sign3A_245 : i32
      %sign3A_247 = arith.constant 0 : i32
      %sign3A_248 = arith.cmpi sgt, %jit3A_238, %sign3A_247 : i32
      %sign3A_249 = arith.extui %sign3A_248 : i1 to i32
      %sign3A_250 = arith.constant 0 : i32
      %sign3A_251 = arith.cmpi slt, %jit3A_238, %sign3A_250 : i32
      %sign3A_252 = arith.extui %sign3A_251 : i1 to i32
      %sign3A_253 = arith.subi %sign3A_249, %sign3A_252 : i32
      %ne3A_254 = arith.cmpi ne, %sign3A_246, %sign3A_253 : i32
      %rem3A_255 = arith.remsi %add3A_237, %jit3A_238 : i32
      %ne3A_256 = arith.constant 0 : i32
      %ne3A_257 = arith.cmpi ne, %rem3A_255, %ne3A_256 : i32
      %and3A_258 = arith.andi %ne3A_254, %ne3A_257 : i1
      %sub3A_259 = arith.constant 1 : i32
      %sub3A_260 = arith.subi %div3A_239, %sub3A_259 : i32
      %select_n3A_261 = arith.select %and3A_258, %sub3A_260, %div3A_239 : i32
      %jit3A_262 = arith.constant 4 : i32
      %eq3A_263 = arith.constant 0 : i32
      %eq3A_264 = arith.cmpi eq, %jit3A_262, %eq3A_263 : i32
      %jit3A_265 = arith.constant 1 : i32
      %select_n3A_266 = arith.select %eq3A_264, %jit3A_265, %jit3A_262 : i32
      %rem3A_267 = arith.remsi %add3A_237, %select_n3A_266 : i32
      %ne3A_268 = arith.constant 0 : i32
      %ne3A_269 = arith.cmpi ne, %rem3A_267, %ne3A_268 : i32
      %lt3A_270 = arith.constant 0 : i32
      %lt3A_271 = arith.cmpi slt, %rem3A_267, %lt3A_270 : i32
      %lt3A_272 = arith.constant 0 : i32
      %lt3A_273 = arith.cmpi slt, %select_n3A_266, %lt3A_272 : i32
      %ne3A_274 = arith.xori %lt3A_271, %lt3A_273 : i1
      %and3A_275 = arith.andi %ne3A_274, %ne3A_269 : i1
      %add3A_276 = arith.addi %rem3A_267, %select_n3A_266 : i32
      %select_n3A_277 = arith.select %and3A_275, %add3A_276, %rem3A_267 : i32
      %mul3A_278 = arith.constant 256 : i32
      %mul3A_279 = arith.muli %select_n3A_277, %mul3A_278 : i32
      %dma_start3A_280 = arith.constant 1 : i32
      %dma_start3A_281 = arith.constant 1 : i32
      %dma_start3A_282 = arith.constant 0 : i32
      %dma_start3A_283 = arith.constant 0 : i32
      %dma_start3A_284 = tpu.memref_slice %arg7[%dma_start3A_280, %dma_start3A_282, %dma_start3A_283] : memref<2x64x256xf32, #tpu.memory_space<vmem>> -> memref<1x64x256xf32, #tpu.memory_space<vmem>>
      %dma_start3A_285 = tpu.memref_squeeze %dma_start3A_284 : memref<1x64x256xf32, #tpu.memory_space<vmem>> -> memref<64x256xf32, #tpu.memory_space<vmem>>
      %dma_start3A_286 = arith.constant 0 : i32
      %dma_start3A_287 = tpu.memref_slice %arg4[%select_n3A_261, %dma_start3A_286, %mul3A_279] : memref<256x64x1024xf32, #tpu.memory_space<hbm>> -> memref<1x64x256xf32, #tpu.memory_space<hbm>>
      %dma_start3A_288 = tpu.memref_squeeze %dma_start3A_287 : memref<1x64x256xf32, #tpu.memory_space<hbm>> -> memref<64x256xf32, #tpu.memory_space<hbm>>
      %dma_start3A_289 = tpu.memref_slice %arg9[%dma_start3A_281] : memref<2x!tpu.dma_semaphore, #tpu.memory_space<semaphore_mem>> -> memref<1x!tpu.dma_semaphore, #tpu.memory_space<semaphore_mem>>
      %dma_start3A_290 = tpu.memref_squeeze %dma_start3A_289 : memref<1x!tpu.dma_semaphore, #tpu.memory_space<semaphore_mem>> -> memref<!tpu.dma_semaphore, #tpu.memory_space<semaphore_mem>>
      %dma_start3A_291 = arith.constant 0 : i32
      %dma_start3A_292 = tpu.memref_slice %arg4[%select_n3A_261, %dma_start3A_291, %mul3A_279] : memref<256x64x1024xf32, #tpu.memory_space<hbm>> -> memref<1x64x256xf32, #tpu.memory_space<hbm>>
      %dma_start3A_293 = tpu.memref_squeeze %dma_start3A_292 : memref<1x64x256xf32, #tpu.memory_space<hbm>> -> memref<64x256xf32, #tpu.memory_space<hbm>>
      %dma_start3A_294 = arith.constant 0 : i32
      %dma_start3A_295 = arith.constant 0 : i32
      %dma_start3A_296 = tpu.memref_slice %arg7[%dma_start3A_280, %dma_start3A_294, %dma_start3A_295] : memref<2x64x256xf32, #tpu.memory_space<vmem>> -> memref<1x64x256xf32, #tpu.memory_space<vmem>>
      %dma_start3A_297 = tpu.memref_squeeze %dma_start3A_296 : memref<1x64x256xf32, #tpu.memory_space<vmem>> -> memref<64x256xf32, #tpu.memory_space<vmem>>
      tpu.enqueue_dma source(%dma_start3A_297 : memref<64x256xf32, #tpu.memory_space<vmem>>) target(%dma_start3A_293 : memref<64x256xf32, #tpu.memory_space<hbm>>) target_semaphore(%dma_start3A_290 : memref<!tpu.dma_semaphore, #tpu.memory_space<semaphore_mem>>)
      %add3A_298 = arith.constant 2 : i32
      %add3A_299 = arith.addi %add3A_204, %add3A_298 : i32
      %lt3A_300 = arith.constant 32 : i32
      %lt3A_301 = arith.cmpi slt, %add3A_299, %lt3A_300 : i32
      %convert_element_type3A_302 = arith.extui %lt3A_301 : i1 to i32
      %cond3A_303 = arith.constant 0 : i32
      %cond3A_304 = arith.cmpi ne, %convert_element_type3A_302, %cond3A_303 : i32
      scf.if %cond3A_304 {
        %add3A_305 = arith.constant 2 : i32
        %add3A_306 = arith.addi %add3A_204, %add3A_305 : i32
        %jit3A_307 = arith.constant 4 : i32
        %div3A_308 = arith.divsi %add3A_306, %jit3A_307 : i32
        %sign3A_309 = arith.constant 0 : i32
        %sign3A_310 = arith.cmpi sgt, %add3A_306, %sign3A_309 : i32
        %sign3A_311 = arith.extui %sign3A_310 : i1 to i32
        %sign3A_312 = arith.constant 0 : i32
        %sign3A_313 = arith.cmpi slt, %add3A_306, %sign3A_312 : i32
        %sign3A_314 = arith.extui %sign3A_313 : i1 to i32
        %sign3A_315 = arith.subi %sign3A_311, %sign3A_314 : i32
        %sign3A_316 = arith.constant 0 : i32
        %sign3A_317 = arith.cmpi sgt, %jit3A_307, %sign3A_316 : i32
        %sign3A_318 = arith.extui %sign3A_317 : i1 to i32
        %sign3A_319 = arith.constant 0 : i32
        %sign3A_320 = arith.cmpi slt, %jit3A_307, %sign3A_319 : i32
        %sign3A_321 = arith.extui %sign3A_320 : i1 to i32
        %sign3A_322 = arith.subi %sign3A_318, %sign3A_321 : i32
        %ne3A_323 = arith.cmpi ne, %sign3A_315, %sign3A_322 : i32
        %rem3A_324 = arith.remsi %add3A_306, %jit3A_307 : i32
        %ne3A_325 = arith.constant 0 : i32
        %ne3A_326 = arith.cmpi ne, %rem3A_324, %ne3A_325 : i32
        %and3A_327 = arith.andi %ne3A_323, %ne3A_326 : i1
        %sub3A_328 = arith.constant 1 : i32
        %sub3A_329 = arith.subi %div3A_308, %sub3A_328 : i32
        %select_n3A_330 = arith.select %and3A_327, %sub3A_329, %div3A_308 : i32
        %jit3A_331 = arith.constant 4 : i32
        %eq3A_332 = arith.constant 0 : i32
        %eq3A_333 = arith.cmpi eq, %jit3A_331, %eq3A_332 : i32
        %jit3A_334 = arith.constant 1 : i32
        %select_n3A_335 = arith.select %eq3A_333, %jit3A_334, %jit3A_331 : i32
        %rem3A_336 = arith.remsi %add3A_306, %select_n3A_335 : i32
        %ne3A_337 = arith.constant 0 : i32
        %ne3A_338 = arith.cmpi ne, %rem3A_336, %ne3A_337 : i32
        %lt3A_339 = arith.constant 0 : i32
        %lt3A_340 = arith.cmpi slt, %rem3A_336, %lt3A_339 : i32
        %lt3A_341 = arith.constant 0 : i32
        %lt3A_342 = arith.cmpi slt, %select_n3A_335, %lt3A_341 : i32
        %ne3A_343 = arith.xori %lt3A_340, %lt3A_342 : i1
        %and3A_344 = arith.andi %ne3A_343, %ne3A_338 : i1
        %add3A_345 = arith.addi %rem3A_336, %select_n3A_335 : i32
        %select_n3A_346 = arith.select %and3A_344, %add3A_345, %rem3A_336 : i32
        %mul3A_347 = arith.constant 256 : i32
        %mul3A_348 = arith.muli %select_n3A_346, %mul3A_347 : i32
        %add3A_349 = arith.constant 0 : i32
        %add3A_350 = arith.addi %mul3A_348, %add3A_349 : i32
        %dma_start3A_351 = arith.constant 1 : i32
        %dma_start3A_352 = arith.constant 1 : i32
        %dma_start3A_353 = arith.constant 0 : i32
        %dma_start3A_354 = arith.constant 0 : i32
        %dma_start3A_355 = tpu.memref_slice %arg6[%dma_start3A_351, %dma_start3A_353, %dma_start3A_354] : memref<2x256x128xf32, #tpu.memory_space<vmem>> -> memref<1x128x128xf32, #tpu.memory_space<vmem>>
        %dma_start3A_356 = tpu.memref_squeeze %dma_start3A_355 : memref<1x128x128xf32, #tpu.memory_space<vmem>> -> memref<128x128xf32, #tpu.memory_space<vmem>>
        %dma_start3A_357 = tpu.memref_slice %arg5[%select_n3A_330, %add3A_350] : memref<8x1024xi32, #tpu.memory_space<vmem>> -> memref<1x128xi32, #tpu.memory_space<vmem>>
        %dma_start3A_358 = tpu.memref_squeeze %dma_start3A_357 : memref<1x128xi32, #tpu.memory_space<vmem>> -> memref<128xi32, #tpu.memory_space<vmem>>
        %dma_start3A_359 = arith.constant 0 : i32
        %dma_start3A_360 = arith.constant 0 : i32
        %dma_start3A_361 = tpu.memref_slice %arg3[%dma_start3A_359, %dma_start3A_360] : memref<8192x128xf32, #tpu.memory_space<hbm>> -> memref<8192x128xf32, #tpu.memory_space<hbm>>
        %dma_start3A_362 = tpu.memref_slice %arg8[%dma_start3A_352] : memref<2x!tpu.dma_semaphore, #tpu.memory_space<semaphore_mem>> -> memref<1x!tpu.dma_semaphore, #tpu.memory_space<semaphore_mem>>
        %dma_start3A_363 = tpu.memref_squeeze %dma_start3A_362 : memref<1x!tpu.dma_semaphore, #tpu.memory_space<semaphore_mem>> -> memref<!tpu.dma_semaphore, #tpu.memory_space<semaphore_mem>>
        tpu.enqueue_indirect_dma source(%dma_start3A_361 : memref<8192x128xf32, #tpu.memory_space<hbm>>) target(%dma_start3A_356 : memref<128x128xf32, #tpu.memory_space<vmem>>) offsets(%dma_start3A_358 : memref<128xi32, #tpu.memory_space<vmem>>) semaphore(%dma_start3A_363 : memref<!tpu.dma_semaphore, #tpu.memory_space<semaphore_mem>>)
        %add3A_364 = arith.constant 128 : i32
        %add3A_365 = arith.addi %mul3A_348, %add3A_364 : i32
        %dma_start3A_366 = arith.constant 1 : i32
        %dma_start3A_367 = arith.constant 1 : i32
        %dma_start3A_368 = arith.constant 128 : i32
        %dma_start3A_369 = arith.constant 0 : i32
        %dma_start3A_370 = tpu.memref_slice %arg6[%dma_start3A_366, %dma_start3A_368, %dma_start3A_369] : memref<2x256x128xf32, #tpu.memory_space<vmem>> -> memref<1x128x128xf32, #tpu.memory_space<vmem>>
        %dma_start3A_371 = tpu.memref_squeeze %dma_start3A_370 : memref<1x128x128xf32, #tpu.memory_space<vmem>> -> memref<128x128xf32, #tpu.memory_space<vmem>>
        %dma_start3A_372 = tpu.memref_slice %arg5[%select_n3A_330, %add3A_365] : memref<8x1024xi32, #tpu.memory_space<vmem>> -> memref<1x128xi32, #tpu.memory_space<vmem>>
        %dma_start3A_373 = tpu.memref_squeeze %dma_start3A_372 : memref<1x128xi32, #tpu.memory_space<vmem>> -> memref<128xi32, #tpu.memory_space<vmem>>
        %dma_start3A_374 = arith.constant 0 : i32
        %dma_start3A_375 = arith.constant 0 : i32
        %dma_start3A_376 = tpu.memref_slice %arg3[%dma_start3A_374, %dma_start3A_375] : memref<8192x128xf32, #tpu.memory_space<hbm>> -> memref<8192x128xf32, #tpu.memory_space<hbm>>
        %dma_start3A_377 = tpu.memref_slice %arg8[%dma_start3A_367] : memref<2x!tpu.dma_semaphore, #tpu.memory_space<semaphore_mem>> -> memref<1x!tpu.dma_semaphore, #tpu.memory_space<semaphore_mem>>
        %dma_start3A_378 = tpu.memref_squeeze %dma_start3A_377 : memref<1x!tpu.dma_semaphore, #tpu.memory_space<semaphore_mem>> -> memref<!tpu.dma_semaphore, #tpu.memory_space<semaphore_mem>>
        tpu.enqueue_indirect_dma source(%dma_start3A_376 : memref<8192x128xf32, #tpu.memory_space<hbm>>) target(%dma_start3A_371 : memref<128x128xf32, #tpu.memory_space<vmem>>) offsets(%dma_start3A_373 : memref<128xi32, #tpu.memory_space<vmem>>) semaphore(%dma_start3A_378 : memref<!tpu.dma_semaphore, #tpu.memory_space<semaphore_mem>>)
      } else {
      }
    }
    %scan3A_68 = arith.constant 16 : i32
    %dma_wait3A = arith.constant 0 : i32
    %dma_wait3A_69 = arith.constant 0 : i32
    %dma_wait3A_70 = arith.constant 0 : i32
    %dma_wait3A_71 = arith.constant 0 : i32
    %dma_wait3A_72 = arith.constant 0 : i32
    %dma_wait3A_73 = tpu.memref_slice %arg7[%dma_wait3A, %dma_wait3A_71, %dma_wait3A_72] : memref<2x64x256xf32, #tpu.memory_space<vmem>> -> memref<1x64x256xf32, #tpu.memory_space<vmem>>
    %dma_wait3A_74 = tpu.memref_squeeze %dma_wait3A_73 : memref<1x64x256xf32, #tpu.memory_space<vmem>> -> memref<64x256xf32, #tpu.memory_space<vmem>>
    %dma_wait3A_75 = arith.constant 0 : i32
    %dma_wait3A_76 = arith.constant 0 : i32
    %dma_wait3A_77 = tpu.memref_slice %arg4[%dma_wait3A_69, %dma_wait3A_75, %dma_wait3A_76] : memref<256x64x1024xf32, #tpu.memory_space<hbm>> -> memref<1x64x256xf32, #tpu.memory_space<hbm>>
    %dma_wait3A_78 = tpu.memref_squeeze %dma_wait3A_77 : memref<1x64x256xf32, #tpu.memory_space<hbm>> -> memref<64x256xf32, #tpu.memory_space<hbm>>
    %dma_wait3A_79 = tpu.memref_slice %arg9[%dma_wait3A_70] : memref<2x!tpu.dma_semaphore, #tpu.memory_space<semaphore_mem>> -> memref<1x!tpu.dma_semaphore, #tpu.memory_space<semaphore_mem>>
    %dma_wait3A_80 = tpu.memref_squeeze %dma_wait3A_79 : memref<1x!tpu.dma_semaphore, #tpu.memory_space<semaphore_mem>> -> memref<!tpu.dma_semaphore, #tpu.memory_space<semaphore_mem>>
    %dma_wait3A_81 = arith.constant 0 : i32
    %dma_wait3A_82 = arith.constant 0 : i32
    %dma_wait3A_83 = tpu.memref_slice %arg4[%dma_wait3A_69, %dma_wait3A_81, %dma_wait3A_82] : memref<256x64x1024xf32, #tpu.memory_space<hbm>> -> memref<1x64x256xf32, #tpu.memory_space<hbm>>
    %dma_wait3A_84 = tpu.memref_squeeze %dma_wait3A_83 : memref<1x64x256xf32, #tpu.memory_space<hbm>> -> memref<64x256xf32, #tpu.memory_space<hbm>>
    %dma_wait3A_85 = arith.constant 0 : i32
    %dma_wait3A_86 = arith.constant 0 : i32
    %dma_wait3A_87 = tpu.memref_slice %arg7[%dma_wait3A, %dma_wait3A_85, %dma_wait3A_86] : memref<2x64x256xf32, #tpu.memory_space<vmem>> -> memref<1x64x256xf32, #tpu.memory_space<vmem>>
    %dma_wait3A_88 = tpu.memref_squeeze %dma_wait3A_87 : memref<1x64x256xf32, #tpu.memory_space<vmem>> -> memref<64x256xf32, #tpu.memory_space<vmem>>
    tpu.wait_dma2 semaphore(%dma_wait3A_80 : memref<!tpu.dma_semaphore, #tpu.memory_space<semaphore_mem>>) src(%dma_wait3A_88 : memref<64x256xf32, #tpu.memory_space<vmem>>) dst(%dma_wait3A_84 : memref<64x256xf32, #tpu.memory_space<hbm>>)
    %dma_wait3A_89 = arith.constant 1 : i32
    %dma_wait3A_90 = arith.constant 0 : i32
    %dma_wait3A_91 = arith.constant 1 : i32
    %dma_wait3A_92 = arith.constant 0 : i32
    %dma_wait3A_93 = arith.constant 0 : i32
    %dma_wait3A_94 = tpu.memref_slice %arg7[%dma_wait3A_89, %dma_wait3A_92, %dma_wait3A_93] : memref<2x64x256xf32, #tpu.memory_space<vmem>> -> memref<1x64x256xf32, #tpu.memory_space<vmem>>
    %dma_wait3A_95 = tpu.memref_squeeze %dma_wait3A_94 : memref<1x64x256xf32, #tpu.memory_space<vmem>> -> memref<64x256xf32, #tpu.memory_space<vmem>>
    %dma_wait3A_96 = arith.constant 0 : i32
    %dma_wait3A_97 = arith.constant 0 : i32
    %dma_wait3A_98 = tpu.memref_slice %arg4[%dma_wait3A_90, %dma_wait3A_96, %dma_wait3A_97] : memref<256x64x1024xf32, #tpu.memory_space<hbm>> -> memref<1x64x256xf32, #tpu.memory_space<hbm>>
    %dma_wait3A_99 = tpu.memref_squeeze %dma_wait3A_98 : memref<1x64x256xf32, #tpu.memory_space<hbm>> -> memref<64x256xf32, #tpu.memory_space<hbm>>
    %dma_wait3A_100 = tpu.memref_slice %arg9[%dma_wait3A_91] : memref<2x!tpu.dma_semaphore, #tpu.memory_space<semaphore_mem>> -> memref<1x!tpu.dma_semaphore, #tpu.memory_space<semaphore_mem>>
    %dma_wait3A_101 = tpu.memref_squeeze %dma_wait3A_100 : memref<1x!tpu.dma_semaphore, #tpu.memory_space<semaphore_mem>> -> memref<!tpu.dma_semaphore, #tpu.memory_space<semaphore_mem>>
    %dma_wait3A_102 = arith.constant 0 : i32
    %dma_wait3A_103 = arith.constant 0 : i32
    %dma_wait3A_104 = tpu.memref_slice %arg4[%dma_wait3A_90, %dma_wait3A_102, %dma_wait3A_103] : memref<256x64x1024xf32, #tpu.memory_space<hbm>> -> memref<1x64x256xf32, #tpu.memory_space<hbm>>
    %dma_wait3A_105 = tpu.memref_squeeze %dma_wait3A_104 : memref<1x64x256xf32, #tpu.memory_space<hbm>> -> memref<64x256xf32, #tpu.memory_space<hbm>>
    %dma_wait3A_106 = arith.constant 0 : i32
    %dma_wait3A_107 = arith.constant 0 : i32
    %dma_wait3A_108 = tpu.memref_slice %arg7[%dma_wait3A_89, %dma_wait3A_106, %dma_wait3A_107] : memref<2x64x256xf32, #tpu.memory_space<vmem>> -> memref<1x64x256xf32, #tpu.memory_space<vmem>>
    %dma_wait3A_109 = tpu.memref_squeeze %dma_wait3A_108 : memref<1x64x256xf32, #tpu.memory_space<vmem>> -> memref<64x256xf32, #tpu.memory_space<vmem>>
    tpu.wait_dma2 semaphore(%dma_wait3A_101 : memref<!tpu.dma_semaphore, #tpu.memory_space<semaphore_mem>>) src(%dma_wait3A_109 : memref<64x256xf32, #tpu.memory_space<vmem>>) dst(%dma_wait3A_105 : memref<64x256xf32, #tpu.memory_space<hbm>>)
    return
  }
}

</mosaic_0001>

<sc_bundles>
// kernel: kernel.3.cloned.1.call-start
scs
__scs_entry_jumppad:
0x0: {  	(pc) =	sbr.rel $0x88, $3  }
0x1: {  	(tag) =	ssettag $0x0;
	lr =	simm.s32 $0x1  }
0x2: {  	[smem:$0x3F9F] =	sst lr;
	_ =	strace $0xD0000000  }
0x3: {  	_ = 	snop  }
0x4: {  	_ = 	snop  }
0x5: {  	_ = 	snop  }
0x6: {  	_ = 	snop  }
0x7: {  	_ = 	snop  }
__scs_overlays_trampoline_lowered:
0x8: {  	[smem:$0x3FAE] =	sst s0  }
0x9: {  	[smem:$0x3FAF] =	sst s1  }
0xa: {  	[smem:$0x3FB0] =	sst s2  }
0xb: {  	[smem:$0x3FB1] =	sst s3  }
0xc: {  	[smem:$0x3FB2] =	sst s4  }
0xd: {  	[smem:$0x3FB3] =	sst s5  }
0xe: {  	[smem:$0x3FB4] =	sst s6  }
0xf: {  	[smem:$0x3FB5] =	sst s7  }
0x10: {  	[smem:$0x3FB6] =	sst s8  }
0x11: {  	[smem:$0x3FB7] =	sst s9;
	s0 =	simm.s32 @!p0 $0x0  }
0x12: {  	s1 =	sld [smem:$0x3F9D];
	s0 =	simm.s32 @p0 $0x1  }
0x13: {  	[smem:$0x3FB8] =	sst s0;
	s0 =	simm.s32 @!p1 $0x0  }
0x14: {  	s2 =	sld [smem:$0x3F9C];
	s0 =	simm.s32 @p1 $0x1  }
0x15: {  	[smem:$0x3FB9] =	sst s0;
	s0 =	simm.s32 @!p2 $0x0  }
0x16: {  	s3 =	sld [smem:$0x3FDB];
	s0 =	simm.s32 @p2 $0x1  }
0x17: {  	s4 =	simm.s32 $0x1BF5;
	[smem:$0x3FBB] =	sst s0  }
0x18: {  	s0 =	sld [smem:$0x3F9E];
	_ =	swait.ge [sflag:s4], $0x0  }
0x19: {  	s7 =	sld [smem:$0x3F9F]  }
0x1a: {  	s8 =	sadd.s32 $0xFFFFE003, lr  }
0x1b: {  	s9 =	sadd.s32 $0xFFFFFEF7, lr;
	s5 =	simm.s32 $0xFFFFFFFF;
	p2 =	slt.u32 s8, $0xFFFFF086  }
0x1c: {  	p1 =	slt.u32 s9, $0xF7A;
	s5 =	simm.s32 @!p2 $0x0  }
0x1d: {  	s5 =	simm.s32 @p1 $0x1;
	p0 =	seq.s32 s7, s2  }
0x1e: {  	s7 =	smul.u32 @!p0 $0xF7A, s2;
	p2 =	seq.s32 @!p0 s5, $0x0  }
0x1f: {  	s9 =	smul.u32 $0xF7A, s1;
	s8 =	simm.s32 @!p0 $0x1BF5;
	p2 =	por !p2, p0  }
0x20: {  	[sflag:s8] =	ssyncset.s32 @!p0 $0xFFFFF086;
	s6 =	sadd.s32 @!p0 s3, s7;
	s7 =	simm.s32 @!p0 $0x108  }
0x21: {  	s3 =	sadd.s32 s3, s9;
	s6 =	sadd.s32 @!p0 $0x88, s6;
	s7 =	simm.s32 @p2 $0x1082  }
0x22: {  	[simem:s7], [sflag:s8] =	dma.local @!p0 [hbm:s6], $0xF7A  }
0x23: {  	s9 =	sor.u32 $0xD0000000, s2;
	s6 =	simm.s32 $0x108;
	_ =	swait.ge @!p0 [sflag:s8], $0x0  }
0x24: {  	s3 =	sadd.s32 $0x88, s3;
	s6 =	simm.s32 @!p1 $0x1082;
	[sflag:s4] =	ssyncset.s32 $0xFFFFF086  }
0x25: {  	[simem:s6], [sflag:s4] =	dma.local [hbm:s3], $0xF7A  }
0x26: {  	[smem:$0x3F9F] =	sst s1;
	(tag) =	ssettag s2;
	_ =	strace s9  }
0x27: {  	s1 =	sld [smem:$0x3FAF]  }
0x28: {  	s2 =	sld [smem:$0x3FB0]  }
0x29: {  	s4 =	sld [smem:$0x3FB2]  }
0x2a: {  	p0 =	seq.s32 s5, $0x0;
	s5 =	sld [smem:$0x3FB3]  }
0x2b: {  	s6 =	sld [smem:$0x3FB4]  }
0x2c: {  	s7 =	sld [smem:$0x3FB5]  }
0x2d: {  	s3 =	simm.s32 $0x108;
	s8 =	sld [smem:$0x3FB6]  }
0x2e: {  	s3 =	simm.s32 @!p0 $0x1082;
	s9 =	sld [smem:$0x3FB7]  }
0x2f: {  	lr =	sadd.s32 s0, s3;
	s0 =	sld [smem:$0x3FAE]  }
0x30: {  	s3 =	sld [smem:$0x3FB1]  }
0x31: {  	[smem:$0x3FBA] =	sst s10  }
0x32: {  	s10 =	sld [smem:$0x3FB8];
	_ =	sdelay $0x3  }
0x33: {  	p0 =	seq.s32 s10, $0x1;
	s10 =	sld [smem:$0x3FBA];
	_ =	sdelay $0x3  }
0x34: {  	[smem:$0x3FBA] =	sst s10  }
0x35: {  	s10 =	sld [smem:$0x3FB9];
	_ =	sdelay $0x3  }
0x36: {  	p1 =	seq.s32 s10, $0x1;
	s10 =	sld [smem:$0x3FBA];
	_ =	sdelay $0x3  }
0x37: {  	[smem:$0x3FBA] =	sst s10  }
0x38: {  	s10 =	sld [smem:$0x3FBB]  }
0x39: {  	_ = 	snop;
	(pc) =	sbr.ind lr, $3  }
0x3a: {  	_ = 	snop  }
0x3b: {  	_ = 	snop  }
0x3c: {  	p2 =	seq.s32 s10, $0x1;
	s10 =	sld [smem:$0x3FBA]  }
0x3d: {  	_ =	shalt  }
0x3e: {  	_ =	shalt  }
0x3f: {  	_ =	shalt  }
0x40: {  	_ =	shalt  }
0x41: {  	_ =	shalt  }
0x42: {  	_ =	shalt  }
0x43: {  	_ =	shalt  }
0x44: {  	_ =	shalt  }
0x45: {  	_ =	shalt  }
0x46: {  	_ =	shalt  }
0x47: {  	_ =	shalt  }
0x48: {  	_ =	shalt  }
0x49: {  	_ =	shalt  }
0x4a: {  	_ =	shalt  }
0x4b: {  	_ =	shalt  }
0x4c: {  	_ =	shalt  }
0x4d: {  	_ =	shalt  }
0x4e: {  	_ =	shalt  }
0x4f: {  	_ =	shalt  }
0x50: {  	_ =	shalt  }
0x51: {  	_ =	shalt  }
0x52: {  	_ =	shalt  }
0x53: {  	_ =	shalt  }
0x54: {  	_ =	shalt  }
0x55: {  	_ =	shalt  }
0x56: {  	_ =	shalt  }
0x57: {  	_ =	shalt  }
0x58: {  	_ =	shalt  }
0x59: {  	_ =	shalt  }
0x5a: {  	_ =	shalt  }
0x5b: {  	_ =	shalt  }
0x5c: {  	_ =	shalt  }
0x5d: {  	_ =	shalt  }
0x5e: {  	_ =	shalt  }
0x5f: {  	_ =	shalt  }
0x60: {  	_ =	shalt  }
0x61: {  	_ =	shalt  }
0x62: {  	_ =	shalt  }
0x63: {  	_ =	shalt  }
0x64: {  	_ =	shalt  }
0x65: {  	_ =	shalt  }
0x66: {  	_ =	shalt  }
0x67: {  	_ =	shalt  }
0x68: {  	_ =	shalt  }
0x69: {  	_ =	shalt  }
0x6a: {  	_ =	shalt  }
0x6b: {  	_ =	shalt  }
0x6c: {  	_ =	shalt  }
0x6d: {  	_ =	shalt  }
0x6e: {  	_ =	shalt  }
0x6f: {  	_ =	shalt  }
0x70: {  	_ =	shalt  }
0x71: {  	_ =	shalt  }
0x72: {  	_ =	shalt  }
0x73: {  	_ =	shalt  }
0x74: {  	_ =	shalt  }
0x75: {  	_ =	shalt  }
0x76: {  	_ =	shalt  }
0x77: {  	_ =	shalt  }
0x78: {  	_ =	shalt  }
0x79: {  	_ =	shalt  }
0x7a: {  	_ =	shalt  }
0x7b: {  	_ =	shalt  }
0x7c: {  	_ =	shalt  }
0x7d: {  	_ =	shalt  }
0x7e: {  	_ =	shalt  }
0x7f: {  	_ =	shalt  }
0x80: {  	_ =	shalt  }
0x81: {  	_ =	shalt  }
0x82: {  	_ =	shalt  }
0x83: {  	_ =	shalt  }
0x84: {  	_ =	shalt  }
0x85: {  	_ =	shalt  }
0x86: {  	_ =	shalt  }
0x87: {  	_ =	shalt  }
.Lfunc_end0:
.L_simem_size_0:
called_computation_lowered:
.L_overlay_start_0:
0x88: {  	s2 =	sld [smem:$0x3FD9]  }
0x89: {  	s3 =	sld [smem:$0x3FFE];
	_ =	sdelay $0x1  }
0x8a: {  	s1 =	srdreg.scid  }
0x8b: {  	s0 =	sand.u32 $0x1, s1  }
0x8c: {  	s17 =	sshll.u32 s0, $0xA;
	s2 =	sadd.s32 s3, s2  }
0x8d: {  	s2 =	sadd.s32 s2, s17  }
0x8e: {  	[smem:$0x3FC6] =	sst s2  }
0x8f: {  	_ = 	snop  }
0x90: {  	s2 =	sld [smem:$0x3FC9]  }
0x91: {  	s18 =	sld [smem:$0x3FD0];
	(tm) =	ssettm $0x1  }
0x92: {  	s4 =	sld [smem:$0x3FFB];
	_ =	sdelay $0x3  }
0x93: {  	_ =	strace s4  }
0x94: {  	s4 =	sld [smem:$0x3FFC];
	_ =	sdelay $0x3  }
0x95: {  	_ =	strace s4  }
0x96: {  	s4 =	sld [smem:$0x3FFD];
	_ =	sdelay $0x3  }
0x97: {  	_ =	strace s4  }
0x98: {  	_ =	strace $0x8FFFFFFF  }
0x99: {  	s19 =	sld [smem:$0x3FDB];
	_ =	sdelay $0x1  }
0x9a: {  	s5 =	simm.s32 $_scs_section_size  }
0x9b: {  	s6 =	simm.s32 $_size__tile_overlayer_lowered;
	s7 =	simm.s32 $_tile_overlayer_lowered  }
0x9c: {  	s22 =	simm.s32 $0x1BFF;
	s21 =	sshll.u32 s7, $0x1;
	s4 =	sadd.s32 s5, s19  }
0x9d: {  	s8 =	simm.s32 $0x0;
	s20 =	sshll.u32 s6, $0x1;
	s6 =	sadd.s32 s21, s4  }
0x9e: {  	[timem:s8], [sflag:s22] =	dma.local [hbm:s6], s20  }
0x9f: {  	_ =	swait.ge [sflag:s22], s20  }
0xa0: {  	s5 =	ssub.s32 $0x0, s20;
	[sflag:s22] =	ssyncset.done $0x0  }
0xa1: {  	[sflag:s22] =	ssyncadd.s32 s5;
	_ =	sdelay $0x1  }
0xa2: {  	s23 =	simm.s32 $0x1B8B  }
0xa3: {  	_ =	swait.ge [sflag:s23], $0x1  }
0xa4: {  	[sflag:s23] =	ssyncset.done $0x0  }
0xa5: {  	s25 =	simm.s32 $0x1B8E;
	s24 =	sld [smem:$0x3FFE];
	[sflag:s23] =	ssyncadd.s32 $0xFFFFFFFF  }
0xa6: {  	s26 =	simm.s32 $execute0_lowered;
	[smem:$0x3FD2] =	sst s25  }
0xa7: {  	s6 =	sshll.u32 s26, $0x1;
	_ =	strace $0x80000046;
	[dreg:$0x1] =	wrdreg $0xFFFFFFFF  }
0xa8: {  	s28 =	simm.s32 $_size_execute0_lowered;
	s4 =	sadd.s32 s4, s6;
	[dreg:$0x0] =	wrdreg $0x0  }
0xa9: {  	s6 =	sshll.u32 s28, $0x1;
	[dreg:$0x2] =	wrdreg s4  }
0xaa: {  	[dreg:$0x3] =	wrdreg s6  }
0xab: {  	[dreg:$0x4] =	wrdreg $0xC0  }
0xac: {  	_ =	task [dreg:s8], $0x5FFFF  }
0xad: {  	[dreg:$0x1] =	wrdreg $0xFFFFFFFF  }
0xae: {  	[dreg:$0x0] =	wrdreg $0x60  }
0xaf: {  	[dreg:$0x2] =	wrdreg s2  }
0xb0: {  	[dreg:$0x3] =	wrdreg s24  }
0xb1: {  	[dreg:$0x4] =	wrdreg s18  }
0xb2: {  	[dreg:$0x5] =	wrdreg $0x9  }
0xb3: {  	_ =	task.clear_ibuf [dreg:s8], $0x6FFFF;
	_ =	strace $0x90000046  }
0xb4: {  	s29 =	simm.s32 $0x9;
	_ =	strace $0x80000048  }
0xb5: {  	_ =	swait.ge [sflag:s29], $0x1  }
0xb6: {  	[sflag:s29] =	ssyncadd.s32 $0xFFFFFFFF  }
0xb7: {  	_ =	strace $0x90000048  }
0xb8: {  	_ =	sfence  }
0xb9: {  	s30 =	sld [smem:$0x0];
	_ =	sdelay $0x2  }
0xba: {  	s31 =	sshll.u32 s1, $0xD;
	s1 =	sshrl.u32 s1, $0x2  }
0xbb: {  	s3 =	sand.u32 $0x4000, s31;
	s1 =	sadd.s32 s1, s30  }
0xbc: {  	s0 =	sor.u32 s3, s0;
	s1 =	sshll.u32 s1, $0x11  }
0xbd: {  	s0 =	sor.u32 s1, s0  }
0xbe: {  	s0 =	sadd.s32 $0x8F2B, s0  }
0xbf: {  	[sflag:s0] =	ssyncadd.remote.s32 $0x1  }
0xc0: {  	_ =	sfence.sel $0xFFFF  }
0xc1: {  	[dreg:$0x0] =	wrdreg $0xFFFFFFFF;
	(pc) =	sbr.abs _section_cstart, $3  }
0xc2: {  	[dreg:$0x1] =	wrdreg $0xFFFFFFFF  }
0xc3: {  	_ =	task.clear_ibuf [dreg:s8], $0x2FFFF;
	_ =	strace $0x9FFFFFFF  }
0xc4: {  	(tm) =	ssettm $0x7FFFFFFF  }
0xc5: {  	_ =	shalt  }
tec
execute0_lowered:
.L_overlay_start_1:
0x0: {  	(tag) =	ssettag $0x1  }
0x1: {  	v0 =	vimm.s32 $0xFEDCBA9;
	v1 =	vimm.s32 $0x87654321  }
0x2: {  	v2 =	vimm.s32 $0x10FEDCBA;
	v3 =	vimm.s32 $0x98765432;
	v4 =	vimm.s32 $0x210FEDCB  }
0x3: {  	v5 =	vimm.s32 $0xA9876543;
	v6 =	vimm.s32 $0x3210FEDC;
	v7 =	vimm.s32 $0xBA987654  }
0x4: {  	v21 =	vimm.s32 $0x43210FED;
	v22 =	vimm.s32 $0xCBA98765;
	v11 =	vimm.s32 $0x543210FE  }
0x5: {  	v12 =	vimm.s32 $0xDCBA9876;
	v13 =	vimm.s32 $0x6543210F;
	v14 =	vimm.s32 $0xEDCBA987  }
0x6: {  	v15 =	vimm.s32 $0xFEDCBA98;
	v17 =	vimm.s32 $0x76543210;
	vm12 =	vcmask $0x300  }
0x7: {  	v36 =	vimm.s32 $0xB80;
	vm13 =	vcmask $0x704;
	vm14 =	vcmask $0xB08  }
0x8: {  	vm9 =	vcmask $0xF0C;
	vm10 =	vcmask $0x1310;
	vm11 =	vcmask $0x1714  }
0x9: {  	vm6 =	vcmask $0x1B18;
	vm7 =	vcmask $0x1F1C;
	vm8 =	vcmask $0x2320  }
0xa: {  	vm3 =	vcmask $0x2724;
	vm4 =	vcmask $0x2B28;
	vm5 =	vcmask $0x2F2C  }
0xb: {  	vm0 =	vcmask $0x3330;
	vm1 =	vcmask $0x3734;
	vm2 =	vcmask $0x3B38  }
0xc: {  	v38 =	vimm.s32 $0x1180;
	v39 =	vimm.s32 $0x1200;
	v40 =	vimm.s32 $0x1280  }
0xd: {  	v41 =	vimm.s32 $0x1300;
	v42 =	vimm.s32 $0x1380;
	v43 =	vimm.s32 $0x1800  }
0xe: {  	v44 =	vimm.s32 $0x1880;
	v45 =	vimm.s32 $0x1900;
	v46 =	vimm.s32 $0x1980  }
0xf: {  	v47 =	vimm.s32 $0x1A00;
	v48 =	vimm.s32 $0x1A80;
	v49 =	vimm.s32 $0x1B00  }
0x10: {  	v50 =	vimm.s32 $0x2B80;
	v51 =	vimm.s32 $0x2000;
	v55 =	vimm.s32 $0x2080  }
0x11: {  	v56 =	vimm.s32 $0x2100;
	v20 =	vimm.s32 $0x2180;
	v24 =	vimm.s32 $0x2380  }
0x12: {  	v25 =	vimm.s32 $0x2800;
	v26 =	vimm.s32 $0x2880;
	v27 =	vimm.s32 $0x2900  }
0x13: {  	v28 =	vimm.s32 $0x2980;
	v29 =	vimm.s32 $0x2A00;
	v30 =	vimm.s32 $0x2A80  }
0x14: {  	v31 =	vimm.s32 $0x2B00;
	v0 =	vunpack.c.l.s4.s8 v0;
	v1 =	vunpack.c.l.s4.s8 v1  }
0x15: {  	v2 =	vunpack.c.l.s4.s8 v2;
	v3 =	vunpack.c.l.s4.s8 v3;
	v4 =	vunpack.c.l.s4.s8 v4  }
0x16: {  	v5 =	vunpack.c.l.s4.s8 v5;
	v6 =	vunpack.c.l.s4.s8 v6;
	v7 =	vunpack.c.l.s4.s8 v7  }
0x17: {  	v11 =	vunpack.c.l.s4.s8 v11;
	v12 =	vunpack.c.l.s4.s8 v12;
	v13 =	vunpack.c.l.s4.s8 v13  }
0x18: {  	v14 =	vunpack.c.l.s4.s8 v14;
	v15 =	vunpack.c.l.s4.s8 v15;
	v17 =	vunpack.c.l.s4.s8 v17  }
0x19: {  	v37 =	vsel vm12, $0x0, v36;
	v20 =	vsel vm12, $0x2200, v20;
	v24 =	vsel vm12, $0x2800, v24  }
0x1a: {  	v25 =	vsel vm12, $0x2880, v25;
	v26 =	vsel vm12, $0x2900, v26;
	v27 =	vsel vm12, $0x2980, v27  }
0x1b: {  	v28 =	vsel vm12, $0x2A00, v28;
	v29 =	vsel vm12, $0x2A80, v29;
	v30 =	vsel vm12, $0x2B00, v30  }
0x1c: {  	v31 =	vsel vm12, $0x2B80, v31;
	v36 =	vimm.s32 $0x3180;
	v20 =	vsel vm13, $0x2280, v20  }
0x1d: {  	v24 =	vsel vm13, $0x2880, v24;
	v25 =	vsel vm13, $0x2900, v25;
	v26 =	vsel vm13, $0x2980, v26  }
0x1e: {  	v27 =	vsel vm13, $0x2A00, v27;
	v28 =	vsel vm13, $0x2A80, v28;
	v29 =	vsel vm13, $0x2B00, v29  }
0x1f: {  	v30 =	vsel vm13, $0x2B80, v30;
	v31 =	vsel vm13, $0x2000, v31;
	v36 =	vsel vm12, $0x3200, v36  }
0x20: {  	v0 =	vunpack.c.0.s8.s32 v0;
	v1 =	vunpack.c.0.s8.s32 v1;
	v2 =	vunpack.c.0.s8.s32 v2  }
0x21: {  	v3 =	vunpack.c.0.s8.s32 v3;
	v4 =	vunpack.c.0.s8.s32 v4;
	v5 =	vunpack.c.0.s8.s32 v5  }
0x22: {  	v6 =	vunpack.c.0.s8.s32 v6;
	v7 =	vunpack.c.0.s8.s32 v7;
	v11 =	vunpack.c.0.s8.s32 v11  }
0x23: {  	v12 =	vunpack.c.0.s8.s32 v12;
	v13 =	vunpack.c.0.s8.s32 v13;
	v14 =	vunpack.c.0.s8.s32 v14  }
0x24: {  	v32 =	vunpack.c.0.s8.s32 v15;
	v35 =	vunpack.c.0.s8.s32 v17;
	v15 =	vsel vm12, $0x1B80, v49  }
0x25: {  	v17 =	vsel vm12, $0x2080, v51;
	v20 =	vsel vm14, $0x2300, v20;
	v24 =	vsel vm14, $0x2900, v24  }
0x26: {  	v25 =	vsel vm14, $0x2980, v25;
	v26 =	vsel vm14, $0x2A00, v26;
	v27 =	vsel vm14, $0x2A80, v27  }
0x27: {  	v28 =	vsel vm14, $0x2B00, v28;
	v29 =	vsel vm14, $0x2B80, v29;
	v30 =	vsel vm14, $0x2000, v30  }
0x28: {  	v31 =	vsel vm14, $0x2080, v31;
	v36 =	vsel vm13, $0x3280, v36;
	v49 =	vimm.s32 $0x18171615  }
0x29: {  	v15 =	vsel vm13, $0x1000, v15;
	v17 =	vsel vm13, $0x2100, v17;
	v36 =	vsel vm14, $0x3300, v36  }
0x2a: {  	v20 =	vsel vm9, $0x2380, v20;
	v24 =	vsel vm9, $0x2980, v24;
	v25 =	vsel vm9, $0x2A00, v25  }
0x2b: {  	v26 =	vsel vm9, $0x2A80, v26;
	v27 =	vsel vm9, $0x2B00, v27;
	v28 =	vsel vm9, $0x2B80, v28  }
0x2c: {  	v29 =	vsel vm9, $0x2000, v29;
	v8 =	vcombine.low v1, v0;
	v9 =	vcombine.low v3, v2  }
0x2d: {  	v30 =	vsel vm9, $0x2080, v30;
	v10 =	vcombine.low v5, v4;
	v63 =	vcombine.low v7, v6  }
0x2e: {  	v31 =	vsel vm9, $0x2100, v31;
	v18 =	vcombine.low v12, v11;
	v19 =	vcombine.low v14, v13  }
0x2f: {  	v0 =	vcombine.low v0, v1;
	v1 =	vsel vm13, $0x80, v37;
	v2 =	vcombine.low v2, v3  }
0x30: {  	v3 =	vcombine.low v13, v14;
	v13 =	vsel vm12, $0x1A80, v47;
	v14 =	vsel vm12, $0x1B00, v48  }
0x31: {  	v15 =	vsel vm14, $0x1080, v15;
	v17 =	vsel vm14, $0x2180, v17;
	v37 =	vimm.s32 $0x3200  }
0x32: {  	v47 =	vimm.s32 $0x3B00;
	v48 =	vimm.s32 $0x14131211;
	v20 =	vsel vm10, $0x2800, v20  }
0x33: {  	v24 =	vsel vm10, $0x2A00, v24;
	v25 =	vsel vm10, $0x2A80, v25;
	v26 =	vsel vm10, $0x2B00, v26  }
0x34: {  	v27 =	vsel vm10, $0x2B80, v27;
	v28 =	vsel vm10, $0x2000, v28;
	v29 =	vsel vm10, $0x2080, v29  }
0x35: {  	v30 =	vsel vm10, $0x2100, v30;
	v31 =	vsel vm10, $0x2180, v31;
	v36 =	vsel vm9, $0x3380, v36  }
0x36: {  	v1 =	vsel vm14, $0x100, v1;
	v13 =	vsel vm13, $0x1B00, v13;
	v14 =	vsel vm13, $0x1B80, v14  }
0x37: {  	v37 =	vsel vm12, $0x3280, v37;
	v47 =	vsel vm12, $0x3B80, v47;
	v48 =	vunpack.c.0.s8.s32 v48  }
0x38: {  	v15 =	vsel vm9, $0x1100, v15;
	v17 =	vsel vm9, $0x2200, v17;
	v20 =	vsel vm11, $0x2880, v20  }
0x39: {  	v24 =	vsel vm11, $0x2A80, v24;
	v25 =	vsel vm11, $0x2B00, v25;
	v26 =	vsel vm11, $0x2B80, v26  }
0x3a: {  	v27 =	vsel vm11, $0x2000, v27;
	v28 =	vsel vm11, $0x2080, v28;
	v29 =	vsel vm11, $0x2100, v29  }
0x3b: {  	v30 =	vsel vm11, $0x2180, v30;
	v31 =	vsel vm11, $0x2200, v31;
	v36 =	vsel vm10, $0x3800, v36  }
0x3c: {  	v8 =	vand.u32 $0xF, v8;
	v61 =	vand.u32 $0xF, v9;
	v62 =	vand.u32 $0xF, v10  }
0x3d: {  	v9 =	vunpack.c.l.s4.s8 v21;
	v10 =	vunpack.c.l.s4.s8 v22;
	v33 =	vand.u32 $0xF, v18  }
0x3e: {  	v34 =	vand.u32 $0xF, v19;
	v0 =	vand.u32 $0xF, v0;
	v13 =	vsel vm14, $0x1B80, v13  }
0x3f: {  	v14 =	vsel vm14, $0x1000, v14;
	v18 =	vsel vm12, $0x2100, v55;
	v19 =	vsel vm12, $0x2180, v56  }
0x40: {  	v21 =	vimm.s32 $0x2200;
	v22 =	vimm.s32 $0x2280;
	v37 =	vsel vm13, $0x3300, v37  }
0x41: {  	v47 =	vsel vm13, $0x3000, v47;
	v15 =	vsel vm10, $0x1180, v15;
	v17 =	vsel vm10, $0x2280, v17  }
0x42: {  	v36 =	vsel vm11, $0x3880, v36;
	v55 =	vimm.s32 $0x15141312;
	v56 =	vimm.s32 $0x19181716  }
0x43: {  	v20 =	vsel vm6, $0x2900, v20;
	v24 =	vsel vm6, $0x2B00, v24;
	v25 =	vsel vm6, $0x2B80, v25  }
0x44: {  	v26 =	vsel vm6, $0x2000, v26;
	v27 =	vsel vm6, $0x2080, v27;
	v28 =	vsel vm6, $0x2100, v28  }
0x45: {  	v29 =	vsel vm6, $0x2180, v29;
	v30 =	vsel vm6, $0x2200, v30;
	v31 =	vsel vm6, $0x2280, v31;
	[tilespmem:$0x1FA00] =	vst v8  }
0x46: {  	v8 =	vand.u32 $0xF, v63;
	[tilespmem:$0x1FBA0] =	vst v0;
	v0 =	vsel vm9, $0x180, v1;
	v1 =	vand.u32 $0xF, v2  }
0x47: {  	v2 =	vcombine.low v6, v7;
	v6 =	vsel vm12, $0x1300, v40;
	v7 =	vsel vm12, $0x1380, v41  }
0x48: {  	[tilespmem:$0x1FA90] =	vst v33;
	v18 =	vsel vm13, $0x2180, v18;
	v19 =	vsel vm13, $0x2200, v19;
	v21 =	vsel vm12, $0x2280, v21  }
0x49: {  	[tilespmem:$0x1FAA0] =	vst v34;
	v22 =	vsel vm12, $0x2300, v22;
	v33 =	vimm.s32 $0x3000;
	v34 =	vimm.s32 $0x3080  }
0x4a: {  	v37 =	vsel vm14, $0x3380, v37;
	v40 =	vimm.s32 $0x3380;
	v41 =	vimm.s32 $0x3800  }
0x4b: {  	[tilespmem:$0x1FA50] =	vst v61;
	v47 =	vsel vm14, $0x3080, v47;
	v61 =	vunpack.c.0.s8.s32 v49;
	v13 =	vsel vm9, $0x1000, v13  }
0x4c: {  	v14 =	vsel vm9, $0x1080, v14;
	v15 =	vsel vm11, $0x1200, v15;
	v17 =	vsel vm11, $0x2300, v17  }
0x4d: {  	v63 =	vimm.s32 $0x11101F1E;
	v20 =	vsel vm7, $0x2980, v20;
	v24 =	vsel vm7, $0x2B80, v24  }
0x4e: {  	v25 =	vsel vm7, $0x2000, v25;
	v26 =	vsel vm7, $0x2080, v26;
	v27 =	vsel vm7, $0x2100, v27  }
0x4f: {  	v28 =	vsel vm7, $0x2180, v28;
	v29 =	vsel vm7, $0x2200, v29;
	v30 =	vsel vm7, $0x2280, v30  }
0x50: {  	v31 =	vsel vm7, $0x2300, v31;
	v36 =	vsel vm6, $0x3900, v36;
	v9 =	vunpack.c.0.s8.s32 v9  }
0x51: {  	v10 =	vunpack.c.0.s8.s32 v10;
	[tilespmem:$0x1FA60] =	vst v8;
	v8 =	vand.u32 $0xF, v32;
	v0 =	vsel vm10, $0x200, v0  }
0x52: {  	[tilespmem:$0x1FB90] =	vst v1;
	v1 =	vcombine.low v4, v5;
	v4 =	vsel vm12, $0x1200, v38;
	v5 =	vsel vm12, $0x1280, v39  }
0x53: {  	v6 =	vsel vm13, $0x1380, v6;
	v7 =	vsel vm13, $0x1800, v7;
	v18 =	vsel vm14, $0x2200, v18  }
0x54: {  	v19 =	vsel vm14, $0x2280, v19;
	v21 =	vsel vm13, $0x2300, v21;
	v22 =	vsel vm13, $0x2380, v22  }
0x55: {  	v32 =	vimm.s32 $0x3B80;
	v33 =	vsel vm12, $0x3080, v33;
	v34 =	vsel vm12, $0x3100, v34  }
0x56: {  	v38 =	vimm.s32 $0x3280;
	v39 =	vimm.s32 $0x3300;
	v40 =	vsel vm12, $0x3800, v40  }
0x57: {  	v41 =	vsel vm12, $0x3880, v41;
	v13 =	vsel vm10, $0x1080, v13;
	v14 =	vsel vm10, $0x1100, v14  }
0x58: {  	v37 =	vsel vm9, $0x3800, v37;
	v47 =	vsel vm9, $0x3100, v47;
	v15 =	vsel vm6, $0x1280, v15  }
0x59: {  	v17 =	vsel vm6, $0x2380, v17;
	v20 =	vsel vm8, $0x2A00, v20;
	v24 =	vsel vm8, $0x2000, v24  }
0x5a: {  	v25 =	vsel vm8, $0x2080, v25;
	v26 =	vsel vm8, $0x2100, v26;
	v27 =	vsel vm8, $0x2180, v27  }
0x5b: {  	v28 =	vsel vm8, $0x2200, v28;
	v29 =	vsel vm8, $0x2280, v29;
	v30 =	vsel vm8, $0x2300, v30  }
0x5c: {  	v31 =	vsel vm8, $0x2380, v31;
	v36 =	vsel vm7, $0x3980, v36;
	v8 =	vcombine.low v8, v35  }
0x5d: {  	v0 =	vsel vm11, $0x280, v0;
	v53 =	vand.u32 $0xF, v2;
	v2 =	vcombine.low v11, v12  }
0x5e: {  	v4 =	vsel vm13, $0x1280, v4;
	v5 =	vsel vm13, $0x1300, v5;
	v6 =	vsel vm14, $0x1800, v6  }
0x5f: {  	v7 =	vsel vm14, $0x1880, v7;
	v11 =	vsel vm12, $0x1980, v45;
	v12 =	vsel vm12, $0x1A00, v46  }
0x60: {  	v21 =	vsel vm14, $0x2380, v21;
	v22 =	vsel vm14, $0x2800, v22;
	v32 =	vsel vm12, $0x3000, v32  }
0x61: {  	v35 =	vimm.s32 $0x3100;
	v33 =	vsel vm13, $0x3100, v33;
	v34 =	vsel vm13, $0x3180, v34  }
0x62: {  	v38 =	vsel vm12, $0x3300, v38;
	v39 =	vsel vm12, $0x3380, v39;
	v40 =	vsel vm13, $0x3880, v40  }
0x63: {  	v41 =	vsel vm13, $0x3900, v41;
	v45 =	vimm.s32 $0x3A00;
	v46 =	vimm.s32 $0x3A80  }
0x64: {  	v13 =	vsel vm11, $0x1100, v13;
	v14 =	vsel vm11, $0x1180, v14;
	v18 =	vsel vm9, $0x2280, v18  }
0x65: {  	v19 =	vsel vm9, $0x2300, v19;
	v37 =	vsel vm10, $0x3880, v37;
	v47 =	vsel vm10, $0x3180, v47  }
0x66: {  	[tilespmem:$0x1FB50] =	vst v61;
	v61 =	vunpack.c.0.s8.s32 v63;
	v63 =	vunpack.c.0.s8.s32 v55;
	v55 =	vunpack.c.0.s8.s32 v56  }
0x67: {  	v15 =	vsel vm7, $0x1300, v15;
	v17 =	vsel vm7, $0x2800, v17;
	v36 =	vsel vm8, $0x3A00, v36  }
0x68: {  	v56 =	vimm.s32 $0x1E1D1C1B;
	v20 =	vsel vm3, $0x2A80, v20;
	v24 =	vsel vm3, $0x2080, v24  }
0x69: {  	v25 =	vsel vm3, $0x2100, v25;
	v26 =	vsel vm3, $0x2180, v26;
	v27 =	vsel vm3, $0x2200, v27  }
0x6a: {  	v28 =	vsel vm3, $0x2280, v28;
	v29 =	vsel vm3, $0x2300, v29;
	v30 =	vsel vm3, $0x2380, v30  }
0x6b: {  	v31 =	vsel vm3, $0x2800, v31;
	v16 =	vcombine.low v10, v9;
	v0 =	vsel vm6, $0x300, v0  }
0x6c: {  	v54 =	vand.u32 $0xF, v1;
	v1 =	vcombine.low v9, v10;
	v4 =	vsel vm14, $0x1300, v4  }
0x6d: {  	v5 =	vsel vm14, $0x1380, v5;
	v9 =	vsel vm12, $0x1880, v43;
	v10 =	vsel vm12, $0x1900, v44  }
0x6e: {  	v11 =	vsel vm13, $0x1A00, v11;
	v12 =	vsel vm13, $0x1A80, v12;
	v32 =	vsel vm13, $0x3080, v32  }
0x6f: {  	v35 =	vsel vm12, $0x3180, v35;
	v33 =	vsel vm14, $0x3180, v33;
	v34 =	vsel vm14, $0x3200, v34  }
0x70: {  	v38 =	vsel vm13, $0x3380, v38;
	v39 =	vsel vm13, $0x3800, v39;
	v40 =	vsel vm14, $0x3900, v40  }
0x71: {  	v41 =	vsel vm14, $0x3980, v41;
	v43 =	vimm.s32 $0x3900;
	v44 =	vimm.s32 $0x3980  }
0x72: {  	v45 =	vsel vm12, $0x3A80, v45;
	v46 =	vsel vm12, $0x3B00, v46;
	v6 =	vsel vm9, $0x1880, v6  }
0x73: {  	v7 =	vsel vm9, $0x1900, v7;
	v18 =	vsel vm10, $0x2300, v18;
	v19 =	vsel vm10, $0x2380, v19  }
0x74: {  	v21 =	vsel vm9, $0x2800, v21;
	v22 =	vsel vm9, $0x2880, v22;
	v37 =	vsel vm11, $0x3900, v37  }
0x75: {  	v47 =	vsel vm11, $0x3200, v47;
	v13 =	vsel vm6, $0x1180, v13;
	v14 =	vsel vm6, $0x1200, v14  }
0x76: {  	[tilespmem:$0x1FB60] =	vst v48;
	v15 =	vsel vm8, $0x1380, v15;
	v17 =	vsel vm8, $0x2880, v17;
	v48 =	vunpack.c.0.s8.s32 v56  }
0x77: {  	v20 =	vsel vm4, $0x2B00, v20;
	v24 =	vsel vm4, $0x2100, v24;
	v25 =	vsel vm4, $0x2180, v25  }
0x78: {  	v26 =	vsel vm4, $0x2200, v26;
	v27 =	vsel vm4, $0x2280, v27;
	v28 =	vsel vm4, $0x2300, v28  }
0x79: {  	v29 =	vsel vm4, $0x2380, v29;
	v30 =	vsel vm4, $0x2800, v30;
	v31 =	vsel vm4, $0x2880, v31  }
0x7a: {  	v36 =	vsel vm3, $0x3A80, v36;
	[tilespmem:$0x1FB80] =	vst v8;
	v0 =	vsel vm7, $0x380, v0;
	v8 =	vsel vm12, $0x1800, v42  }
0x7b: {  	v9 =	vsel vm13, $0x1900, v9;
	v10 =	vsel vm13, $0x1980, v10;
	v11 =	vsel vm14, $0x1A80, v11  }
0x7c: {  	v12 =	vsel vm14, $0x1B00, v12;
	v32 =	vsel vm14, $0x3100, v32;
	v35 =	vsel vm13, $0x3200, v35  }
0x7d: {  	v38 =	vsel vm14, $0x3800, v38;
	v39 =	vsel vm14, $0x3880, v39;
	v42 =	vimm.s32 $0x3880  }
0x7e: {  	v43 =	vsel vm12, $0x3980, v43;
	v44 =	vsel vm12, $0x3A00, v44;
	v45 =	vsel vm13, $0x3B00, v45  }
0x7f: {  	v46 =	vsel vm13, $0x3B80, v46;
	v4 =	vsel vm9, $0x1380, v4;
	v5 =	vsel vm9, $0x1800, v5  }
0x80: {  	v6 =	vsel vm10, $0x1900, v6;
	v7 =	vsel vm10, $0x1980, v7;
	v18 =	vsel vm11, $0x2380, v18  }
0x81: {  	v19 =	vsel vm11, $0x2800, v19;
	v21 =	vsel vm10, $0x2880, v21;
	v22 =	vsel vm10, $0x2900, v22  }
0x82: {  	v33 =	vsel vm9, $0x3200, v33;
	v34 =	vsel vm9, $0x3280, v34;
	v40 =	vsel vm9, $0x3980, v40  }
0x83: {  	v41 =	vsel vm9, $0x3A00, v41;
	v13 =	vsel vm7, $0x1200, v13;
	v14 =	vsel vm7, $0x1280, v14  }
0x84: {  	[tilespmem:$0x1FAB0] =	vst v63;
	v37 =	vsel vm6, $0x3980, v37;
	v47 =	vsel vm6, $0x3280, v47;
	v63 =	vimm.s32 $0x16151413  }
0x85: {  	v15 =	vsel vm3, $0x1800, v15;
	v17 =	vsel vm3, $0x2900, v17;
	v20 =	vsel vm5, $0x2B80, v20  }
0x86: {  	v24 =	vsel vm5, $0x2180, v24;
	v25 =	vsel vm5, $0x2200, v25;
	v26 =	vsel vm5, $0x2280, v26  }
0x87: {  	v27 =	vsel vm5, $0x2300, v27;
	v28 =	vsel vm5, $0x2380, v28;
	v29 =	vsel vm5, $0x2800, v29  }
0x88: {  	v30 =	vsel vm5, $0x2880, v30;
	v36 =	vsel vm4, $0x3B00, v36;
	v23 =	vand.u32 $0xF, v16  }
0x89: {  	v0 =	vsel vm8, $0x800, v0;
	v52 =	vand.u32 $0xF, v1;
	v1 =	vand.u32 $0xF, v2  }
0x8a: {  	v2 =	vimm.s32 $0x80;
	v8 =	vsel vm13, $0x1880, v8;
	v9 =	vsel vm14, $0x1980, v9  }
0x8b: {  	v10 =	vsel vm14, $0x1A00, v10;
	v16 =	vsel vm12, $0x2000, v50;
	v35 =	vsel vm14, $0x3280, v35  }
0x8c: {  	v42 =	vsel vm12, $0x3900, v42;
	v43 =	vsel vm13, $0x3A00, v43;
	v44 =	vsel vm13, $0x3A80, v44  }
0x8d: {  	v45 =	vsel vm14, $0x3B80, v45;
	v46 =	vsel vm14, $0x3000, v46;
	v50 =	vimm.s32 $0x1D1C1B1A  }
0x8e: {  	v4 =	vsel vm10, $0x1800, v4;
	v5 =	vsel vm10, $0x1880, v5;
	v6 =	vsel vm11, $0x1980, v6  }
0x8f: {  	v7 =	vsel vm11, $0x1A00, v7;
	v11 =	vsel vm9, $0x1B00, v11;
	v12 =	vsel vm9, $0x1B80, v12  }
0x90: {  	v21 =	vsel vm11, $0x2900, v21;
	v22 =	vsel vm11, $0x2980, v22;
	v32 =	vsel vm9, $0x3180, v32  }
0x91: {  	v33 =	vsel vm10, $0x3280, v33;
	v34 =	vsel vm10, $0x3300, v34;
	v38 =	vsel vm9, $0x3880, v38  }
0x92: {  	v39 =	vsel vm9, $0x3900, v39;
	v40 =	vsel vm10, $0x3A00, v40;
	v41 =	vsel vm10, $0x3A80, v41  }
0x93: {  	v13 =	vsel vm8, $0x1280, v13;
	v14 =	vsel vm8, $0x1300, v14;
	v18 =	vsel vm6, $0x2800, v18  }
0x94: {  	v19 =	vsel vm6, $0x2880, v19;
	v37 =	vsel vm7, $0x3A00, v37;
	v47 =	vsel vm7, $0x3300, v47  }
0x95: {  	v56 =	vunpack.c.0.s8.s32 v63;
	v15 =	vsel vm4, $0x1880, v15;
	v17 =	vsel vm4, $0x2980, v17  }
0x96: {  	v36 =	vsel vm5, $0x3B80, v36;
	v0 =	vsel vm3, $0x880, v0;
	[tilespmem:$0x1FA20] =	vst v1;
	v1 =	vand.u32 $0xF, v3  }
0x97: {  	v3 =	vimm.s32 $0x1100;
	v8 =	vsel vm14, $0x1900, v8;
	v16 =	vsel vm13, $0x2080, v16  }
0x98: {  	[tilespmem:$0x1FA80] =	vst v23;
	v23 =	vimm.s32 $0x2300;
	v42 =	vsel vm13, $0x3980, v42;
	v43 =	vsel vm14, $0x3A80, v43  }
0x99: {  	[tilespmem:$0x1FA30] =	vst v62;
	v44 =	vsel vm14, $0x3B00, v44;
	v62 =	vunpack.c.0.s8.s32 v50;
	v4 =	vsel vm11, $0x1880, v4  }
0x9a: {  	v5 =	vsel vm11, $0x1900, v5;
	v9 =	vsel vm9, $0x1A00, v9;
	v10 =	vsel vm9, $0x1A80, v10  }
0x9b: {  	v11 =	vsel vm10, $0x1B80, v11;
	v12 =	vsel vm10, $0x1000, v12;
	v32 =	vsel vm10, $0x3200, v32  }
0x9c: {  	v35 =	vsel vm9, $0x3300, v35;
	v33 =	vsel vm11, $0x3300, v33;
	v34 =	vsel vm11, $0x3380, v34  }
0x9d: {  	v38 =	vsel vm10, $0x3900, v38;
	v39 =	vsel vm10, $0x3980, v39;
	v40 =	vsel vm11, $0x3A80, v40  }
0x9e: {  	v41 =	vsel vm11, $0x3B00, v41;
	v45 =	vsel vm9, $0x3000, v45;
	v46 =	vsel vm9, $0x3080, v46  }
0x9f: {  	v6 =	vsel vm6, $0x1A00, v6;
	v7 =	vsel vm6, $0x1A80, v7;
	v18 =	vsel vm7, $0x2880, v18  }
0xa0: {  	v19 =	vsel vm7, $0x2900, v19;
	v21 =	vsel vm6, $0x2980, v21;
	v22 =	vsel vm6, $0x2A00, v22  }
0xa1: {  	v37 =	vsel vm8, $0x3A80, v37;
	v47 =	vsel vm8, $0x3380, v47;
	v13 =	vsel vm3, $0x1300, v13  }
0xa2: {  	v14 =	vsel vm3, $0x1380, v14;
	v15 =	vsel vm5, $0x1900, v15;
	v17 =	vsel vm5, $0x2A00, v17  }
0xa3: {  	v0 =	vsel vm4, $0x900, v0;
	[tilespmem:$0x1FA10] =	vst v1;
	v1 =	vimm.s32 $0x0;
	v3 =	vsel vm12, $0x1180, v3  }
0xa4: {  	v16 =	vsel vm14, $0x2100, v16;
	v23 =	vsel vm12, $0x2380, v23;
	v42 =	vsel vm14, $0x3A00, v42  }
0xa5: {  	v8 =	vsel vm9, $0x1980, v8;
	v9 =	vsel vm10, $0x1A80, v9;
	v10 =	vsel vm10, $0x1B00, v10  }
0xa6: {  	v11 =	vsel vm11, $0x1000, v11;
	v12 =	vsel vm11, $0x1080, v12;
	v32 =	vsel vm11, $0x3280, v32  }
0xa7: {  	v35 =	vsel vm10, $0x3380, v35;
	v38 =	vsel vm11, $0x3980, v38;
	v39 =	vsel vm11, $0x3A00, v39  }
0xa8: {  	v43 =	vsel vm9, $0x3B00, v43;
	v44 =	vsel vm9, $0x3B80, v44;
	v45 =	vsel vm10, $0x3080, v45  }
0xa9: {  	v46 =	vsel vm10, $0x3100, v46;
	v4 =	vsel vm6, $0x1900, v4;
	v5 =	vsel vm6, $0x1980, v5  }
0xaa: {  	v6 =	vsel vm7, $0x1A80, v6;
	v7 =	vsel vm7, $0x1B00, v7;
	v18 =	vsel vm8, $0x2900, v18  }
0xab: {  	v19 =	vsel vm8, $0x2980, v19;
	v21 =	vsel vm7, $0x2A00, v21;
	v22 =	vsel vm7, $0x2A80, v22  }
0xac: {  	v33 =	vsel vm6, $0x3380, v33;
	v34 =	vsel vm6, $0x3800, v34;
	v40 =	vsel vm6, $0x3B00, v40  }
0xad: {  	v41 =	vsel vm6, $0x3B80, v41;
	v13 =	vsel vm4, $0x1380, v13;
	v14 =	vsel vm4, $0x1800, v14  }
0xae: {  	[tilespmem:$0x1F850] =	vst v56;
	v56 =	vsel vm5, $0x2900, v31;
	v37 =	vsel vm3, $0x3B00, v37;
	v47 =	vsel vm3, $0x3800, v47  }
0xaf: {  	v0 =	vsel vm5, $0x980, v0;
	v3 =	vsel vm13, $0x1200, v3;
	v23 =	vsel vm13, $0x2800, v23  }
0xb0: {  	v8 =	vsel vm10, $0x1A00, v8;
	v9 =	vsel vm11, $0x1B00, v9;
	v10 =	vsel vm11, $0x1B80, v10  }
0xb1: {  	v16 =	vsel vm9, $0x2180, v16;
	v35 =	vsel vm11, $0x3800, v35;
	v42 =	vsel vm9, $0x3A80, v42  }
0xb2: {  	v43 =	vsel vm10, $0x3B80, v43;
	v44 =	vsel vm10, $0x3000, v44;
	v45 =	vsel vm11, $0x3100, v45  }
0xb3: {  	v46 =	vsel vm11, $0x3180, v46;
	v4 =	vsel vm7, $0x1980, v4;
	v5 =	vsel vm7, $0x1A00, v5  }
0xb4: {  	v6 =	vsel vm8, $0x1B00, v6;
	v7 =	vsel vm8, $0x1B80, v7;
	v11 =	vsel vm6, $0x1080, v11  }
0xb5: {  	v12 =	vsel vm6, $0x1100, v12;
	v21 =	vsel vm8, $0x2A80, v21;
	v22 =	vsel vm8, $0x2B00, v22  }
0xb6: {  	v32 =	vsel vm6, $0x3300, v32;
	v33 =	vsel vm7, $0x3800, v33;
	v34 =	vsel vm7, $0x3880, v34  }
0xb7: {  	v38 =	vsel vm6, $0x3A00, v38;
	v39 =	vsel vm6, $0x3A80, v39;
	v40 =	vsel vm7, $0x3B80, v40  }
0xb8: {  	[tilespmem:$0x1FB70] =	vst v62;
	v41 =	vsel vm7, $0x3000, v41;
	v62 =	vimm.s32 $0x1211101F;
	v13 =	vsel vm5, $0x1800, v13  }
0xb9: {  	v14 =	vsel vm5, $0x1880, v14;
	v18 =	vsel vm3, $0x2980, v18;
	v19 =	vsel vm3, $0x2A00, v19  }
0xba: {  	v37 =	vsel vm4, $0x3B80, v37;
	v47 =	vsel vm4, $0x3880, v47;
	v0 =	vsel vm0, $0xA00, v0  }
0xbb: {  	v3 =	vsel vm14, $0x1280, v3;
	v23 =	vsel vm14, $0x2880, v23;
	v8 =	vsel vm11, $0x1A80, v8  }
0xbc: {  	v16 =	vsel vm10, $0x2200, v16;
	v42 =	vsel vm10, $0x3B00, v42;
	v43 =	vsel vm11, $0x3000, v43  }
0xbd: {  	v44 =	vsel vm11, $0x3080, v44;
	v4 =	vsel vm8, $0x1A00, v4;
	v5 =	vsel vm8, $0x1A80, v5  }
0xbe: {  	v9 =	vsel vm6, $0x1B80, v9;
	v10 =	vsel vm6, $0x1000, v10;
	v11 =	vsel vm7, $0x1100, v11  }
0xbf: {  	v12 =	vsel vm7, $0x1180, v12;
	v32 =	vsel vm7, $0x3380, v32;
	v35 =	vsel vm6, $0x3880, v35  }
0xc0: {  	v33 =	vsel vm8, $0x3880, v33;
	v34 =	vsel vm8, $0x3900, v34;
	v38 =	vsel vm7, $0x3A80, v38  }
0xc1: {  	v39 =	vsel vm7, $0x3B00, v39;
	v40 =	vsel vm8, $0x3000, v40;
	v41 =	vsel vm8, $0x3080, v41  }
0xc2: {  	[tilespmem:$0x1FB20] =	vst v55;
	v45 =	vsel vm6, $0x3180, v45;
	v46 =	vsel vm6, $0x3200, v46;
	v55 =	vunpack.c.0.s8.s32 v62  }
0xc3: {  	v6 =	vsel vm3, $0x1B80, v6;
	v7 =	vsel vm3, $0x1000, v7;
	v18 =	vsel vm4, $0x2A00, v18  }
0xc4: {  	v19 =	vsel vm4, $0x2A80, v19;
	v21 =	vsel vm3, $0x2B00, v21;
	v22 =	vsel vm3, $0x2B80, v22  }
0xc5: {  	v37 =	vsel vm5, $0x3000, v37;
	v47 =	vsel vm5, $0x3900, v47;
	v0 =	vsel vm1, $0xA80, v0  }
0xc6: {  	v3 =	vsel vm9, $0x1300, v3;
	v16 =	vsel vm11, $0x2280, v16;
	v23 =	vsel vm9, $0x2900, v23  }
0xc7: {  	v42 =	vsel vm11, $0x3B80, v42;
	v8 =	vsel vm6, $0x1B00, v8;
	v9 =	vsel vm7, $0x1000, v9  }
0xc8: {  	v10 =	vsel vm7, $0x1080, v10;
	v11 =	vsel vm8, $0x1180, v11;
	v12 =	vsel vm8, $0x1200, v12  }
0xc9: {  	v32 =	vsel vm8, $0x3800, v32;
	v35 =	vsel vm7, $0x3900, v35;
	v38 =	vsel vm8, $0x3B00, v38  }
0xca: {  	v39 =	vsel vm8, $0x3B80, v39;
	v43 =	vsel vm6, $0x3080, v43;
	v44 =	vsel vm6, $0x3100, v44  }
0xcb: {  	v45 =	vsel vm7, $0x3200, v45;
	v46 =	vsel vm7, $0x3280, v46;
	v4 =	vsel vm3, $0x1A80, v4  }
0xcc: {  	v5 =	vsel vm3, $0x1B00, v5;
	v6 =	vsel vm4, $0x1000, v6;
	v7 =	vsel vm4, $0x1080, v7  }
0xcd: {  	v18 =	vsel vm5, $0x2A80, v18;
	v19 =	vsel vm5, $0x2B00, v19;
	v21 =	vsel vm4, $0x2B80, v21  }
0xce: {  	v22 =	vsel vm4, $0x2000, v22;
	v33 =	vsel vm3, $0x3900, v33;
	v34 =	vsel vm3, $0x3980, v34  }
0xcf: {  	v40 =	vsel vm3, $0x3080, v40;
	v41 =	vsel vm3, $0x3100, v41;
	v0 =	vsel vm2, $0xB00, v0  }
0xd0: {  	v3 =	vsel vm10, $0x1380, v3;
	v23 =	vsel vm10, $0x2980, v23;
	v8 =	vsel vm7, $0x1B80, v8  }
0xd1: {  	v9 =	vsel vm8, $0x1080, v9;
	v10 =	vsel vm8, $0x1100, v10;
	v16 =	vsel vm6, $0x2300, v16  }
0xd2: {  	v35 =	vsel vm8, $0x3980, v35;
	v42 =	vsel vm6, $0x3000, v42;
	v43 =	vsel vm7, $0x3100, v43  }
0xd3: {  	v44 =	vsel vm7, $0x3180, v44;
	v45 =	vsel vm8, $0x3280, v45;
	v46 =	vsel vm8, $0x3300, v46  }
0xd4: {  	v4 =	vsel vm4, $0x1B00, v4;
	v5 =	vsel vm4, $0x1B80, v5;
	[tilespmem:$0x1FA40] =	vst v0;
	v0 =	vsel vm12, $0x80, v1  }
0xd5: {  	v6 =	vsel vm5, $0x1080, v6;
	v7 =	vsel vm5, $0x1100, v7;
	v0 =	vsel vm13, $0x100, v0  }
0xd6: {  	v1 =	vsel vm12, $0x100, v2;
	v2 =	vimm.s32 $0x100;
	v0 =	vsel vm14, $0x180, v0  }
0xd7: {  	v1 =	vsel vm13, $0x180, v1;
	v2 =	vsel vm12, $0x180, v2;
	v0 =	vsel vm9, $0x200, v0  }
0xd8: {  	v1 =	vsel vm14, $0x200, v1;
	v2 =	vsel vm13, $0x200, v2;
	v0 =	vsel vm10, $0x280, v0  }
0xd9: {  	v1 =	vsel vm9, $0x280, v1;
	v2 =	vsel vm14, $0x280, v2;
	v0 =	vsel vm11, $0x300, v0  }
0xda: {  	v1 =	vsel vm10, $0x300, v1;
	v2 =	vsel vm9, $0x300, v2;
	v0 =	vsel vm6, $0x380, v0  }
0xdb: {  	v1 =	vsel vm11, $0x380, v1;
	v2 =	vsel vm10, $0x380, v2;
	v0 =	vsel vm7, $0x800, v0  }
0xdc: {  	v1 =	vsel vm6, $0x800, v1;
	v2 =	vsel vm11, $0x800, v2;
	v0 =	vsel vm8, $0x880, v0  }
0xdd: {  	v1 =	vsel vm7, $0x880, v1;
	v2 =	vsel vm6, $0x880, v2;
	v0 =	vsel vm3, $0x900, v0  }
0xde: {  	v1 =	vsel vm8, $0x900, v1;
	v2 =	vsel vm7, $0x900, v2;
	v0 =	vsel vm4, $0x980, v0  }
0xdf: {  	v1 =	vsel vm3, $0x980, v1;
	v2 =	vsel vm8, $0x980, v2;
	v0 =	vsel vm5, $0xA00, v0  }
0xe0: {  	v1 =	vsel vm4, $0xA00, v1;
	v2 =	vsel vm3, $0xA00, v2;
	v0 =	vsel vm0, $0xA80, v0  }
0xe1: {  	v1 =	vsel vm5, $0xA80, v1;
	v2 =	vsel vm4, $0xA80, v2;
	v0 =	vsel vm1, $0xB00, v0  }
0xe2: {  	v1 =	vsel vm0, $0xB00, v1;
	v2 =	vsel vm5, $0xB00, v2;
	v0 =	vsel vm2, $0xB80, v0  }
0xe3: {  	v11 =	vsel vm3, $0x1200, v11;
	v1 =	vsel vm1, $0xB80, v1;
	[tilespmem:$0x1FA70] =	vst v0;
	v0 =	vsel vm0, $0xB80, v2  }
0xe4: {  	v57 =	vsel vm2, $0x0, v1;
	v1 =	vimm.s32 $0x180;
	v0 =	vsel vm1, $0x0, v0  }
0xe5: {  	v2 =	vimm.s32 $0x200;
	v58 =	vsel vm2, $0x80, v0;
	v0 =	vsel vm12, $0x200, v1  }
0xe6: {  	v1 =	vsel vm12, $0x280, v2;
	v2 =	vimm.s32 $0x280;
	v0 =	vsel vm13, $0x280, v0  }
0xe7: {  	v12 =	vsel vm3, $0x1280, v12;
	v2 =	vsel vm12, $0x300, v2;
	v0 =	vsel vm14, $0x300, v0  }
0xe8: {  	v1 =	vsel vm13, $0x300, v1;
	v2 =	vsel vm13, $0x380, v2;
	v0 =	vsel vm9, $0x380, v0  }
0xe9: {  	v1 =	vsel vm14, $0x380, v1;
	v2 =	vsel vm14, $0x800, v2;
	v0 =	vsel vm10, $0x800, v0  }
0xea: {  	v1 =	vsel vm9, $0x800, v1;
	v2 =	vsel vm9, $0x880, v2;
	v0 =	vsel vm11, $0x880, v0  }
0xeb: {  	v1 =	vsel vm10, $0x880, v1;
	v2 =	vsel vm10, $0x900, v2;
	v0 =	vsel vm6, $0x900, v0  }
0xec: {  	v1 =	vsel vm11, $0x900, v1;
	v2 =	vsel vm11, $0x980, v2;
	v0 =	vsel vm7, $0x980, v0  }
0xed: {  	v1 =	vsel vm6, $0x980, v1;
	v2 =	vsel vm6, $0xA00, v2;
	v0 =	vsel vm8, $0xA00, v0  }
0xee: {  	v1 =	vsel vm7, $0xA00, v1;
	v2 =	vsel vm7, $0xA80, v2;
	v0 =	vsel vm3, $0xA80, v0  }
0xef: {  	v1 =	vsel vm8, $0xA80, v1;
	v2 =	vsel vm8, $0xB00, v2;
	v0 =	vsel vm4, $0xB00, v0  }
0xf0: {  	v1 =	vsel vm3, $0xB00, v1;
	v2 =	vsel vm3, $0xB80, v2;
	v0 =	vsel vm5, $0xB80, v0  }
0xf1: {  	v1 =	vsel vm4, $0xB80, v1;
	v2 =	vsel vm4, $0x0, v2;
	v0 =	vsel vm0, $0x0, v0  }
0xf2: {  	v1 =	vsel vm5, $0x0, v1;
	v2 =	vsel vm5, $0x80, v2;
	v0 =	vsel vm1, $0x80, v0  }
0xf3: {  	v1 =	vsel vm0, $0x80, v1;
	v59 =	vsel vm2, $0x100, v0;
	v0 =	vsel vm0, $0x100, v2  }
0xf4: {  	v21 =	vsel vm5, $0x2000, v21;
	v1 =	vsel vm1, $0x100, v1;
	v0 =	vsel vm1, $0x180, v0  }
0xf5: {  	v60 =	vsel vm2, $0x180, v1;
	v1 =	vimm.s32 $0x300;
	v0 =	vsel vm2, $0x200, v0  }
0xf6: {  	v22 =	vsel vm5, $0x2080, v22;
	v2 =	vimm.s32 $0x380;
	[tilespmem:$0x1FAD0] =	vst v0;
	v0 =	vsel vm12, $0x380, v1  }
0xf7: {  	v32 =	vsel vm3, $0x3880, v32;
	v1 =	vsel vm12, $0x800, v2;
	v0 =	vsel vm13, $0x800, v0  }
0xf8: {  	v33 =	vsel vm4, $0x3980, v33;
	v1 =	vsel vm13, $0x880, v1;
	v0 =	vsel vm14, $0x880, v0  }
0xf9: {  	v2 =	vimm.s32 $0x800;
	v1 =	vsel vm14, $0x900, v1;
	v0 =	vsel vm9, $0x900, v0  }
0xfa: {  	v2 =	vsel vm12, $0x880, v2;
	v1 =	vsel vm9, $0x980, v1;
	v0 =	vsel vm10, $0x980, v0  }
0xfb: {  	v2 =	vsel vm13, $0x900, v2;
	v1 =	vsel vm10, $0xA00, v1;
	v0 =	vsel vm11, $0xA00, v0  }
0xfc: {  	v2 =	vsel vm14, $0x980, v2;
	v1 =	vsel vm11, $0xA80, v1;
	v0 =	vsel vm6, $0xA80, v0  }
0xfd: {  	v2 =	vsel vm9, $0xA00, v2;
	v1 =	vsel vm6, $0xB00, v1;
	v0 =	vsel vm7, $0xB00, v0  }
0xfe: {  	v2 =	vsel vm10, $0xA80, v2;
	v1 =	vsel vm7, $0xB80, v1;
	v0 =	vsel vm8, $0xB80, v0  }
0xff: {  	v2 =	vsel vm11, $0xB00, v2;
	v1 =	vsel vm8, $0x0, v1;
	v0 =	vsel vm3, $0x0, v0  }
0x100: {  	v2 =	vsel vm6, $0xB80, v2;
	v1 =	vsel vm3, $0x80, v1;
	v0 =	vsel vm4, $0x80, v0  }
0x101: {  	v2 =	vsel vm7, $0x0, v2;
	v1 =	vsel vm4, $0x100, v1;
	v0 =	vsel vm5, $0x100, v0  }
0x102: {  	v2 =	vsel vm8, $0x80, v2;
	v1 =	vsel vm5, $0x180, v1;
	v0 =	vsel vm0, $0x180, v0  }
0x103: {  	v2 =	vsel vm3, $0x100, v2;
	v1 =	vsel vm0, $0x200, v1;
	v0 =	vsel vm1, $0x200, v0  }
0x104: {  	v2 =	vsel vm4, $0x180, v2;
	v1 =	vsel vm1, $0x280, v1;
	v0 =	vsel vm2, $0x280, v0  }
0x105: {  	v34 =	vsel vm4, $0x3A00, v34;
	v2 =	vsel vm5, $0x200, v2;
	[tilespmem:$0x1FAE0] =	vst v0;
	v0 =	vsel vm2, $0x300, v1  }
0x106: {  	v38 =	vsel vm3, $0x3B80, v38;
	v39 =	vsel vm3, $0x3000, v39;
	[tilespmem:$0x1FAF0] =	vst v0;
	v0 =	vsel vm0, $0x280, v2  }
0x107: {  	v40 =	vsel vm4, $0x3100, v40;
	v41 =	vsel vm4, $0x3180, v41;
	v0 =	vsel vm1, $0x300, v0  }
0x108: {  	v3 =	vsel vm11, $0x1800, v3;
	v1 =	vimm.s32 $0x880;
	v0 =	vsel vm2, $0x380, v0  }
0x109: {  	v23 =	vsel vm11, $0x2A00, v23;
	v2 =	vimm.s32 $0x900;
	[tilespmem:$0x1FB00] =	vst v0;
	v0 =	vsel vm12, $0x900, v1  }
0x10a: {  	v8 =	vsel vm8, $0x1000, v8;
	v1 =	vsel vm12, $0x980, v2;
	v0 =	vsel vm13, $0x980, v0  }
0x10b: {  	v16 =	vsel vm7, $0x2380, v16;
	v1 =	vsel vm13, $0xA00, v1;
	v0 =	vsel vm14, $0xA00, v0  }
0x10c: {  	v2 =	vimm.s32 $0x980;
	v1 =	vsel vm14, $0xA80, v1;
	v0 =	vsel vm9, $0xA80, v0  }
0x10d: {  	v2 =	vsel vm12, $0xA00, v2;
	v1 =	vsel vm9, $0xB00, v1;
	v0 =	vsel vm10, $0xB00, v0  }
0x10e: {  	v2 =	vsel vm13, $0xA80, v2;
	v1 =	vsel vm10, $0xB80, v1;
	v0 =	vsel vm11, $0xB80, v0  }
0x10f: {  	v2 =	vsel vm14, $0xB00, v2;
	v1 =	vsel vm11, $0x0, v1;
	v0 =	vsel vm6, $0x0, v0  }
0x110: {  	v2 =	vsel vm9, $0xB80, v2;
	v1 =	vsel vm6, $0x80, v1;
	v0 =	vsel vm7, $0x80, v0  }
0x111: {  	v2 =	vsel vm10, $0x0, v2;
	v1 =	vsel vm7, $0x100, v1;
	v0 =	vsel vm8, $0x100, v0  }
0x112: {  	v2 =	vsel vm11, $0x80, v2;
	v1 =	vsel vm8, $0x180, v1;
	v0 =	vsel vm3, $0x180, v0  }
0x113: {  	v2 =	vsel vm6, $0x100, v2;
	v1 =	vsel vm3, $0x200, v1;
	v0 =	vsel vm4, $0x200, v0  }
0x114: {  	v2 =	vsel vm7, $0x180, v2;
	v1 =	vsel vm4, $0x280, v1;
	v0 =	vsel vm5, $0x280, v0  }
0x115: {  	v2 =	vsel vm8, $0x200, v2;
	v1 =	vsel vm5, $0x300, v1;
	v0 =	vsel vm0, $0x300, v0  }
0x116: {  	v2 =	vsel vm3, $0x280, v2;
	v1 =	vsel vm0, $0x380, v1;
	v0 =	vsel vm1, $0x380, v0  }
0x117: {  	v2 =	vsel vm4, $0x300, v2;
	v1 =	vsel vm1, $0x800, v1;
	v0 =	vsel vm2, $0x800, v0  }
0x118: {  	v42 =	vsel vm7, $0x3080, v42;
	v2 =	vsel vm5, $0x380, v2;
	[tilespmem:$0x1FB10] =	vst v0;
	v0 =	vsel vm2, $0x880, v1  }
0x119: {  	v43 =	vsel vm8, $0x3180, v43;
	v44 =	vsel vm8, $0x3200, v44;
	[tilespmem:$0x1F800] =	vst v0;
	v0 =	vsel vm0, $0x800, v2  }
0x11a: {  	v4 =	vsel vm5, $0x1B80, v4;
	v5 =	vsel vm5, $0x1000, v5;
	v0 =	vsel vm1, $0x880, v0  }
0x11b: {  	v9 =	vsel vm3, $0x1100, v9;
	v1 =	vimm.s32 $0xA00;
	v0 =	vsel vm2, $0x900, v0  }
0x11c: {  	v10 =	vsel vm3, $0x1180, v10;
	v2 =	vimm.s32 $0xA80;
	[tilespmem:$0x1F810] =	vst v0;
	v0 =	vsel vm12, $0xA80, v1  }
0x11d: {  	v11 =	vsel vm4, $0x1280, v11;
	v1 =	vsel vm12, $0xB00, v2;
	v0 =	vsel vm13, $0xB00, v0  }
0x11e: {  	v12 =	vsel vm4, $0x1300, v12;
	v1 =	vsel vm13, $0xB80, v1;
	v0 =	vsel vm14, $0xB80, v0  }
0x11f: {  	v2 =	vimm.s32 $0xB00;
	v1 =	vsel vm14, $0x0, v1;
	v0 =	vsel vm9, $0x0, v0  }
0x120: {  	v2 =	vsel vm12, $0xB80, v2;
	v1 =	vsel vm9, $0x80, v1;
	v0 =	vsel vm10, $0x80, v0  }
0x121: {  	v2 =	vsel vm13, $0x0, v2;
	v1 =	vsel vm10, $0x100, v1;
	v0 =	vsel vm11, $0x100, v0  }
0x122: {  	v2 =	vsel vm14, $0x80, v2;
	v1 =	vsel vm11, $0x180, v1;
	v0 =	vsel vm6, $0x180, v0  }
0x123: {  	v2 =	vsel vm9, $0x100, v2;
	v1 =	vsel vm6, $0x200, v1;
	v0 =	vsel vm7, $0x200, v0  }
0x124: {  	v2 =	vsel vm10, $0x180, v2;
	v1 =	vsel vm7, $0x280, v1;
	v0 =	vsel vm8, $0x280, v0  }
0x125: {  	v2 =	vsel vm11, $0x200, v2;
	v1 =	vsel vm8, $0x300, v1;
	v0 =	vsel vm3, $0x300, v0  }
0x126: {  	v2 =	vsel vm6, $0x280, v2;
	v1 =	vsel vm3, $0x380, v1;
	v0 =	vsel vm4, $0x380, v0  }
0x127: {  	v2 =	vsel vm7, $0x300, v2;
	v1 =	vsel vm4, $0x800, v1;
	v0 =	vsel vm5, $0x800, v0  }
0x128: {  	v2 =	vsel vm8, $0x380, v2;
	v1 =	vsel vm5, $0x880, v1;
	v0 =	vsel vm0, $0x880, v0  }
0x129: {  	v2 =	vsel vm3, $0x800, v2;
	v1 =	vsel vm0, $0x900, v1;
	v0 =	vsel vm1, $0x900, v0  }
0x12a: {  	v2 =	vsel vm4, $0x880, v2;
	v1 =	vsel vm1, $0x980, v1;
	v0 =	vsel vm2, $0x980, v0  }
0x12b: {  	v32 =	vsel vm4, $0x3900, v32;
	v2 =	vsel vm5, $0x900, v2;
	[tilespmem:$0x1F820] =	vst v0;
	v0 =	vsel vm2, $0xA00, v1  }
0x12c: {  	v35 =	vsel vm3, $0x3A00, v35;
	v33 =	vsel vm5, $0x3A00, v33;
	[tilespmem:$0x1F830] =	vst v0;
	v0 =	vsel vm0, $0x980, v2  }
0x12d: {  	v34 =	vsel vm5, $0x3A80, v34;
	v38 =	vsel vm4, $0x3000, v38;
	v0 =	vsel vm1, $0xA00, v0  }
0x12e: {  	v39 =	vsel vm4, $0x3080, v39;
	v1 =	vimm.s32 $0x1C1B1A19;
	v0 =	vsel vm2, $0xA80, v0  }
0x12f: {  	v40 =	vsel vm5, $0x3180, v40;
	v41 =	vsel vm5, $0x3200, v41;
	[tilespmem:$0x1F840] =	vst v0;
	v0 =	vunpack.c.0.s8.s32 v1  }
0x130: {  	v45 =	vsel vm3, $0x3300, v45;
	v46 =	vsel vm3, $0x3380, v46;
	v2 =	vimm.s32 $0x101F1E1D  }
0x131: {  	v3 =	vsel vm6, $0x1880, v3;
	v16 =	vsel vm8, $0x2800, v16;
	[tilespmem:$0x1FB40] =	vst v0;
	v0 =	vunpack.c.0.s8.s32 v2  }
0x132: {  	v23 =	vsel vm6, $0x2A80, v23;
	v42 =	vsel vm8, $0x3100, v42;
	v3 =	vsel vm7, $0x1900, v3  }
0x133: {  	v8 =	vsel vm3, $0x1080, v8;
	v3 =	vsel vm8, $0x1980, v3;
	[tilespmem:$0x1FB30] =	vst v0;
	v0 =	vimm.s32 $0x1B80  }
0x134: {  	v3 =	vsel vm3, $0x1A00, v3;
	v1 =	vimm.s32 $0x1000;
	v0 =	vsel vm12, $0x1000, v0  }
0x135: {  	v1 =	vsel vm12, $0x1080, v1;
	v2 =	vimm.s32 $0x1080;
	v0 =	vsel vm13, $0x1080, v0  }
0x136: {  	v1 =	vsel vm13, $0x1100, v1;
	v2 =	vsel vm12, $0x1100, v2;
	v0 =	vsel vm14, $0x1100, v0  }
0x137: {  	v1 =	vsel vm14, $0x1180, v1;
	v2 =	vsel vm13, $0x1180, v2;
	v0 =	vsel vm9, $0x1180, v0  }
0x138: {  	v1 =	vsel vm9, $0x1200, v1;
	v2 =	vsel vm14, $0x1200, v2;
	v0 =	vsel vm10, $0x1200, v0  }
0x139: {  	v1 =	vsel vm10, $0x1280, v1;
	v2 =	vsel vm9, $0x1280, v2;
	v0 =	vsel vm11, $0x1280, v0  }
0x13a: {  	v1 =	vsel vm11, $0x1300, v1;
	v2 =	vsel vm10, $0x1300, v2;
	v0 =	vsel vm6, $0x1300, v0  }
0x13b: {  	v1 =	vsel vm6, $0x1380, v1;
	v2 =	vsel vm11, $0x1380, v2;
	v0 =	vsel vm7, $0x1380, v0  }
0x13c: {  	v1 =	vsel vm7, $0x1800, v1;
	v2 =	vsel vm6, $0x1800, v2;
	v0 =	vsel vm8, $0x1800, v0  }
0x13d: {  	v1 =	vsel vm8, $0x1880, v1;
	v2 =	vsel vm7, $0x1880, v2;
	v0 =	vsel vm3, $0x1880, v0  }
0x13e: {  	v1 =	vsel vm3, $0x1900, v1;
	v2 =	vsel vm8, $0x1900, v2;
	v0 =	vsel vm4, $0x1900, v0  }
0x13f: {  	v1 =	vsel vm4, $0x1980, v1;
	v2 =	vsel vm3, $0x1980, v2;
	v0 =	vsel vm5, $0x1980, v0  }
0x140: {  	v1 =	vsel vm5, $0x1A00, v1;
	v2 =	vsel vm4, $0x1A00, v2;
	v0 =	vsel vm0, $0x1A00, v0  }
0x141: {  	v1 =	vsel vm0, $0x1A80, v1;
	v2 =	vsel vm5, $0x1A80, v2;
	v0 =	vsel vm1, $0x1A80, v0  }
0x142: {  	v1 =	vsel vm1, $0x1B00, v1;
	v2 =	vsel vm0, $0x1B00, v2;
	v0 =	vsel vm2, $0x1B00, v0  }
0x143: {  	v3 =	vsel vm4, $0x1A80, v3;
	v2 =	vsel vm1, $0x1B80, v2;
	[tilespmem:$0x1F890] =	vst v0;
	v0 =	vsel vm2, $0x1B80, v1  }
0x144: {  	v9 =	vsel vm4, $0x1180, v9;
	v3 =	vsel vm5, $0x1B00, v3;
	[tilespmem:$0x1F8A0] =	vst v0;
	v0 =	vsel vm2, $0x1000, v2  }
0x145: {  	v10 =	vsel vm4, $0x1200, v10;
	v11 =	vsel vm5, $0x1300, v11;
	[tilespmem:$0x1F8B0] =	vst v0;
	v0 =	vsel vm0, $0x1B80, v3  }
0x146: {  	v12 =	vsel vm5, $0x1380, v12;
	v1 =	vsel vm0, $0x1000, v4;
	v0 =	vsel vm1, $0x1000, v0  }
0x147: {  	[tilespmem:$0x1FE50] =	vst v55;
	v2 =	vsel vm0, $0x1080, v5;
	v1 =	vsel vm1, $0x1080, v1;
	v0 =	vsel vm2, $0x1080, v0  }
0x148: {  	v32 =	vsel vm5, $0x3980, v32;
	v2 =	vsel vm1, $0x1100, v2;
	[tilespmem:$0x1F8C0] =	vst v0;
	v0 =	vsel vm2, $0x1100, v1  }
0x149: {  	v35 =	vsel vm4, $0x3A80, v35;
	v38 =	vsel vm5, $0x3080, v38;
	[tilespmem:$0x1F8D0] =	vst v0;
	v0 =	vsel vm2, $0x1180, v2  }
0x14a: {  	v55 =	vsel vm5, $0x3100, v39;
	v8 =	vsel vm4, $0x1100, v8;
	[tilespmem:$0x1F8E0] =	vst v0;
	v0 =	vsel vm0, $0x1100, v6  }
0x14b: {  	v8 =	vsel vm5, $0x1180, v8;
	v1 =	vsel vm0, $0x1180, v7;
	v0 =	vsel vm1, $0x1180, v0  }
0x14c: {  	v2 =	vsel vm0, $0x1200, v8;
	v1 =	vsel vm1, $0x1200, v1;
	v0 =	vsel vm2, $0x1200, v0  }
0x14d: {  	v43 =	vsel vm3, $0x3200, v43;
	v2 =	vsel vm1, $0x1280, v2;
	[tilespmem:$0x1F8F0] =	vst v0;
	v0 =	vsel vm2, $0x1280, v1  }
0x14e: {  	v44 =	vsel vm3, $0x3280, v44;
	v9 =	vsel vm5, $0x1200, v9;
	[tilespmem:$0x1F900] =	vst v0;
	v0 =	vsel vm2, $0x1300, v2  }
0x14f: {  	v45 =	vsel vm4, $0x3380, v45;
	v10 =	vsel vm5, $0x1280, v10;
	[tilespmem:$0x1F910] =	vst v0;
	v0 =	vsel vm0, $0x1280, v9  }
0x150: {  	v46 =	vsel vm4, $0x3800, v46;
	v1 =	vsel vm0, $0x1300, v10;
	v0 =	vsel vm1, $0x1300, v0  }
0x151: {  	v2 =	vsel vm0, $0x1380, v11;
	v1 =	vsel vm1, $0x1380, v1;
	v0 =	vsel vm2, $0x1380, v0  }
0x152: {  	v39 =	vimm.s32 $0x13121110;
	v2 =	vsel vm1, $0x1800, v2;
	[tilespmem:$0x1F920] =	vst v0;
	v0 =	vsel vm2, $0x1800, v1  }
0x153: {  	v23 =	vsel vm7, $0x2B00, v23;
	v16 =	vsel vm3, $0x2880, v16;
	[tilespmem:$0x1F930] =	vst v0;
	v0 =	vsel vm2, $0x1880, v2  }
0x154: {  	v35 =	vsel vm5, $0x3B00, v35;
	v42 =	vsel vm3, $0x3180, v42;
	[tilespmem:$0x1F940] =	vst v0;
	v0 =	vsel vm0, $0x1800, v12  }
0x155: {  	v43 =	vsel vm4, $0x3280, v43;
	v1 =	vsel vm0, $0x1880, v13;
	v0 =	vsel vm1, $0x1880, v0  }
0x156: {  	v2 =	vsel vm0, $0x1900, v14;
	v1 =	vsel vm1, $0x1900, v1;
	v0 =	vsel vm2, $0x1900, v0  }
0x157: {  	v44 =	vsel vm4, $0x3300, v44;
	v2 =	vsel vm1, $0x1980, v2;
	[tilespmem:$0x1F950] =	vst v0;
	v0 =	vsel vm2, $0x1980, v1  }
0x158: {  	v45 =	vsel vm5, $0x3800, v45;
	v16 =	vsel vm4, $0x2900, v16;
	[tilespmem:$0x1F960] =	vst v0;
	v0 =	vsel vm2, $0x1A00, v2  }
0x159: {  	v46 =	vsel vm5, $0x3880, v46;
	v16 =	vsel vm5, $0x2980, v16;
	[tilespmem:$0x1F970] =	vst v0;
	v0 =	vsel vm0, $0x1980, v15  }
0x15a: {  	v50 =	vunpack.c.0.s8.s32 v39;
	v1 =	vsel vm0, $0x2A00, v16;
	v0 =	vsel vm1, $0x1A00, v0  }
0x15b: {  	v2 =	vsel vm0, $0x2A80, v17;
	v1 =	vsel vm1, $0x2A80, v1;
	v0 =	vsel vm2, $0x1A80, v0  }
0x15c: {  	v23 =	vsel vm8, $0x2B80, v23;
	v2 =	vsel vm1, $0x2B00, v2;
	[tilespmem:$0x1F980] =	vst v0;
	v0 =	vsel vm2, $0x2B00, v1  }
0x15d: {  	v42 =	vsel vm4, $0x3200, v42;
	v43 =	vsel vm5, $0x3300, v43;
	[tilespmem:$0x1F990] =	vst v0;
	v0 =	vsel vm2, $0x2B80, v2  }
0x15e: {  	v44 =	vsel vm5, $0x3380, v44;
	v23 =	vsel vm3, $0x2000, v23;
	[tilespmem:$0x1F9A0] =	vst v0;
	v0 =	vsel vm0, $0x2B00, v18  }
0x15f: {  	v23 =	vsel vm4, $0x2080, v23;
	v1 =	vsel vm0, $0x2B80, v19;
	v0 =	vsel vm1, $0x2B80, v0  }
0x160: {  	v2 =	vsel vm0, $0x2000, v20;
	v1 =	vsel vm1, $0x2000, v1;
	v0 =	vsel vm2, $0x2000, v0  }
0x161: {  	v23 =	vsel vm5, $0x2100, v23;
	v2 =	vsel vm1, $0x2080, v2;
	[tilespmem:$0x1F9B0] =	vst v0;
	v0 =	vsel vm2, $0x2080, v1  }
0x162: {  	v42 =	vsel vm5, $0x3280, v42;
	[tilespmem:$0x1F9C0] =	vst v0;
	v0 =	vsel vm2, $0x2100, v2;
	v2 =	vsel vm0, $0x2180, v23  }
0x163: {  	v1 =	vsel vm0, $0x2100, v22;
	[tilespmem:$0x1F9D0] =	vst v0;
	v0 =	vsel vm0, $0x2080, v21;
	v2 =	vsel vm1, $0x2200, v2  }
0x164: {  	v0 =	vsel vm1, $0x2100, v0;
	v4 =	vsel vm2, $0x2280, v2;
	v2 =	vsel vm0, $0x2300, v26  }
0x165: {  	v1 =	vsel vm1, $0x2180, v1;
	v0 =	vsel vm2, $0x2180, v0;
	v2 =	vsel vm1, $0x2380, v2  }
0x166: {  	[tilespmem:$0x1F9E0] =	vst v0;
	v0 =	vsel vm2, $0x2200, v1;
	v1 =	vsel vm0, $0x2280, v25;
	v8 =	vsel vm2, $0x2800, v2  }
0x167: {  	v2 =	vsel vm0, $0x2880, v29;
	[tilespmem:$0x1F9F0] =	vst v0;
	v0 =	vsel vm0, $0x2200, v24;
	v1 =	vsel vm1, $0x2300, v1  }
0x168: {  	v2 =	vsel vm1, $0x2900, v2;
	v0 =	vsel vm1, $0x2280, v0;
	v3 =	vsel vm2, $0x2380, v1  }
0x169: {  	v1 =	vsel vm0, $0x2800, v28;
	v11 =	vsel vm2, $0x2980, v2;
	v2 =	vsel vm0, $0x3A00, v32  }
0x16a: {  	v6 =	vsel vm2, $0x2300, v0;
	v0 =	vsel vm0, $0x2380, v27;
	v1 =	vsel vm1, $0x2880, v1  }
0x16b: {  	v0 =	vsel vm1, $0x2800, v0;
	v10 =	vsel vm2, $0x2900, v1;
	v1 =	vsel vm0, $0x2980, v56  }
0x16c: {  	v9 =	vsel vm2, $0x2880, v0;
	v0 =	vsel vm0, $0x2900, v30;
	v1 =	vsel vm1, $0x2A00, v1  }
0x16d: {  	v2 =	vsel vm1, $0x3A80, v2;
	v0 =	vsel vm1, $0x2980, v0;
	v13 =	vsel vm2, $0x2A80, v1  }
0x16e: {  	v1 =	vsel vm0, $0x3B00, v34;
	v12 =	vsel vm2, $0x2A00, v0;
	v0 =	vsel vm2, $0x3B00, v2  }
0x16f: {  	v2 =	vsel vm0, $0x3B80, v35;
	v1 =	vsel vm1, $0x3B80, v1;
	[tilespmem:$0x1FAC0] =	vst v0;
	v0 =	vsel vm0, $0x3A80, v33  }
0x170: {  	v2 =	vsel vm1, $0x3000, v2;
	v15 =	vsel vm2, $0x3000, v1;
	v1 =	vsel vm0, $0x3080, v37  }
0x171: {  	v0 =	vsel vm1, $0x3B00, v0;
	v16 =	vsel vm2, $0x3080, v2;
	v2 =	vsel vm0, $0x3100, v38  }
0x172: {  	v1 =	vsel vm1, $0x3100, v1;
	v14 =	vsel vm2, $0x3B80, v0;
	v0 =	vsel vm0, $0x3000, v36  }
0x173: {  	v2 =	vsel vm1, $0x3180, v2;
	v5 =	vsel vm2, $0x3180, v1;
	v1 =	vsel vm0, $0x3200, v40  }
0x174: {  	v0 =	vsel vm1, $0x3080, v0;
	v18 =	vsel vm2, $0x3200, v2;
	v2 =	vsel vm0, $0x3280, v41  }
0x175: {  	v1 =	vsel vm1, $0x3280, v1;
	v39 =	vsel vm2, $0x3100, v0;
	v0 =	vsel vm0, $0x3180, v55  }
0x176: {  	v2 =	vsel vm1, $0x3300, v2;
	v21 =	vsel vm2, $0x3300, v1;
	v0 =	vsel vm1, $0x3200, v0  }
0x177: {  	v1 =	vsel vm0, $0x3380, v43;
	v20 =	vsel vm2, $0x3280, v0;
	v0 =	vsel vm0, $0x3300, v42  }
0x178: {  	v23 =	vsel vm2, $0x3380, v2;
	v2 =	vsel vm0, $0x3800, v44;
	v0 =	vsel vm1, $0x3380, v0  }
0x179: {  	v1 =	vsel vm1, $0x3800, v1;
	v40 =	vsel vm2, $0x3800, v0;
	v0 =	vsel vm0, $0x3880, v45  }
0x17a: {  	v2 =	vsel vm1, $0x3880, v2;
	v42 =	vsel vm2, $0x3880, v1;
	v0 =	vsel vm1, $0x3900, v0  }
0x17b: {  	v1 =	vsel vm0, $0x3900, v46;
	v44 =	vsel vm2, $0x3980, v0;
	v0 =	vimm.s32 $0x17161514  }
0x17c: {  	v43 =	vsel vm2, $0x3900, v2;
	v1 =	vsel vm1, $0x3980, v1;
	v0 =	vunpack.c.0.s8.s32 v0  }
0x17d: {  	v2 =	vsel vm0, $0x3980, v47;
	v55 =	vsel vm2, $0x3A00, v1;
	v1 =	vimm.s32 $0x1B1A1918  }
0x17e: {  	v2 =	vsel vm1, $0x3A00, v2;
	[tilespmem:$0x1FBB0] =	vst v0;
	v0 =	vunpack.c.0.s8.s32 v1  }
0x17f: {  	v56 =	vsel vm2, $0x3A80, v2;
	v2 =	vimm.s32 $0x2C2B2A29  }
0x180: {  	[tilespmem:$0x1FBC0] =	vst v0;
	v0 =	vunpack.c.0.s8.s32 v2;
	_ =	sdelay $0x1  }
0x181: {  	[tilespmem:$0x1FBD0] =	vst v0;
	v0 =	vimm.s32 $0x202F2E2D  }
0x182: {  	v0 =	vunpack.c.0.s8.s32 v0  }
0x183: {  	v1 =	vimm.s32 $0x24232221  }
0x184: {  	[tilespmem:$0x1FBE0] =	vst v0;
	v0 =	vunpack.c.0.s8.s32 v1  }
0x185: {  	v2 =	vimm.s32 $0x28272625  }
0x186: {  	[tilespmem:$0x1FBF0] =	vst v0;
	v0 =	vunpack.c.0.s8.s32 v2;
	_ =	sdelay $0x1  }
0x187: {  	[tilespmem:$0x1FC00] =	vst v0;
	v0 =	vimm.s32 $0x2D2C2B2A  }
0x188: {  	v0 =	vunpack.c.0.s8.s32 v0  }
0x189: {  	v1 =	vimm.s32 $0x21202F2E  }
0x18a: {  	[tilespmem:$0x1FC10] =	vst v0;
	v0 =	vunpack.c.0.s8.s32 v1  }
0x18b: {  	v2 =	vimm.s32 $0x25242322  }
0x18c: {  	[tilespmem:$0x1FC20] =	vst v0;
	v0 =	vunpack.c.0.s8.s32 v2;
	_ =	sdelay $0x1  }
0x18d: {  	[tilespmem:$0x1FC30] =	vst v0;
	v0 =	vimm.s32 $0x29282726  }
0x18e: {  	v0 =	vunpack.c.0.s8.s32 v0  }
0x18f: {  	v1 =	vimm.s32 $0x2E2D2C2B  }
0x190: {  	v63 =	vimm.s32 $0x1F1E1D1C;
	[tilespmem:$0x1FC40] =	vst v0;
	v0 =	vunpack.c.0.s8.s32 v1  }
0x191: {  	[tilespmem:$0x1FE40] =	vst v48;
	v49 =	vunpack.c.0.s8.s32 v63;
	v63 =	vld [tilespmem:$0x1FB20];
	v2 =	vimm.s32 $0x2221202F  }
0x192: {  	v51 =	vld [tilespmem:$0x1FA20];
	v62 =	vimm.s32 $0x1A191817;
	[tilespmem:$0x1FC50] =	vst v0;
	v0 =	vunpack.c.0.s8.s32 v2  }
0x193: {  	v31 =	vld [tilespmem:$0x1FAB0];
	[tilespmem:$0x1F870] =	vst v49;
	v48 =	vunpack.c.0.s8.s32 v62  }
0x194: {  	v62 =	vld [tilespmem:$0x1FB50];
	[tilespmem:$0x1FC60] =	vst v0;
	v0 =	vimm.s32 $0x26252423  }
0x195: {  	v49 =	vmov v53;
	[tilespmem:$0x1F860] =	vst v48;
	v53 =	vld [tilespmem:$0x1FA40];
	v0 =	vunpack.c.0.s8.s32 v0  }
0x196: {  	[tilespmem:$0x1F880] =	vst v50;
	v50 =	vmov v52;
	v52 =	vld [tilespmem:$0x1FA10];
	v1 =	vimm.s32 $0x2A292827  }
0x197: {  	v48 =	vmov v54;
	v54 =	vld [tilespmem:$0x1FA70];
	[tilespmem:$0x1FC70] =	vst v0;
	v0 =	vunpack.c.0.s8.s32 v1  }
0x198: {  	v7 =	vmov v61;
	v61 =	vld [tilespmem:$0x1FB10];
	v2 =	vimm.s32 $0x2F2E2D2C  }
0x199: {  	v17 =	vld [tilespmem:$0x1FB60];
	[tilespmem:$0x1FC80] =	vst v0;
	v0 =	vunpack.c.0.s8.s32 v2  }
0x19a: {  	v19 =	vld [tilespmem:$0x1FB70]  }
0x19b: {  	v22 =	vld [tilespmem:$0x1FB40];
	[tilespmem:$0x1FC90] =	vst v0;
	v0 =	vimm.s32 $0x23222120  }
0x19c: {  	v26 =	vld [tilespmem:$0x1FA50];
	v0 =	vunpack.c.0.s8.s32 v0  }
0x19d: {  	v25 =	vld [tilespmem:$0x1FA30];
	v1 =	vimm.s32 $0x27262524  }
0x19e: {  	v29 =	vld [tilespmem:$0x1FA90];
	[tilespmem:$0x1FCA0] =	vst v0;
	v0 =	vunpack.c.0.s8.s32 v1  }
0x19f: {  	v24 =	vld [tilespmem:$0x1FA00];
	v2 =	vimm.s32 $0x2B2A2928  }
0x1a0: {  	v28 =	vld [tilespmem:$0x1FA80];
	[tilespmem:$0x1FCB0] =	vst v0;
	v0 =	vunpack.c.0.s8.s32 v2  }
0x1a1: {  	v32 =	vld [tilespmem:$0x1FB30]  }
0x1a2: {  	v27 =	vld [tilespmem:$0x1FA60];
	[tilespmem:$0x1FCC0] =	vst v0;
	v0 =	vimm.s32 $0x3C3B3A39  }
0x1a3: {  	v30 =	vld [tilespmem:$0x1FAA0];
	v0 =	vunpack.c.0.s8.s32 v0  }
0x1a4: {  	v34 =	vld [tilespmem:$0x1FAE0];
	v1 =	vimm.s32 $0x303F3E3D  }
0x1a5: {  	v35 =	vld [tilespmem:$0x1FAF0];
	[tilespmem:$0x1FCD0] =	vst v0;
	v0 =	vunpack.c.0.s8.s32 v1  }
0x1a6: {  	s6 =	rddreg [dreg:$0x0];
	v33 =	vld [tilespmem:$0x1FAD0];
	v2 =	vimm.s32 $0x34333231  }
0x1a7: {  	s4 =	rddreg [dreg:$0x1];
	v36 =	vld [tilespmem:$0x1FB00];
	[tilespmem:$0x1FCE0] =	vst v0;
	v0 =	vunpack.c.0.s8.s32 v2  }
0x1a8: {  	s0 =	rddreg [dreg:$0x2];
	s1 =	simm.s32 $0x0;
	v46 =	vld [tilespmem:$0x1FB90]  }
0x1a9: {  	[smem:$0x7FF] =	sst s1;
	v47 =	vld [tilespmem:$0x1FBA0];
	[tilespmem:$0x1FCF0] =	vst v0  }
0x1aa: {  	s2 =	rddreg [dreg:$0x3];
	v45 =	vld [tilespmem:$0x1FB80];
	_ =	strace $0x80000047;
	[tilespmem:$0x1FE70] =	vst v7  }
0x1ab: {  	[tilespmem:$0x1FE80] =	vst v4  }
0x1ac: {  	v0 =	vimm.s32 $0x38373635;
	[tilespmem:$0x1FE90] =	vst v6  }
0x1ad: {  	v0 =	vunpack.c.0.s8.s32 v0;
	[tilespmem:$0x1FEA0] =	vst v3  }
0x1ae: {  	v1 =	vimm.s32 $0x3D3C3B3A;
	[tilespmem:$0x1FEB0] =	vst v8  }
0x1af: {  	[tilespmem:$0x1FD00] =	vst v0;
	v0 =	vunpack.c.0.s8.s32 v1  }
0x1b0: {  	v2 =	vimm.s32 $0x31303F3E;
	[tilespmem:$0x1FEC0] =	vst v9  }
0x1b1: {  	[tilespmem:$0x1FD10] =	vst v0;
	v0 =	vunpack.c.0.s8.s32 v2  }
0x1b2: {  	[tilespmem:$0x1FED0] =	vst v10  }
0x1b3: {  	[tilespmem:$0x1FD20] =	vst v0;
	v0 =	vimm.s32 $0x35343332  }
0x1b4: {  	[tilespmem:$0x1FEE0] =	vst v11;
	v0 =	vunpack.c.0.s8.s32 v0  }
0x1b5: {  	[tilespmem:$0x1FEF0] =	vst v12;
	v1 =	vimm.s32 $0x39383736  }
0x1b6: {  	[tilespmem:$0x1FD30] =	vst v0;
	v0 =	vunpack.c.0.s8.s32 v1  }
0x1b7: {  	[tilespmem:$0x1FF00] =	vst v13;
	v2 =	vimm.s32 $0x3E3D3C3B  }
0x1b8: {  	[tilespmem:$0x1FD40] =	vst v0;
	v0 =	vunpack.c.0.s8.s32 v2  }
0x1b9: {  	[tilespmem:$0x1FF10] =	vst v14  }
0x1ba: {  	[tilespmem:$0x1FD50] =	vst v0;
	v0 =	vimm.s32 $0x3231303F  }
0x1bb: {  	[tilespmem:$0x1FF20] =	vst v15;
	v0 =	vunpack.c.0.s8.s32 v0  }
0x1bc: {  	[tilespmem:$0x1FF30] =	vst v16;
	v1 =	vimm.s32 $0x36353433  }
0x1bd: {  	[tilespmem:$0x1FD60] =	vst v0;
	v0 =	vunpack.c.0.s8.s32 v1  }
0x1be: {  	[tilespmem:$0x1FF40] =	vst v39;
	v2 =	vimm.s32 $0x3A393837  }
0x1bf: {  	[tilespmem:$0x1FD70] =	vst v0;
	v0 =	vunpack.c.0.s8.s32 v2  }
0x1c0: {  	[tilespmem:$0x1FF50] =	vst v5  }
0x1c1: {  	[tilespmem:$0x1FD80] =	vst v0;
	v0 =	vimm.s32 $0x3F3E3D3C  }
0x1c2: {  	[tilespmem:$0x1FF60] =	vst v18;
	v0 =	vunpack.c.0.s8.s32 v0  }
0x1c3: {  	[tilespmem:$0x1FF70] =	vst v20;
	v1 =	vimm.s32 $0x33323130  }
0x1c4: {  	[tilespmem:$0x1FD90] =	vst v0;
	v0 =	vunpack.c.0.s8.s32 v1  }
0x1c5: {  	[tilespmem:$0x1FF80] =	vst v21;
	v2 =	vimm.s32 $0x37363534  }
0x1c6: {  	[tilespmem:$0x1FDA0] =	vst v0;
	v0 =	vunpack.c.0.s8.s32 v2  }
0x1c7: {  	[tilespmem:$0x1FF90] =	vst v23  }
0x1c8: {  	[tilespmem:$0x1FDB0] =	vst v0;
	v0 =	vimm.s32 $0x3B3A3938  }
0x1c9: {  	[tilespmem:$0x1FFA0] =	vst v40;
	v0 =	vunpack.c.0.s8.s32 v0  }
0x1ca: {  	[tilespmem:$0x1FFB0] =	vst v42;
	v1 =	vlaneseq.u32  }
0x1cb: {  	vm0 =	vcmask $0x1F10;
	[tilespmem:$0x1FDC0] =	vst v0;
	v0 =	vor.u32 $0x10, v1  }
0x1cc: {  	v1 =	vsel vm0, v62, v17;
	[tilespmem:$0x1FDD0] =	vst v0;
	v0 =	vsel vm0, v32, v22  }
0x1cd: {  	[tilespmem:$0x1FDE0] =	vst v0;
	v0 =	vcombine.low v1, v0  }
0x1ce: {  	s5 =	srdreg.scid;
	s3 =	stileid.u32;
	s10 =	simm.s32 $0x2000;
	[tilespmem:$0x1FFC0] =	vst v43;
	v2 =	vsel vm0, v63, v31;
	v62 =	vsel vm0, v7, v19  }
0x1cf: {  	s11 =	simm.s32 $0x400;
	s12 =	simm.s32 $0x6000;
	s13 =	simm.s32 $0x800;
	[tilespmem:$0x1FE00] =	vst v0;
	v0 =	vcombine.low v2, v62  }
0x1d0: {  	s14 =	simm.s32 $0xA000;
	s15 =	simm.s32 $0xC00;
	s16 =	simm.s32 $0xE000;
	[tilespmem:$0x1FE10] =	vst v62;
	v62 =	vld [tilespmem:$0x1FE50]  }
0x1d1: {  	s17 =	simm.s32 $0x1;
	s18 =	simm.s32 $0x12000;
	s19 =	simm.s32 $0x2;
	[tilespmem:$0x1FE30] =	vst v0;
	v0 =	vld [tilespmem:$0x1FE40]  }
0x1d2: {  	s20 =	simm.s32 $0x4;
	s21 =	simm.s32 $0x16000;
	s22 =	simm.s32 $0x3;
	[tilespmem:$0x1FFD0] =	vst v44  }
.Ltmp0:
0x1d3: {  	s5 =	sand.u32 $0x1, s5;
	s8 =	sshll.u32 s3, $0x1;
	[tilespmem:$0x1FFE0] =	vst v55;
	(pc) =	sbr.rel .LBB2_1-.Ltmp0, $4  }
0x1d4: {  	s23 =	simm.s32 $0x0;
	s7 =	ssub.s32 $0x2, s5;
	s8 =	sor.u32 s5, s8;
	[tilespmem:$0x1FFF0] =	vst v56  }
0x1d5: {  	s9 =	sshrl.u32 s7, $0x1;
	s5 =	sshll.u32 s8, $0x5;
	s8 =	sshll.u32 s8, $0xA;
	[tilespmem:$0x1FE20] =	vst v2  }
0x1d6: {  	s4 =	sadd.s32 $0x400, s4;
	s7 =	ssub.s32 s7, s9;
	s6 =	sadd.s32 s6, s8;
	[tilespmem:$0x1FDF0] =	vst v1;
	v0 =	vsel vm0, v62, v0  }
0x1d7: {  	s8 =	simm.s32 $0x5;
	s9 =	simm.s32 $0x80;
	s7 =	smax.u32 s7, $0x1;
	v2 =	vld [tilespmem:$0x1FE40];
	[tilespmem:$0x1FE60] =	vst v0  }
.LBB2_12:
0x1d8: {  	s23 =	sadd.s32 $0x1, s23  }
0x1d9: {  	_ =	swait.ge [sflag:s22], $0x4000;
	p0 =	sne.s32 s23, s7  }
.Ltmp1:
0x1da: {  	[sflag:s22] =	ssyncset.done $0x0;
	(pc) =	sbr.rel @!p0 .LBB2_13-.Ltmp1, $4  }
0x1db: {  	[sflag:s22] =	ssyncadd.s32 $0xFFFFC000  }
0x1dc: {  	_ =	swait.ge [sflag:s20], $0x4000  }
0x1dd: {  	[sflag:s20] =	ssyncset.done $0x0;
	v63 =	vld [tilespmem:$0x1FB20]  }
0x1de: {  	v2 =	vld [tilespmem:$0x1FE40];
	[sflag:s20] =	ssyncadd.s32 $0xFFFFC000  }
.LBB2_1:
0x1df: {  	[tilespmem:s1], [sflag:$0x5] =	stream.linear.gather [hbm4b:s6+s1], $0x2000, $0x38;
	[tilespmem:$0x1A000] =	vst v63  }
0x1e0: {  	_ =	swait.ge [sflag:s8], $0x2000  }
0x1e1: {  	[sflag:s8] =	ssyncset.done $0x0  }
0x1e2: {  	[sflag:s8] =	ssyncadd.s32 $0xFFFFE000  }
0x1e3: {  	[tilespmem:s10], [sflag:$0x1] =	stream.indirect.gather [hbm4b:s4+s9], $0x80, s1, s9, $0xb8;
	[tilespmem:$0x1A000] =	vst v63  }
0x1e4: {  	_ = 	snop  }
0x1e5: {  	[tilespmem:s12], [sflag:$0x1] =	stream.indirect.gather [hbm4b:s4+s9], $0x80, s11, s9, $0xb8;
	[tilespmem:$0x1A000] =	vst v63  }
0x1e6: {  	_ = 	snop  }
0x1e7: {  	[tilespmem:s14], [sflag:$0x2] =	stream.indirect.gather [hbm4b:s4+s9], $0x80, s13, s9, $0xb8;
	[tilespmem:$0x1A000] =	vst v63  }
0x1e8: {  	s24 =	simm.s32 $0x0  }
0x1e9: {  	v56 =	vmov v2;
	[tilespmem:s16], [sflag:$0x2] =	stream.indirect.gather [hbm4b:s4+s9], $0x80, s15, s9, $0xb8;
	[tilespmem:$0x1A000] =	vst v63  }
.LBB2_2:
0x1ea: {  	_ =	swait.ge [sflag:s17], $0x8000  }
0x1eb: {  	p0 =	seq.s32 s24, $0x0;
	[sflag:s17] =	ssyncset.done $0x0  }
0x1ec: {  	s26 =	simm.s32 @!p0 $0x3;
	[sflag:s17] =	ssyncadd.s32 $0xFFFF8000  }
0x1ed: {  	_ =	swait.ge @!p0 [sflag:s26], $0x4000  }
0x1ee: {  	[sflag:s26] =	ssyncset.done @!p0 $0x0  }
0x1ef: {  	s25 =	sshll.u32 s24, $0x1;
	v31 =	vmov v63;
	[sflag:s26] =	ssyncadd.s32 @!p0 $0xFFFFC000;
	s26 =	simm.s32 $0x0  }
.LBB2_3:
0x1f0: {  	v41 =	vlaneseq.u32  }
0x1f1: {  	v1 =	vor.u32 s26, v41  }
0x1f2: {  	v37 =	vld [tilespmem:$0x1FAB0];
	v0 =	vshll.u32 v1, $0x7  }
0x1f3: {  	v32 =	vld [tilespmem:$0x1FE70];
	v2 =	vor.u32 v41, v0  }
0x1f4: {  	v38 =	vld [tilespmem:$0x1F820];
	v3 =	vor.u32 v24, v0  }
0x1f5: {  	v39 =	vld [tilespmem:$0x1F830];
	v4 =	vor.u32 v26, v0  }
0x1f6: {  	v40 =	vld [tilespmem:$0x1F840];
	v5 =	vor.u32 v25, v0  }
0x1f7: {  	v23 =	vld [tilespmem:$0x1FE60];
	v6 =	vor.u32 v27, v0  }
0x1f8: {  	v7 =	vor.u32 v28, v0;
	v2 =	vld.idx.msk [tilespmem:v2+s10+$0x0], $0xffff  }
0x1f9: {  	v8 =	vor.u32 v29, v0;
	v3 =	vld.idx.msk [tilespmem:v3+s10+$0x0], $0xffff  }
0x1fa: {  	v9 =	vor.u32 v30, v0;
	v4 =	vld.idx.msk [tilespmem:v4+s10+$0x0], $0xffff  }
0x1fb: {  	v10 =	vor.u32 v45, v0;
	v5 =	vld.idx.msk [tilespmem:v5+s10+$0x0], $0xffff  }
0x1fc: {  	v11 =	vor.u32 v47, v0;
	v6 =	vld.idx.msk [tilespmem:v6+s10+$0x0], $0xffff  }
0x1fd: {  	v12 =	vor.u32 v46, v0;
	v7 =	vld.idx.msk [tilespmem:v7+s10+$0x0], $0xffff  }
0x1fe: {  	v13 =	vor.u32 v48, v0;
	v8 =	vld.idx.msk [tilespmem:v8+s10+$0x0], $0xffff  }
0x1ff: {  	v14 =	vmov s26;
	v15 =	vor.u32 v49, v0;
	v9 =	vld.idx.msk [tilespmem:v9+s10+$0x0], $0xffff  }
0x200: {  	v14 =	vshll.u32 v14, $0x3;
	v16 =	vor.u32 v50, v0;
	v10 =	vld.idx.msk [tilespmem:v10+s10+$0x0], $0xffff  }
0x201: {  	v1 =	vand.u32 $0x7F, v1;
	v14 =	vand.u32 $0x400, v14;
	v17 =	vor.u32 v51, v0;
	v11 =	vld.idx.msk [tilespmem:v11+s10+$0x0], $0xffff  }
0x202: {  	v18 =	vor.u32 v52, v0;
	v1 =	vor.u32 v14, v1;
	v12 =	vld.idx.msk [tilespmem:v12+s10+$0x0], $0xffff  }
0x203: {  	v14 =	vor.u32 v53, v1;
	v13 =	vld.idx.msk [tilespmem:v13+s10+$0x0], $0xffff  }
0x204: {  	v19 =	vor.u32 v54, v1;
	v15 =	vld.idx.msk [tilespmem:v15+s10+$0x0], $0xffff  }
0x205: {  	v20 =	vor.u32 v57, v1;
	v16 =	vld.idx.msk [tilespmem:v16+s10+$0x0], $0xffff  }
0x206: {  	v21 =	vor.u32 v58, v1;
	v17 =	vld.idx.msk [tilespmem:v17+s10+$0x0], $0xffff  }
0x207: {  	v22 =	vor.u32 v59, v1;
	v18 =	vld.idx.msk [tilespmem:v18+s10+$0x0], $0xffff  }
0x208: {  	[tilespmem:v14+s18+$0x0] =	vst.idx.msk $0xffff, v2;
	v14 =	vld [tilespmem:$0x1F800]  }
0x209: {  	v42 =	vor.u32 v60, v1;
	[tilespmem:v19+s18+$0x0] =	vst.idx.msk $0xffff, v3;
	v19 =	vld [tilespmem:$0x1F810]  }
0x20a: {  	v43 =	vor.u32 v33, v1;
	[tilespmem:v20+s18+$0x0] =	vst.idx.msk $0xffff, v4;
	v20 =	vld [tilespmem:$0x1F880]  }
0x20b: {  	v44 =	vor.u32 v34, v1;
	[tilespmem:v21+s18+$0x0] =	vst.idx.msk $0xffff, v5;
	v21 =	vld [tilespmem:$0x1FBB0]  }
0x20c: {  	v55 =	vor.u32 v35, v1;
	[tilespmem:v22+s18+$0x0] =	vst.idx.msk $0xffff, v6;
	v22 =	vld [tilespmem:$0x1FBC0]  }
0x20d: {  	v62 =	vor.u32 v36, v1;
	v6 =	vor.u32 v39, v1;
	v39 =	vld [tilespmem:$0x1FE30]  }
0x20e: {  	v63 =	vor.u32 v61, v1;
	[tilespmem:v42+s18+$0x0] =	vst.idx.msk $0xffff, v7;
	v42 =	vld [tilespmem:$0x1FDD0]  }
0x20f: {  	v3 =	vor.u32 v14, v1;
	v14 =	vld [tilespmem:$0x1FB40];
	[tilespmem:v43+s18+$0x0] =	vst.idx.msk $0xffff, v8  }
0x210: {  	v4 =	vor.u32 v19, v1;
	v43 =	vld [tilespmem:$0x1F850];
	[tilespmem:v44+s18+$0x0] =	vst.idx.msk $0xffff, v9  }
0x211: {  	v5 =	vor.u32 v38, v1;
	v44 =	vld [tilespmem:$0x1F860];
	[tilespmem:v55+s18+$0x0] =	vst.idx.msk $0xffff, v10  }
0x212: {  	[tilespmem:v62+s18+$0x0] =	vst.idx.msk $0xffff, v11;
	v62 =	vld [tilespmem:$0x1F870]  }
0x213: {  	[tilespmem:v63+s18+$0x0] =	vst.idx.msk $0xffff, v12;
	v12 =	vld [tilespmem:$0x1FB30]  }
0x214: {  	v2 =	vor.u32 v40, v1;
	[tilespmem:v3+s18+$0x0] =	vst.idx.msk $0xffff, v13;
	v13 =	vld [tilespmem:$0x1FB60]  }
0x215: {  	v3 =	vor.u32 v42, v0;
	v42 =	vld [tilespmem:$0x1FE50];
	[tilespmem:v4+s18+$0x0] =	vst.idx.msk $0xffff, v15  }
0x216: {  	v9 =	vor.u32 v39, v0;
	v4 =	vsel vm0, v44, v43;
	v15 =	vld [tilespmem:$0x1FB50];
	[tilespmem:v5+s18+$0x0] =	vst.idx.msk $0xffff, v16  }
0x217: {  	v40 =	vld [tilespmem:$0x1FB70];
	v55 =	vcombine.low v4, v23;
	v16 =	vsel vm0, v56, v44;
	v44 =	vsel vm0, v21, v20  }
0x218: {  	[tilespmem:v6+s18+$0x0] =	vst.idx.msk $0xffff, v17;
	v5 =	vsel vm0, v20, v62;
	v6 =	vsel vm0, v22, v21;
	v20 =	vld [tilespmem:$0x1FDF0]  }
0x219: {  	v63 =	vcombine.low v6, v5;
	[tilespmem:v2+s18+$0x0] =	vst.idx.msk $0xffff, v18;
	v18 =	vld [tilespmem:$0x1FE00];
	v10 =	vor.u32 v55, v0  }
0x21a: {  	[tilespmem:$0x1F610] =	vst v55;
	v55 =	vsel vm0, v62, v22;
	v7 =	vsel vm0, v13, v12;
	v3 =	vld.idx.msk [tilespmem:v3+s10+$0x0], $0xffff  }
0x21b: {  	v21 =	vcombine.low v55, v44;
	v9 =	vld.idx.msk [tilespmem:v9+s10+$0x0], $0xffff;
	v8 =	vsel vm0, v14, v15;
	v15 =	vsel vm0, v43, v42  }
0x21c: {  	v13 =	vsel vm0, v37, v32;
	[tilespmem:$0x1F620] =	vst v63;
	v11 =	vor.u32 v63, v0;
	v63 =	vld [tilespmem:$0x1FDE0];
	v43 =	vcombine.low v16, v15  }
0x21d: {  	v14 =	vsel vm0, v40, v31;
	[tilespmem:$0x1F660] =	vst v21;
	v32 =	vor.u32 v21, v0;
	v21 =	vld [tilespmem:$0x1FE20];
	v39 =	vcombine.low v7, v8  }
0x21e: {  	v42 =	vcombine.low v13, v14;
	[tilespmem:$0x1F650] =	vst v43;
	v10 =	vld.idx.msk [tilespmem:v10+s10+$0x0], $0xffff  }
0x21f: {  	v31 =	vcombine.low v14, v13;
	v62 =	vor.u32 v43, v0;
	[tilespmem:$0x1F6B0] =	vst v39;
	v43 =	vor.u32 v39, v0;
	v39 =	vld [tilespmem:$0x1F920]  }
0x220: {  	[tilespmem:$0x1F6C0] =	vst v42;
	v55 =	vor.u32 v42, v0;
	v42 =	vld [tilespmem:$0x1F940]  }
0x221: {  	[tilespmem:$0x1F640] =	vst v31;
	v56 =	vor.u32 v31, v0;
	v31 =	vld [tilespmem:$0x1FC70]  }
0x222: {  	v2 =	vor.u32 v18, v0;
	v22 =	vcombine.low v63, v20;
	v20 =	vld [tilespmem:$0x1FE10]  }
0x223: {  	v11 =	vld.idx.msk [tilespmem:v11+s10+$0x0], $0xffff  }
0x224: {  	v63 =	vld [tilespmem:$0x1F8A0]  }
0x225: {  	v13 =	vld.idx.msk [tilespmem:v32+s10+$0x0], $0xffff  }
0x226: {  	v32 =	vld [tilespmem:$0x1F8F0]  }
0x227: {  	v38 =	vcombine.low v8, v7;
	v2 =	vld.idx.msk [tilespmem:v2+s10+$0x0], $0xffff  }
0x228: {  	v7 =	vld.idx.msk [tilespmem:v62+s10+$0x0], $0xffff  }
0x229: {  	v12 =	vor.u32 v38, v0;
	v62 =	vld [tilespmem:$0x1F890]  }
0x22a: {  	v14 =	vld.idx.msk [tilespmem:v43+s10+$0x0], $0xffff  }
0x22b: {  	v44 =	vcombine.low v15, v16;
	v16 =	vld.idx.msk [tilespmem:v55+s10+$0x0], $0xffff  }
0x22c: {  	v43 =	vld [tilespmem:$0x1F950]  }
0x22d: {  	[tilespmem:$0x1F670] =	vst v22;
	v55 =	vld [tilespmem:$0x1F970]  }
0x22e: {  	v21 =	vcombine.low v20, v21;
	v20 =	vor.u32 v22, v0;
	v22 =	vcombine.low v23, v4;
	v4 =	vld.idx.msk [tilespmem:v12+s10+$0x0], $0xffff  }
0x22f: {  	v19 =	vor.u32 v63, v1;
	v63 =	vld [tilespmem:$0x1FBE0]  }
0x230: {  	[tilespmem:$0x1F630] =	vst v38;
	v23 =	vld [tilespmem:$0x1FC60]  }
0x231: {  	[tilespmem:$0x1F680] =	vst v21;
	v37 =	vor.u32 v21, v0;
	v21 =	vcombine.low v5, v6;
	v5 =	vld.idx.msk [tilespmem:v56+s10+$0x0], $0xffff  }
0x232: {  	[tilespmem:$0x1F690] =	vst v22;
	v38 =	vor.u32 v22, v0;
	v22 =	vld [tilespmem:$0x1F8D0]  }
0x233: {  	[tilespmem:$0x1F6D0] =	vst v44;
	v56 =	vor.u32 v44, v0;
	v44 =	vld [tilespmem:$0x1F960]  }
0x234: {  	[tilespmem:$0x1F6A0] =	vst v21;
	v40 =	vor.u32 v21, v0;
	v21 =	vld [tilespmem:$0x1F8C0]  }
0x235: {  	v15 =	vld.idx.msk [tilespmem:v20+s10+$0x0], $0xffff  }
0x236: {  	v18 =	vor.u32 v62, v1;
	v20 =	vld [tilespmem:$0x1F8B0]  }
0x237: {  	v12 =	vld.idx.msk [tilespmem:v37+s10+$0x0], $0xffff  }
0x238: {  	v6 =	vld.idx.msk [tilespmem:v38+s10+$0x0], $0xffff  }
0x239: {  	v17 =	vld.idx.msk [tilespmem:v56+s10+$0x0], $0xffff  }
0x23a: {  	v8 =	vld.idx.msk [tilespmem:v40+s10+$0x0], $0xffff  }
0x23b: {  	[tilespmem:v18+s18+$0x0] =	vst.idx.msk $0xffff, v3;
	v18 =	vld [tilespmem:$0x1F8E0]  }
0x23c: {  	v37 =	vld [tilespmem:$0x1F900]  }
0x23d: {  	v38 =	vld [tilespmem:$0x1F910];
	v20 =	vor.u32 v20, v1  }
0x23e: {  	v56 =	vld [tilespmem:$0x1F980];
	v21 =	vor.u32 v21, v1  }
0x23f: {  	v22 =	vor.u32 v22, v1;
	v40 =	vld [tilespmem:$0x1F930]  }
0x240: {  	[tilespmem:v19+s18+$0x0] =	vst.idx.msk $0xffff, v2;
	v19 =	vld [tilespmem:$0x1FC10];
	v3 =	vor.u32 v18, v1  }
0x241: {  	v2 =	vor.u32 v32, v1;
	v32 =	vld [tilespmem:$0x1FC80]  }
0x242: {  	v18 =	vld [tilespmem:$0x1FC20];
	[tilespmem:v20+s18+$0x0] =	vst.idx.msk $0xffff, v9;
	v9 =	vor.u32 v37, v1  }
0x243: {  	v20 =	vld [tilespmem:$0x1FC30];
	[tilespmem:v21+s18+$0x0] =	vst.idx.msk $0xffff, v10;
	v10 =	vor.u32 v38, v1  }
0x244: {  	v37 =	vld [tilespmem:$0x1FC90];
	[tilespmem:v22+s18+$0x0] =	vst.idx.msk $0xffff, v11;
	v11 =	vor.u32 v39, v1  }
0x245: {  	v21 =	vld [tilespmem:$0x1FC40];
	[tilespmem:v3+s18+$0x0] =	vst.idx.msk $0xffff, v4;
	v3 =	vor.u32 v40, v1  }
0x246: {  	v38 =	vld [tilespmem:$0x1FCA0];
	[tilespmem:v2+s18+$0x0] =	vst.idx.msk $0xffff, v5;
	v2 =	vor.u32 v42, v1  }
0x247: {  	v22 =	vld [tilespmem:$0x1FC50];
	v4 =	vor.u32 v43, v1;
	[tilespmem:v9+s18+$0x0] =	vst.idx.msk $0xffff, v7  }
0x248: {  	v5 =	vor.u32 v44, v1;
	[tilespmem:v10+s18+$0x0] =	vst.idx.msk $0xffff, v13;
	v13 =	vld [tilespmem:$0x1FBD0]  }
0x249: {  	v62 =	vor.u32 $0x20, v41;
	v39 =	vld [tilespmem:$0x1FCB0];
	v7 =	vor.u32 v55, v1;
	[tilespmem:v11+s18+$0x0] =	vst.idx.msk $0xffff, v15  }
0x24a: {  	v40 =	vld [tilespmem:$0x1FCC0];
	v9 =	vsel vm0, v32, v31;
	[tilespmem:v3+s18+$0x0] =	vst.idx.msk $0xffff, v12;
	v3 =	vor.u32 v62, v0  }
0x24b: {  	v55 =	vld [tilespmem:$0x1FBF0];
	[tilespmem:v2+s18+$0x0] =	vst.idx.msk $0xffff, v6;
	v2 =	vor.u32 v56, v1;
	v6 =	vsel vm0, v18, v19  }
0x24c: {  	v56 =	vld [tilespmem:$0x1FC00];
	v18 =	vsel vm0, v20, v18;
	v19 =	vsel vm0, v19, v21;
	[tilespmem:v4+s18+$0x0] =	vst.idx.msk $0xffff, v8  }
0x24d: {  	v8 =	vsel vm0, v23, v22;
	[tilespmem:v5+s18+$0x0] =	vst.idx.msk $0xffff, v14;
	v4 =	vsel vm0, v63, v13  }
0x24e: {  	v43 =	vcombine.low v9, v8;
	[tilespmem:v7+s18+$0x0] =	vst.idx.msk $0xffff, v16;
	v7 =	vsel vm0, v21, v20  }
0x24f: {  	v20 =	vsel vm0, v31, v23;
	v21 =	vsel vm0, v22, v32;
	v22 =	vsel vm0, v39, v38  }
0x250: {  	v31 =	vsel vm0, v37, v40;
	v42 =	vcombine.low v7, v6;
	v23 =	vcombine.low v21, v20  }
0x251: {  	v5 =	vsel vm0, v56, v55;
	v13 =	vsel vm0, v13, v56;
	v56 =	vor.u32 v43, v0  }
0x252: {  	[tilespmem:$0x1F6E0] =	vst v62;
	v12 =	vsel vm0, v55, v63;
	v31 =	vcombine.low v31, v22;
	v55 =	vor.u32 v42, v0  }
0x253: {  	v32 =	vld [tilespmem:$0x1FE90];
	[tilespmem:v2+s18+$0x0] =	vst.idx.msk $0xffff, v17;
	v22 =	vor.u32 v23, v0  }
0x254: {  	[tilespmem:$0x1F710] =	vst v43;
	v3 =	vld.idx.msk [tilespmem:v3+s10+$0x0], $0xffff;
	v43 =	vor.u32 v31, v0  }
0x255: {  	[tilespmem:$0x1F760] =	vst v31;
	v31 =	vld [tilespmem:$0x1FD60]  }
0x256: {  	v62 =	vcombine.low v5, v4;
	[tilespmem:$0x1F750] =	vst v23;
	v23 =	vcombine.low v4, v5;
	v4 =	vld.idx.msk [tilespmem:v56+s10+$0x0], $0xffff  }
0x257: {  	v10 =	vsel vm0, v38, v37;
	v14 =	vld.idx.msk [tilespmem:v55+s10+$0x0], $0xffff  }
0x258: {  	v11 =	vsel vm0, v40, v39;
	v63 =	vcombine.low v13, v12;
	v38 =	vcombine.low v12, v13;
	v12 =	vld.idx.msk [tilespmem:v22+s10+$0x0], $0xffff  }
0x259: {  	v44 =	vcombine.low v11, v10;
	[tilespmem:$0x1F700] =	vst v42;
	v2 =	vor.u32 v62, v0;
	v5 =	vld.idx.msk [tilespmem:v43+s10+$0x0], $0xffff  }
0x25a: {  	[tilespmem:$0x1F730] =	vst v63;
	v17 =	vor.u32 v63, v0;
	v63 =	vcombine.low v19, v18;
	v43 =	vcombine.low v20, v21;
	v20 =	vld [tilespmem:$0x1F9B0]  }
0x25b: {  	[tilespmem:$0x1F6F0] =	vst v62;
	v62 =	vor.u32 v44, v0;
	v56 =	vcombine.low v8, v9;
	v21 =	vld [tilespmem:$0x1F9C0]  }
0x25c: {  	[tilespmem:$0x1F740] =	vst v63;
	v42 =	vor.u32 v63, v0;
	v63 =	vcombine.low v10, v11;
	v22 =	vld [tilespmem:$0x1F9D0]  }
0x25d: {  	[tilespmem:$0x1F790] =	vst v56;
	v37 =	vor.u32 v56, v0;
	v56 =	vld [tilespmem:$0x1F990]  }
0x25e: {  	[tilespmem:$0x1F7A0] =	vst v63;
	v39 =	vor.u32 v63, v0;
	v63 =	vld [tilespmem:$0x1F9E0]  }
0x25f: {  	v40 =	vcombine.low v18, v19;
	v2 =	vld.idx.msk [tilespmem:v2+s10+$0x0], $0xffff  }
0x260: {  	[tilespmem:$0x1F720] =	vst v44;
	v44 =	vcombine.low v6, v7;
	v55 =	vor.u32 v23, v0;
	v6 =	vld.idx.msk [tilespmem:v62+s10+$0x0], $0xffff  }
0x261: {  	[tilespmem:$0x1F7C0] =	vst v40;
	v8 =	vld.idx.msk [tilespmem:v17+s10+$0x0], $0xffff  }
0x262: {  	[tilespmem:$0x1F780] =	vst v44;
	v62 =	vor.u32 v44, v0;
	v44 =	vor.u32 v40, v0;
	v40 =	vld [tilespmem:$0x1FED0]  }
0x263: {  	v10 =	vld.idx.msk [tilespmem:v42+s10+$0x0], $0xffff  }
0x264: {  	[tilespmem:$0x1F7B0] =	vst v38;
	v42 =	vor.u32 v38, v0;
	v38 =	vld [tilespmem:$0x1FEB0]  }
0x265: {  	v7 =	vld.idx.msk [tilespmem:v55+s10+$0x0], $0xffff  }
0x266: {  	[tilespmem:$0x1F7D0] =	vst v43;
	v55 =	vor.u32 v43, v0;
	v43 =	vld [tilespmem:$0x1FEF0]  }
0x267: {  	v9 =	vld.idx.msk [tilespmem:v62+s10+$0x0], $0xffff  }
0x268: {  	v62 =	vld [tilespmem:$0x1F9A0]  }
0x269: {  	v11 =	vld.idx.msk [tilespmem:v37+s10+$0x0], $0xffff  }
0x26a: {  	v18 =	vor.u32 v56, v1;
	v13 =	vld.idx.msk [tilespmem:v39+s10+$0x0], $0xffff  }
0x26b: {  	v37 =	vld [tilespmem:$0x1FEA0]  }
0x26c: {  	v16 =	vld.idx.msk [tilespmem:v44+s10+$0x0], $0xffff  }
0x26d: {  	v15 =	vld.idx.msk [tilespmem:v42+s10+$0x0], $0xffff;
	v19 =	vor.u32 v62, v1  }
0x26e: {  	v17 =	vld.idx.msk [tilespmem:v55+s10+$0x0], $0xffff  }
0x26f: {  	[tilespmem:v18+s18+$0x0] =	vst.idx.msk $0xffff, v3;
	v18 =	vld [tilespmem:$0x1F9F0]  }
0x270: {  	v20 =	vor.u32 v20, v1;
	v39 =	vld [tilespmem:$0x1FEC0]  }
0x271: {  	v21 =	vor.u32 v21, v1;
	v44 =	vld [tilespmem:$0x1FF00]  }
0x272: {  	v22 =	vor.u32 v22, v1;
	[tilespmem:v19+s18+$0x0] =	vst.idx.msk $0xffff, v2;
	v19 =	vld [tilespmem:$0x1FE80]  }
0x273: {  	v42 =	vld [tilespmem:$0x1FEE0];
	v3 =	vor.u32 v63, v1  }
0x274: {  	v2 =	vor.u32 v18, v1;
	v18 =	vld [tilespmem:$0x1FD20]  }
0x275: {  	[tilespmem:v20+s18+$0x0] =	vst.idx.msk $0xffff, v14;
	v20 =	vld [tilespmem:$0x1FD30]  }
0x276: {  	[tilespmem:v21+s18+$0x0] =	vst.idx.msk $0xffff, v4;
	v21 =	vld [tilespmem:$0x1FD40]  }
0x277: {  	v4 =	vor.u32 v32, v1;
	v32 =	vld [tilespmem:$0x1FD70];
	[tilespmem:v22+s18+$0x0] =	vst.idx.msk $0xffff, v6;
	v14 =	vor.u32 v19, v1  }
0x278: {  	[tilespmem:v3+s18+$0x0] =	vst.idx.msk $0xffff, v8;
	v3 =	vor.u32 v38, v1;
	v38 =	vld [tilespmem:$0x1FD90]  }
0x279: {  	v6 =	vor.u32 v37, v1;
	[tilespmem:v2+s18+$0x0] =	vst.idx.msk $0xffff, v10;
	v2 =	vor.u32 v39, v1;
	v39 =	vld [tilespmem:$0x1FDA0]  }
0x27a: {  	v55 =	vor.u32 $0x30, v41;
	v19 =	vld [tilespmem:$0x1FD10]  }
0x27b: {  	[tilespmem:$0x1F7E0] =	vst v55;
	v22 =	vld [tilespmem:$0x1FD50]  }
0x27c: {  	v37 =	vld [tilespmem:$0x1FD80];
	v8 =	vor.u32 v40, v1;
	[tilespmem:v14+s18+$0x0] =	vst.idx.msk $0xffff, v12  }
0x27d: {  	v40 =	vld [tilespmem:$0x1FDB0];
	[tilespmem:v4+s18+$0x0] =	vst.idx.msk $0xffff, v5;
	v4 =	vor.u32 v42, v1  }
0x27e: {  	v12 =	vld [tilespmem:$0x1FCE0];
	v10 =	vsel vm0, v39, v38;
	v5 =	vor.u32 v43, v1;
	[tilespmem:v6+s18+$0x0] =	vst.idx.msk $0xffff, v7  }
0x27f: {  	v14 =	vld [tilespmem:$0x1FCF0];
	v6 =	vsel vm0, v18, v19;
	v7 =	vsel vm0, v21, v20;
	[tilespmem:v3+s18+$0x0] =	vst.idx.msk $0xffff, v9  }
0x280: {  	v18 =	vsel vm0, v20, v18;
	v3 =	vor.u32 v55, v0;
	v55 =	vld [tilespmem:$0x1FDC0];
	[tilespmem:v2+s18+$0x0] =	vst.idx.msk $0xffff, v11  }
0x281: {  	v19 =	vsel vm0, v19, v21;
	v20 =	vsel vm0, v32, v31;
	[tilespmem:v8+s18+$0x0] =	vst.idx.msk $0xffff, v13;
	v13 =	vld [tilespmem:$0x1FCD0]  }
0x282: {  	v21 =	vsel vm0, v22, v37;
	v9 =	vsel vm0, v37, v32;
	[tilespmem:v4+s18+$0x0] =	vst.idx.msk $0xffff, v15;
	v15 =	vld [tilespmem:$0x1FD00]  }
0x283: {  	v63 =	vcombine.low v19, v18;
	v32 =	vcombine.low v6, v7;
	v2 =	vor.u32 v44, v1  }
0x284: {  	v44 =	vcombine.low v21, v20;
	v8 =	vsel vm0, v31, v22;
	v22 =	vsel vm0, v40, v39  }
0x285: {  	v62 =	vcombine.low v9, v8;
	[tilespmem:v5+s18+$0x0] =	vst.idx.msk $0xffff, v16;
	v11 =	vsel vm0, v55, v40  }
0x286: {  	v55 =	vsel vm0, v38, v55;
	v38 =	vor.u32 v63, v0;
	v40 =	vcombine.low v8, v9  }
0x287: {  	v9 =	vor.u32 v32, v0;
	v4 =	vsel vm0, v12, v13;
	v5 =	vsel vm0, v15, v14  }
0x288: {  	v55 =	vcombine.low v55, v22;
	v22 =	vor.u32 v44, v0;
	v56 =	vcombine.low v5, v4  }
0x289: {  	[tilespmem:v2+s18+$0x0] =	vst.idx.msk $0xffff, v17  }
0x28a: {  	v3 =	vld.idx.msk [tilespmem:v3+s10+$0x0], $0xffff;
	[tilespmem:$0x1F7F0] =	vst v56;
	v56 =	vor.u32 v56, v0  }
0x28b: {  	[tilespmem:$0x1F770] =	vst v23;
	v43 =	vcombine.low v11, v10;
	v41 =	vcombine.low v10, v11;
	v10 =	vld.idx.msk [tilespmem:v38+s10+$0x0], $0xffff  }
0x28c: {  	v42 =	vcombine.low v7, v6;
	v12 =	vsel vm0, v14, v12;
	v13 =	vsel vm0, v13, v15;
	v9 =	vld.idx.msk [tilespmem:v9+s10+$0x0], $0xffff  }
0x28d: {  	v11 =	vor.u32 v40, v0;
	v23 =	vcombine.low v13, v12;
	v37 =	vcombine.low v12, v13;
	v12 =	vld.idx.msk [tilespmem:v22+s10+$0x0], $0xffff  }
0x28e: {  	v14 =	vor.u32 v42, v0;
	v22 =	vcombine.low v20, v21;
	v20 =	vld [tilespmem:$0x1FF30]  }
0x28f: {  	v17 =	vor.u32 v23, v0;
	v2 =	vld.idx.msk [tilespmem:v56+s10+$0x0], $0xffff  }
0x290: {  	v56 =	vld [tilespmem:$0x1FAC0]  }
0x291: {  	v15 =	vor.u32 v62, v0;
	v21 =	vld [tilespmem:$0x1FF40]  }
0x292: {  	v16 =	vor.u32 v43, v0;
	v11 =	vld.idx.msk [tilespmem:v11+s10+$0x0], $0xffff  }
0x293: {  	v39 =	vcombine.low v4, v5;
	v5 =	vor.u32 v55, v0;
	v14 =	vld.idx.msk [tilespmem:v14+s10+$0x0], $0xffff  }
0x294: {  	v13 =	vor.u32 v41, v0;
	v8 =	vld.idx.msk [tilespmem:v17+s10+$0x0], $0xffff  }
0x295: {  	v17 =	vor.u32 v56, v1;
	v56 =	vld [tilespmem:$0x1FF10]  }
0x296: {  	v38 =	vcombine.low v18, v19;
	v7 =	vor.u32 v39, v0;
	v4 =	vld.idx.msk [tilespmem:v15+s10+$0x0], $0xffff  }
0x297: {  	v6 =	vld.idx.msk [tilespmem:v16+s10+$0x0], $0xffff;
	v15 =	vor.u32 v37, v0  }
0x298: {  	v16 =	vor.u32 v38, v0;
	v5 =	vld.idx.msk [tilespmem:v5+s10+$0x0], $0xffff  }
0x299: {  	v0 =	vor.u32 v22, v0;
	v13 =	vld.idx.msk [tilespmem:v13+s10+$0x0], $0xffff  }
0x29a: {  	v18 =	vor.u32 v56, v1;
	v56 =	vld [tilespmem:$0x1FF20]  }
0x29b: {  	v7 =	vld.idx.msk [tilespmem:v7+s10+$0x0], $0xffff  }
0x29c: {  	v15 =	vld.idx.msk [tilespmem:v15+s10+$0x0], $0xffff  }
0x29d: {  	v16 =	vld.idx.msk [tilespmem:v16+s10+$0x0], $0xffff  }
0x29e: {  	v0 =	vld.idx.msk [tilespmem:v0+s10+$0x0], $0xffff  }
0x29f: {  	v19 =	vor.u32 v56, v1;
	v56 =	vld [tilespmem:$0x1FF50]  }
0x2a0: {  	[tilespmem:v17+s18+$0x0] =	vst.idx.msk $0xffff, v3;
	v17 =	vld [tilespmem:$0x1FF60];
	_ =	sdelay $0x1  }
0x2a1: {  	v20 =	vor.u32 v20, v1  }
0x2a2: {  	v21 =	vor.u32 v21, v1  }
0x2a3: {  	v3 =	vor.u32 v56, v1  }
0x2a4: {  	[tilespmem:v18+s18+$0x0] =	vst.idx.msk $0xffff, v2;
	v2 =	vor.u32 v17, v1  }
0x2a5: {  	v18 =	vld [tilespmem:$0x1FF70];
	[tilespmem:v19+s18+$0x0] =	vst.idx.msk $0xffff, v14  }
0x2a6: {  	v19 =	vld [tilespmem:$0x1FF80];
	[tilespmem:v20+s18+$0x0] =	vst.idx.msk $0xffff, v4  }
0x2a7: {  	v56 =	vld [tilespmem:$0x1FF90];
	[tilespmem:v21+s18+$0x0] =	vst.idx.msk $0xffff, v6  }
0x2a8: {  	[tilespmem:v3+s18+$0x0] =	vst.idx.msk $0xffff, v8;
	v8 =	vld [tilespmem:$0x1FFA0]  }
0x2a9: {  	[tilespmem:v2+s18+$0x0] =	vst.idx.msk $0xffff, v10;
	v10 =	vld [tilespmem:$0x1FFB0]  }
0x2aa: {  	v17 =	vld [tilespmem:$0x1FFC0];
	v14 =	vor.u32 v18, v1  }
0x2ab: {  	v18 =	vld [tilespmem:$0x1FFD0];
	v4 =	vor.u32 v19, v1  }
0x2ac: {  	v6 =	vor.u32 v56, v1;
	v19 =	vld [tilespmem:$0x1FFE0]  }
0x2ad: {  	v56 =	vld [tilespmem:$0x1FFF0];
	v3 =	vor.u32 v8, v1  }
0x2ae: {  	v2 =	vor.u32 v10, v1  }
0x2af: {  	[tilespmem:v14+s18+$0x0] =	vst.idx.msk $0xffff, v12;
	v8 =	vor.u32 v17, v1  }
0x2b0: {  	[tilespmem:v4+s18+$0x0] =	vst.idx.msk $0xffff, v5;
	v4 =	vor.u32 v18, v1  }
0x2b1: {  	v5 =	vor.u32 v19, v1;
	[tilespmem:v6+s18+$0x0] =	vst.idx.msk $0xffff, v7  }
0x2b2: {  	p1 =	sne.s32 s26, $0xF0;
	v1 =	vor.u32 v56, v1;
	[tilespmem:v3+s18+$0x0] =	vst.idx.msk $0xffff, v9  }
.Ltmp2:
0x2b3: {  	[tilespmem:v2+s18+$0x0] =	vst.idx.msk $0xffff, v11;
	(pc) =	sbr.rel @p1 .LBB2_3-.Ltmp2, $4  }
0x2b4: {  	[tilespmem:v8+s18+$0x0] =	vst.idx.msk $0xffff, v13  }
0x2b5: {  	[tilespmem:v4+s18+$0x0] =	vst.idx.msk $0xffff, v15  }
0x2b6: {  	v31 =	vld [tilespmem:$0x1FB20];
	[tilespmem:v5+s18+$0x0] =	vst.idx.msk $0xffff, v16  }
0x2b7: {  	s26 =	sadd.s32 $0x10, s26;
	v56 =	vld [tilespmem:$0x1FE40];
	[tilespmem:v1+s18+$0x0] =	vst.idx.msk $0xffff, v0  }
0x2b8: {  	[tilespmem:$0x1F530] =	vst v41  }
0x2b9: {  	[tilespmem:$0x1F540] =	vst v40  }
0x2ba: {  	[tilespmem:$0x1F550] =	vst v32  }
0x2bb: {  	[tilespmem:$0x1F560] =	vst v39  }
0x2bc: {  	[tilespmem:$0x1F570] =	vst v55;
	s26 =	sadd.s32 s5, s25;
	s28 =	sand.u32 $0x1, s24  }
0x2bd: {  	[tilespmem:$0x1F580] =	vst v22;
	p1 =	seq.s32 s26, $0x0;
	p2 =	seq.s32 s28, $0x1  }
0x2be: {  	[tilespmem:$0x1F590] =	vst v38;
	p1 =	por !p1, !p2  }
0x2bf: {  	[tilespmem:$0x1F5A0] =	vst v37;
	s28 =	simm.s32 $0x1;
	p1 =	por !p1, !p1  }
0x2c0: {  	[tilespmem:$0x1F5B0] =	vst v44;
	s29 =	sshrl.u32 s26, $0x2;
	s28 =	simm.s32 @!p1 $0x0  }
0x2c1: {  	[tilespmem:$0x1F5C0] =	vst v63;
	s31 =	sshll.u32 s24, $0xC;
	p1 =	sne.s32 s24, $0xF;
	s28 =	ssub.s32 s29, s28  }
.Ltmp3:
0x2c2: {  	[tilespmem:$0x1F5D0] =	vst v23;
	s29 =	sand.u32 $0x1000, s31;
	s28 =	sshll.u32 s28, $0x10;
	(pc) =	sbr.rel @p1 .LBB2_6-.Ltmp3, $4  }
0x2c3: {  	[tilespmem:$0x1F5E0] =	vst v43;
	s28 =	sor.u32 s29, s28  }
0x2c4: {  	[tilespmem:$0x1F5F0] =	vst v62;
	s28 =	sshrl.u32 s28, $0x3  }
0x2c5: {  	[tilespmem:$0x1F600] =	vst v42;
	s28 =	sadd.s32 s0, s28  }
0x2c6: {  	v0 =	vld [tilespmem:$0x1F810];
	[hbm4b:s28+s13] =	stream.strided.scatter [tilespmem:s18], [sflag:$0x3], $0x4000, s10, s13, $0x38  }
0x2c7: {  	_ =	swait.ge [sflag:s19], $0x8000  }
0x2c8: {  	v41 =	vld [tilespmem:$0x1F890]  }
0x2c9: {  	v63 =	vld [tilespmem:$0x1F8A0]  }
0x2ca: {  	v43 =	vld [tilespmem:$0x1F8B0]  }
0x2cb: {  	v42 =	vld [tilespmem:$0x1F8C0]  }
0x2cc: {  	v44 =	vld [tilespmem:$0x1F8D0]  }
0x2cd: {  	v39 =	vld [tilespmem:$0x1F8E0]  }
0x2ce: {  	v23 =	vld [tilespmem:$0x1F8F0]  }
0x2cf: {  	v31 =	vld [tilespmem:$0x1F900]  }
.Ltmp4:
0x2d0: {  	v32 =	vld [tilespmem:$0x1F910];
	(pc) =	sbr.rel .LBB2_7-.Ltmp4, $4  }
0x2d1: {  	v55 =	vld [tilespmem:$0x1FFE0]  }
0x2d2: {  	v56 =	vld [tilespmem:$0x1FFF0]  }
0x2d3: {  	[sflag:s19] =	ssyncset.done $0x0;
	v38 =	vld [tilespmem:$0x1FDD0]  }
0x2d4: {  	v37 =	vlaneseq.u32;
	v62 =	vld [tilespmem:$0x1FE00];
	[sflag:s19] =	ssyncadd.s32 $0xFFFF8000;
	v40 =	vmov v0  }
.LBB2_6:
0x2d5: {  	s28 =	sadd.s32 $0x2, s25  }
0x2d6: {  	s29 =	sshll.u32 s28, $0x8;
	s30 =	sshll.u32 s28, $0xB  }
0x2d7: {  	s28 =	sshll.u32 s28, $0x5;
	s29 =	sand.u32 $0x2000, s29;
	s30 =	sand.u32 $0x1000, s30  }
0x2d8: {  	s28 =	sand.u32 $0x380, s28;
	s29 =	sor.u32 s30, s29  }
0x2d9: {  	s28 =	sor.u32 s28, s29  }
0x2da: {  	[tilespmem:s10], [sflag:$0x1] =	stream.indirect.gather [hbm4b:s4+s9], $0x80, s28, s9, $0xb8;
	[tilespmem:$0x1A000] =	vst v63  }
0x2db: {  	s28 =	sor.u32 $0x400, s28  }
0x2dc: {  	[tilespmem:s12], [sflag:$0x1] =	stream.indirect.gather [hbm4b:s4+s9], $0x80, s28, s9, $0xb8;
	[tilespmem:$0x1A000] =	vst v63  }
0x2dd: {  	_ =	swait.ge [sflag:s19], $0x8000  }
0x2de: {  	v41 =	vld [tilespmem:$0x1F890]  }
0x2df: {  	v63 =	vld [tilespmem:$0x1F8A0]  }
0x2e0: {  	v43 =	vld [tilespmem:$0x1F8B0]  }
0x2e1: {  	v42 =	vld [tilespmem:$0x1F8C0]  }
0x2e2: {  	v44 =	vld [tilespmem:$0x1F8D0]  }
0x2e3: {  	v39 =	vld [tilespmem:$0x1F8E0]  }
0x2e4: {  	v23 =	vld [tilespmem:$0x1F8F0]  }
0x2e5: {  	v31 =	vld [tilespmem:$0x1F900]  }
.Ltmp5:
0x2e6: {  	v32 =	vld [tilespmem:$0x1F910];
	(pc) =	sbr.rel @p0 .LBB2_8-.Ltmp5, $4  }
0x2e7: {  	v55 =	vld [tilespmem:$0x1FFE0]  }
0x2e8: {  	v56 =	vld [tilespmem:$0x1FFF0]  }
0x2e9: {  	[sflag:s19] =	ssyncset.done $0x0;
	v38 =	vld [tilespmem:$0x1FDD0]  }
0x2ea: {  	v37 =	vlaneseq.u32;
	v40 =	vmov v0;
	v62 =	vld [tilespmem:$0x1FE00];
	[sflag:s19] =	ssyncadd.s32 $0xFFFF8000  }
.LBB2_7:
0x2eb: {  	_ =	swait.ge [sflag:s20], $0x4000  }
0x2ec: {  	[sflag:s20] =	ssyncset.done $0x0  }
0x2ed: {  	[sflag:s20] =	ssyncadd.s32 $0xFFFFC000  }
.LBB2_8:
0x2ee: {  	s28 =	simm.s32 $0x0  }
0x2ef: {  	v1 =	vor.u32 s28, v37  }
0x2f0: {  	v0 =	vshll.u32 v1, $0x7  }
0x2f1: {  	v2 =	vor.u32 v45, v0  }
0x2f2: {  	v3 =	vor.u32 v27, v0  }
0x2f3: {  	v4 =	vor.u32 v48, v0  }
0x2f4: {  	v5 =	vor.u32 v37, v0  }
0x2f5: {  	v6 =	vor.u32 v47, v0  }
0x2f6: {  	v7 =	vor.u32 v51, v0;
	v2 =	vld.idx.msk [tilespmem:v2+s14+$0x0], $0xffff  }
0x2f7: {  	v8 =	vor.u32 v46, v0;
	v3 =	vld.idx.msk [tilespmem:v3+s14+$0x0], $0xffff  }
0x2f8: {  	v9 =	vor.u32 v52, v0;
	v4 =	vld.idx.msk [tilespmem:v4+s14+$0x0], $0xffff  }
0x2f9: {  	v10 =	vor.u32 v26, v0;
	v5 =	vld.idx.msk [tilespmem:v5+s14+$0x0], $0xffff  }
0x2fa: {  	v11 =	vor.u32 v25, v0;
	v6 =	vld.idx.msk [tilespmem:v6+s14+$0x0], $0xffff  }
0x2fb: {  	v12 =	vor.u32 v28, v0;
	v7 =	vld.idx.msk [tilespmem:v7+s14+$0x0], $0xffff  }
0x2fc: {  	v15 =	vmov s28;
	v13 =	vor.u32 v24, v0;
	v8 =	vld.idx.msk [tilespmem:v8+s14+$0x0], $0xffff  }
0x2fd: {  	v15 =	vshll.u32 v15, $0x3;
	v14 =	vor.u32 v29, v0;
	v9 =	vld.idx.msk [tilespmem:v9+s14+$0x0], $0xffff  }
0x2fe: {  	v1 =	vand.u32 $0x7F, v1;
	v16 =	vor.u32 v49, v0;
	v15 =	vand.u32 $0x400, v15;
	v10 =	vld.idx.msk [tilespmem:v10+s14+$0x0], $0xffff  }
0x2ff: {  	v17 =	vor.u32 v50, v0;
	v1 =	vor.u32 v15, v1;
	v11 =	vld.idx.msk [tilespmem:v11+s14+$0x0], $0xffff  }
0x300: {  	v18 =	vor.u32 v30, v0;
	v15 =	vor.u32 v53, v1;
	v12 =	vld.idx.msk [tilespmem:v12+s14+$0x0], $0xffff  }
0x301: {  	v19 =	vor.u32 v54, v1;
	v13 =	vld.idx.msk [tilespmem:v13+s14+$0x0], $0xffff  }
0x302: {  	v20 =	vor.u32 v57, v1;
	v14 =	vld.idx.msk [tilespmem:v14+s14+$0x0], $0xffff  }
0x303: {  	v21 =	vor.u32 v58, v1;
	v16 =	vld.idx.msk [tilespmem:v16+s14+$0x0], $0xffff  }
0x304: {  	v22 =	vor.u32 v59, v1;
	v17 =	vld.idx.msk [tilespmem:v17+s14+$0x0], $0xffff  }
0x305: {  	v18 =	vld.idx.msk [tilespmem:v18+s14+$0x0], $0xffff;
	[tilespmem:v15+s21+$0x0] =	vst.idx.msk $0xffff, v5;
	v5 =	vor.u32 v60, v1  }
0x306: {  	v15 =	vor.u32 v33, v1;
	[tilespmem:v19+s21+$0x0] =	vst.idx.msk $0xffff, v13  }
0x307: {  	v13 =	vor.u32 v34, v1;
	[tilespmem:v20+s21+$0x0] =	vst.idx.msk $0xffff, v10  }
0x308: {  	[tilespmem:v21+s21+$0x0] =	vst.idx.msk $0xffff, v11  }
0x309: {  	v10 =	vor.u32 v35, v1;
	[tilespmem:v22+s21+$0x0] =	vst.idx.msk $0xffff, v3  }
0x30a: {  	[tilespmem:v5+s21+$0x0] =	vst.idx.msk $0xffff, v12;
	v5 =	vld [tilespmem:$0x1F800]  }
0x30b: {  	v11 =	vor.u32 v36, v1;
	[tilespmem:v15+s21+$0x0] =	vst.idx.msk $0xffff, v14;
	v14 =	vld [tilespmem:$0x1F680]  }
0x30c: {  	[tilespmem:v13+s21+$0x0] =	vst.idx.msk $0xffff, v18;
	v13 =	vld [tilespmem:$0x1F820]  }
0x30d: {  	v3 =	vor.u32 v61, v1;
	v15 =	vld [tilespmem:$0x1F670]  }
0x30e: {  	[tilespmem:v10+s21+$0x0] =	vst.idx.msk $0xffff, v2;
	v2 =	vld [tilespmem:$0x1F830]  }
0x30f: {  	v10 =	vld [tilespmem:$0x1F640];
	v5 =	vor.u32 v5, v1  }
0x310: {  	v12 =	vor.u32 v40, v1;
	[tilespmem:v11+s21+$0x0] =	vst.idx.msk $0xffff, v6;
	v6 =	vld [tilespmem:$0x1F840]  }
0x311: {  	v11 =	vld [tilespmem:$0x1F6B0];
	v13 =	vor.u32 v13, v1  }
0x312: {  	[tilespmem:v3+s21+$0x0] =	vst.idx.msk $0xffff, v8;
	v3 =	vld [tilespmem:$0x1F6C0]  }
0x313: {  	v8 =	vld [tilespmem:$0x1F630];
	v2 =	vor.u32 v2, v1  }
0x314: {  	[tilespmem:v5+s21+$0x0] =	vst.idx.msk $0xffff, v4;
	v5 =	vld [tilespmem:$0x1FE30]  }
0x315: {  	v6 =	vor.u32 v6, v1;
	[tilespmem:v12+s21+$0x0] =	vst.idx.msk $0xffff, v16;
	v16 =	vld [tilespmem:$0x1F650]  }
0x316: {  	[tilespmem:v13+s21+$0x0] =	vst.idx.msk $0xffff, v17;
	v13 =	vld [tilespmem:$0x1F690]  }
0x317: {  	v3 =	vor.u32 v3, v0;
	v17 =	vld [tilespmem:$0x1F660]  }
0x318: {  	v4 =	vor.u32 v62, v0;
	[tilespmem:v2+s21+$0x0] =	vst.idx.msk $0xffff, v7;
	v2 =	vld [tilespmem:$0x1F610]  }
0x319: {  	v8 =	vor.u32 v8, v0;
	v7 =	vld [tilespmem:$0x1F620]  }
0x31a: {  	v10 =	vor.u32 v10, v0;
	[tilespmem:v6+s21+$0x0] =	vst.idx.msk $0xffff, v9;
	v6 =	vld [tilespmem:$0x1F6D0]  }
0x31b: {  	v11 =	vor.u32 v11, v0;
	v9 =	vld [tilespmem:$0x1F6A0]  }
0x31c: {  	v14 =	vor.u32 v14, v0;
	v3 =	vld.idx.msk [tilespmem:v3+s14+$0x0], $0xffff  }
0x31d: {  	v15 =	vor.u32 v15, v0;
	v4 =	vld.idx.msk [tilespmem:v4+s14+$0x0], $0xffff  }
0x31e: {  	v12 =	vor.u32 v38, v0;
	v8 =	vld.idx.msk [tilespmem:v8+s14+$0x0], $0xffff  }
0x31f: {  	v5 =	vor.u32 v5, v0;
	v10 =	vld.idx.msk [tilespmem:v10+s14+$0x0], $0xffff  }
0x320: {  	v11 =	vld.idx.msk [tilespmem:v11+s14+$0x0], $0xffff;
	v16 =	vor.u32 v16, v0  }
0x321: {  	v14 =	vld.idx.msk [tilespmem:v14+s14+$0x0], $0xffff;
	v13 =	vor.u32 v13, v0  }
0x322: {  	v15 =	vld.idx.msk [tilespmem:v15+s14+$0x0], $0xffff;
	v17 =	vor.u32 v17, v0  }
0x323: {  	v12 =	vld.idx.msk [tilespmem:v12+s14+$0x0], $0xffff;
	v2 =	vor.u32 v2, v0  }
0x324: {  	v7 =	vor.u32 v7, v0;
	v5 =	vld.idx.msk [tilespmem:v5+s14+$0x0], $0xffff  }
0x325: {  	v6 =	vor.u32 v6, v0;
	v16 =	vld.idx.msk [tilespmem:v16+s14+$0x0], $0xffff  }
0x326: {  	v18 =	vor.u32 v41, v1;
	v9 =	vor.u32 v9, v0;
	v13 =	vld.idx.msk [tilespmem:v13+s14+$0x0], $0xffff  }
0x327: {  	v19 =	vor.u32 v63, v1;
	v17 =	vld.idx.msk [tilespmem:v17+s14+$0x0], $0xffff  }
0x328: {  	v20 =	vor.u32 v43, v1;
	v2 =	vld.idx.msk [tilespmem:v2+s14+$0x0], $0xffff  }
0x329: {  	v21 =	vor.u32 v42, v1;
	v7 =	vld.idx.msk [tilespmem:v7+s14+$0x0], $0xffff  }
0x32a: {  	v6 =	vld.idx.msk [tilespmem:v6+s14+$0x0], $0xffff  }
0x32b: {  	v9 =	vld.idx.msk [tilespmem:v9+s14+$0x0], $0xffff;
	[tilespmem:v18+s21+$0x0] =	vst.idx.msk $0xffff, v12  }
0x32c: {  	[tilespmem:v19+s21+$0x0] =	vst.idx.msk $0xffff, v4  }
0x32d: {  	[tilespmem:v20+s21+$0x0] =	vst.idx.msk $0xffff, v5  }
0x32e: {  	v22 =	vor.u32 v44, v1;
	[tilespmem:v21+s21+$0x0] =	vst.idx.msk $0xffff, v2;
	v2 =	vld [tilespmem:$0x1F920]  }
0x32f: {  	v12 =	vor.u32 v39, v1  }
0x330: {  	v18 =	vor.u32 v23, v1  }
0x331: {  	v4 =	vor.u32 v31, v1  }
0x332: {  	v5 =	vor.u32 v32, v1  }
0x333: {  	[tilespmem:v22+s21+$0x0] =	vst.idx.msk $0xffff, v7;
	v7 =	vld [tilespmem:$0x1F930];
	v2 =	vor.u32 v2, v1  }
0x334: {  	[tilespmem:v12+s21+$0x0] =	vst.idx.msk $0xffff, v8  }
0x335: {  	v8 =	vld [tilespmem:$0x1F940];
	[tilespmem:v18+s21+$0x0] =	vst.idx.msk $0xffff, v10  }
0x336: {  	[tilespmem:v4+s21+$0x0] =	vst.idx.msk $0xffff, v16;
	v4 =	vld [tilespmem:$0x1F950]  }
0x337: {  	[tilespmem:v5+s21+$0x0] =	vst.idx.msk $0xffff, v17;
	v5 =	vld [tilespmem:$0x1F960]  }
0x338: {  	v7 =	vor.u32 v7, v1;
	[tilespmem:v2+s21+$0x0] =	vst.idx.msk $0xffff, v15;
	v2 =	vld [tilespmem:$0x1F970];
	_ =	sdelay $0x1  }
0x339: {  	v8 =	vor.u32 v8, v1  }
0x33a: {  	v4 =	vor.u32 v4, v1  }
0x33b: {  	v5 =	vor.u32 v5, v1  }
0x33c: {  	[tilespmem:v7+s21+$0x0] =	vst.idx.msk $0xffff, v14;
	v7 =	vld [tilespmem:$0x1F980];
	v2 =	vor.u32 v2, v1;
	_ =	sdelay $0x1  }
0x33d: {  	[tilespmem:v8+s21+$0x0] =	vst.idx.msk $0xffff, v13  }
0x33e: {  	[tilespmem:v4+s21+$0x0] =	vst.idx.msk $0xffff, v9  }
0x33f: {  	[tilespmem:v5+s21+$0x0] =	vst.idx.msk $0xffff, v11  }
0x340: {  	v7 =	vor.u32 v7, v1;
	[tilespmem:v2+s21+$0x0] =	vst.idx.msk $0xffff, v3;
	v3 =	vld [tilespmem:$0x1F6F0];
	_ =	sdelay $0x2  }
0x341: {  	v4 =	vld [tilespmem:$0x1F760];
	_ =	sdelay $0x1  }
0x342: {  	v8 =	vld [tilespmem:$0x1F700];
	[tilespmem:v7+s21+$0x0] =	vst.idx.msk $0xffff, v6;
	v7 =	vor.u32 v3, v0;
	_ =	sdelay $0x2  }
0x343: {  	v9 =	vor.u32 v4, v0;
	v4 =	vld [tilespmem:$0x1F720]  }
0x344: {  	v2 =	vld [tilespmem:$0x1F730]  }
0x345: {  	v8 =	vor.u32 v8, v0;
	v16 =	vld.idx.msk [tilespmem:v7+s14+$0x0], $0xffff  }
0x346: {  	v7 =	vld [tilespmem:$0x1F790]  }
0x347: {  	v3 =	vld [tilespmem:$0x1F750];
	_ =	sdelay $0x1  }
0x348: {  	v6 =	vld [tilespmem:$0x1F770]  }
0x349: {  	v5 =	vor.u32 v4, v0;
	v4 =	vld.idx.msk [tilespmem:v8+s14+$0x0], $0xffff;
	v2 =	vor.u32 v2, v0  }
0x34a: {  	v12 =	vor.u32 v7, v0;
	v7 =	vld [tilespmem:$0x1F6E0]  }
0x34b: {  	v8 =	vor.u32 v3, v0;
	v3 =	vld [tilespmem:$0x1F740];
	_ =	sdelay $0x2  }
0x34c: {  	v11 =	vor.u32 v6, v0;
	v6 =	vld.idx.msk [tilespmem:v2+s14+$0x0], $0xffff  }
0x34d: {  	v2 =	vld [tilespmem:$0x1F780];
	v14 =	vor.u32 v7, v0  }
0x34e: {  	v10 =	vor.u32 v3, v0;
	v3 =	vld.idx.msk [tilespmem:v9+s14+$0x0], $0xffff  }
0x34f: {  	v9 =	vld.idx.msk [tilespmem:v8+s14+$0x0], $0xffff  }
0x350: {  	v7 =	vld [tilespmem:$0x1F7A0]  }
0x351: {  	v8 =	vld [tilespmem:$0x1F7B0]  }
0x352: {  	v17 =	vld.idx.msk [tilespmem:v14+s14+$0x0], $0xffff  }
0x353: {  	v14 =	vld [tilespmem:$0x1F7D0]  }
0x354: {  	v2 =	vor.u32 v2, v0  }
0x355: {  	v15 =	vor.u32 v7, v0;
	v7 =	vld.idx.msk [tilespmem:v11+s14+$0x0], $0xffff  }
0x356: {  	v11 =	vor.u32 v8, v0;
	v8 =	vld [tilespmem:$0x1F710]  }
0x357: {  	v13 =	vld.idx.msk [tilespmem:v10+s14+$0x0], $0xffff  }
0x358: {  	v43 =	vmov v14;
	v21 =	vor.u32 v14, v0;
	v14 =	vld [tilespmem:$0x1F990]  }
0x359: {  	v10 =	vld.idx.msk [tilespmem:v2+s14+$0x0], $0xffff  }
0x35a: {  	v2 =	vld [tilespmem:$0x1F7C0]  }
0x35b: {  	v18 =	vor.u32 v8, v0;
	v8 =	vld.idx.msk [tilespmem:v12+s14+$0x0], $0xffff  }
0x35c: {  	v12 =	vld.idx.msk [tilespmem:v15+s14+$0x0], $0xffff  }
0x35d: {  	v15 =	vor.u32 v14, v1;
	v14 =	vld [tilespmem:$0x1F9A0];
	_ =	sdelay $0x4  }
0x35e: {  	v20 =	vor.u32 v2, v0;
	v22 =	vor.u32 v14, v1;
	v14 =	vld [tilespmem:$0x1F9B0];
	_ =	sdelay $0x2  }
0x35f: {  	v44 =	vld [tilespmem:$0x1F9E0]  }
0x360: {  	v32 =	vld [tilespmem:$0x1F9D0]  }
0x361: {  	v19 =	vor.u32 v14, v1;
	v14 =	vld.idx.msk [tilespmem:v20+s14+$0x0], $0xffff  }
0x362: {  	v20 =	vld [tilespmem:$0x1F9C0]  }
0x363: {  	v41 =	vld [tilespmem:$0x1F570]  }
0x364: {  	v39 =	vld [tilespmem:$0x1F560]  }
0x365: {  	v5 =	vld.idx.msk [tilespmem:v5+s14+$0x0], $0xffff  }
0x366: {  	v11 =	vld.idx.msk [tilespmem:v11+s14+$0x0], $0xffff  }
0x367: {  	s28 =	simm.s32 $0x10;
	v42 =	vmovc v62;
	v40 =	vmov v38;
	v2 =	vor.u32 v32, v1;
	v18 =	vld.idx.msk [tilespmem:v18+s14+$0x0], $0xffff;
	v20 =	vor.u32 v20, v1  }
.LBB2_9:
0x368: {  	_ =	sdelay $0x3  }
0x369: {  	v21 =	vld.idx.msk [tilespmem:v21+s14+$0x0], $0xffff;
	[tilespmem:v15+s21+$0x0] =	vst.idx.msk $0xffff, v17  }
0x36a: {  	[tilespmem:v22+s21+$0x0] =	vst.idx.msk $0xffff, v16;
	v16 =	vld [tilespmem:$0x1F9F0]  }
0x36b: {  	v17 =	vld [tilespmem:$0x1FE90]  }
0x36c: {  	v15 =	vor.u32 v44, v1;
	[tilespmem:v19+s21+$0x0] =	vst.idx.msk $0xffff, v4;
	v4 =	vld [tilespmem:$0x1FE80]  }
0x36d: {  	v19 =	vld [tilespmem:$0x1FF20];
	[tilespmem:v20+s21+$0x0] =	vst.idx.msk $0xffff, v18  }
0x36e: {  	[tilespmem:v2+s21+$0x0] =	vst.idx.msk $0xffff, v5;
	v2 =	vld [tilespmem:$0x1FEA0]  }
0x36f: {  	v18 =	vld [tilespmem:$0x1FF10];
	v16 =	vor.u32 v16, v1  }
0x370: {  	v5 =	vld [tilespmem:$0x1FEB0]  }
0x371: {  	[tilespmem:v15+s21+$0x0] =	vst.idx.msk $0xffff, v6;
	v6 =	vld [tilespmem:$0x1FEC0];
	v4 =	vor.u32 v4, v1  }
0x372: {  	v17 =	vor.u32 v17, v1;
	v20 =	vld [tilespmem:$0x1FF30]  }
0x373: {  	v15 =	vld [tilespmem:$0x1F590];
	v2 =	vor.u32 v2, v1  }
0x374: {  	[tilespmem:v16+s21+$0x0] =	vst.idx.msk $0xffff, v13;
	v13 =	vld [tilespmem:$0x1F5C0]  }
0x375: {  	v5 =	vor.u32 v5, v1;
	v16 =	vld [tilespmem:$0x1F580]  }
0x376: {  	v6 =	vor.u32 v6, v1;
	[tilespmem:v4+s21+$0x0] =	vst.idx.msk $0xffff, v9;
	v4 =	vld [tilespmem:$0x1FED0]  }
0x377: {  	[tilespmem:v17+s21+$0x0] =	vst.idx.msk $0xffff, v3;
	v3 =	vld [tilespmem:$0x1FEE0]  }
0x378: {  	[tilespmem:v2+s21+$0x0] =	vst.idx.msk $0xffff, v7;
	v2 =	vld [tilespmem:$0x1FEF0]  }
0x379: {  	v9 =	vld [tilespmem:$0x1F600]  }
0x37a: {  	[tilespmem:v5+s21+$0x0] =	vst.idx.msk $0xffff, v10;
	v5 =	vld [tilespmem:$0x1FF00]  }
0x37b: {  	[tilespmem:v6+s21+$0x0] =	vst.idx.msk $0xffff, v8;
	v6 =	vld [tilespmem:$0x1F7E0];
	v4 =	vor.u32 v4, v1  }
0x37c: {  	v7 =	vld [tilespmem:$0x1F530];
	v3 =	vor.u32 v3, v1  }
0x37d: {  	v8 =	vld [tilespmem:$0x1F7F0];
	v2 =	vor.u32 v2, v1  }
0x37e: {  	v17 =	vld [tilespmem:$0x1F5A0]  }
0x37f: {  	v10 =	vld [tilespmem:$0x1F5F0];
	v5 =	vor.u32 v5, v1  }
0x380: {  	v6 =	vor.u32 v6, v0;
	[tilespmem:v4+s21+$0x0] =	vst.idx.msk $0xffff, v12;
	v12 =	vld [tilespmem:$0x1F5D0]  }
0x381: {  	v7 =	vor.u32 v7, v0;
	[tilespmem:v3+s21+$0x0] =	vst.idx.msk $0xffff, v11;
	v11 =	vld [tilespmem:$0x1F5E0]  }
0x382: {  	v8 =	vor.u32 v8, v0;
	[tilespmem:v2+s21+$0x0] =	vst.idx.msk $0xffff, v14;
	v2 =	vld [tilespmem:$0x1F550]  }
0x383: {  	v9 =	vor.u32 v9, v0;
	v14 =	vld [tilespmem:$0x1F5B0]  }
0x384: {  	v10 =	vor.u32 v10, v0;
	[tilespmem:v5+s21+$0x0] =	vst.idx.msk $0xffff, v21;
	v5 =	vld [tilespmem:$0x1F540]  }
0x385: {  	v13 =	vor.u32 v13, v0;
	v6 =	vld.idx.msk [tilespmem:v6+s14+$0x0], $0xffff  }
0x386: {  	v15 =	vor.u32 v15, v0;
	v7 =	vld.idx.msk [tilespmem:v7+s14+$0x0], $0xffff  }
0x387: {  	v16 =	vor.u32 v16, v0;
	v8 =	vld.idx.msk [tilespmem:v8+s14+$0x0], $0xffff  }
0x388: {  	v9 =	vld.idx.msk [tilespmem:v9+s14+$0x0], $0xffff  }
0x389: {  	v4 =	vor.u32 v41, v0;
	v3 =	vor.u32 v39, v0;
	v10 =	vld.idx.msk [tilespmem:v10+s14+$0x0], $0xffff  }
0x38a: {  	v13 =	vld.idx.msk [tilespmem:v13+s14+$0x0], $0xffff;
	v12 =	vor.u32 v12, v0;
	v11 =	vor.u32 v11, v0;
	v2 =	vor.u32 v2, v0  }
0x38b: {  	v15 =	vld.idx.msk [tilespmem:v15+s14+$0x0], $0xffff;
	v14 =	vor.u32 v14, v0;
	v5 =	vor.u32 v5, v0;
	v0 =	vor.u32 v17, v0  }
0x38c: {  	v16 =	vld.idx.msk [tilespmem:v16+s14+$0x0], $0xffff  }
0x38d: {  	v17 =	vld [tilespmem:$0x1FAC0]  }
0x38e: {  	v4 =	vld.idx.msk [tilespmem:v4+s14+$0x0], $0xffff  }
0x38f: {  	v3 =	vld.idx.msk [tilespmem:v3+s14+$0x0], $0xffff  }
0x390: {  	v21 =	vld.idx.msk [tilespmem:v0+s14+$0x0], $0xffff  }
0x391: {  	v0 =	vld [tilespmem:$0x1FF40]  }
0x392: {  	v12 =	vld.idx.msk [tilespmem:v12+s14+$0x0], $0xffff;
	v17 =	vor.u32 v17, v1  }
0x393: {  	v18 =	vor.u32 v18, v1;
	v11 =	vld.idx.msk [tilespmem:v11+s14+$0x0], $0xffff  }
0x394: {  	v19 =	vor.u32 v19, v1;
	v2 =	vld.idx.msk [tilespmem:v2+s14+$0x0], $0xffff  }
0x395: {  	v20 =	vor.u32 v20, v1;
	v14 =	vld.idx.msk [tilespmem:v14+s14+$0x0], $0xffff  }
0x396: {  	v5 =	vld.idx.msk [tilespmem:v5+s14+$0x0], $0xffff;
	v0 =	vor.u32 v0, v1  }
0x397: {  	[tilespmem:v17+s21+$0x0] =	vst.idx.msk $0xffff, v6;
	v6 =	vld [tilespmem:$0x1FF50]  }
0x398: {  	[tilespmem:v18+s21+$0x0] =	vst.idx.msk $0xffff, v8  }
0x399: {  	[tilespmem:v19+s21+$0x0] =	vst.idx.msk $0xffff, v9  }
0x39a: {  	v8 =	vld [tilespmem:$0x1FF60];
	[tilespmem:v20+s21+$0x0] =	vst.idx.msk $0xffff, v10  }
0x39b: {  	[tilespmem:v0+s21+$0x0] =	vst.idx.msk $0xffff, v11;
	v0 =	vld [tilespmem:$0x1FF90]  }
0x39c: {  	v9 =	vld [tilespmem:$0x1FF70];
	v6 =	vor.u32 v6, v1  }
0x39d: {  	v19 =	vld [tilespmem:$0x1FFD0]  }
0x39e: {  	v10 =	vld [tilespmem:$0x1FF80]  }
0x39f: {  	v20 =	vld [tilespmem:$0x1FFC0]  }
0x3a0: {  	v11 =	vor.u32 v0, v1;
	v0 =	vld [tilespmem:$0x1FFB0]  }
0x3a1: {  	[tilespmem:v6+s21+$0x0] =	vst.idx.msk $0xffff, v12;
	v6 =	vld [tilespmem:$0x1FFA0]  }
0x3a2: {  	v8 =	vor.u32 v8, v1  }
0x3a3: {  	v9 =	vor.u32 v9, v1  }
0x3a4: {  	v10 =	vor.u32 v10, v1  }
0x3a5: {  	v17 =	vor.u32 v56, v1;
	v18 =	vor.u32 v55, v1;
	v19 =	vor.u32 v19, v1  }
0x3a6: {  	v20 =	vor.u32 v20, v1;
	v23 =	vor.u32 v0, v1;
	v1 =	vor.u32 v6, v1  }
0x3a7: {  	[tilespmem:v8+s21+$0x0] =	vst.idx.msk $0xffff, v13  }
0x3a8: {  	s29 =	smov.u32 s28;
	[tilespmem:v9+s21+$0x0] =	vst.idx.msk $0xffff, v14  }
0x3a9: {  	v22 =	vor.u32 s29, v37;
	[tilespmem:v10+s21+$0x0] =	vst.idx.msk $0xffff, v4  }
0x3aa: {  	v0 =	vshll.u32 v22, $0x7;
	v22 =	vand.u32 $0x7F, v22;
	[tilespmem:v11+s21+$0x0] =	vst.idx.msk $0xffff, v3  }
0x3ab: {  	v56 =	vmovc v48;
	v6 =	vor.u32 v37, v0;
	v8 =	vor.u32 v25, v0;
	[tilespmem:v1+s21+$0x0] =	vst.idx.msk $0xffff, v2;
	v1 =	vmov s29  }
0x3ac: {  	v13 =	vor.u32 v27, v0;
	v9 =	vor.u32 v29, v0;
	[tilespmem:v23+s21+$0x0] =	vst.idx.msk $0xffff, v5;
	v1 =	vshll.u32 v1, $0x3  }
0x3ad: {  	v14 =	vor.u32 v45, v0;
	v10 =	vor.u32 v48, v0;
	[tilespmem:v20+s21+$0x0] =	vst.idx.msk $0xffff, v7;
	v1 =	vand.u32 $0x400, v1  }
0x3ae: {  	v48 =	vmov v25;
	v25 =	vor.u32 v47, v0;
	[tilespmem:v19+s21+$0x0] =	vst.idx.msk $0xffff, v21;
	v1 =	vor.u32 v1, v22  }
0x3af: {  	[tilespmem:v18+s21+$0x0] =	vst.idx.msk $0xffff, v15;
	v15 =	vor.u32 v51, v0;
	v2 =	vor.u32 v32, v1  }
0x3b0: {  	v22 =	vor.u32 v59, v1;
	v32 =	vmovc v59;
	v59 =	vmovc v51;
	v51 =	vmov v29;
	v29 =	vor.u32 v61, v1  }
0x3b1: {  	v38 =	vmovc v61;
	v61 =	vmov v53;
	[tilespmem:v17+s21+$0x0] =	vst.idx.msk $0xffff, v16;
	v16 =	vor.u32 v53, v1;
	v53 =	vmov v45;
	v45 =	vld [tilespmem:$0x1F810]  }
0x3b2: {  	v4 =	vor.u32 v46, v0;
	v14 =	vld.idx.msk [tilespmem:v14+s14+$0x0], $0xffff  }
0x3b3: {  	v5 =	vor.u32 v26, v0;
	v13 =	vld.idx.msk [tilespmem:v13+s14+$0x0], $0xffff  }
0x3b4: {  	v10 =	vld.idx.msk [tilespmem:v10+s14+$0x0], $0xffff  }
0x3b5: {  	v62 =	vmov v54;
	v63 =	vmov v57;
	v12 =	vor.u32 v24, v0;
	v6 =	vld.idx.msk [tilespmem:v6+s14+$0x0], $0xffff  }
0x3b6: {  	v31 =	vmovc v58;
	v55 =	vmov v46;
	v3 =	vor.u32 v49, v0;
	v11 =	vor.u32 v50, v0;
	v20 =	vld.idx.msk [tilespmem:v25+s14+$0x0], $0xffff  }
0x3b7: {  	v46 =	vmovc v24;
	v24 =	vor.u32 v30, v0;
	v37 =	vmov v36;
	v7 =	vor.u32 v52, v0;
	v4 =	vld.idx.msk [tilespmem:v4+s14+$0x0], $0xffff  }
0x3b8: {  	v19 =	vor.u32 v28, v0;
	v18 =	vor.u32 v54, v1;
	v21 =	vor.u32 v58, v1;
	v5 =	vld.idx.msk [tilespmem:v5+s14+$0x0], $0xffff  }
0x3b9: {  	v23 =	vor.u32 v60, v1;
	v54 =	vmovc v47;
	v47 =	vmov v26;
	v26 =	vor.u32 v34, v1;
	v8 =	vld.idx.msk [tilespmem:v8+s14+$0x0], $0xffff  }
0x3ba: {  	v58 =	vmovc v50;
	v50 =	vmov v28;
	v28 =	vor.u32 v36, v1;
	v17 =	vor.u32 v57, v1;
	v12 =	vld.idx.msk [tilespmem:v12+s14+$0x0], $0xffff  }
0x3bb: {  	v36 =	vmovc v35;
	v57 =	vmovc v49;
	v49 =	vmov v27;
	v27 =	vor.u32 v35, v1;
	v35 =	vmov v34;
	v9 =	vld.idx.msk [tilespmem:v9+s14+$0x0], $0xffff  }
0x3bc: {  	v34 =	vmovc v33;
	v25 =	vor.u32 v33, v1;
	v33 =	vmovc v60;
	v60 =	vmov v52;
	v52 =	vmov v30;
	v30 =	vld [tilespmem:$0x1F800]  }
0x3bd: {  	v3 =	vld.idx.msk [tilespmem:v3+s14+$0x0], $0xffff  }
0x3be: {  	v11 =	vld.idx.msk [tilespmem:v11+s14+$0x0], $0xffff  }
0x3bf: {  	v24 =	vld.idx.msk [tilespmem:v24+s14+$0x0], $0xffff  }
0x3c0: {  	v7 =	vld.idx.msk [tilespmem:v7+s14+$0x0], $0xffff  }
0x3c1: {  	v19 =	vld.idx.msk [tilespmem:v19+s14+$0x0], $0xffff  }
0x3c2: {  	v15 =	vld.idx.msk [tilespmem:v15+s14+$0x0], $0xffff  }
0x3c3: {  	[tilespmem:v16+s21+$0x0] =	vst.idx.msk $0xffff, v6;
	v6 =	vld [tilespmem:$0x1F820]  }
0x3c4: {  	v16 =	vld [tilespmem:$0x1FE30]  }
0x3c5: {  	[tilespmem:v18+s21+$0x0] =	vst.idx.msk $0xffff, v12;
	v12 =	vld [tilespmem:$0x1F830]  }
0x3c6: {  	v18 =	vld [tilespmem:$0x1F630]  }
0x3c7: {  	[tilespmem:v17+s21+$0x0] =	vst.idx.msk $0xffff, v5;
	v5 =	vld [tilespmem:$0x1F840]  }
0x3c8: {  	v17 =	vld [tilespmem:$0x1F8B0];
	[tilespmem:v21+s21+$0x0] =	vst.idx.msk $0xffff, v8  }
0x3c9: {  	[tilespmem:v22+s21+$0x0] =	vst.idx.msk $0xffff, v13;
	v13 =	vld [tilespmem:$0x1F620]  }
0x3ca: {  	v22 =	vld [tilespmem:$0x1F640]  }
0x3cb: {  	[tilespmem:v23+s21+$0x0] =	vst.idx.msk $0xffff, v19;
	v23 =	vld [tilespmem:$0x1F6B0]  }
0x3cc: {  	[tilespmem:v25+s21+$0x0] =	vst.idx.msk $0xffff, v9;
	v25 =	vld [tilespmem:$0x1F680]  }
0x3cd: {  	[tilespmem:v26+s21+$0x0] =	vst.idx.msk $0xffff, v24;
	v24 =	vld [tilespmem:$0x1F690]  }
0x3ce: {  	v26 =	vld [tilespmem:$0x1F670]  }
0x3cf: {  	v30 =	vor.u32 v30, v1;
	[tilespmem:v27+s21+$0x0] =	vst.idx.msk $0xffff, v14;
	v14 =	vld [tilespmem:$0x1F890]  }
0x3d0: {  	v45 =	vor.u32 v45, v1;
	v27 =	vld [tilespmem:$0x1F650]  }
0x3d1: {  	v6 =	vor.u32 v6, v1;
	[tilespmem:v28+s21+$0x0] =	vst.idx.msk $0xffff, v20;
	v20 =	vld [tilespmem:$0x1F6A0]  }
0x3d2: {  	v28 =	vld [tilespmem:$0x1F660]  }
0x3d3: {  	v12 =	vor.u32 v12, v1;
	[tilespmem:v29+s21+$0x0] =	vst.idx.msk $0xffff, v4;
	v4 =	vld [tilespmem:$0x1F8A0]  }
0x3d4: {  	[tilespmem:v30+s21+$0x0] =	vst.idx.msk $0xffff, v10;
	v10 =	vld [tilespmem:$0x1F6C0]  }
0x3d5: {  	v5 =	vor.u32 v5, v1;
	[tilespmem:v45+s21+$0x0] =	vst.idx.msk $0xffff, v3;
	v3 =	vld [tilespmem:$0x1F8C0]  }
0x3d6: {  	[tilespmem:v6+s21+$0x0] =	vst.idx.msk $0xffff, v11;
	v6 =	vld [tilespmem:$0x1F8D0]  }
0x3d7: {  	v9 =	vor.u32 v42, v0;
	v11 =	vld [tilespmem:$0x1F610]  }
0x3d8: {  	v16 =	vor.u32 v16, v0;
	[tilespmem:v12+s21+$0x0] =	vst.idx.msk $0xffff, v15;
	v12 =	vld [tilespmem:$0x1F8E0]  }
0x3d9: {  	v13 =	vor.u32 v13, v0;
	v15 =	vld [tilespmem:$0x1F900]  }
0x3da: {  	v18 =	vor.u32 v18, v0;
	[tilespmem:v5+s21+$0x0] =	vst.idx.msk $0xffff, v7;
	v5 =	vld [tilespmem:$0x1F6D0]  }
0x3db: {  	v22 =	vor.u32 v22, v0;
	v7 =	vld [tilespmem:$0x1F8F0]  }
0x3dc: {  	v23 =	vor.u32 v23, v0;
	v9 =	vld.idx.msk [tilespmem:v9+s14+$0x0], $0xffff  }
0x3dd: {  	v8 =	vor.u32 v40, v0;
	v16 =	vld.idx.msk [tilespmem:v16+s14+$0x0], $0xffff  }
0x3de: {  	v25 =	vor.u32 v25, v0;
	v13 =	vld.idx.msk [tilespmem:v13+s14+$0x0], $0xffff  }
0x3df: {  	v24 =	vor.u32 v24, v0;
	v18 =	vld.idx.msk [tilespmem:v18+s14+$0x0], $0xffff  }
0x3e0: {  	v26 =	vor.u32 v26, v0;
	v22 =	vld.idx.msk [tilespmem:v22+s14+$0x0], $0xffff  }
0x3e1: {  	v27 =	vor.u32 v27, v0;
	v23 =	vld.idx.msk [tilespmem:v23+s14+$0x0], $0xffff  }
0x3e2: {  	v20 =	vor.u32 v20, v0;
	v8 =	vld.idx.msk [tilespmem:v8+s14+$0x0], $0xffff  }
0x3e3: {  	v28 =	vor.u32 v28, v0;
	v25 =	vld.idx.msk [tilespmem:v25+s14+$0x0], $0xffff  }
0x3e4: {  	v24 =	vld.idx.msk [tilespmem:v24+s14+$0x0], $0xffff;
	v11 =	vor.u32 v11, v0  }
0x3e5: {  	v10 =	vor.u32 v10, v0;
	v26 =	vld.idx.msk [tilespmem:v26+s14+$0x0], $0xffff  }
0x3e6: {  	v14 =	vor.u32 v14, v1;
	v27 =	vld.idx.msk [tilespmem:v27+s14+$0x0], $0xffff;
	v5 =	vor.u32 v5, v0  }
0x3e7: {  	v4 =	vor.u32 v4, v1;
	v20 =	vld.idx.msk [tilespmem:v20+s14+$0x0], $0xffff  }
0x3e8: {  	v17 =	vor.u32 v17, v1;
	v28 =	vld.idx.msk [tilespmem:v28+s14+$0x0], $0xffff  }
0x3e9: {  	v3 =	vor.u32 v3, v1;
	v11 =	vld.idx.msk [tilespmem:v11+s14+$0x0], $0xffff  }
0x3ea: {  	v10 =	vld.idx.msk [tilespmem:v10+s14+$0x0], $0xffff  }
0x3eb: {  	v5 =	vld.idx.msk [tilespmem:v5+s14+$0x0], $0xffff;
	[tilespmem:v14+s21+$0x0] =	vst.idx.msk $0xffff, v8  }
0x3ec: {  	v19 =	vld [tilespmem:$0x1F910];
	[tilespmem:v4+s21+$0x0] =	vst.idx.msk $0xffff, v9  }
0x3ed: {  	v21 =	vld [tilespmem:$0x1F920];
	v6 =	vor.u32 v6, v1;
	[tilespmem:v17+s21+$0x0] =	vst.idx.msk $0xffff, v16  }
0x3ee: {  	v12 =	vor.u32 v12, v1;
	[tilespmem:v3+s21+$0x0] =	vst.idx.msk $0xffff, v11;
	v3 =	vld [tilespmem:$0x1F930]  }
0x3ef: {  	v7 =	vor.u32 v7, v1  }
0x3f0: {  	v15 =	vor.u32 v15, v1  }
0x3f1: {  	v19 =	vor.u32 v19, v1  }
0x3f2: {  	v21 =	vor.u32 v21, v1;
	[tilespmem:v6+s21+$0x0] =	vst.idx.msk $0xffff, v13  }
0x3f3: {  	[tilespmem:v12+s21+$0x0] =	vst.idx.msk $0xffff, v18;
	v3 =	vor.u32 v3, v1  }
0x3f4: {  	v4 =	vld [tilespmem:$0x1F940];
	[tilespmem:v7+s21+$0x0] =	vst.idx.msk $0xffff, v22  }
0x3f5: {  	v6 =	vld [tilespmem:$0x1F950];
	[tilespmem:v15+s21+$0x0] =	vst.idx.msk $0xffff, v27  }
0x3f6: {  	v7 =	vld [tilespmem:$0x1F960];
	[tilespmem:v19+s21+$0x0] =	vst.idx.msk $0xffff, v28  }
0x3f7: {  	v8 =	vld [tilespmem:$0x1F970];
	[tilespmem:v21+s21+$0x0] =	vst.idx.msk $0xffff, v26  }
0x3f8: {  	[tilespmem:v3+s21+$0x0] =	vst.idx.msk $0xffff, v25;
	v3 =	vld [tilespmem:$0x1F980]  }
0x3f9: {  	v4 =	vor.u32 v4, v1  }
0x3fa: {  	v6 =	vor.u32 v6, v1  }
0x3fb: {  	v7 =	vor.u32 v7, v1  }
0x3fc: {  	v8 =	vor.u32 v8, v1  }
0x3fd: {  	v3 =	vor.u32 v3, v1  }
0x3fe: {  	[tilespmem:v4+s21+$0x0] =	vst.idx.msk $0xffff, v24  }
0x3ff: {  	[tilespmem:v6+s21+$0x0] =	vst.idx.msk $0xffff, v20  }
0x400: {  	[tilespmem:v7+s21+$0x0] =	vst.idx.msk $0xffff, v23  }
0x401: {  	[tilespmem:v8+s21+$0x0] =	vst.idx.msk $0xffff, v10  }
0x402: {  	[tilespmem:v3+s21+$0x0] =	vst.idx.msk $0xffff, v5;
	v3 =	vld [tilespmem:$0x1F6F0];
	_ =	sdelay $0x4  }
0x403: {  	v9 =	vor.u32 v3, v0;
	_ =	sdelay $0x1  }
0x404: {  	v6 =	vld [tilespmem:$0x1F760]  }
0x405: {  	v3 =	vld [tilespmem:$0x1F750];
	_ =	sdelay $0x1  }
0x406: {  	v16 =	vld.idx.msk [tilespmem:v9+s14+$0x0], $0xffff  }
0x407: {  	v9 =	vld [tilespmem:$0x1F790]  }
0x408: {  	v7 =	vld [tilespmem:$0x1F720]  }
0x409: {  	v6 =	vor.u32 v6, v0;
	v10 =	vor.u32 v3, v0;
	v3 =	vld [tilespmem:$0x1F740]  }
0x40a: {  	v8 =	vld [tilespmem:$0x1F730];
	_ =	sdelay $0x1  }
0x40b: {  	v12 =	vor.u32 v9, v0;
	v9 =	vld [tilespmem:$0x1F6E0];
	_ =	sdelay $0x1  }
0x40c: {  	v7 =	vor.u32 v7, v0;
	v11 =	vor.u32 v3, v0;
	v3 =	vld.idx.msk [tilespmem:v6+s14+$0x0], $0xffff  }
0x40d: {  	v8 =	vor.u32 v8, v0;
	v6 =	vld [tilespmem:$0x1F770];
	_ =	sdelay $0x1  }
0x40e: {  	v14 =	vor.u32 v9, v0;
	v9 =	vld.idx.msk [tilespmem:v10+s14+$0x0], $0xffff  }
0x40f: {  	v10 =	vld [tilespmem:$0x1F7A0]  }
0x410: {  	v5 =	vld.idx.msk [tilespmem:v7+s14+$0x0], $0xffff  }
0x411: {  	v7 =	vor.u32 v6, v0;
	v6 =	vld.idx.msk [tilespmem:v8+s14+$0x0], $0xffff  }
0x412: {  	v8 =	vld [tilespmem:$0x1F780]  }
0x413: {  	v13 =	vld.idx.msk [tilespmem:v11+s14+$0x0], $0xffff  }
0x414: {  	v11 =	vor.u32 v10, v0;
	v10 =	vld [tilespmem:$0x1F7B0];
	_ =	sdelay $0x4  }
0x415: {  	v8 =	vor.u32 v8, v0;
	v18 =	vor.u32 v10, v0;
	v10 =	vld [tilespmem:$0x1F710];
	_ =	sdelay $0x4  }
0x416: {  	v19 =	vor.u32 v10, v0;
	v10 =	vld.idx.msk [tilespmem:v8+s14+$0x0], $0xffff  }
0x417: {  	v8 =	vld.idx.msk [tilespmem:v12+s14+$0x0], $0xffff  }
0x418: {  	v12 =	vld [tilespmem:$0x1F7C0];
	_ =	sdelay $0x1  }
0x419: {  	v17 =	vld.idx.msk [tilespmem:v14+s14+$0x0], $0xffff  }
0x41a: {  	v14 =	vld [tilespmem:$0x1F9A0];
	_ =	sdelay $0x1  }
0x41b: {  	v20 =	vor.u32 v12, v0;
	v12 =	vld.idx.msk [tilespmem:v11+s14+$0x0], $0xffff  }
0x41c: {  	v11 =	vld [tilespmem:$0x1F990]  }
0x41d: {  	v4 =	vld [tilespmem:$0x1F700]  }
0x41e: {  	v22 =	vor.u32 v14, v1;
	v14 =	vld [tilespmem:$0x1F9B0];
	_ =	sdelay $0x2  }
0x41f: {  	v15 =	vor.u32 v11, v1;
	v11 =	vld.idx.msk [tilespmem:v18+s14+$0x0], $0xffff  }
0x420: {  	v18 =	vld.idx.msk [tilespmem:v19+s14+$0x0], $0xffff  }
0x421: {  	v4 =	vor.u32 v4, v0;
	v19 =	vor.u32 v14, v1;
	v14 =	vld.idx.msk [tilespmem:v20+s14+$0x0], $0xffff  }
0x422: {  	p0 =	sne.s32 s28, $0xF0;
	v29 =	vmovc v51;
	v51 =	vmov v59;
	v59 =	vmov v32;
	v30 =	vmov v52;
	v20 =	vld [tilespmem:$0x1F9C0]  }
.Ltmp6:
0x423: {  	v32 =	vld [tilespmem:$0x1F9D0];
	v52 =	vmovc v60;
	v60 =	vmovc v33;
	v33 =	vmov v34;
	v34 =	vmov v35;
	v35 =	vmov v36;
	(pc) =	sbr.rel @p0 .LBB2_9-.Ltmp6, $4  }
0x424: {  	v36 =	vmovc v37;
	v45 =	vmovc v53;
	v53 =	vmov v61;
	v25 =	vmov v48;
	v48 =	vmov v56;
	v56 =	vld [tilespmem:$0x1FFF0]  }
0x425: {  	v61 =	vmovc v38;
	v27 =	vmovc v49;
	v49 =	vmov v57;
	v24 =	vmov v46;
	v46 =	vmov v55;
	v55 =	vld [tilespmem:$0x1FFE0]  }
0x426: {  	v57 =	vmovc v63;
	v28 =	vmovc v50;
	v50 =	vmov v58;
	v58 =	vmov v31;
	v26 =	vmov v47;
	v4 =	vld.idx.msk [tilespmem:v4+s14+$0x0], $0xffff  }
0x427: {  	s28 =	sadd.s32 $0x10, s28;
	v37 =	vlaneseq.u32;
	v47 =	vmovc v54;
	v54 =	vmovc v62;
	v21 =	vor.u32 v43, v0;
	v7 =	vld.idx.msk [tilespmem:v7+s14+$0x0], $0xffff;
	v20 =	vor.u32 v20, v1  }
0x428: {  	_ =	sdelay $0x3  }
0x429: {  	v21 =	vld.idx.msk [tilespmem:v21+s14+$0x0], $0xffff  }
0x42a: {  	v43 =	vor.u32 v44, v1;
	v44 =	vld [tilespmem:$0x1F9F0]  }
0x42b: {  	v62 =	vld [tilespmem:$0x1FE80]  }
0x42c: {  	v63 =	vld [tilespmem:$0x1FE90]  }
0x42d: {  	v23 =	vld [tilespmem:$0x1FEC0]  }
0x42e: {  	[tilespmem:v15+s21+$0x0] =	vst.idx.msk $0xffff, v17;
	v32 =	vld [tilespmem:$0x1FED0]  }
0x42f: {  	v31 =	vld [tilespmem:$0x1FEE0];
	[tilespmem:v22+s21+$0x0] =	vst.idx.msk $0xffff, v16  }
0x430: {  	v42 =	vld [tilespmem:$0x1FF00];
	[tilespmem:v19+s21+$0x0] =	vst.idx.msk $0xffff, v4  }
0x431: {  	[tilespmem:v20+s21+$0x0] =	vst.idx.msk $0xffff, v18;
	v20 =	vld [tilespmem:$0x1FEA0]  }
0x432: {  	v22 =	vld [tilespmem:$0x1FEB0]  }
0x433: {  	v15 =	vld [tilespmem:$0x1F600];
	v16 =	vor.u32 v44, v1;
	[tilespmem:v2+s21+$0x0] =	vst.idx.msk $0xffff, v5  }
0x434: {  	v4 =	vor.u32 v62, v1;
	[tilespmem:v43+s21+$0x0] =	vst.idx.msk $0xffff, v6;
	v6 =	vor.u32 v23, v1;
	v23 =	vld [tilespmem:$0x1FEF0]  }
0x435: {  	v40 =	vld [tilespmem:$0x1F590];
	v17 =	vor.u32 v63, v1  }
0x436: {  	v19 =	vld [tilespmem:$0x1F5D0];
	v2 =	vor.u32 v20, v1  }
0x437: {  	v44 =	vld [tilespmem:$0x1F7E0];
	v5 =	vor.u32 v22, v1  }
0x438: {  	v43 =	vor.u32 v42, v1;
	v42 =	vld [tilespmem:$0x1F580];
	[tilespmem:v16+s21+$0x0] =	vst.idx.msk $0xffff, v13  }
0x439: {  	[tilespmem:v4+s21+$0x0] =	vst.idx.msk $0xffff, v9;
	v38 =	vor.u32 v23, v1;
	v23 =	vld [tilespmem:$0x1F5B0]  }
0x43a: {  	v13 =	vld [tilespmem:$0x1F530];
	v4 =	vor.u32 v32, v1;
	[tilespmem:v17+s21+$0x0] =	vst.idx.msk $0xffff, v3  }
0x43b: {  	v37 =	vor.u32 v31, v1;
	v16 =	vld [tilespmem:$0x1F5F0];
	[tilespmem:v2+s21+$0x0] =	vst.idx.msk $0xffff, v7  }
0x43c: {  	v17 =	vld [tilespmem:$0x1F5E0];
	[tilespmem:v5+s21+$0x0] =	vst.idx.msk $0xffff, v10  }
0x43d: {  	[tilespmem:v6+s21+$0x0] =	vst.idx.msk $0xffff, v8;
	v6 =	vor.u32 v44, v0;
	v44 =	vld [tilespmem:$0x1FF10]  }
0x43e: {  	v63 =	vor.u32 v39, v0;
	v39 =	vor.u32 v23, v0;
	v23 =	vld [tilespmem:$0x1FF40]  }
0x43f: {  	v62 =	vor.u32 v41, v0;
	[tilespmem:v4+s21+$0x0] =	vst.idx.msk $0xffff, v12;
	v12 =	vld [tilespmem:$0x1F540]  }
0x440: {  	[tilespmem:v37+s21+$0x0] =	vst.idx.msk $0xffff, v11;
	v11 =	vld [tilespmem:$0x1F550]  }
0x441: {  	v7 =	vor.u32 v13, v0;
	[tilespmem:v38+s21+$0x0] =	vst.idx.msk $0xffff, v14;
	v14 =	vld [tilespmem:$0x1F7F0]  }
0x442: {  	v9 =	vor.u32 v15, v0;
	[tilespmem:v43+s21+$0x0] =	vst.idx.msk $0xffff, v21;
	v21 =	vld [tilespmem:$0x1F5C0]  }
0x443: {  	v10 =	vor.u32 v16, v0;
	v6 =	vld.idx.msk [tilespmem:v6+s14+$0x0], $0xffff  }
0x444: {  	v4 =	vld.idx.msk [tilespmem:v62+s14+$0x0], $0xffff  }
0x445: {  	v3 =	vld.idx.msk [tilespmem:v63+s14+$0x0], $0xffff  }
0x446: {  	v20 =	vor.u32 v19, v0;
	v32 =	vld.idx.msk [tilespmem:v7+s14+$0x0], $0xffff  }
0x447: {  	v9 =	vld.idx.msk [tilespmem:v9+s14+$0x0], $0xffff;
	v2 =	vor.u32 v11, v0  }
0x448: {  	v10 =	vld.idx.msk [tilespmem:v10+s14+$0x0], $0xffff  }
0x449: {  	v18 =	vor.u32 v17, v0;
	v63 =	vld [tilespmem:$0x1F5A0]  }
0x44a: {  	v62 =	vld [tilespmem:$0x1FF20]  }
0x44b: {  	v5 =	vor.u32 v12, v0;
	v12 =	vld.idx.msk [tilespmem:v20+s14+$0x0], $0xffff  }
0x44c: {  	v43 =	vor.u32 v42, v0;
	v37 =	vld.idx.msk [tilespmem:v2+s14+$0x0], $0xffff  }
0x44d: {  	v2 =	vld [tilespmem:$0x1FAC0]  }
0x44e: {  	v11 =	vld.idx.msk [tilespmem:v18+s14+$0x0], $0xffff;
	v8 =	vor.u32 v14, v0  }
0x44f: {  	v18 =	vor.u32 v44, v1;
	v44 =	vld [tilespmem:$0x1FF30]  }
0x450: {  	v14 =	vld.idx.msk [tilespmem:v39+s14+$0x0], $0xffff;
	v22 =	vor.u32 v21, v0  }
0x451: {  	v41 =	vor.u32 v40, v0;
	v16 =	vld.idx.msk [tilespmem:v43+s14+$0x0], $0xffff  }
0x452: {  	v43 =	vld [tilespmem:$0x1FF60];
	v0 =	vor.u32 v63, v0;
	v7 =	vor.u32 v2, v1  }
0x453: {  	v8 =	vld.idx.msk [tilespmem:v8+s14+$0x0], $0xffff  }
0x454: {  	v63 =	vor.u32 v62, v1;
	v38 =	vld.idx.msk [tilespmem:v5+s14+$0x0], $0xffff  }
0x455: {  	v13 =	vld.idx.msk [tilespmem:v22+s14+$0x0], $0xffff  }
0x456: {  	v22 =	vld.idx.msk [tilespmem:v41+s14+$0x0], $0xffff  }
0x457: {  	v62 =	vor.u32 v44, v1;
	v0 =	vld.idx.msk [tilespmem:v0+s14+$0x0], $0xffff;
	[tilespmem:v7+s21+$0x0] =	vst.idx.msk $0xffff, v6  }
0x458: {  	v40 =	vor.u32 v23, v1;
	v41 =	vld [tilespmem:$0x1FF50];
	[tilespmem:v18+s21+$0x0] =	vst.idx.msk $0xffff, v8  }
0x459: {  	[tilespmem:v63+s21+$0x0] =	vst.idx.msk $0xffff, v9;
	v63 =	vld [tilespmem:$0x1FF70];
	_ =	sdelay $0x1  }
0x45a: {  	v15 =	vld [tilespmem:$0x1FF80]  }
0x45b: {  	[tilespmem:v62+s21+$0x0] =	vst.idx.msk $0xffff, v10;
	v62 =	vld [tilespmem:$0x1FF90]  }
0x45c: {  	v42 =	vor.u32 v41, v1;
	[tilespmem:v40+s21+$0x0] =	vst.idx.msk $0xffff, v11;
	v40 =	vld [tilespmem:$0x1FFA0]  }
0x45d: {  	v44 =	vor.u32 v43, v1;
	v2 =	vor.u32 v63, v1;
	v63 =	vld [tilespmem:$0x1FFB0]  }
0x45e: {  	v43 =	vld [tilespmem:$0x1FFC0]  }
0x45f: {  	v20 =	vor.u32 v15, v1;
	v41 =	vld [tilespmem:$0x1FFD0]  }
0x460: {  	v21 =	vor.u32 v62, v1  }
0x461: {  	[tilespmem:v42+s21+$0x0] =	vst.idx.msk $0xffff, v12;
	v23 =	vor.u32 v40, v1  }
0x462: {  	[tilespmem:v44+s21+$0x0] =	vst.idx.msk $0xffff, v13;
	v39 =	vor.u32 v63, v1  }
0x463: {  	v40 =	vor.u32 v43, v1;
	[tilespmem:v2+s21+$0x0] =	vst.idx.msk $0xffff, v14  }
0x464: {  	v44 =	vor.u32 v41, v1;
	[tilespmem:v20+s21+$0x0] =	vst.idx.msk $0xffff, v4  }
0x465: {  	v62 =	vor.u32 v55, v1;
	[tilespmem:v21+s21+$0x0] =	vst.idx.msk $0xffff, v3  }
0x466: {  	v63 =	vor.u32 v56, v1;
	[tilespmem:v23+s21+$0x0] =	vst.idx.msk $0xffff, v37  }
0x467: {  	s28 =	sshll.u32 s24, $0x9;
	p0 =	seq.s32 s24, $0xF;
	[tilespmem:v39+s21+$0x0] =	vst.idx.msk $0xffff, v38  }
.Ltmp7:
0x468: {  	s26 =	sshll.u32 s26, $0xB;
	s28 =	sand.u32 $0x200, s28;
	[tilespmem:v40+s21+$0x0] =	vst.idx.msk $0xffff, v32;
	(pc) =	sbr.rel @p0 .LBB2_12-.Ltmp7, $4  }
0x469: {  	s26 =	sand.u32 $0xFFFE000, s26;
	s28 =	sadd.s32 s28, s0;
	[tilespmem:v44+s21+$0x0] =	vst.idx.msk $0xffff, v0  }
0x46a: {  	s26 =	sadd.s32 s26, s28;
	[tilespmem:v62+s21+$0x0] =	vst.idx.msk $0xffff, v22  }
0x46b: {  	s26 =	sadd.s32 $0x100, s26;
	[tilespmem:v63+s21+$0x0] =	vst.idx.msk $0xffff, v16  }
0x46c: {  	[hbm4b:s26+s13] =	stream.strided.scatter [tilespmem:s21], [sflag:$0x4], $0x4000, s10, s13, $0x38;
	[tilespmem:$0x1A000] =	vst v63  }
0x46d: {  	s25 =	sadd.s32 $0x3, s25  }
0x46e: {  	s26 =	sshll.u32 s25, $0x8;
	s28 =	sshll.u32 s25, $0xB  }
0x46f: {  	s25 =	sshll.u32 s25, $0x5;
	s26 =	sand.u32 $0x2000, s26;
	s28 =	sand.u32 $0x1800, s28  }
.Ltmp8:
0x470: {  	s25 =	sand.u32 $0x380, s25;
	s26 =	sor.u32 s28, s26;
	(pc) =	sbr.rel .LBB2_2-.Ltmp8, $4  }
0x471: {  	s25 =	sor.u32 s25, s26  }
0x472: {  	[tilespmem:s14], [sflag:$0x2] =	stream.indirect.gather [hbm4b:s4+s9], $0x80, s25, s9, $0xb8;
	[tilespmem:$0x1A000] =	vst v63  }
0x473: {  	s24 =	sadd.s32 $0x1, s24;
	v63 =	vld [tilespmem:$0x1FB20];
	s25 =	sor.u32 $0x400, s25  }
0x474: {  	v56 =	vld [tilespmem:$0x1FE40];
	[tilespmem:s16], [sflag:$0x2] =	stream.indirect.gather [hbm4b:s4+s9], $0x80, s25, s9, $0xb8  }
.LBB2_13:
0x475: {  	_ =	sfence.sel $0x180000  }
0x476: {  	[bflag:$0x0] =	sbarrier.arrive $0xFFFF  }
0x477: {  	p0 =	sne.s32 s3, $0x0;
	_ =	strace $0x90000047  }
0x478: {  	s0 =	sadd.s32 @!p0 $0x100000, s2;
	[bflag:$0x2] =	sbarrier.arrive $0xFFFF  }
0x479: {  	[sflag:s0] =	ssyncadd.tile.s32 @!p0 $0x1;
	_ =	shalt  }
.Lfunc_end2:
_tile_overlayer_lowered:
.L_overlay_start_2:
0x47a: {  	(tag) =	ssettag $0x2  }
0x47b: {  	s0 =	rddreg [dreg:$0x0];
	s2 =	stileid.u32  }
0x47c: {  	s1 =	rddreg [dreg:$0x1];
	p0 =	sne.s32 s2, $0x0  }
0x47d: {  	s3 =	rddreg [dreg:$0x2];
	[bflag:$0x3] =	sbarrier.arrive $0xFFFF;
	s2 =	simm.s32 @!p0 $0x1C05  }
0x47e: {  	[timem:s3], [sflag:s2] =	dma.local @!p0 [hbm:s0], s1  }
0x47f: {  	s0 =	simm.s32 @!p0 $0x5  }
0x480: {  	_ =	swait.ge @!p0 [sflag:s0], s1  }
0x481: {  	s1 =	ssub.s32 @!p0 $0x0, s1;
	[sflag:s0] =	ssyncset.done @!p0 $0x0  }
0x482: {  	[sflag:s0] =	ssyncadd.s32 @!p0 s1  }
0x483: {  	[bflag:$0x3] =	sbarrier.arrive $0xFFFF  }
0x484: {  	_ =	shalt  }

</sc_bundles>
